<compile_context>
chip_gen: v7x
topology: tpu7x:2x2x1
jax: 0.10.2.dev20260603
libtpu: 0.0.44.dev20260713+nightly
codegen_flags: <defaults>
</compile_context>

<pallas_src>
import functools

import jax
import jax.numpy as jnp
from jax import lax
from jax.experimental import pallas as pl
from jax.experimental.pallas import tpu as pltpu
from jax.experimental.pallas import tpu_sc as plsc

_NUM_EMB = 16909
_EMB_DIM = 200
_OUT_DIM = 512
_BATCH = 4
_SEQ = 16906


_BM = 4096


def _proj_body(et_ref, w_ref, b_ref, out_ref):
    acc = lax.dot_general(
        et_ref[...], w_ref[...], (((0,), (0,)), ((), ())),
        preferred_element_type=jnp.float32,
    ) + b_ref[...]
    out_ref[...] = acc.reshape(_BM, 4, 128)


def _project(emb_t, w, b):
    return pl.pallas_call(
        _proj_body,
        grid=(pl.cdiv(_NUM_EMB, _BM),),
        in_specs=[
            pl.BlockSpec((_EMB_DIM, _BM), lambda i: (0, i)),
            pl.BlockSpec((_EMB_DIM, _OUT_DIM), lambda i: (0, 0)),
            pl.BlockSpec((1, _OUT_DIM), lambda i: (0, 0)),
        ],
        out_specs=pl.BlockSpec((_BM, 4, 128), lambda i: (i, 0, 0)),
        out_shape=jax.ShapeDtypeStruct((_NUM_EMB, 4, 128), jnp.float32),
    )(emb_t, w, b.reshape(1, _OUT_DIM))



_NW = 32
_TWIN = 24
_NWIN = 22
_CHUNK = _TWIN * _NWIN
_SEQ_PAD = 16912
_TAIL_T0 = _NW * _CHUNK
_TAIL_N = _SEQ - _TAIL_T0

_mesh = plsc.VectorSubcoreMesh(core_axis_name="c", subcore_axis_name="s")


@functools.partial(
    pl.kernel,
    out_type=jax.ShapeDtypeStruct((_SEQ, 4, _BATCH, 128), jnp.float32),
    mesh=_mesh,
    scratch_types=[
        pltpu.VMEM((_BATCH * (_CHUNK + 16),), jnp.int32),
        pltpu.VMEM((2, _TWIN, 4, _BATCH, 128), jnp.float32),
        pltpu.SemaphoreType.DMA,
        pltpu.SemaphoreType.DMA,
        pltpu.SemaphoreType.DMA,
        pltpu.SemaphoreType.DMA,
    ],
)
def _gather(table_hbm, idx_hbm, out_hbm, idxs, slab2, g0, g1, w0, w1):
    gsem = (g0, g1)
    wsem = (w0, w1)
    wid = lax.axis_index("s") * 2 + lax.axis_index("c")
    base = wid * _CHUNK
    is_last = wid == _NW - 1

    _IW = _CHUNK + 16
    for b in range(_BATCH):
        pltpu.async_copy(idx_hbm.at[pl.ds(b * _SEQ_PAD + base, _IW)],
                         idxs.at[pl.ds(b * _IW, _IW)], g0)
    for b in range(_BATCH):
        pltpu.make_async_copy(idx_hbm.at[pl.ds(b * _SEQ_PAD + base, _IW)],
                              idxs.at[pl.ds(b * _IW, _IW)], g0).wait()
    @pl.loop(0, _BATCH * _IW, step=16)
    def _norm(j):
        jj = pl.multiple_of(j, 16)
        v = idxs[pl.ds(jj, 16)]
        idxs[pl.ds(jj, 16)] = lax.rem(v + _NUM_EMB, _NUM_EMB)

    def fire_gathers(i, s):
        for b in range(_BATCH):
            pltpu.async_copy(
                table_hbm.at[idxs.at[pl.ds(b * (_CHUNK + 16) + i * _TWIN, _TWIN)]],
                slab2.at[s, :, :, b, :], gsem[s])

    def wait_gathers(s):
        for b in range(_BATCH):
            pltpu.make_async_copy(
                table_hbm.at[idxs.at[pl.ds(0, _TWIN)]],
                slab2.at[s, :, :, b, :], gsem[s]).wait()

    def fire_wb(i, s):
        pltpu.async_copy(slab2.at[s],
                         out_hbm.at[pl.ds(base + i * _TWIN, _TWIN)], wsem[s])

    def wait_wb(s):
        pltpu.make_async_copy(slab2.at[s], out_hbm.at[pl.ds(0, _TWIN)],
                              wsem[s]).wait()

    @pl.loop(0, _NWIN // 2)
    def _pair(k):
        a = 2 * k

        @pl.when(k > 0)
        def _():
            wait_wb(0)
        fire_gathers(a, 0)

        @pl.when(k > 0)
        def _():
            wait_gathers(1)
            fire_wb(a - 1, 1)
            wait_wb(1)
        fire_gathers(a + 1, 1)

        wait_gathers(0)
        fire_wb(a, 0)

    wait_gathers(1)
    fire_wb(_NWIN - 1, 1)
    wait_wb(0)
    wait_wb(1)

    @pl.when(is_last)
    def _tail():
        for b in range(_BATCH):
            pltpu.async_copy(table_hbm.at[idxs.at[pl.ds(b * (_CHUNK + 16) + _CHUNK, 16)]],
                             slab2.at[0, pl.ds(0, 16), :, b, :], g0)
        for b in range(_BATCH):
            pltpu.make_async_copy(table_hbm.at[idxs.at[pl.ds(b * (_CHUNK + 16) + _CHUNK, 16)]],
                                  slab2.at[0, pl.ds(0, 16), :, b, :],
                                  g0).wait()
        pltpu.sync_copy(slab2.at[0, pl.ds(0, _TAIL_N)],
                        out_hbm.at[pl.ds(_TAIL_T0, _TAIL_N)])


def kernel(x, emb, W, b):
    proj = _project(emb.T, W, b)
    idx = jnp.pad(x, ((0, 0), (0, _SEQ_PAD - _SEQ))).reshape(_BATCH * _SEQ_PAD)
    slab = _gather(proj, idx)
    return slab.transpose(2, 0, 1, 3).reshape(_BATCH, _SEQ, _OUT_DIM)

# --- scband reference (transcript-rebuilt; emitter-appended) ---
"""Pipeline reference for scband-gene2-vec-embedding-62225486184685 (READ-ONLY COPY).

The authoritative reference and input builder live on the scoring server;
editing this copy changes nothing except your own understanding.
"""

import jax, jax.numpy as jnp
import numpy as np

NUM_EMB = 16909  # 16906 genes + 3 prepended special rows
EMB_DIM = 200
OUT_DIM = 512
BATCH = 4
SEQ = 16906


def setup_inputs(seed: int = 0) -> dict:
    key = jax.random.key(seed)
    k1, k2, k3, k4 = jax.random.split(key, 4)
    x = jax.random.randint(k1, (BATCH, SEQ), 0, NUM_EMB, dtype=jnp.int32)
    # learned params: embedding table (gene2vec init) + Linear(200 -> 512)
    emb = jax.random.normal(k2, (NUM_EMB, EMB_DIM), dtype=jnp.float32) * 0.02
    W = jax.random.normal(k3, (EMB_DIM, OUT_DIM), dtype=jnp.float32) * (1.0 / np.sqrt(EMB_DIM))
    b = jax.random.uniform(k4, (OUT_DIM,), dtype=jnp.float32, minval=-0.05, maxval=0.05)
    return {"x": x, "emb": emb, "W": W, "b": b}


def reference(x, emb, W, b):
    # x = (x + num_embeddings) % num_embeddings
    xi = (x + NUM_EMB) % NUM_EMB
    # feat = to_out(emb(x))
    e = jnp.take(emb, xi, axis=0)            # [B, S, 200] gather
    feat = jnp.dot(e, W) + b                  # [B, S, 512]
    # gradient gating: only rows with idx < 3 are trainable downstream
    trainable = (xi < 3)[..., None].astype(feat.dtype)
    feat = feat * trainable + jax.lax.stop_gradient(feat) * (1.0 - trainable)
    return feat

if __name__ == "__main__":
    import jax
    _d = setup_inputs()
    print(jax.jit(kernel)(*tuple(_d.values())))

</pallas_src>

<mosaic_0001>
#map = affine_map<(d0, d1) -> (0, 0, 0)>
#map1 = affine_map<(d0, d1) -> (0)>
#map2 = affine_map<(d0, d1) -> (0, 0, 0, 0)>
module attributes {stable_mosaic.version = 14 : i64} {
  func.func @_gather(%arg0: i32, %arg1: i32, %arg2: memref<16909x4x128xf32, #tpu.memory_space<hbm>>, %arg3: memref<67648xi32, #tpu.memory_space<hbm>>, %arg4: memref<16906x4x4x128xf32, #tpu.memory_space<hbm>>, %arg5: memref<2176xi32, #tpu.memory_space<vmem>>, %arg6: memref<2x24x4x4x128xf32, #tpu.memory_space<vmem>>, %arg7: memref<!tpu.dma_semaphore, #tpu.memory_space<semaphore_mem>>, %arg8: memref<!tpu.dma_semaphore, #tpu.memory_space<semaphore_mem>>, %arg9: memref<!tpu.dma_semaphore, #tpu.memory_space<semaphore_mem>>, %arg10: memref<!tpu.dma_semaphore, #tpu.memory_space<semaphore_mem>>) attributes {dimension_semantics = [#tpu.dimension_semantics<core_parallel>, #tpu.dimension_semantics<subcore_parallel>], iteration_bounds = array<i64: 2, 16>, scalar_prefetch = 0 : i64, scratch_operands = 6 : i64, tpu.core_type = #tpu.core_type<sc_vector_subcore>, window_params = [{transform_indices = #map}, {transform_indices = #map1}, {transform_indices = #map2}]} {
    %mul3A = arith.constant 2 : i32
    %mul3A_0 = arith.muli %arg1, %mul3A : i32
    %add3A = arith.addi %mul3A_0, %arg0 : i32
    %mul3A_1 = arith.constant 528 : i32
    %mul3A_2 = arith.muli %add3A, %mul3A_1 : i32
    %eq3A = arith.constant 31 : i32
    %eq3A_3 = arith.cmpi eq, %add3A, %eq3A : i32
    %add3A_4 = arith.constant 0 : i32
    %add3A_5 = arith.addi %add3A_4, %mul3A_2 : i32
    %dma_start3A = arith.constant 0 : i32
    %dma_start3A_6 = tpu.memref_slice %arg5[%dma_start3A] : memref<2176xi32, #tpu.memory_space<vmem>> -> memref<544xi32, #tpu.memory_space<vmem>>
    %dma_start3A_7 = tpu.memref_slice %arg3[%add3A_5] : memref<67648xi32, #tpu.memory_space<hbm>> -> memref<544xi32, #tpu.memory_space<hbm>>
    %dma_start3A_8 = arith.constant 0 : i32
    %dma_start3A_9 = tpu.memref_slice %arg5[%dma_start3A_8] : memref<2176xi32, #tpu.memory_space<vmem>> -> memref<544xi32, #tpu.memory_space<vmem>>
    %dma_start3A_10 = tpu.memref_slice %arg3[%add3A_5] : memref<67648xi32, #tpu.memory_space<hbm>> -> memref<544xi32, #tpu.memory_space<hbm>>
    tpu.enqueue_dma source(%dma_start3A_10 : memref<544xi32, #tpu.memory_space<hbm>>) target(%dma_start3A_9 : memref<544xi32, #tpu.memory_space<vmem>>) target_semaphore(%arg7 : memref<!tpu.dma_semaphore, #tpu.memory_space<semaphore_mem>>)
    %add3A_11 = arith.constant 16912 : i32
    %add3A_12 = arith.addi %add3A_11, %mul3A_2 : i32
    %dma_start3A_13 = arith.constant 544 : i32
    %dma_start3A_14 = tpu.memref_slice %arg5[%dma_start3A_13] : memref<2176xi32, #tpu.memory_space<vmem>> -> memref<544xi32, #tpu.memory_space<vmem>>
    %dma_start3A_15 = tpu.memref_slice %arg3[%add3A_12] : memref<67648xi32, #tpu.memory_space<hbm>> -> memref<544xi32, #tpu.memory_space<hbm>>
    %dma_start3A_16 = arith.constant 544 : i32
    %dma_start3A_17 = tpu.memref_slice %arg5[%dma_start3A_16] : memref<2176xi32, #tpu.memory_space<vmem>> -> memref<544xi32, #tpu.memory_space<vmem>>
    %dma_start3A_18 = tpu.memref_slice %arg3[%add3A_12] : memref<67648xi32, #tpu.memory_space<hbm>> -> memref<544xi32, #tpu.memory_space<hbm>>
    tpu.enqueue_dma source(%dma_start3A_18 : memref<544xi32, #tpu.memory_space<hbm>>) target(%dma_start3A_17 : memref<544xi32, #tpu.memory_space<vmem>>) target_semaphore(%arg7 : memref<!tpu.dma_semaphore, #tpu.memory_space<semaphore_mem>>)
    %add3A_19 = arith.constant 33824 : i32
    %add3A_20 = arith.addi %add3A_19, %mul3A_2 : i32
    %dma_start3A_21 = arith.constant 1088 : i32
    %dma_start3A_22 = tpu.memref_slice %arg5[%dma_start3A_21] : memref<2176xi32, #tpu.memory_space<vmem>> -> memref<544xi32, #tpu.memory_space<vmem>>
    %dma_start3A_23 = tpu.memref_slice %arg3[%add3A_20] : memref<67648xi32, #tpu.memory_space<hbm>> -> memref<544xi32, #tpu.memory_space<hbm>>
    %dma_start3A_24 = arith.constant 1088 : i32
    %dma_start3A_25 = tpu.memref_slice %arg5[%dma_start3A_24] : memref<2176xi32, #tpu.memory_space<vmem>> -> memref<544xi32, #tpu.memory_space<vmem>>
    %dma_start3A_26 = tpu.memref_slice %arg3[%add3A_20] : memref<67648xi32, #tpu.memory_space<hbm>> -> memref<544xi32, #tpu.memory_space<hbm>>
    tpu.enqueue_dma source(%dma_start3A_26 : memref<544xi32, #tpu.memory_space<hbm>>) target(%dma_start3A_25 : memref<544xi32, #tpu.memory_space<vmem>>) target_semaphore(%arg7 : memref<!tpu.dma_semaphore, #tpu.memory_space<semaphore_mem>>)
    %add3A_27 = arith.constant 50736 : i32
    %add3A_28 = arith.addi %add3A_27, %mul3A_2 : i32
    %dma_start3A_29 = arith.constant 1632 : i32
    %dma_start3A_30 = tpu.memref_slice %arg5[%dma_start3A_29] : memref<2176xi32, #tpu.memory_space<vmem>> -> memref<544xi32, #tpu.memory_space<vmem>>
    %dma_start3A_31 = tpu.memref_slice %arg3[%add3A_28] : memref<67648xi32, #tpu.memory_space<hbm>> -> memref<544xi32, #tpu.memory_space<hbm>>
    %dma_start3A_32 = arith.constant 1632 : i32
    %dma_start3A_33 = tpu.memref_slice %arg5[%dma_start3A_32] : memref<2176xi32, #tpu.memory_space<vmem>> -> memref<544xi32, #tpu.memory_space<vmem>>
    %dma_start3A_34 = tpu.memref_slice %arg3[%add3A_28] : memref<67648xi32, #tpu.memory_space<hbm>> -> memref<544xi32, #tpu.memory_space<hbm>>
    tpu.enqueue_dma source(%dma_start3A_34 : memref<544xi32, #tpu.memory_space<hbm>>) target(%dma_start3A_33 : memref<544xi32, #tpu.memory_space<vmem>>) target_semaphore(%arg7 : memref<!tpu.dma_semaphore, #tpu.memory_space<semaphore_mem>>)
    %add3A_35 = arith.constant 0 : i32
    %add3A_36 = arith.addi %add3A_35, %mul3A_2 : i32
    %dma_wait3A = arith.constant 0 : i32
    %dma_wait3A_37 = tpu.memref_slice %arg5[%dma_wait3A] : memref<2176xi32, #tpu.memory_space<vmem>> -> memref<544xi32, #tpu.memory_space<vmem>>
    %dma_wait3A_38 = tpu.memref_slice %arg3[%add3A_36] : memref<67648xi32, #tpu.memory_space<hbm>> -> memref<544xi32, #tpu.memory_space<hbm>>
    %dma_wait3A_39 = arith.constant 0 : i32
    %dma_wait3A_40 = tpu.memref_slice %arg5[%dma_wait3A_39] : memref<2176xi32, #tpu.memory_space<vmem>> -> memref<544xi32, #tpu.memory_space<vmem>>
    %dma_wait3A_41 = tpu.memref_slice %arg3[%add3A_36] : memref<67648xi32, #tpu.memory_space<hbm>> -> memref<544xi32, #tpu.memory_space<hbm>>
    tpu.wait_dma2 semaphore(%arg7 : memref<!tpu.dma_semaphore, #tpu.memory_space<semaphore_mem>>) src(%dma_wait3A_41 : memref<544xi32, #tpu.memory_space<hbm>>) dst(%dma_wait3A_40 : memref<544xi32, #tpu.memory_space<vmem>>)
    %add3A_42 = arith.constant 16912 : i32
    %add3A_43 = arith.addi %add3A_42, %mul3A_2 : i32
    %dma_wait3A_44 = arith.constant 544 : i32
    %dma_wait3A_45 = tpu.memref_slice %arg5[%dma_wait3A_44] : memref<2176xi32, #tpu.memory_space<vmem>> -> memref<544xi32, #tpu.memory_space<vmem>>
    %dma_wait3A_46 = tpu.memref_slice %arg3[%add3A_43] : memref<67648xi32, #tpu.memory_space<hbm>> -> memref<544xi32, #tpu.memory_space<hbm>>
    %dma_wait3A_47 = arith.constant 544 : i32
    %dma_wait3A_48 = tpu.memref_slice %arg5[%dma_wait3A_47] : memref<2176xi32, #tpu.memory_space<vmem>> -> memref<544xi32, #tpu.memory_space<vmem>>
    %dma_wait3A_49 = tpu.memref_slice %arg3[%add3A_43] : memref<67648xi32, #tpu.memory_space<hbm>> -> memref<544xi32, #tpu.memory_space<hbm>>
    tpu.wait_dma2 semaphore(%arg7 : memref<!tpu.dma_semaphore, #tpu.memory_space<semaphore_mem>>) src(%dma_wait3A_49 : memref<544xi32, #tpu.memory_space<hbm>>) dst(%dma_wait3A_48 : memref<544xi32, #tpu.memory_space<vmem>>)
    %add3A_50 = arith.constant 33824 : i32
    %add3A_51 = arith.addi %add3A_50, %mul3A_2 : i32
    %dma_wait3A_52 = arith.constant 1088 : i32
    %dma_wait3A_53 = tpu.memref_slice %arg5[%dma_wait3A_52] : memref<2176xi32, #tpu.memory_space<vmem>> -> memref<544xi32, #tpu.memory_space<vmem>>
    %dma_wait3A_54 = tpu.memref_slice %arg3[%add3A_51] : memref<67648xi32, #tpu.memory_space<hbm>> -> memref<544xi32, #tpu.memory_space<hbm>>
    %dma_wait3A_55 = arith.constant 1088 : i32
    %dma_wait3A_56 = tpu.memref_slice %arg5[%dma_wait3A_55] : memref<2176xi32, #tpu.memory_space<vmem>> -> memref<544xi32, #tpu.memory_space<vmem>>
    %dma_wait3A_57 = tpu.memref_slice %arg3[%add3A_51] : memref<67648xi32, #tpu.memory_space<hbm>> -> memref<544xi32, #tpu.memory_space<hbm>>
    tpu.wait_dma2 semaphore(%arg7 : memref<!tpu.dma_semaphore, #tpu.memory_space<semaphore_mem>>) src(%dma_wait3A_57 : memref<544xi32, #tpu.memory_space<hbm>>) dst(%dma_wait3A_56 : memref<544xi32, #tpu.memory_space<vmem>>)
    %add3A_58 = arith.constant 50736 : i32
    %add3A_59 = arith.addi %add3A_58, %mul3A_2 : i32
    %dma_wait3A_60 = arith.constant 1632 : i32
    %dma_wait3A_61 = tpu.memref_slice %arg5[%dma_wait3A_60] : memref<2176xi32, #tpu.memory_space<vmem>> -> memref<544xi32, #tpu.memory_space<vmem>>
    %dma_wait3A_62 = tpu.memref_slice %arg3[%add3A_59] : memref<67648xi32, #tpu.memory_space<hbm>> -> memref<544xi32, #tpu.memory_space<hbm>>
    %dma_wait3A_63 = arith.constant 1632 : i32
    %dma_wait3A_64 = tpu.memref_slice %arg5[%dma_wait3A_63] : memref<2176xi32, #tpu.memory_space<vmem>> -> memref<544xi32, #tpu.memory_space<vmem>>
    %dma_wait3A_65 = tpu.memref_slice %arg3[%add3A_59] : memref<67648xi32, #tpu.memory_space<hbm>> -> memref<544xi32, #tpu.memory_space<hbm>>
    tpu.wait_dma2 semaphore(%arg7 : memref<!tpu.dma_semaphore, #tpu.memory_space<semaphore_mem>>) src(%dma_wait3A_65 : memref<544xi32, #tpu.memory_space<hbm>>) dst(%dma_wait3A_64 : memref<544xi32, #tpu.memory_space<vmem>>)
    %scan3A = arith.constant 0 : i32
    %scan3A_66 = arith.constant 136 : i32
    %scan3A_67 = arith.addi %scan3A, %scan3A_66 : i32
    %scan3A_68 = arith.constant 1 : i32
    scf.for %scan3A_197 = %scan3A to %scan3A_67 step %scan3A_68  : i32 {
      %mul3A_198 = arith.constant 16 : i32
      %mul3A_199 = arith.muli %scan3A_197, %mul3A_198 : i32
      %add3A_200 = arith.constant 0 : i32
      %add3A_201 = arith.addi %add3A_200, %mul3A_199 : i32
      %multiple_of3A = tpu.assume_multiple %add3A_201, 16 : i32
      %get3A = arith.index_cast %multiple_of3A : i32 to index
      %get3A_202 = tpu.vector_load %arg5[%get3A] {strides = array<i32>} : memref<2176xi32, #tpu.memory_space<vmem>>, vector<16xi32>,
      %get3A_203 = vector.shape_cast %get3A_202 : vector<16xi32> to vector<16xi32>
      %add3A_204 = arith.constant 16909 : i32
      %add3A_205 = vector.broadcast %add3A_204 : i32 to vector<16xi32>
      %add3A_206 = arith.addi %get3A_203, %add3A_205 : vector<16xi32>
      %rem3A = arith.constant 16909 : i32
      %rem3A_207 = vector.broadcast %rem3A : i32 to vector<16xi32>
      %rem3A_208 = arith.remsi %add3A_206, %rem3A_207 : vector<16xi32>
      %swap3A = arith.index_cast %multiple_of3A : i32 to index
      %swap3A_209 = tpu.vector_load %arg5[%swap3A] {strides = array<i32>} : memref<2176xi32, #tpu.memory_space<vmem>>, vector<16xi32>,
      %swap3A_210 = vector.shape_cast %swap3A_209 : vector<16xi32> to vector<16xi32>
      %swap3A_211 = vector.shape_cast %rem3A_208 : vector<16xi32> to vector<16xi32>
      tpu.vector_store %arg5[%swap3A], %swap3A_211 {strides = array<i32>} : memref<2176xi32, #tpu.memory_space<vmem>>, vector<16xi32>,
    }
    %scan3A_69 = arith.constant 136 : i32
    %scan3A_70 = arith.constant 0 : i32
    %scan3A_71 = arith.constant 11 : i32
    %scan3A_72 = arith.addi %scan3A_70, %scan3A_71 : i32
    %scan3A_73 = arith.constant 1 : i32
    scf.for %scan3A_197 = %scan3A_70 to %scan3A_72 step %scan3A_73  : i32 {
      %mul3A_198 = arith.constant 1 : i32
      %mul3A_199 = arith.muli %scan3A_197, %mul3A_198 : i32
      %add3A_200 = arith.constant 0 : i32
      %add3A_201 = arith.addi %add3A_200, %mul3A_199 : i32
      %mul3A_202 = arith.constant 2 : i32
      %mul3A_203 = arith.muli %mul3A_202, %add3A_201 : i32
      %gt3A = arith.constant 0 : i32
      %gt3A_204 = arith.cmpi sgt, %add3A_201, %gt3A : i32
      %convert_element_type3A_205 = arith.extui %gt3A_204 : i1 to i32
      %cond3A_206 = arith.constant 0 : i32
      %cond3A_207 = arith.cmpi ne, %convert_element_type3A_205, %cond3A_206 : i32
      scf.if %cond3A_207 {
        %dma_wait3A_419 = arith.constant 0 : i32
        %dma_wait3A_420 = arith.constant 0 : i32
        %dma_wait3A_421 = arith.constant 0 : i32
        %dma_wait3A_422 = arith.constant 0 : i32
        %dma_wait3A_423 = arith.constant 0 : i32
        %dma_wait3A_424 = tpu.memref_slice %arg6[%dma_wait3A_419, %dma_wait3A_420, %dma_wait3A_421, %dma_wait3A_422, %dma_wait3A_423] : memref<2x24x4x4x128xf32, #tpu.memory_space<vmem>> -> memref<1x24x4x4x128xf32, #tpu.memory_space<vmem>>
        %dma_wait3A_425 = tpu.memref_squeeze %dma_wait3A_424 : memref<1x24x4x4x128xf32, #tpu.memory_space<vmem>> -> memref<24x4x4x128xf32, #tpu.memory_space<vmem>>
        %dma_wait3A_426 = arith.constant 0 : i32
        %dma_wait3A_427 = arith.constant 0 : i32
        %dma_wait3A_428 = arith.constant 0 : i32
        %dma_wait3A_429 = arith.constant 0 : i32
        %dma_wait3A_430 = tpu.memref_slice %arg4[%dma_wait3A_426, %dma_wait3A_427, %dma_wait3A_428, %dma_wait3A_429] : memref<16906x4x4x128xf32, #tpu.memory_space<hbm>> -> memref<24x4x4x128xf32, #tpu.memory_space<hbm>>
        %dma_wait3A_431 = arith.constant 0 : i32
        %dma_wait3A_432 = arith.constant 0 : i32
        %dma_wait3A_433 = arith.constant 0 : i32
        %dma_wait3A_434 = arith.constant 0 : i32
        %dma_wait3A_435 = tpu.memref_slice %arg4[%dma_wait3A_431, %dma_wait3A_432, %dma_wait3A_433, %dma_wait3A_434] : memref<16906x4x4x128xf32, #tpu.memory_space<hbm>> -> memref<24x4x4x128xf32, #tpu.memory_space<hbm>>
        %dma_wait3A_436 = arith.constant 0 : i32
        %dma_wait3A_437 = arith.constant 0 : i32
        %dma_wait3A_438 = arith.constant 0 : i32
        %dma_wait3A_439 = arith.constant 0 : i32
        %dma_wait3A_440 = tpu.memref_slice %arg6[%dma_wait3A_419, %dma_wait3A_436, %dma_wait3A_437, %dma_wait3A_438, %dma_wait3A_439] : memref<2x24x4x4x128xf32, #tpu.memory_space<vmem>> -> memref<1x24x4x4x128xf32, #tpu.memory_space<vmem>>
        %dma_wait3A_441 = tpu.memref_squeeze %dma_wait3A_440 : memref<1x24x4x4x128xf32, #tpu.memory_space<vmem>> -> memref<24x4x4x128xf32, #tpu.memory_space<vmem>>
        tpu.wait_dma2 semaphore(%arg9 : memref<!tpu.dma_semaphore, #tpu.memory_space<semaphore_mem>>) src(%dma_wait3A_441 : memref<24x4x4x128xf32, #tpu.memory_space<vmem>>) dst(%dma_wait3A_435 : memref<24x4x4x128xf32, #tpu.memory_space<hbm>>)
      } else {
      }
      %mul3A_208 = arith.constant 24 : i32
      %mul3A_209 = arith.muli %mul3A_203, %mul3A_208 : i32
      %add3A_210 = arith.constant 0 : i32
      %add3A_211 = arith.addi %add3A_210, %mul3A_209 : i32
      %dma_start3A_212 = arith.constant 0 : i32
      %dma_start3A_213 = arith.constant 0 : i32
      %dma_start3A_214 = arith.constant 0 : i32
      %dma_start3A_215 = arith.constant 0 : i32
      %dma_start3A_216 = arith.constant 0 : i32
      %dma_start3A_217 = tpu.memref_slice %arg6[%dma_start3A_212, %dma_start3A_214, %dma_start3A_215, %dma_start3A_213, %dma_start3A_216] : memref<2x24x4x4x128xf32, #tpu.memory_space<vmem>> -> memref<1x24x4x1x128xf32, #tpu.memory_space<vmem>>
      %dma_start3A_218 = tpu.memref_squeeze %dma_start3A_217 : memref<1x24x4x1x128xf32, #tpu.memory_space<vmem>> -> memref<24x4x128xf32, #tpu.memory_space<vmem>>
      %dma_start3A_219 = tpu.memref_slice %arg5[%add3A_211] : memref<2176xi32, #tpu.memory_space<vmem>> -> memref<24xi32, #tpu.memory_space<vmem>>
      %dma_start3A_220 = arith.constant 0 : i32
      %dma_start3A_221 = arith.constant 0 : i32
      %dma_start3A_222 = arith.constant 0 : i32
      %dma_start3A_223 = tpu.memref_slice %arg2[%dma_start3A_220, %dma_start3A_221, %dma_start3A_222] : memref<16909x4x128xf32, #tpu.memory_space<hbm>> -> memref<16909x4x128xf32, #tpu.memory_space<hbm>>
      tpu.enqueue_indirect_dma source(%dma_start3A_223 : memref<16909x4x128xf32, #tpu.memory_space<hbm>>) target(%dma_start3A_218 : memref<24x4x128xf32, #tpu.memory_space<vmem>>) offsets(%dma_start3A_219 : memref<24xi32, #tpu.memory_space<vmem>>) semaphore(%arg7 : memref<!tpu.dma_semaphore, #tpu.memory_space<semaphore_mem>>)
      %mul3A_224 = arith.constant 24 : i32
      %mul3A_225 = arith.muli %mul3A_203, %mul3A_224 : i32
      %add3A_226 = arith.constant 544 : i32
      %add3A_227 = arith.addi %add3A_226, %mul3A_225 : i32
      %dma_start3A_228 = arith.constant 0 : i32
      %dma_start3A_229 = arith.constant 1 : i32
      %dma_start3A_230 = arith.constant 0 : i32
      %dma_start3A_231 = arith.constant 0 : i32
      %dma_start3A_232 = arith.constant 0 : i32
      %dma_start3A_233 = tpu.memref_slice %arg6[%dma_start3A_228, %dma_start3A_230, %dma_start3A_231, %dma_start3A_229, %dma_start3A_232] : memref<2x24x4x4x128xf32, #tpu.memory_space<vmem>> -> memref<1x24x4x1x128xf32, #tpu.memory_space<vmem>>
      %dma_start3A_234 = tpu.memref_squeeze %dma_start3A_233 : memref<1x24x4x1x128xf32, #tpu.memory_space<vmem>> -> memref<24x4x128xf32, #tpu.memory_space<vmem>>
      %dma_start3A_235 = tpu.memref_slice %arg5[%add3A_227] : memref<2176xi32, #tpu.memory_space<vmem>> -> memref<24xi32, #tpu.memory_space<vmem>>
      %dma_start3A_236 = arith.constant 0 : i32
      %dma_start3A_237 = arith.constant 0 : i32
      %dma_start3A_238 = arith.constant 0 : i32
      %dma_start3A_239 = tpu.memref_slice %arg2[%dma_start3A_236, %dma_start3A_237, %dma_start3A_238] : memref<16909x4x128xf32, #tpu.memory_space<hbm>> -> memref<16909x4x128xf32, #tpu.memory_space<hbm>>
      tpu.enqueue_indirect_dma source(%dma_start3A_239 : memref<16909x4x128xf32, #tpu.memory_space<hbm>>) target(%dma_start3A_234 : memref<24x4x128xf32, #tpu.memory_space<vmem>>) offsets(%dma_start3A_235 : memref<24xi32, #tpu.memory_space<vmem>>) semaphore(%arg7 : memref<!tpu.dma_semaphore, #tpu.memory_space<semaphore_mem>>)
      %mul3A_240 = arith.constant 24 : i32
      %mul3A_241 = arith.muli %mul3A_203, %mul3A_240 : i32
      %add3A_242 = arith.constant 1088 : i32
      %add3A_243 = arith.addi %add3A_242, %mul3A_241 : i32
      %dma_start3A_244 = arith.constant 0 : i32
      %dma_start3A_245 = arith.constant 2 : i32
      %dma_start3A_246 = arith.constant 0 : i32
      %dma_start3A_247 = arith.constant 0 : i32
      %dma_start3A_248 = arith.constant 0 : i32
      %dma_start3A_249 = tpu.memref_slice %arg6[%dma_start3A_244, %dma_start3A_246, %dma_start3A_247, %dma_start3A_245, %dma_start3A_248] : memref<2x24x4x4x128xf32, #tpu.memory_space<vmem>> -> memref<1x24x4x1x128xf32, #tpu.memory_space<vmem>>
      %dma_start3A_250 = tpu.memref_squeeze %dma_start3A_249 : memref<1x24x4x1x128xf32, #tpu.memory_space<vmem>> -> memref<24x4x128xf32, #tpu.memory_space<vmem>>
      %dma_start3A_251 = tpu.memref_slice %arg5[%add3A_243] : memref<2176xi32, #tpu.memory_space<vmem>> -> memref<24xi32, #tpu.memory_space<vmem>>
      %dma_start3A_252 = arith.constant 0 : i32
      %dma_start3A_253 = arith.constant 0 : i32
      %dma_start3A_254 = arith.constant 0 : i32
      %dma_start3A_255 = tpu.memref_slice %arg2[%dma_start3A_252, %dma_start3A_253, %dma_start3A_254] : memref<16909x4x128xf32, #tpu.memory_space<hbm>> -> memref<16909x4x128xf32, #tpu.memory_space<hbm>>
      tpu.enqueue_indirect_dma source(%dma_start3A_255 : memref<16909x4x128xf32, #tpu.memory_space<hbm>>) target(%dma_start3A_250 : memref<24x4x128xf32, #tpu.memory_space<vmem>>) offsets(%dma_start3A_251 : memref<24xi32, #tpu.memory_space<vmem>>) semaphore(%arg7 : memref<!tpu.dma_semaphore, #tpu.memory_space<semaphore_mem>>)
      %mul3A_256 = arith.constant 24 : i32
      %mul3A_257 = arith.muli %mul3A_203, %mul3A_256 : i32
      %add3A_258 = arith.constant 1632 : i32
      %add3A_259 = arith.addi %add3A_258, %mul3A_257 : i32
      %dma_start3A_260 = arith.constant 0 : i32
      %dma_start3A_261 = arith.constant 3 : i32
      %dma_start3A_262 = arith.constant 0 : i32
      %dma_start3A_263 = arith.constant 0 : i32
      %dma_start3A_264 = arith.constant 0 : i32
      %dma_start3A_265 = tpu.memref_slice %arg6[%dma_start3A_260, %dma_start3A_262, %dma_start3A_263, %dma_start3A_261, %dma_start3A_264] : memref<2x24x4x4x128xf32, #tpu.memory_space<vmem>> -> memref<1x24x4x1x128xf32, #tpu.memory_space<vmem>>
      %dma_start3A_266 = tpu.memref_squeeze %dma_start3A_265 : memref<1x24x4x1x128xf32, #tpu.memory_space<vmem>> -> memref<24x4x128xf32, #tpu.memory_space<vmem>>
      %dma_start3A_267 = tpu.memref_slice %arg5[%add3A_259] : memref<2176xi32, #tpu.memory_space<vmem>> -> memref<24xi32, #tpu.memory_space<vmem>>
      %dma_start3A_268 = arith.constant 0 : i32
      %dma_start3A_269 = arith.constant 0 : i32
      %dma_start3A_270 = arith.constant 0 : i32
      %dma_start3A_271 = tpu.memref_slice %arg2[%dma_start3A_268, %dma_start3A_269, %dma_start3A_270] : memref<16909x4x128xf32, #tpu.memory_space<hbm>> -> memref<16909x4x128xf32, #tpu.memory_space<hbm>>
      tpu.enqueue_indirect_dma source(%dma_start3A_271 : memref<16909x4x128xf32, #tpu.memory_space<hbm>>) target(%dma_start3A_266 : memref<24x4x128xf32, #tpu.memory_space<vmem>>) offsets(%dma_start3A_267 : memref<24xi32, #tpu.memory_space<vmem>>) semaphore(%arg7 : memref<!tpu.dma_semaphore, #tpu.memory_space<semaphore_mem>>)
      %gt3A_272 = arith.constant 0 : i32
      %gt3A_273 = arith.cmpi sgt, %add3A_201, %gt3A_272 : i32
      %convert_element_type3A_274 = arith.extui %gt3A_273 : i1 to i32
      %cond3A_275 = arith.constant 0 : i32
      %cond3A_276 = arith.cmpi ne, %convert_element_type3A_274, %cond3A_275 : i32
      scf.if %cond3A_276 {
        %dma_wait3A_419 = arith.constant 1 : i32
        %dma_wait3A_420 = arith.constant 0 : i32
        %dma_wait3A_421 = arith.constant 0 : i32
        %dma_wait3A_422 = arith.constant 0 : i32
        %dma_wait3A_423 = arith.constant 0 : i32
        %dma_wait3A_424 = tpu.memref_slice %arg6[%dma_wait3A_419, %dma_wait3A_421, %dma_wait3A_422, %dma_wait3A_420, %dma_wait3A_423] : memref<2x24x4x4x128xf32, #tpu.memory_space<vmem>> -> memref<1x24x4x1x128xf32, #tpu.memory_space<vmem>>
        %dma_wait3A_425 = tpu.memref_squeeze %dma_wait3A_424 : memref<1x24x4x1x128xf32, #tpu.memory_space<vmem>> -> memref<24x4x128xf32, #tpu.memory_space<vmem>>
        %dma_wait3A_426 = arith.constant 0 : i32
        %dma_wait3A_427 = tpu.memref_slice %arg5[%dma_wait3A_426] : memref<2176xi32, #tpu.memory_space<vmem>> -> memref<24xi32, #tpu.memory_space<vmem>>
        %dma_wait3A_428 = arith.constant 0 : i32
        %dma_wait3A_429 = arith.constant 0 : i32
        %dma_wait3A_430 = arith.constant 0 : i32
        %dma_wait3A_431 = tpu.memref_slice %arg2[%dma_wait3A_428, %dma_wait3A_429, %dma_wait3A_430] : memref<16909x4x128xf32, #tpu.memory_space<hbm>> -> memref<16909x4x128xf32, #tpu.memory_space<hbm>>
        tpu.wait_indirect_dma semaphore(%arg8 : memref<!tpu.dma_semaphore, #tpu.memory_space<semaphore_mem>>) src(%dma_wait3A_431 : memref<16909x4x128xf32, #tpu.memory_space<hbm>>) dst(%dma_wait3A_425 : memref<24x4x128xf32, #tpu.memory_space<vmem>>)
        %dma_wait3A_432 = arith.constant 1 : i32
        %dma_wait3A_433 = arith.constant 1 : i32
        %dma_wait3A_434 = arith.constant 0 : i32
        %dma_wait3A_435 = arith.constant 0 : i32
        %dma_wait3A_436 = arith.constant 0 : i32
        %dma_wait3A_437 = tpu.memref_slice %arg6[%dma_wait3A_432, %dma_wait3A_434, %dma_wait3A_435, %dma_wait3A_433, %dma_wait3A_436] : memref<2x24x4x4x128xf32, #tpu.memory_space<vmem>> -> memref<1x24x4x1x128xf32, #tpu.memory_space<vmem>>
        %dma_wait3A_438 = tpu.memref_squeeze %dma_wait3A_437 : memref<1x24x4x1x128xf32, #tpu.memory_space<vmem>> -> memref<24x4x128xf32, #tpu.memory_space<vmem>>
        %dma_wait3A_439 = arith.constant 0 : i32
        %dma_wait3A_440 = tpu.memref_slice %arg5[%dma_wait3A_439] : memref<2176xi32, #tpu.memory_space<vmem>> -> memref<24xi32, #tpu.memory_space<vmem>>
        %dma_wait3A_441 = arith.constant 0 : i32
        %dma_wait3A_442 = arith.constant 0 : i32
        %dma_wait3A_443 = arith.constant 0 : i32
        %dma_wait3A_444 = tpu.memref_slice %arg2[%dma_wait3A_441, %dma_wait3A_442, %dma_wait3A_443] : memref<16909x4x128xf32, #tpu.memory_space<hbm>> -> memref<16909x4x128xf32, #tpu.memory_space<hbm>>
        tpu.wait_indirect_dma semaphore(%arg8 : memref<!tpu.dma_semaphore, #tpu.memory_space<semaphore_mem>>) src(%dma_wait3A_444 : memref<16909x4x128xf32, #tpu.memory_space<hbm>>) dst(%dma_wait3A_438 : memref<24x4x128xf32, #tpu.memory_space<vmem>>)
        %dma_wait3A_445 = arith.constant 1 : i32
        %dma_wait3A_446 = arith.constant 2 : i32
        %dma_wait3A_447 = arith.constant 0 : i32
        %dma_wait3A_448 = arith.constant 0 : i32
        %dma_wait3A_449 = arith.constant 0 : i32
        %dma_wait3A_450 = tpu.memref_slice %arg6[%dma_wait3A_445, %dma_wait3A_447, %dma_wait3A_448, %dma_wait3A_446, %dma_wait3A_449] : memref<2x24x4x4x128xf32, #tpu.memory_space<vmem>> -> memref<1x24x4x1x128xf32, #tpu.memory_space<vmem>>
        %dma_wait3A_451 = tpu.memref_squeeze %dma_wait3A_450 : memref<1x24x4x1x128xf32, #tpu.memory_space<vmem>> -> memref<24x4x128xf32, #tpu.memory_space<vmem>>
        %dma_wait3A_452 = arith.constant 0 : i32
        %dma_wait3A_453 = tpu.memref_slice %arg5[%dma_wait3A_452] : memref<2176xi32, #tpu.memory_space<vmem>> -> memref<24xi32, #tpu.memory_space<vmem>>
        %dma_wait3A_454 = arith.constant 0 : i32
        %dma_wait3A_455 = arith.constant 0 : i32
        %dma_wait3A_456 = arith.constant 0 : i32
        %dma_wait3A_457 = tpu.memref_slice %arg2[%dma_wait3A_454, %dma_wait3A_455, %dma_wait3A_456] : memref<16909x4x128xf32, #tpu.memory_space<hbm>> -> memref<16909x4x128xf32, #tpu.memory_space<hbm>>
        tpu.wait_indirect_dma semaphore(%arg8 : memref<!tpu.dma_semaphore, #tpu.memory_space<semaphore_mem>>) src(%dma_wait3A_457 : memref<16909x4x128xf32, #tpu.memory_space<hbm>>) dst(%dma_wait3A_451 : memref<24x4x128xf32, #tpu.memory_space<vmem>>)
        %dma_wait3A_458 = arith.constant 1 : i32
        %dma_wait3A_459 = arith.constant 3 : i32
        %dma_wait3A_460 = arith.constant 0 : i32
        %dma_wait3A_461 = arith.constant 0 : i32
        %dma_wait3A_462 = arith.constant 0 : i32
        %dma_wait3A_463 = tpu.memref_slice %arg6[%dma_wait3A_458, %dma_wait3A_460, %dma_wait3A_461, %dma_wait3A_459, %dma_wait3A_462] : memref<2x24x4x4x128xf32, #tpu.memory_space<vmem>> -> memref<1x24x4x1x128xf32, #tpu.memory_space<vmem>>
        %dma_wait3A_464 = tpu.memref_squeeze %dma_wait3A_463 : memref<1x24x4x1x128xf32, #tpu.memory_space<vmem>> -> memref<24x4x128xf32, #tpu.memory_space<vmem>>
        %dma_wait3A_465 = arith.constant 0 : i32
        %dma_wait3A_466 = tpu.memref_slice %arg5[%dma_wait3A_465] : memref<2176xi32, #tpu.memory_space<vmem>> -> memref<24xi32, #tpu.memory_space<vmem>>
        %dma_wait3A_467 = arith.constant 0 : i32
        %dma_wait3A_468 = arith.constant 0 : i32
        %dma_wait3A_469 = arith.constant 0 : i32
        %dma_wait3A_470 = tpu.memref_slice %arg2[%dma_wait3A_467, %dma_wait3A_468, %dma_wait3A_469] : memref<16909x4x128xf32, #tpu.memory_space<hbm>> -> memref<16909x4x128xf32, #tpu.memory_space<hbm>>
        tpu.wait_indirect_dma semaphore(%arg8 : memref<!tpu.dma_semaphore, #tpu.memory_space<semaphore_mem>>) src(%dma_wait3A_470 : memref<16909x4x128xf32, #tpu.memory_space<hbm>>) dst(%dma_wait3A_464 : memref<24x4x128xf32, #tpu.memory_space<vmem>>)
        %sub3A = arith.constant 1 : i32
        %sub3A_471 = arith.subi %mul3A_203, %sub3A : i32
        %mul3A_472 = arith.constant 24 : i32
        %mul3A_473 = arith.muli %sub3A_471, %mul3A_472 : i32
        %add3A_474 = arith.addi %mul3A_2, %mul3A_473 : i32
        %dma_start3A_475 = arith.constant 1 : i32
        %dma_start3A_476 = arith.constant 0 : i32
        %dma_start3A_477 = arith.constant 0 : i32
        %dma_start3A_478 = arith.constant 0 : i32
        %dma_start3A_479 = arith.constant 0 : i32
        %dma_start3A_480 = tpu.memref_slice %arg6[%dma_start3A_475, %dma_start3A_476, %dma_start3A_477, %dma_start3A_478, %dma_start3A_479] : memref<2x24x4x4x128xf32, #tpu.memory_space<vmem>> -> memref<1x24x4x4x128xf32, #tpu.memory_space<vmem>>
        %dma_start3A_481 = tpu.memref_squeeze %dma_start3A_480 : memref<1x24x4x4x128xf32, #tpu.memory_space<vmem>> -> memref<24x4x4x128xf32, #tpu.memory_space<vmem>>
        %dma_start3A_482 = arith.constant 0 : i32
        %dma_start3A_483 = arith.constant 0 : i32
        %dma_start3A_484 = arith.constant 0 : i32
        %dma_start3A_485 = tpu.memref_slice %arg4[%add3A_474, %dma_start3A_482, %dma_start3A_483, %dma_start3A_484] : memref<16906x4x4x128xf32, #tpu.memory_space<hbm>> -> memref<24x4x4x128xf32, #tpu.memory_space<hbm>>
        %dma_start3A_486 = arith.constant 0 : i32
        %dma_start3A_487 = arith.constant 0 : i32
        %dma_start3A_488 = arith.constant 0 : i32
        %dma_start3A_489 = tpu.memref_slice %arg4[%add3A_474, %dma_start3A_486, %dma_start3A_487, %dma_start3A_488] : memref<16906x4x4x128xf32, #tpu.memory_space<hbm>> -> memref<24x4x4x128xf32, #tpu.memory_space<hbm>>
        %dma_start3A_490 = arith.constant 0 : i32
        %dma_start3A_491 = arith.constant 0 : i32
        %dma_start3A_492 = arith.constant 0 : i32
        %dma_start3A_493 = arith.constant 0 : i32
        %dma_start3A_494 = tpu.memref_slice %arg6[%dma_start3A_475, %dma_start3A_490, %dma_start3A_491, %dma_start3A_492, %dma_start3A_493] : memref<2x24x4x4x128xf32, #tpu.memory_space<vmem>> -> memref<1x24x4x4x128xf32, #tpu.memory_space<vmem>>
        %dma_start3A_495 = tpu.memref_squeeze %dma_start3A_494 : memref<1x24x4x4x128xf32, #tpu.memory_space<vmem>> -> memref<24x4x4x128xf32, #tpu.memory_space<vmem>>
        tpu.enqueue_dma source(%dma_start3A_495 : memref<24x4x4x128xf32, #tpu.memory_space<vmem>>) target(%dma_start3A_489 : memref<24x4x4x128xf32, #tpu.memory_space<hbm>>) target_semaphore(%arg10 : memref<!tpu.dma_semaphore, #tpu.memory_space<semaphore_mem>>)
        %dma_wait3A_496 = arith.constant 1 : i32
        %dma_wait3A_497 = arith.constant 0 : i32
        %dma_wait3A_498 = arith.constant 0 : i32
        %dma_wait3A_499 = arith.constant 0 : i32
        %dma_wait3A_500 = arith.constant 0 : i32
        %dma_wait3A_501 = tpu.memref_slice %arg6[%dma_wait3A_496, %dma_wait3A_497, %dma_wait3A_498, %dma_wait3A_499, %dma_wait3A_500] : memref<2x24x4x4x128xf32, #tpu.memory_space<vmem>> -> memref<1x24x4x4x128xf32, #tpu.memory_space<vmem>>
        %dma_wait3A_502 = tpu.memref_squeeze %dma_wait3A_501 : memref<1x24x4x4x128xf32, #tpu.memory_space<vmem>> -> memref<24x4x4x128xf32, #tpu.memory_space<vmem>>
        %dma_wait3A_503 = arith.constant 0 : i32
        %dma_wait3A_504 = arith.constant 0 : i32
        %dma_wait3A_505 = arith.constant 0 : i32
        %dma_wait3A_506 = arith.constant 0 : i32
        %dma_wait3A_507 = tpu.memref_slice %arg4[%dma_wait3A_503, %dma_wait3A_504, %dma_wait3A_505, %dma_wait3A_506] : memref<16906x4x4x128xf32, #tpu.memory_space<hbm>> -> memref<24x4x4x128xf32, #tpu.memory_space<hbm>>
        %dma_wait3A_508 = arith.constant 0 : i32
        %dma_wait3A_509 = arith.constant 0 : i32
        %dma_wait3A_510 = arith.constant 0 : i32
        %dma_wait3A_511 = arith.constant 0 : i32
        %dma_wait3A_512 = tpu.memref_slice %arg4[%dma_wait3A_508, %dma_wait3A_509, %dma_wait3A_510, %dma_wait3A_511] : memref<16906x4x4x128xf32, #tpu.memory_space<hbm>> -> memref<24x4x4x128xf32, #tpu.memory_space<hbm>>
        %dma_wait3A_513 = arith.constant 0 : i32
        %dma_wait3A_514 = arith.constant 0 : i32
        %dma_wait3A_515 = arith.constant 0 : i32
        %dma_wait3A_516 = arith.constant 0 : i32
        %dma_wait3A_517 = tpu.memref_slice %arg6[%dma_wait3A_496, %dma_wait3A_513, %dma_wait3A_514, %dma_wait3A_515, %dma_wait3A_516] : memref<2x24x4x4x128xf32, #tpu.memory_space<vmem>> -> memref<1x24x4x4x128xf32, #tpu.memory_space<vmem>>
        %dma_wait3A_518 = tpu.memref_squeeze %dma_wait3A_517 : memref<1x24x4x4x128xf32, #tpu.memory_space<vmem>> -> memref<24x4x4x128xf32, #tpu.memory_space<vmem>>
        tpu.wait_dma2 semaphore(%arg10 : memref<!tpu.dma_semaphore, #tpu.memory_space<semaphore_mem>>) src(%dma_wait3A_518 : memref<24x4x4x128xf32, #tpu.memory_space<vmem>>) dst(%dma_wait3A_512 : memref<24x4x4x128xf32, #tpu.memory_space<hbm>>)
      } else {
      }
      %add3A_277 = arith.constant 1 : i32
      %add3A_278 = arith.addi %mul3A_203, %add3A_277 : i32
      %mul3A_279 = arith.constant 24 : i32
      %mul3A_280 = arith.muli %add3A_278, %mul3A_279 : i32
      %add3A_281 = arith.constant 0 : i32
      %add3A_282 = arith.addi %add3A_281, %mul3A_280 : i32
      %dma_start3A_283 = arith.constant 1 : i32
      %dma_start3A_284 = arith.constant 0 : i32
      %dma_start3A_285 = arith.constant 0 : i32
      %dma_start3A_286 = arith.constant 0 : i32
      %dma_start3A_287 = arith.constant 0 : i32
      %dma_start3A_288 = tpu.memref_slice %arg6[%dma_start3A_283, %dma_start3A_285, %dma_start3A_286, %dma_start3A_284, %dma_start3A_287] : memref<2x24x4x4x128xf32, #tpu.memory_space<vmem>> -> memref<1x24x4x1x128xf32, #tpu.memory_space<vmem>>
      %dma_start3A_289 = tpu.memref_squeeze %dma_start3A_288 : memref<1x24x4x1x128xf32, #tpu.memory_space<vmem>> -> memref<24x4x128xf32, #tpu.memory_space<vmem>>
      %dma_start3A_290 = tpu.memref_slice %arg5[%add3A_282] : memref<2176xi32, #tpu.memory_space<vmem>> -> memref<24xi32, #tpu.memory_space<vmem>>
      %dma_start3A_291 = arith.constant 0 : i32
      %dma_start3A_292 = arith.constant 0 : i32
      %dma_start3A_293 = arith.constant 0 : i32
      %dma_start3A_294 = tpu.memref_slice %arg2[%dma_start3A_291, %dma_start3A_292, %dma_start3A_293] : memref<16909x4x128xf32, #tpu.memory_space<hbm>> -> memref<16909x4x128xf32, #tpu.memory_space<hbm>>
      tpu.enqueue_indirect_dma source(%dma_start3A_294 : memref<16909x4x128xf32, #tpu.memory_space<hbm>>) target(%dma_start3A_289 : memref<24x4x128xf32, #tpu.memory_space<vmem>>) offsets(%dma_start3A_290 : memref<24xi32, #tpu.memory_space<vmem>>) semaphore(%arg8 : memref<!tpu.dma_semaphore, #tpu.memory_space<semaphore_mem>>)
      %mul3A_295 = arith.constant 24 : i32
      %mul3A_296 = arith.muli %add3A_278, %mul3A_295 : i32
      %add3A_297 = arith.constant 544 : i32
      %add3A_298 = arith.addi %add3A_297, %mul3A_296 : i32
      %dma_start3A_299 = arith.constant 1 : i32
      %dma_start3A_300 = arith.constant 1 : i32
      %dma_start3A_301 = arith.constant 0 : i32
      %dma_start3A_302 = arith.constant 0 : i32
      %dma_start3A_303 = arith.constant 0 : i32
      %dma_start3A_304 = tpu.memref_slice %arg6[%dma_start3A_299, %dma_start3A_301, %dma_start3A_302, %dma_start3A_300, %dma_start3A_303] : memref<2x24x4x4x128xf32, #tpu.memory_space<vmem>> -> memref<1x24x4x1x128xf32, #tpu.memory_space<vmem>>
      %dma_start3A_305 = tpu.memref_squeeze %dma_start3A_304 : memref<1x24x4x1x128xf32, #tpu.memory_space<vmem>> -> memref<24x4x128xf32, #tpu.memory_space<vmem>>
      %dma_start3A_306 = tpu.memref_slice %arg5[%add3A_298] : memref<2176xi32, #tpu.memory_space<vmem>> -> memref<24xi32, #tpu.memory_space<vmem>>
      %dma_start3A_307 = arith.constant 0 : i32
      %dma_start3A_308 = arith.constant 0 : i32
      %dma_start3A_309 = arith.constant 0 : i32
      %dma_start3A_310 = tpu.memref_slice %arg2[%dma_start3A_307, %dma_start3A_308, %dma_start3A_309] : memref<16909x4x128xf32, #tpu.memory_space<hbm>> -> memref<16909x4x128xf32, #tpu.memory_space<hbm>>
      tpu.enqueue_indirect_dma source(%dma_start3A_310 : memref<16909x4x128xf32, #tpu.memory_space<hbm>>) target(%dma_start3A_305 : memref<24x4x128xf32, #tpu.memory_space<vmem>>) offsets(%dma_start3A_306 : memref<24xi32, #tpu.memory_space<vmem>>) semaphore(%arg8 : memref<!tpu.dma_semaphore, #tpu.memory_space<semaphore_mem>>)
      %mul3A_311 = arith.constant 24 : i32
      %mul3A_312 = arith.muli %add3A_278, %mul3A_311 : i32
      %add3A_313 = arith.constant 1088 : i32
      %add3A_314 = arith.addi %add3A_313, %mul3A_312 : i32
      %dma_start3A_315 = arith.constant 1 : i32
      %dma_start3A_316 = arith.constant 2 : i32
      %dma_start3A_317 = arith.constant 0 : i32
      %dma_start3A_318 = arith.constant 0 : i32
      %dma_start3A_319 = arith.constant 0 : i32
      %dma_start3A_320 = tpu.memref_slice %arg6[%dma_start3A_315, %dma_start3A_317, %dma_start3A_318, %dma_start3A_316, %dma_start3A_319] : memref<2x24x4x4x128xf32, #tpu.memory_space<vmem>> -> memref<1x24x4x1x128xf32, #tpu.memory_space<vmem>>
      %dma_start3A_321 = tpu.memref_squeeze %dma_start3A_320 : memref<1x24x4x1x128xf32, #tpu.memory_space<vmem>> -> memref<24x4x128xf32, #tpu.memory_space<vmem>>
      %dma_start3A_322 = tpu.memref_slice %arg5[%add3A_314] : memref<2176xi32, #tpu.memory_space<vmem>> -> memref<24xi32, #tpu.memory_space<vmem>>
      %dma_start3A_323 = arith.constant 0 : i32
      %dma_start3A_324 = arith.constant 0 : i32
      %dma_start3A_325 = arith.constant 0 : i32
      %dma_start3A_326 = tpu.memref_slice %arg2[%dma_start3A_323, %dma_start3A_324, %dma_start3A_325] : memref<16909x4x128xf32, #tpu.memory_space<hbm>> -> memref<16909x4x128xf32, #tpu.memory_space<hbm>>
      tpu.enqueue_indirect_dma source(%dma_start3A_326 : memref<16909x4x128xf32, #tpu.memory_space<hbm>>) target(%dma_start3A_321 : memref<24x4x128xf32, #tpu.memory_space<vmem>>) offsets(%dma_start3A_322 : memref<24xi32, #tpu.memory_space<vmem>>) semaphore(%arg8 : memref<!tpu.dma_semaphore, #tpu.memory_space<semaphore_mem>>)
      %mul3A_327 = arith.constant 24 : i32
      %mul3A_328 = arith.muli %add3A_278, %mul3A_327 : i32
      %add3A_329 = arith.constant 1632 : i32
      %add3A_330 = arith.addi %add3A_329, %mul3A_328 : i32
      %dma_start3A_331 = arith.constant 1 : i32
      %dma_start3A_332 = arith.constant 3 : i32
      %dma_start3A_333 = arith.constant 0 : i32
      %dma_start3A_334 = arith.constant 0 : i32
      %dma_start3A_335 = arith.constant 0 : i32
      %dma_start3A_336 = tpu.memref_slice %arg6[%dma_start3A_331, %dma_start3A_333, %dma_start3A_334, %dma_start3A_332, %dma_start3A_335] : memref<2x24x4x4x128xf32, #tpu.memory_space<vmem>> -> memref<1x24x4x1x128xf32, #tpu.memory_space<vmem>>
      %dma_start3A_337 = tpu.memref_squeeze %dma_start3A_336 : memref<1x24x4x1x128xf32, #tpu.memory_space<vmem>> -> memref<24x4x128xf32, #tpu.memory_space<vmem>>
      %dma_start3A_338 = tpu.memref_slice %arg5[%add3A_330] : memref<2176xi32, #tpu.memory_space<vmem>> -> memref<24xi32, #tpu.memory_space<vmem>>
      %dma_start3A_339 = arith.constant 0 : i32
      %dma_start3A_340 = arith.constant 0 : i32
      %dma_start3A_341 = arith.constant 0 : i32
      %dma_start3A_342 = tpu.memref_slice %arg2[%dma_start3A_339, %dma_start3A_340, %dma_start3A_341] : memref<16909x4x128xf32, #tpu.memory_space<hbm>> -> memref<16909x4x128xf32, #tpu.memory_space<hbm>>
      tpu.enqueue_indirect_dma source(%dma_start3A_342 : memref<16909x4x128xf32, #tpu.memory_space<hbm>>) target(%dma_start3A_337 : memref<24x4x128xf32, #tpu.memory_space<vmem>>) offsets(%dma_start3A_338 : memref<24xi32, #tpu.memory_space<vmem>>) semaphore(%arg8 : memref<!tpu.dma_semaphore, #tpu.memory_space<semaphore_mem>>)
      %dma_wait3A_343 = arith.constant 0 : i32
      %dma_wait3A_344 = arith.constant 0 : i32
      %dma_wait3A_345 = arith.constant 0 : i32
      %dma_wait3A_346 = arith.constant 0 : i32
      %dma_wait3A_347 = arith.constant 0 : i32
      %dma_wait3A_348 = tpu.memref_slice %arg6[%dma_wait3A_343, %dma_wait3A_345, %dma_wait3A_346, %dma_wait3A_344, %dma_wait3A_347] : memref<2x24x4x4x128xf32, #tpu.memory_space<vmem>> -> memref<1x24x4x1x128xf32, #tpu.memory_space<vmem>>
      %dma_wait3A_349 = tpu.memref_squeeze %dma_wait3A_348 : memref<1x24x4x1x128xf32, #tpu.memory_space<vmem>> -> memref<24x4x128xf32, #tpu.memory_space<vmem>>
      %dma_wait3A_350 = arith.constant 0 : i32
      %dma_wait3A_351 = tpu.memref_slice %arg5[%dma_wait3A_350] : memref<2176xi32, #tpu.memory_space<vmem>> -> memref<24xi32, #tpu.memory_space<vmem>>
      %dma_wait3A_352 = arith.constant 0 : i32
      %dma_wait3A_353 = arith.constant 0 : i32
      %dma_wait3A_354 = arith.constant 0 : i32
      %dma_wait3A_355 = tpu.memref_slice %arg2[%dma_wait3A_352, %dma_wait3A_353, %dma_wait3A_354] : memref<16909x4x128xf32, #tpu.memory_space<hbm>> -> memref<16909x4x128xf32, #tpu.memory_space<hbm>>
      tpu.wait_indirect_dma semaphore(%arg7 : memref<!tpu.dma_semaphore, #tpu.memory_space<semaphore_mem>>) src(%dma_wait3A_355 : memref<16909x4x128xf32, #tpu.memory_space<hbm>>) dst(%dma_wait3A_349 : memref<24x4x128xf32, #tpu.memory_space<vmem>>)
      %dma_wait3A_356 = arith.constant 0 : i32
      %dma_wait3A_357 = arith.constant 1 : i32
      %dma_wait3A_358 = arith.constant 0 : i32
      %dma_wait3A_359 = arith.constant 0 : i32
      %dma_wait3A_360 = arith.constant 0 : i32
      %dma_wait3A_361 = tpu.memref_slice %arg6[%dma_wait3A_356, %dma_wait3A_358, %dma_wait3A_359, %dma_wait3A_357, %dma_wait3A_360] : memref<2x24x4x4x128xf32, #tpu.memory_space<vmem>> -> memref<1x24x4x1x128xf32, #tpu.memory_space<vmem>>
      %dma_wait3A_362 = tpu.memref_squeeze %dma_wait3A_361 : memref<1x24x4x1x128xf32, #tpu.memory_space<vmem>> -> memref<24x4x128xf32, #tpu.memory_space<vmem>>
      %dma_wait3A_363 = arith.constant 0 : i32
      %dma_wait3A_364 = tpu.memref_slice %arg5[%dma_wait3A_363] : memref<2176xi32, #tpu.memory_space<vmem>> -> memref<24xi32, #tpu.memory_space<vmem>>
      %dma_wait3A_365 = arith.constant 0 : i32
      %dma_wait3A_366 = arith.constant 0 : i32
      %dma_wait3A_367 = arith.constant 0 : i32
      %dma_wait3A_368 = tpu.memref_slice %arg2[%dma_wait3A_365, %dma_wait3A_366, %dma_wait3A_367] : memref<16909x4x128xf32, #tpu.memory_space<hbm>> -> memref<16909x4x128xf32, #tpu.memory_space<hbm>>
      tpu.wait_indirect_dma semaphore(%arg7 : memref<!tpu.dma_semaphore, #tpu.memory_space<semaphore_mem>>) src(%dma_wait3A_368 : memref<16909x4x128xf32, #tpu.memory_space<hbm>>) dst(%dma_wait3A_362 : memref<24x4x128xf32, #tpu.memory_space<vmem>>)
      %dma_wait3A_369 = arith.constant 0 : i32
      %dma_wait3A_370 = arith.constant 2 : i32
      %dma_wait3A_371 = arith.constant 0 : i32
      %dma_wait3A_372 = arith.constant 0 : i32
      %dma_wait3A_373 = arith.constant 0 : i32
      %dma_wait3A_374 = tpu.memref_slice %arg6[%dma_wait3A_369, %dma_wait3A_371, %dma_wait3A_372, %dma_wait3A_370, %dma_wait3A_373] : memref<2x24x4x4x128xf32, #tpu.memory_space<vmem>> -> memref<1x24x4x1x128xf32, #tpu.memory_space<vmem>>
      %dma_wait3A_375 = tpu.memref_squeeze %dma_wait3A_374 : memref<1x24x4x1x128xf32, #tpu.memory_space<vmem>> -> memref<24x4x128xf32, #tpu.memory_space<vmem>>
      %dma_wait3A_376 = arith.constant 0 : i32
      %dma_wait3A_377 = tpu.memref_slice %arg5[%dma_wait3A_376] : memref<2176xi32, #tpu.memory_space<vmem>> -> memref<24xi32, #tpu.memory_space<vmem>>
      %dma_wait3A_378 = arith.constant 0 : i32
      %dma_wait3A_379 = arith.constant 0 : i32
      %dma_wait3A_380 = arith.constant 0 : i32
      %dma_wait3A_381 = tpu.memref_slice %arg2[%dma_wait3A_378, %dma_wait3A_379, %dma_wait3A_380] : memref<16909x4x128xf32, #tpu.memory_space<hbm>> -> memref<16909x4x128xf32, #tpu.memory_space<hbm>>
      tpu.wait_indirect_dma semaphore(%arg7 : memref<!tpu.dma_semaphore, #tpu.memory_space<semaphore_mem>>) src(%dma_wait3A_381 : memref<16909x4x128xf32, #tpu.memory_space<hbm>>) dst(%dma_wait3A_375 : memref<24x4x128xf32, #tpu.memory_space<vmem>>)
      %dma_wait3A_382 = arith.constant 0 : i32
      %dma_wait3A_383 = arith.constant 3 : i32
      %dma_wait3A_384 = arith.constant 0 : i32
      %dma_wait3A_385 = arith.constant 0 : i32
      %dma_wait3A_386 = arith.constant 0 : i32
      %dma_wait3A_387 = tpu.memref_slice %arg6[%dma_wait3A_382, %dma_wait3A_384, %dma_wait3A_385, %dma_wait3A_383, %dma_wait3A_386] : memref<2x24x4x4x128xf32, #tpu.memory_space<vmem>> -> memref<1x24x4x1x128xf32, #tpu.memory_space<vmem>>
      %dma_wait3A_388 = tpu.memref_squeeze %dma_wait3A_387 : memref<1x24x4x1x128xf32, #tpu.memory_space<vmem>> -> memref<24x4x128xf32, #tpu.memory_space<vmem>>
      %dma_wait3A_389 = arith.constant 0 : i32
      %dma_wait3A_390 = tpu.memref_slice %arg5[%dma_wait3A_389] : memref<2176xi32, #tpu.memory_space<vmem>> -> memref<24xi32, #tpu.memory_space<vmem>>
      %dma_wait3A_391 = arith.constant 0 : i32
      %dma_wait3A_392 = arith.constant 0 : i32
      %dma_wait3A_393 = arith.constant 0 : i32
      %dma_wait3A_394 = tpu.memref_slice %arg2[%dma_wait3A_391, %dma_wait3A_392, %dma_wait3A_393] : memref<16909x4x128xf32, #tpu.memory_space<hbm>> -> memref<16909x4x128xf32, #tpu.memory_space<hbm>>
      tpu.wait_indirect_dma semaphore(%arg7 : memref<!tpu.dma_semaphore, #tpu.memory_space<semaphore_mem>>) src(%dma_wait3A_394 : memref<16909x4x128xf32, #tpu.memory_space<hbm>>) dst(%dma_wait3A_388 : memref<24x4x128xf32, #tpu.memory_space<vmem>>)
      %mul3A_395 = arith.constant 24 : i32
      %mul3A_396 = arith.muli %mul3A_203, %mul3A_395 : i32
      %add3A_397 = arith.addi %mul3A_2, %mul3A_396 : i32
      %dma_start3A_398 = arith.constant 0 : i32
      %dma_start3A_399 = arith.constant 0 : i32
      %dma_start3A_400 = arith.constant 0 : i32
      %dma_start3A_401 = arith.constant 0 : i32
      %dma_start3A_402 = arith.constant 0 : i32
      %dma_start3A_403 = tpu.memref_slice %arg6[%dma_start3A_398, %dma_start3A_399, %dma_start3A_400, %dma_start3A_401, %dma_start3A_402] : memref<2x24x4x4x128xf32, #tpu.memory_space<vmem>> -> memref<1x24x4x4x128xf32, #tpu.memory_space<vmem>>
      %dma_start3A_404 = tpu.memref_squeeze %dma_start3A_403 : memref<1x24x4x4x128xf32, #tpu.memory_space<vmem>> -> memref<24x4x4x128xf32, #tpu.memory_space<vmem>>
      %dma_start3A_405 = arith.constant 0 : i32
      %dma_start3A_406 = arith.constant 0 : i32
      %dma_start3A_407 = arith.constant 0 : i32
      %dma_start3A_408 = tpu.memref_slice %arg4[%add3A_397, %dma_start3A_405, %dma_start3A_406, %dma_start3A_407] : memref<16906x4x4x128xf32, #tpu.memory_space<hbm>> -> memref<24x4x4x128xf32, #tpu.memory_space<hbm>>
      %dma_start3A_409 = arith.constant 0 : i32
      %dma_start3A_410 = arith.constant 0 : i32
      %dma_start3A_411 = arith.constant 0 : i32
      %dma_start3A_412 = tpu.memref_slice %arg4[%add3A_397, %dma_start3A_409, %dma_start3A_410, %dma_start3A_411] : memref<16906x4x4x128xf32, #tpu.memory_space<hbm>> -> memref<24x4x4x128xf32, #tpu.memory_space<hbm>>
      %dma_start3A_413 = arith.constant 0 : i32
      %dma_start3A_414 = arith.constant 0 : i32
      %dma_start3A_415 = arith.constant 0 : i32
      %dma_start3A_416 = arith.constant 0 : i32
      %dma_start3A_417 = tpu.memref_slice %arg6[%dma_start3A_398, %dma_start3A_413, %dma_start3A_414, %dma_start3A_415, %dma_start3A_416] : memref<2x24x4x4x128xf32, #tpu.memory_space<vmem>> -> memref<1x24x4x4x128xf32, #tpu.memory_space<vmem>>
      %dma_start3A_418 = tpu.memref_squeeze %dma_start3A_417 : memref<1x24x4x4x128xf32, #tpu.memory_space<vmem>> -> memref<24x4x4x128xf32, #tpu.memory_space<vmem>>
      tpu.enqueue_dma source(%dma_start3A_418 : memref<24x4x4x128xf32, #tpu.memory_space<vmem>>) target(%dma_start3A_412 : memref<24x4x4x128xf32, #tpu.memory_space<hbm>>) target_semaphore(%arg9 : memref<!tpu.dma_semaphore, #tpu.memory_space<semaphore_mem>>)
    }
    %scan3A_74 = arith.constant 11 : i32
    %dma_wait3A_75 = arith.constant 1 : i32
    %dma_wait3A_76 = arith.constant 0 : i32
    %dma_wait3A_77 = arith.constant 0 : i32
    %dma_wait3A_78 = arith.constant 0 : i32
    %dma_wait3A_79 = arith.constant 0 : i32
    %dma_wait3A_80 = tpu.memref_slice %arg6[%dma_wait3A_75, %dma_wait3A_77, %dma_wait3A_78, %dma_wait3A_76, %dma_wait3A_79] : memref<2x24x4x4x128xf32, #tpu.memory_space<vmem>> -> memref<1x24x4x1x128xf32, #tpu.memory_space<vmem>>
    %dma_wait3A_81 = tpu.memref_squeeze %dma_wait3A_80 : memref<1x24x4x1x128xf32, #tpu.memory_space<vmem>> -> memref<24x4x128xf32, #tpu.memory_space<vmem>>
    %dma_wait3A_82 = arith.constant 0 : i32
    %dma_wait3A_83 = tpu.memref_slice %arg5[%dma_wait3A_82] : memref<2176xi32, #tpu.memory_space<vmem>> -> memref<24xi32, #tpu.memory_space<vmem>>
    %dma_wait3A_84 = arith.constant 0 : i32
    %dma_wait3A_85 = arith.constant 0 : i32
    %dma_wait3A_86 = arith.constant 0 : i32
    %dma_wait3A_87 = tpu.memref_slice %arg2[%dma_wait3A_84, %dma_wait3A_85, %dma_wait3A_86] : memref<16909x4x128xf32, #tpu.memory_space<hbm>> -> memref<16909x4x128xf32, #tpu.memory_space<hbm>>
    tpu.wait_indirect_dma semaphore(%arg8 : memref<!tpu.dma_semaphore, #tpu.memory_space<semaphore_mem>>) src(%dma_wait3A_87 : memref<16909x4x128xf32, #tpu.memory_space<hbm>>) dst(%dma_wait3A_81 : memref<24x4x128xf32, #tpu.memory_space<vmem>>)
    %dma_wait3A_88 = arith.constant 1 : i32
    %dma_wait3A_89 = arith.constant 1 : i32
    %dma_wait3A_90 = arith.constant 0 : i32
    %dma_wait3A_91 = arith.constant 0 : i32
    %dma_wait3A_92 = arith.constant 0 : i32
    %dma_wait3A_93 = tpu.memref_slice %arg6[%dma_wait3A_88, %dma_wait3A_90, %dma_wait3A_91, %dma_wait3A_89, %dma_wait3A_92] : memref<2x24x4x4x128xf32, #tpu.memory_space<vmem>> -> memref<1x24x4x1x128xf32, #tpu.memory_space<vmem>>
    %dma_wait3A_94 = tpu.memref_squeeze %dma_wait3A_93 : memref<1x24x4x1x128xf32, #tpu.memory_space<vmem>> -> memref<24x4x128xf32, #tpu.memory_space<vmem>>
    %dma_wait3A_95 = arith.constant 0 : i32
    %dma_wait3A_96 = tpu.memref_slice %arg5[%dma_wait3A_95] : memref<2176xi32, #tpu.memory_space<vmem>> -> memref<24xi32, #tpu.memory_space<vmem>>
    %dma_wait3A_97 = arith.constant 0 : i32
    %dma_wait3A_98 = arith.constant 0 : i32
    %dma_wait3A_99 = arith.constant 0 : i32
    %dma_wait3A_100 = tpu.memref_slice %arg2[%dma_wait3A_97, %dma_wait3A_98, %dma_wait3A_99] : memref<16909x4x128xf32, #tpu.memory_space<hbm>> -> memref<16909x4x128xf32, #tpu.memory_space<hbm>>
    tpu.wait_indirect_dma semaphore(%arg8 : memref<!tpu.dma_semaphore, #tpu.memory_space<semaphore_mem>>) src(%dma_wait3A_100 : memref<16909x4x128xf32, #tpu.memory_space<hbm>>) dst(%dma_wait3A_94 : memref<24x4x128xf32, #tpu.memory_space<vmem>>)
    %dma_wait3A_101 = arith.constant 1 : i32
    %dma_wait3A_102 = arith.constant 2 : i32
    %dma_wait3A_103 = arith.constant 0 : i32
    %dma_wait3A_104 = arith.constant 0 : i32
    %dma_wait3A_105 = arith.constant 0 : i32
    %dma_wait3A_106 = tpu.memref_slice %arg6[%dma_wait3A_101, %dma_wait3A_103, %dma_wait3A_104, %dma_wait3A_102, %dma_wait3A_105] : memref<2x24x4x4x128xf32, #tpu.memory_space<vmem>> -> memref<1x24x4x1x128xf32, #tpu.memory_space<vmem>>
    %dma_wait3A_107 = tpu.memref_squeeze %dma_wait3A_106 : memref<1x24x4x1x128xf32, #tpu.memory_space<vmem>> -> memref<24x4x128xf32, #tpu.memory_space<vmem>>
    %dma_wait3A_108 = arith.constant 0 : i32
    %dma_wait3A_109 = tpu.memref_slice %arg5[%dma_wait3A_108] : memref<2176xi32, #tpu.memory_space<vmem>> -> memref<24xi32, #tpu.memory_space<vmem>>
    %dma_wait3A_110 = arith.constant 0 : i32
    %dma_wait3A_111 = arith.constant 0 : i32
    %dma_wait3A_112 = arith.constant 0 : i32
    %dma_wait3A_113 = tpu.memref_slice %arg2[%dma_wait3A_110, %dma_wait3A_111, %dma_wait3A_112] : memref<16909x4x128xf32, #tpu.memory_space<hbm>> -> memref<16909x4x128xf32, #tpu.memory_space<hbm>>
    tpu.wait_indirect_dma semaphore(%arg8 : memref<!tpu.dma_semaphore, #tpu.memory_space<semaphore_mem>>) src(%dma_wait3A_113 : memref<16909x4x128xf32, #tpu.memory_space<hbm>>) dst(%dma_wait3A_107 : memref<24x4x128xf32, #tpu.memory_space<vmem>>)
    %dma_wait3A_114 = arith.constant 1 : i32
    %dma_wait3A_115 = arith.constant 3 : i32
    %dma_wait3A_116 = arith.constant 0 : i32
    %dma_wait3A_117 = arith.constant 0 : i32
    %dma_wait3A_118 = arith.constant 0 : i32
    %dma_wait3A_119 = tpu.memref_slice %arg6[%dma_wait3A_114, %dma_wait3A_116, %dma_wait3A_117, %dma_wait3A_115, %dma_wait3A_118] : memref<2x24x4x4x128xf32, #tpu.memory_space<vmem>> -> memref<1x24x4x1x128xf32, #tpu.memory_space<vmem>>
    %dma_wait3A_120 = tpu.memref_squeeze %dma_wait3A_119 : memref<1x24x4x1x128xf32, #tpu.memory_space<vmem>> -> memref<24x4x128xf32, #tpu.memory_space<vmem>>
    %dma_wait3A_121 = arith.constant 0 : i32
    %dma_wait3A_122 = tpu.memref_slice %arg5[%dma_wait3A_121] : memref<2176xi32, #tpu.memory_space<vmem>> -> memref<24xi32, #tpu.memory_space<vmem>>
    %dma_wait3A_123 = arith.constant 0 : i32
    %dma_wait3A_124 = arith.constant 0 : i32
    %dma_wait3A_125 = arith.constant 0 : i32
    %dma_wait3A_126 = tpu.memref_slice %arg2[%dma_wait3A_123, %dma_wait3A_124, %dma_wait3A_125] : memref<16909x4x128xf32, #tpu.memory_space<hbm>> -> memref<16909x4x128xf32, #tpu.memory_space<hbm>>
    tpu.wait_indirect_dma semaphore(%arg8 : memref<!tpu.dma_semaphore, #tpu.memory_space<semaphore_mem>>) src(%dma_wait3A_126 : memref<16909x4x128xf32, #tpu.memory_space<hbm>>) dst(%dma_wait3A_120 : memref<24x4x128xf32, #tpu.memory_space<vmem>>)
    %add3A_127 = arith.constant 504 : i32
    %add3A_128 = arith.addi %mul3A_2, %add3A_127 : i32
    %dma_start3A_129 = arith.constant 1 : i32
    %dma_start3A_130 = arith.constant 0 : i32
    %dma_start3A_131 = arith.constant 0 : i32
    %dma_start3A_132 = arith.constant 0 : i32
    %dma_start3A_133 = arith.constant 0 : i32
    %dma_start3A_134 = tpu.memref_slice %arg6[%dma_start3A_129, %dma_start3A_130, %dma_start3A_131, %dma_start3A_132, %dma_start3A_133] : memref<2x24x4x4x128xf32, #tpu.memory_space<vmem>> -> memref<1x24x4x4x128xf32, #tpu.memory_space<vmem>>
    %dma_start3A_135 = tpu.memref_squeeze %dma_start3A_134 : memref<1x24x4x4x128xf32, #tpu.memory_space<vmem>> -> memref<24x4x4x128xf32, #tpu.memory_space<vmem>>
    %dma_start3A_136 = arith.constant 0 : i32
    %dma_start3A_137 = arith.constant 0 : i32
    %dma_start3A_138 = arith.constant 0 : i32
    %dma_start3A_139 = tpu.memref_slice %arg4[%add3A_128, %dma_start3A_136, %dma_start3A_137, %dma_start3A_138] : memref<16906x4x4x128xf32, #tpu.memory_space<hbm>> -> memref<24x4x4x128xf32, #tpu.memory_space<hbm>>
    %dma_start3A_140 = arith.constant 0 : i32
    %dma_start3A_141 = arith.constant 0 : i32
    %dma_start3A_142 = arith.constant 0 : i32
    %dma_start3A_143 = tpu.memref_slice %arg4[%add3A_128, %dma_start3A_140, %dma_start3A_141, %dma_start3A_142] : memref<16906x4x4x128xf32, #tpu.memory_space<hbm>> -> memref<24x4x4x128xf32, #tpu.memory_space<hbm>>
    %dma_start3A_144 = arith.constant 0 : i32
    %dma_start3A_145 = arith.constant 0 : i32
    %dma_start3A_146 = arith.constant 0 : i32
    %dma_start3A_147 = arith.constant 0 : i32
    %dma_start3A_148 = tpu.memref_slice %arg6[%dma_start3A_129, %dma_start3A_144, %dma_start3A_145, %dma_start3A_146, %dma_start3A_147] : memref<2x24x4x4x128xf32, #tpu.memory_space<vmem>> -> memref<1x24x4x4x128xf32, #tpu.memory_space<vmem>>
    %dma_start3A_149 = tpu.memref_squeeze %dma_start3A_148 : memref<1x24x4x4x128xf32, #tpu.memory_space<vmem>> -> memref<24x4x4x128xf32, #tpu.memory_space<vmem>>
    tpu.enqueue_dma source(%dma_start3A_149 : memref<24x4x4x128xf32, #tpu.memory_space<vmem>>) target(%dma_start3A_143 : memref<24x4x4x128xf32, #tpu.memory_space<hbm>>) target_semaphore(%arg10 : memref<!tpu.dma_semaphore, #tpu.memory_space<semaphore_mem>>)
    %dma_wait3A_150 = arith.constant 0 : i32
    %dma_wait3A_151 = arith.constant 0 : i32
    %dma_wait3A_152 = arith.constant 0 : i32
    %dma_wait3A_153 = arith.constant 0 : i32
    %dma_wait3A_154 = arith.constant 0 : i32
    %dma_wait3A_155 = tpu.memref_slice %arg6[%dma_wait3A_150, %dma_wait3A_151, %dma_wait3A_152, %dma_wait3A_153, %dma_wait3A_154] : memref<2x24x4x4x128xf32, #tpu.memory_space<vmem>> -> memref<1x24x4x4x128xf32, #tpu.memory_space<vmem>>
    %dma_wait3A_156 = tpu.memref_squeeze %dma_wait3A_155 : memref<1x24x4x4x128xf32, #tpu.memory_space<vmem>> -> memref<24x4x4x128xf32, #tpu.memory_space<vmem>>
    %dma_wait3A_157 = arith.constant 0 : i32
    %dma_wait3A_158 = arith.constant 0 : i32
    %dma_wait3A_159 = arith.constant 0 : i32
    %dma_wait3A_160 = arith.constant 0 : i32
    %dma_wait3A_161 = tpu.memref_slice %arg4[%dma_wait3A_157, %dma_wait3A_158, %dma_wait3A_159, %dma_wait3A_160] : memref<16906x4x4x128xf32, #tpu.memory_space<hbm>> -> memref<24x4x4x128xf32, #tpu.memory_space<hbm>>
    %dma_wait3A_162 = arith.constant 0 : i32
    %dma_wait3A_163 = arith.constant 0 : i32
    %dma_wait3A_164 = arith.constant 0 : i32
    %dma_wait3A_165 = arith.constant 0 : i32
    %dma_wait3A_166 = tpu.memref_slice %arg4[%dma_wait3A_162, %dma_wait3A_163, %dma_wait3A_164, %dma_wait3A_165] : memref<16906x4x4x128xf32, #tpu.memory_space<hbm>> -> memref<24x4x4x128xf32, #tpu.memory_space<hbm>>
    %dma_wait3A_167 = arith.constant 0 : i32
    %dma_wait3A_168 = arith.constant 0 : i32
    %dma_wait3A_169 = arith.constant 0 : i32
    %dma_wait3A_170 = arith.constant 0 : i32
    %dma_wait3A_171 = tpu.memref_slice %arg6[%dma_wait3A_150, %dma_wait3A_167, %dma_wait3A_168, %dma_wait3A_169, %dma_wait3A_170] : memref<2x24x4x4x128xf32, #tpu.memory_space<vmem>> -> memref<1x24x4x4x128xf32, #tpu.memory_space<vmem>>
    %dma_wait3A_172 = tpu.memref_squeeze %dma_wait3A_171 : memref<1x24x4x4x128xf32, #tpu.memory_space<vmem>> -> memref<24x4x4x128xf32, #tpu.memory_space<vmem>>
    tpu.wait_dma2 semaphore(%arg9 : memref<!tpu.dma_semaphore, #tpu.memory_space<semaphore_mem>>) src(%dma_wait3A_172 : memref<24x4x4x128xf32, #tpu.memory_space<vmem>>) dst(%dma_wait3A_166 : memref<24x4x4x128xf32, #tpu.memory_space<hbm>>)
    %dma_wait3A_173 = arith.constant 1 : i32
    %dma_wait3A_174 = arith.constant 0 : i32
    %dma_wait3A_175 = arith.constant 0 : i32
    %dma_wait3A_176 = arith.constant 0 : i32
    %dma_wait3A_177 = arith.constant 0 : i32
    %dma_wait3A_178 = tpu.memref_slice %arg6[%dma_wait3A_173, %dma_wait3A_174, %dma_wait3A_175, %dma_wait3A_176, %dma_wait3A_177] : memref<2x24x4x4x128xf32, #tpu.memory_space<vmem>> -> memref<1x24x4x4x128xf32, #tpu.memory_space<vmem>>
    %dma_wait3A_179 = tpu.memref_squeeze %dma_wait3A_178 : memref<1x24x4x4x128xf32, #tpu.memory_space<vmem>> -> memref<24x4x4x128xf32, #tpu.memory_space<vmem>>
    %dma_wait3A_180 = arith.constant 0 : i32
    %dma_wait3A_181 = arith.constant 0 : i32
    %dma_wait3A_182 = arith.constant 0 : i32
    %dma_wait3A_183 = arith.constant 0 : i32
    %dma_wait3A_184 = tpu.memref_slice %arg4[%dma_wait3A_180, %dma_wait3A_181, %dma_wait3A_182, %dma_wait3A_183] : memref<16906x4x4x128xf32, #tpu.memory_space<hbm>> -> memref<24x4x4x128xf32, #tpu.memory_space<hbm>>
    %dma_wait3A_185 = arith.constant 0 : i32
    %dma_wait3A_186 = arith.constant 0 : i32
    %dma_wait3A_187 = arith.constant 0 : i32
    %dma_wait3A_188 = arith.constant 0 : i32
    %dma_wait3A_189 = tpu.memref_slice %arg4[%dma_wait3A_185, %dma_wait3A_186, %dma_wait3A_187, %dma_wait3A_188] : memref<16906x4x4x128xf32, #tpu.memory_space<hbm>> -> memref<24x4x4x128xf32, #tpu.memory_space<hbm>>
    %dma_wait3A_190 = arith.constant 0 : i32
    %dma_wait3A_191 = arith.constant 0 : i32
    %dma_wait3A_192 = arith.constant 0 : i32
    %dma_wait3A_193 = arith.constant 0 : i32
    %dma_wait3A_194 = tpu.memref_slice %arg6[%dma_wait3A_173, %dma_wait3A_190, %dma_wait3A_191, %dma_wait3A_192, %dma_wait3A_193] : memref<2x24x4x4x128xf32, #tpu.memory_space<vmem>> -> memref<1x24x4x4x128xf32, #tpu.memory_space<vmem>>
    %dma_wait3A_195 = tpu.memref_squeeze %dma_wait3A_194 : memref<1x24x4x4x128xf32, #tpu.memory_space<vmem>> -> memref<24x4x4x128xf32, #tpu.memory_space<vmem>>
    tpu.wait_dma2 semaphore(%arg10 : memref<!tpu.dma_semaphore, #tpu.memory_space<semaphore_mem>>) src(%dma_wait3A_195 : memref<24x4x4x128xf32, #tpu.memory_space<vmem>>) dst(%dma_wait3A_189 : memref<24x4x4x128xf32, #tpu.memory_space<hbm>>)
    %convert_element_type3A = arith.extui %eq3A_3 : i1 to i32
    %cond3A = arith.constant 0 : i32
    %cond3A_196 = arith.cmpi ne, %convert_element_type3A, %cond3A : i32
    scf.if %cond3A_196 {
      %dma_start3A_197 = arith.constant 0 : i32
      %dma_start3A_198 = arith.constant 0 : i32
      %dma_start3A_199 = arith.constant 0 : i32
      %dma_start3A_200 = arith.constant 0 : i32
      %dma_start3A_201 = arith.constant 0 : i32
      %dma_start3A_202 = tpu.memref_slice %arg6[%dma_start3A_197, %dma_start3A_199, %dma_start3A_200, %dma_start3A_198, %dma_start3A_201] : memref<2x24x4x4x128xf32, #tpu.memory_space<vmem>> -> memref<1x16x4x1x128xf32, #tpu.memory_space<vmem>>
      %dma_start3A_203 = tpu.memref_squeeze %dma_start3A_202 : memref<1x16x4x1x128xf32, #tpu.memory_space<vmem>> -> memref<16x4x128xf32, #tpu.memory_space<vmem>>
      %dma_start3A_204 = arith.constant 528 : i32
      %dma_start3A_205 = tpu.memref_slice %arg5[%dma_start3A_204] : memref<2176xi32, #tpu.memory_space<vmem>> -> memref<16xi32, #tpu.memory_space<vmem>>
      %dma_start3A_206 = arith.constant 0 : i32
      %dma_start3A_207 = arith.constant 0 : i32
      %dma_start3A_208 = arith.constant 0 : i32
      %dma_start3A_209 = tpu.memref_slice %arg2[%dma_start3A_206, %dma_start3A_207, %dma_start3A_208] : memref<16909x4x128xf32, #tpu.memory_space<hbm>> -> memref<16909x4x128xf32, #tpu.memory_space<hbm>>
      tpu.enqueue_indirect_dma source(%dma_start3A_209 : memref<16909x4x128xf32, #tpu.memory_space<hbm>>) target(%dma_start3A_203 : memref<16x4x128xf32, #tpu.memory_space<vmem>>) offsets(%dma_start3A_205 : memref<16xi32, #tpu.memory_space<vmem>>) semaphore(%arg7 : memref<!tpu.dma_semaphore, #tpu.memory_space<semaphore_mem>>)
      %dma_start3A_210 = arith.constant 0 : i32
      %dma_start3A_211 = arith.constant 1 : i32
      %dma_start3A_212 = arith.constant 0 : i32
      %dma_start3A_213 = arith.constant 0 : i32
      %dma_start3A_214 = arith.constant 0 : i32
      %dma_start3A_215 = tpu.memref_slice %arg6[%dma_start3A_210, %dma_start3A_212, %dma_start3A_213, %dma_start3A_211, %dma_start3A_214] : memref<2x24x4x4x128xf32, #tpu.memory_space<vmem>> -> memref<1x16x4x1x128xf32, #tpu.memory_space<vmem>>
      %dma_start3A_216 = tpu.memref_squeeze %dma_start3A_215 : memref<1x16x4x1x128xf32, #tpu.memory_space<vmem>> -> memref<16x4x128xf32, #tpu.memory_space<vmem>>
      %dma_start3A_217 = arith.constant 1072 : i32
      %dma_start3A_218 = tpu.memref_slice %arg5[%dma_start3A_217] : memref<2176xi32, #tpu.memory_space<vmem>> -> memref<16xi32, #tpu.memory_space<vmem>>
      %dma_start3A_219 = arith.constant 0 : i32
      %dma_start3A_220 = arith.constant 0 : i32
      %dma_start3A_221 = arith.constant 0 : i32
      %dma_start3A_222 = tpu.memref_slice %arg2[%dma_start3A_219, %dma_start3A_220, %dma_start3A_221] : memref<16909x4x128xf32, #tpu.memory_space<hbm>> -> memref<16909x4x128xf32, #tpu.memory_space<hbm>>
      tpu.enqueue_indirect_dma source(%dma_start3A_222 : memref<16909x4x128xf32, #tpu.memory_space<hbm>>) target(%dma_start3A_216 : memref<16x4x128xf32, #tpu.memory_space<vmem>>) offsets(%dma_start3A_218 : memref<16xi32, #tpu.memory_space<vmem>>) semaphore(%arg7 : memref<!tpu.dma_semaphore, #tpu.memory_space<semaphore_mem>>)
      %dma_start3A_223 = arith.constant 0 : i32
      %dma_start3A_224 = arith.constant 2 : i32
      %dma_start3A_225 = arith.constant 0 : i32
      %dma_start3A_226 = arith.constant 0 : i32
      %dma_start3A_227 = arith.constant 0 : i32
      %dma_start3A_228 = tpu.memref_slice %arg6[%dma_start3A_223, %dma_start3A_225, %dma_start3A_226, %dma_start3A_224, %dma_start3A_227] : memref<2x24x4x4x128xf32, #tpu.memory_space<vmem>> -> memref<1x16x4x1x128xf32, #tpu.memory_space<vmem>>
      %dma_start3A_229 = tpu.memref_squeeze %dma_start3A_228 : memref<1x16x4x1x128xf32, #tpu.memory_space<vmem>> -> memref<16x4x128xf32, #tpu.memory_space<vmem>>
      %dma_start3A_230 = arith.constant 1616 : i32
      %dma_start3A_231 = tpu.memref_slice %arg5[%dma_start3A_230] : memref<2176xi32, #tpu.memory_space<vmem>> -> memref<16xi32, #tpu.memory_space<vmem>>
      %dma_start3A_232 = arith.constant 0 : i32
      %dma_start3A_233 = arith.constant 0 : i32
      %dma_start3A_234 = arith.constant 0 : i32
      %dma_start3A_235 = tpu.memref_slice %arg2[%dma_start3A_232, %dma_start3A_233, %dma_start3A_234] : memref<16909x4x128xf32, #tpu.memory_space<hbm>> -> memref<16909x4x128xf32, #tpu.memory_space<hbm>>
      tpu.enqueue_indirect_dma source(%dma_start3A_235 : memref<16909x4x128xf32, #tpu.memory_space<hbm>>) target(%dma_start3A_229 : memref<16x4x128xf32, #tpu.memory_space<vmem>>) offsets(%dma_start3A_231 : memref<16xi32, #tpu.memory_space<vmem>>) semaphore(%arg7 : memref<!tpu.dma_semaphore, #tpu.memory_space<semaphore_mem>>)
      %dma_start3A_236 = arith.constant 0 : i32
      %dma_start3A_237 = arith.constant 3 : i32
      %dma_start3A_238 = arith.constant 0 : i32
      %dma_start3A_239 = arith.constant 0 : i32
      %dma_start3A_240 = arith.constant 0 : i32
      %dma_start3A_241 = tpu.memref_slice %arg6[%dma_start3A_236, %dma_start3A_238, %dma_start3A_239, %dma_start3A_237, %dma_start3A_240] : memref<2x24x4x4x128xf32, #tpu.memory_space<vmem>> -> memref<1x16x4x1x128xf32, #tpu.memory_space<vmem>>
      %dma_start3A_242 = tpu.memref_squeeze %dma_start3A_241 : memref<1x16x4x1x128xf32, #tpu.memory_space<vmem>> -> memref<16x4x128xf32, #tpu.memory_space<vmem>>
      %dma_start3A_243 = arith.constant 2160 : i32
      %dma_start3A_244 = tpu.memref_slice %arg5[%dma_start3A_243] : memref<2176xi32, #tpu.memory_space<vmem>> -> memref<16xi32, #tpu.memory_space<vmem>>
      %dma_start3A_245 = arith.constant 0 : i32
      %dma_start3A_246 = arith.constant 0 : i32
      %dma_start3A_247 = arith.constant 0 : i32
      %dma_start3A_248 = tpu.memref_slice %arg2[%dma_start3A_245, %dma_start3A_246, %dma_start3A_247] : memref<16909x4x128xf32, #tpu.memory_space<hbm>> -> memref<16909x4x128xf32, #tpu.memory_space<hbm>>
      tpu.enqueue_indirect_dma source(%dma_start3A_248 : memref<16909x4x128xf32, #tpu.memory_space<hbm>>) target(%dma_start3A_242 : memref<16x4x128xf32, #tpu.memory_space<vmem>>) offsets(%dma_start3A_244 : memref<16xi32, #tpu.memory_space<vmem>>) semaphore(%arg7 : memref<!tpu.dma_semaphore, #tpu.memory_space<semaphore_mem>>)
      %dma_wait3A_249 = arith.constant 0 : i32
      %dma_wait3A_250 = arith.constant 0 : i32
      %dma_wait3A_251 = arith.constant 0 : i32
      %dma_wait3A_252 = arith.constant 0 : i32
      %dma_wait3A_253 = arith.constant 0 : i32
      %dma_wait3A_254 = tpu.memref_slice %arg6[%dma_wait3A_249, %dma_wait3A_251, %dma_wait3A_252, %dma_wait3A_250, %dma_wait3A_253] : memref<2x24x4x4x128xf32, #tpu.memory_space<vmem>> -> memref<1x16x4x1x128xf32, #tpu.memory_space<vmem>>
      %dma_wait3A_255 = tpu.memref_squeeze %dma_wait3A_254 : memref<1x16x4x1x128xf32, #tpu.memory_space<vmem>> -> memref<16x4x128xf32, #tpu.memory_space<vmem>>
      %dma_wait3A_256 = arith.constant 528 : i32
      %dma_wait3A_257 = tpu.memref_slice %arg5[%dma_wait3A_256] : memref<2176xi32, #tpu.memory_space<vmem>> -> memref<16xi32, #tpu.memory_space<vmem>>
      %dma_wait3A_258 = arith.constant 0 : i32
      %dma_wait3A_259 = arith.constant 0 : i32
      %dma_wait3A_260 = arith.constant 0 : i32
      %dma_wait3A_261 = tpu.memref_slice %arg2[%dma_wait3A_258, %dma_wait3A_259, %dma_wait3A_260] : memref<16909x4x128xf32, #tpu.memory_space<hbm>> -> memref<16909x4x128xf32, #tpu.memory_space<hbm>>
      tpu.wait_indirect_dma semaphore(%arg7 : memref<!tpu.dma_semaphore, #tpu.memory_space<semaphore_mem>>) src(%dma_wait3A_261 : memref<16909x4x128xf32, #tpu.memory_space<hbm>>) dst(%dma_wait3A_255 : memref<16x4x128xf32, #tpu.memory_space<vmem>>)
      %dma_wait3A_262 = arith.constant 0 : i32
      %dma_wait3A_263 = arith.constant 1 : i32
      %dma_wait3A_264 = arith.constant 0 : i32
      %dma_wait3A_265 = arith.constant 0 : i32
      %dma_wait3A_266 = arith.constant 0 : i32
      %dma_wait3A_267 = tpu.memref_slice %arg6[%dma_wait3A_262, %dma_wait3A_264, %dma_wait3A_265, %dma_wait3A_263, %dma_wait3A_266] : memref<2x24x4x4x128xf32, #tpu.memory_space<vmem>> -> memref<1x16x4x1x128xf32, #tpu.memory_space<vmem>>
      %dma_wait3A_268 = tpu.memref_squeeze %dma_wait3A_267 : memref<1x16x4x1x128xf32, #tpu.memory_space<vmem>> -> memref<16x4x128xf32, #tpu.memory_space<vmem>>
      %dma_wait3A_269 = arith.constant 1072 : i32
      %dma_wait3A_270 = tpu.memref_slice %arg5[%dma_wait3A_269] : memref<2176xi32, #tpu.memory_space<vmem>> -> memref<16xi32, #tpu.memory_space<vmem>>
      %dma_wait3A_271 = arith.constant 0 : i32
      %dma_wait3A_272 = arith.constant 0 : i32
      %dma_wait3A_273 = arith.constant 0 : i32
      %dma_wait3A_274 = tpu.memref_slice %arg2[%dma_wait3A_271, %dma_wait3A_272, %dma_wait3A_273] : memref<16909x4x128xf32, #tpu.memory_space<hbm>> -> memref<16909x4x128xf32, #tpu.memory_space<hbm>>
      tpu.wait_indirect_dma semaphore(%arg7 : memref<!tpu.dma_semaphore, #tpu.memory_space<semaphore_mem>>) src(%dma_wait3A_274 : memref<16909x4x128xf32, #tpu.memory_space<hbm>>) dst(%dma_wait3A_268 : memref<16x4x128xf32, #tpu.memory_space<vmem>>)
      %dma_wait3A_275 = arith.constant 0 : i32
      %dma_wait3A_276 = arith.constant 2 : i32
      %dma_wait3A_277 = arith.constant 0 : i32
      %dma_wait3A_278 = arith.constant 0 : i32
      %dma_wait3A_279 = arith.constant 0 : i32
      %dma_wait3A_280 = tpu.memref_slice %arg6[%dma_wait3A_275, %dma_wait3A_277, %dma_wait3A_278, %dma_wait3A_276, %dma_wait3A_279] : memref<2x24x4x4x128xf32, #tpu.memory_space<vmem>> -> memref<1x16x4x1x128xf32, #tpu.memory_space<vmem>>
      %dma_wait3A_281 = tpu.memref_squeeze %dma_wait3A_280 : memref<1x16x4x1x128xf32, #tpu.memory_space<vmem>> -> memref<16x4x128xf32, #tpu.memory_space<vmem>>
      %dma_wait3A_282 = arith.constant 1616 : i32
      %dma_wait3A_283 = tpu.memref_slice %arg5[%dma_wait3A_282] : memref<2176xi32, #tpu.memory_space<vmem>> -> memref<16xi32, #tpu.memory_space<vmem>>
      %dma_wait3A_284 = arith.constant 0 : i32
      %dma_wait3A_285 = arith.constant 0 : i32
      %dma_wait3A_286 = arith.constant 0 : i32
      %dma_wait3A_287 = tpu.memref_slice %arg2[%dma_wait3A_284, %dma_wait3A_285, %dma_wait3A_286] : memref<16909x4x128xf32, #tpu.memory_space<hbm>> -> memref<16909x4x128xf32, #tpu.memory_space<hbm>>
      tpu.wait_indirect_dma semaphore(%arg7 : memref<!tpu.dma_semaphore, #tpu.memory_space<semaphore_mem>>) src(%dma_wait3A_287 : memref<16909x4x128xf32, #tpu.memory_space<hbm>>) dst(%dma_wait3A_281 : memref<16x4x128xf32, #tpu.memory_space<vmem>>)
      %dma_wait3A_288 = arith.constant 0 : i32
      %dma_wait3A_289 = arith.constant 3 : i32
      %dma_wait3A_290 = arith.constant 0 : i32
      %dma_wait3A_291 = arith.constant 0 : i32
      %dma_wait3A_292 = arith.constant 0 : i32
      %dma_wait3A_293 = tpu.memref_slice %arg6[%dma_wait3A_288, %dma_wait3A_290, %dma_wait3A_291, %dma_wait3A_289, %dma_wait3A_292] : memref<2x24x4x4x128xf32, #tpu.memory_space<vmem>> -> memref<1x16x4x1x128xf32, #tpu.memory_space<vmem>>
      %dma_wait3A_294 = tpu.memref_squeeze %dma_wait3A_293 : memref<1x16x4x1x128xf32, #tpu.memory_space<vmem>> -> memref<16x4x128xf32, #tpu.memory_space<vmem>>
      %dma_wait3A_295 = arith.constant 2160 : i32
      %dma_wait3A_296 = tpu.memref_slice %arg5[%dma_wait3A_295] : memref<2176xi32, #tpu.memory_space<vmem>> -> memref<16xi32, #tpu.memory_space<vmem>>
      %dma_wait3A_297 = arith.constant 0 : i32
      %dma_wait3A_298 = arith.constant 0 : i32
      %dma_wait3A_299 = arith.constant 0 : i32
      %dma_wait3A_300 = tpu.memref_slice %arg2[%dma_wait3A_297, %dma_wait3A_298, %dma_wait3A_299] : memref<16909x4x128xf32, #tpu.memory_space<hbm>> -> memref<16909x4x128xf32, #tpu.memory_space<hbm>>
      tpu.wait_indirect_dma semaphore(%arg7 : memref<!tpu.dma_semaphore, #tpu.memory_space<semaphore_mem>>) src(%dma_wait3A_300 : memref<16909x4x128xf32, #tpu.memory_space<hbm>>) dst(%dma_wait3A_294 : memref<16x4x128xf32, #tpu.memory_space<vmem>>)
      %run_scoped3A = arith.constant 0 : i32
      "tpu.region"() ({
        %run_scoped3A_301 = tpu.sem_alloc : memref<!tpu.dma_semaphore, #tpu.memory_space<semaphore_mem>>
        %dma_start3A_302 = arith.constant 0 : i32
        %dma_start3A_303 = arith.constant 0 : i32
        %dma_start3A_304 = arith.constant 0 : i32
        %dma_start3A_305 = arith.constant 0 : i32
        %dma_start3A_306 = tpu.memref_slice %arg6[%run_scoped3A, %dma_start3A_302, %dma_start3A_303, %dma_start3A_304, %dma_start3A_305] : memref<2x24x4x4x128xf32, #tpu.memory_space<vmem>> -> memref<1x10x4x4x128xf32, #tpu.memory_space<vmem>>
        %dma_start3A_307 = tpu.memref_squeeze %dma_start3A_306 : memref<1x10x4x4x128xf32, #tpu.memory_space<vmem>> -> memref<10x4x4x128xf32, #tpu.memory_space<vmem>>
        %dma_start3A_308 = arith.constant 16896 : i32
        %dma_start3A_309 = arith.constant 0 : i32
        %dma_start3A_310 = arith.constant 0 : i32
        %dma_start3A_311 = arith.constant 0 : i32
        %dma_start3A_312 = tpu.memref_slice %arg4[%dma_start3A_308, %dma_start3A_309, %dma_start3A_310, %dma_start3A_311] : memref<16906x4x4x128xf32, #tpu.memory_space<hbm>> -> memref<10x4x4x128xf32, #tpu.memory_space<hbm>>
        %dma_start3A_313 = arith.constant 16896 : i32
        %dma_start3A_314 = arith.constant 0 : i32
        %dma_start3A_315 = arith.constant 0 : i32
        %dma_start3A_316 = arith.constant 0 : i32
        %dma_start3A_317 = tpu.memref_slice %arg4[%dma_start3A_313, %dma_start3A_314, %dma_start3A_315, %dma_start3A_316] : memref<16906x4x4x128xf32, #tpu.memory_space<hbm>> -> memref<10x4x4x128xf32, #tpu.memory_space<hbm>>
        %dma_start3A_318 = arith.constant 0 : i32
        %dma_start3A_319 = arith.constant 0 : i32
        %dma_start3A_320 = arith.constant 0 : i32
        %dma_start3A_321 = arith.constant 0 : i32
        %dma_start3A_322 = tpu.memref_slice %arg6[%run_scoped3A, %dma_start3A_318, %dma_start3A_319, %dma_start3A_320, %dma_start3A_321] : memref<2x24x4x4x128xf32, #tpu.memory_space<vmem>> -> memref<1x10x4x4x128xf32, #tpu.memory_space<vmem>>
        %dma_start3A_323 = tpu.memref_squeeze %dma_start3A_322 : memref<1x10x4x4x128xf32, #tpu.memory_space<vmem>> -> memref<10x4x4x128xf32, #tpu.memory_space<vmem>>
        tpu.enqueue_dma source(%dma_start3A_323 : memref<10x4x4x128xf32, #tpu.memory_space<vmem>>) target(%dma_start3A_317 : memref<10x4x4x128xf32, #tpu.memory_space<hbm>>) target_semaphore(%run_scoped3A_301 : memref<!tpu.dma_semaphore, #tpu.memory_space<semaphore_mem>>)
        %dma_wait3A_324 = arith.constant 0 : i32
        %dma_wait3A_325 = arith.constant 0 : i32
        %dma_wait3A_326 = arith.constant 0 : i32
        %dma_wait3A_327 = arith.constant 0 : i32
        %dma_wait3A_328 = tpu.memref_slice %arg6[%run_scoped3A, %dma_wait3A_324, %dma_wait3A_325, %dma_wait3A_326, %dma_wait3A_327] : memref<2x24x4x4x128xf32, #tpu.memory_space<vmem>> -> memref<1x10x4x4x128xf32, #tpu.memory_space<vmem>>
        %dma_wait3A_329 = tpu.memref_squeeze %dma_wait3A_328 : memref<1x10x4x4x128xf32, #tpu.memory_space<vmem>> -> memref<10x4x4x128xf32, #tpu.memory_space<vmem>>
        %dma_wait3A_330 = arith.constant 16896 : i32
        %dma_wait3A_331 = arith.constant 0 : i32
        %dma_wait3A_332 = arith.constant 0 : i32
        %dma_wait3A_333 = arith.constant 0 : i32
        %dma_wait3A_334 = tpu.memref_slice %arg4[%dma_wait3A_330, %dma_wait3A_331, %dma_wait3A_332, %dma_wait3A_333] : memref<16906x4x4x128xf32, #tpu.memory_space<hbm>> -> memref<10x4x4x128xf32, #tpu.memory_space<hbm>>
        %dma_wait3A_335 = arith.constant 16896 : i32
        %dma_wait3A_336 = arith.constant 0 : i32
        %dma_wait3A_337 = arith.constant 0 : i32
        %dma_wait3A_338 = arith.constant 0 : i32
        %dma_wait3A_339 = tpu.memref_slice %arg4[%dma_wait3A_335, %dma_wait3A_336, %dma_wait3A_337, %dma_wait3A_338] : memref<16906x4x4x128xf32, #tpu.memory_space<hbm>> -> memref<10x4x4x128xf32, #tpu.memory_space<hbm>>
        %dma_wait3A_340 = arith.constant 0 : i32
        %dma_wait3A_341 = arith.constant 0 : i32
        %dma_wait3A_342 = arith.constant 0 : i32
        %dma_wait3A_343 = arith.constant 0 : i32
        %dma_wait3A_344 = tpu.memref_slice %arg6[%run_scoped3A, %dma_wait3A_340, %dma_wait3A_341, %dma_wait3A_342, %dma_wait3A_343] : memref<2x24x4x4x128xf32, #tpu.memory_space<vmem>> -> memref<1x10x4x4x128xf32, #tpu.memory_space<vmem>>
        %dma_wait3A_345 = tpu.memref_squeeze %dma_wait3A_344 : memref<1x10x4x4x128xf32, #tpu.memory_space<vmem>> -> memref<10x4x4x128xf32, #tpu.memory_space<vmem>>
        tpu.wait_dma2 semaphore(%run_scoped3A_301 : memref<!tpu.dma_semaphore, #tpu.memory_space<semaphore_mem>>) src(%dma_wait3A_345 : memref<10x4x4x128xf32, #tpu.memory_space<vmem>>) dst(%dma_wait3A_339 : memref<10x4x4x128xf32, #tpu.memory_space<hbm>>)
        tpu.yield
      }) : () -> ()
    } else {
    }
    return
  }
}

module attributes {stable_mosaic.version = 14 : i64} {
  func.func @_proj_body(%arg0: i32, %arg1: memref<200x4096xf32, #tpu.memory_space<vmem>>, %arg2: memref<200x512xf32, #tpu.memory_space<vmem>>, %arg3: memref<1x512xf32, #tpu.memory_space<vmem>>, %arg4: memref<4096x4x128xf32, #tpu.memory_space<vmem>>) attributes {dimension_semantics = [#tpu.dimension_semantics<arbitrary>], iteration_bounds = array<i64: 5>, scalar_prefetch = 0 : i64, scratch_operands = 0 : i64, tpu.core_type = #tpu.core_type<tc>, window_params = [{transform_indices = @transform_0, window_bounds = array<i64: 200, 4096>}, {pipeline_mode = #tpu.pipeline_mode<synchronous>, transform_indices = @transform_1, window_bounds = array<i64: 200, 512>}, {pipeline_mode = #tpu.pipeline_mode<synchronous>, transform_indices = @transform_2, window_bounds = array<i64: 1, 512>}, {transform_indices = @transform_3, window_bounds = array<i64: 4096, 4, 128>}]} {
    %get3A = arith.constant 0 : index
    %get3A_0 = arith.constant 0 : index
    %get3A_1 = vector.load %arg1[%get3A, %get3A_0] : memref<200x4096xf32, #tpu.memory_space<vmem>>, vector<200x4096xf32>
    %get3A_2 = arith.constant 0 : index
    %get3A_3 = arith.constant 0 : index
    %get3A_4 = vector.load %arg2[%get3A_2, %get3A_3] : memref<200x512xf32, #tpu.memory_space<vmem>>, vector<200x512xf32>
    %dot_general3A = arith.constant dense<0.000000e+00> : vector<4096x512xf32>
    %dot_general3A_5 = tpu.matmul %get3A_1, %get3A_4, %dot_general3A {dimension_numbers = #tpu.dot_dimension_numbers<[0], [0], [1], [1], [0, 1, 1, 1], [], []>, transpose_lhs_hint = false} : vector<200x4096xf32>, vector<200x512xf32>, vector<4096x512xf32> -> vector<4096x512xf32>
    %get3A_6 = arith.constant 0 : index
    %get3A_7 = arith.constant 0 : index
    %get3A_8 = vector.load %arg3[%get3A_6, %get3A_7] : memref<1x512xf32, #tpu.memory_space<vmem>>, vector<1x512xf32>
    %add3A = vector.broadcast %get3A_8 : vector<1x512xf32> to vector<4096x512xf32>
    %add3A_9 = arith.addf %dot_general3A_5, %add3A : vector<4096x512xf32>
    %reshape3A = vector.shape_cast %add3A_9 : vector<4096x512xf32> to vector<4096x4x128xf32>
    %swap3A = arith.constant 0 : index
    %swap3A_10 = arith.constant 0 : index
    %swap3A_11 = arith.constant 0 : index
    %swap3A_12 = vector.load %arg4[%swap3A, %swap3A_10, %swap3A_11] : memref<4096x4x128xf32, #tpu.memory_space<vmem>>, vector<4096x4x128xf32>
    tpu.vector_store %arg4[%swap3A, %swap3A_10, %swap3A_11], %reshape3A {strides = array<i32>} : memref<4096x4x128xf32, #tpu.memory_space<vmem>>, vector<4096x4x128xf32>,
    return
  }
  func.func @transform_0(%arg0: i32) -> (i32, i32) {
    %c0_i32 = arith.constant 0 : i32
    %c0_i32_0 = arith.constant 0 : i32
    return %c0_i32, %arg0 : i32, i32
  }
  func.func @transform_1(%arg0: i32) -> (i32, i32) {
    %c0_i32 = arith.constant 0 : i32
    %c0_i32_0 = arith.constant 0 : i32
    %c0_i32_1 = arith.constant 0 : i32
    return %c0_i32, %c0_i32_0 : i32, i32
  }
  func.func @transform_2(%arg0: i32) -> (i32, i32) {
    %c0_i32 = arith.constant 0 : i32
    %c0_i32_0 = arith.constant 0 : i32
    %c0_i32_1 = arith.constant 0 : i32
    return %c0_i32, %c0_i32_0 : i32, i32
  }
  func.func @transform_3(%arg0: i32) -> (i32, i32, i32) {
    %c0_i32 = arith.constant 0 : i32
    %c0_i32_0 = arith.constant 0 : i32
    %c0_i32_1 = arith.constant 0 : i32
    return %arg0, %c0_i32, %c0_i32_0 : i32, i32, i32
  }
}

</mosaic_0001>

<sc_bundles>
// kernel: kernel.4.cloned.1.call-start
scs
__scs_entry_jumppad:
0x0: {  	(pc) =	sbr.rel $0x88, $3  }
0x1: {  	(tag) =	ssettag $0x0;
	lr =	simm.s32 $0x1  }
0x2: {  	[smem:$0x3F9D] =	sst lr;
	_ =	strace $0xD0000000  }
0x3: {  	_ = 	snop  }
0x4: {  	_ = 	snop  }
0x5: {  	_ = 	snop  }
0x6: {  	_ = 	snop  }
0x7: {  	_ = 	snop  }
__scs_overlays_trampoline_lowered:
0x8: {  	[smem:$0x3FAC] =	sst s0  }
0x9: {  	[smem:$0x3FAD] =	sst s1  }
0xa: {  	[smem:$0x3FAE] =	sst s2  }
0xb: {  	[smem:$0x3FAF] =	sst s3  }
0xc: {  	[smem:$0x3FB0] =	sst s4  }
0xd: {  	[smem:$0x3FB1] =	sst s5  }
0xe: {  	[smem:$0x3FB2] =	sst s6  }
0xf: {  	[smem:$0x3FB3] =	sst s7  }
0x10: {  	[smem:$0x3FB4] =	sst s8  }
0x11: {  	[smem:$0x3FB5] =	sst s9;
	s0 =	simm.s32 @!p0 $0x0  }
0x12: {  	s1 =	sld [smem:$0x3F9B];
	s0 =	simm.s32 @p0 $0x1  }
0x13: {  	[smem:$0x3FB6] =	sst s0;
	s0 =	simm.s32 @!p1 $0x0  }
0x14: {  	s2 =	sld [smem:$0x3F9A];
	s0 =	simm.s32 @p1 $0x1  }
0x15: {  	[smem:$0x3FB7] =	sst s0;
	s0 =	simm.s32 @!p2 $0x0  }
0x16: {  	s3 =	sld [smem:$0x3FDB];
	s0 =	simm.s32 @p2 $0x1  }
0x17: {  	s4 =	simm.s32 $0x1BF5;
	[smem:$0x3FB9] =	sst s0  }
0x18: {  	s0 =	sld [smem:$0x3F9C];
	_ =	swait.ge [sflag:s4], $0x0  }
0x19: {  	s7 =	sld [smem:$0x3F9D]  }
0x1a: {  	s8 =	sadd.s32 $0xFFFFE003, lr  }
0x1b: {  	s9 =	sadd.s32 $0xFFFFFEF7, lr;
	s5 =	simm.s32 $0xFFFFFFFF;
	p2 =	slt.u32 s8, $0xFFFFF086  }
0x1c: {  	p1 =	slt.u32 s9, $0xF7A;
	s5 =	simm.s32 @!p2 $0x0  }
0x1d: {  	s5 =	simm.s32 @p1 $0x1;
	p0 =	seq.s32 s7, s2  }
0x1e: {  	s7 =	smul.u32 @!p0 $0xF7A, s2;
	p2 =	seq.s32 @!p0 s5, $0x0  }
0x1f: {  	s9 =	smul.u32 $0xF7A, s1;
	s8 =	simm.s32 @!p0 $0x1BF5;
	p2 =	por !p2, p0  }
0x20: {  	[sflag:s8] =	ssyncset.s32 @!p0 $0xFFFFF086;
	s6 =	sadd.s32 @!p0 s3, s7;
	s7 =	simm.s32 @!p0 $0x108  }
0x21: {  	s3 =	sadd.s32 s3, s9;
	s6 =	sadd.s32 @!p0 $0x88, s6;
	s7 =	simm.s32 @p2 $0x1082  }
0x22: {  	[simem:s7], [sflag:s8] =	dma.local @!p0 [hbm:s6], $0xF7A  }
0x23: {  	s9 =	sor.u32 $0xD0000000, s2;
	s6 =	simm.s32 $0x108;
	_ =	swait.ge @!p0 [sflag:s8], $0x0  }
0x24: {  	s3 =	sadd.s32 $0x88, s3;
	s6 =	simm.s32 @!p1 $0x1082;
	[sflag:s4] =	ssyncset.s32 $0xFFFFF086  }
0x25: {  	[simem:s6], [sflag:s4] =	dma.local [hbm:s3], $0xF7A  }
0x26: {  	[smem:$0x3F9D] =	sst s1;
	(tag) =	ssettag s2;
	_ =	strace s9  }
0x27: {  	s1 =	sld [smem:$0x3FAD]  }
0x28: {  	s2 =	sld [smem:$0x3FAE]  }
0x29: {  	s4 =	sld [smem:$0x3FB0]  }
0x2a: {  	p0 =	seq.s32 s5, $0x0;
	s5 =	sld [smem:$0x3FB1]  }
0x2b: {  	s6 =	sld [smem:$0x3FB2]  }
0x2c: {  	s7 =	sld [smem:$0x3FB3]  }
0x2d: {  	s3 =	simm.s32 $0x108;
	s8 =	sld [smem:$0x3FB4]  }
0x2e: {  	s3 =	simm.s32 @!p0 $0x1082;
	s9 =	sld [smem:$0x3FB5]  }
0x2f: {  	lr =	sadd.s32 s0, s3;
	s0 =	sld [smem:$0x3FAC]  }
0x30: {  	s3 =	sld [smem:$0x3FAF]  }
0x31: {  	[smem:$0x3FB8] =	sst s10  }
0x32: {  	s10 =	sld [smem:$0x3FB6];
	_ =	sdelay $0x3  }
0x33: {  	p0 =	seq.s32 s10, $0x1;
	s10 =	sld [smem:$0x3FB8];
	_ =	sdelay $0x3  }
0x34: {  	[smem:$0x3FB8] =	sst s10  }
0x35: {  	s10 =	sld [smem:$0x3FB7];
	_ =	sdelay $0x3  }
0x36: {  	p1 =	seq.s32 s10, $0x1;
	s10 =	sld [smem:$0x3FB8];
	_ =	sdelay $0x3  }
0x37: {  	[smem:$0x3FB8] =	sst s10  }
0x38: {  	s10 =	sld [smem:$0x3FB9]  }
0x39: {  	_ = 	snop;
	(pc) =	sbr.ind lr, $3  }
0x3a: {  	_ = 	snop  }
0x3b: {  	_ = 	snop  }
0x3c: {  	p2 =	seq.s32 s10, $0x1;
	s10 =	sld [smem:$0x3FB8]  }
0x3d: {  	_ =	shalt  }
0x3e: {  	_ =	shalt  }
0x3f: {  	_ =	shalt  }
0x40: {  	_ =	shalt  }
0x41: {  	_ =	shalt  }
0x42: {  	_ =	shalt  }
0x43: {  	_ =	shalt  }
0x44: {  	_ =	shalt  }
0x45: {  	_ =	shalt  }
0x46: {  	_ =	shalt  }
0x47: {  	_ =	shalt  }
0x48: {  	_ =	shalt  }
0x49: {  	_ =	shalt  }
0x4a: {  	_ =	shalt  }
0x4b: {  	_ =	shalt  }
0x4c: {  	_ =	shalt  }
0x4d: {  	_ =	shalt  }
0x4e: {  	_ =	shalt  }
0x4f: {  	_ =	shalt  }
0x50: {  	_ =	shalt  }
0x51: {  	_ =	shalt  }
0x52: {  	_ =	shalt  }
0x53: {  	_ =	shalt  }
0x54: {  	_ =	shalt  }
0x55: {  	_ =	shalt  }
0x56: {  	_ =	shalt  }
0x57: {  	_ =	shalt  }
0x58: {  	_ =	shalt  }
0x59: {  	_ =	shalt  }
0x5a: {  	_ =	shalt  }
0x5b: {  	_ =	shalt  }
0x5c: {  	_ =	shalt  }
0x5d: {  	_ =	shalt  }
0x5e: {  	_ =	shalt  }
0x5f: {  	_ =	shalt  }
0x60: {  	_ =	shalt  }
0x61: {  	_ =	shalt  }
0x62: {  	_ =	shalt  }
0x63: {  	_ =	shalt  }
0x64: {  	_ =	shalt  }
0x65: {  	_ =	shalt  }
0x66: {  	_ =	shalt  }
0x67: {  	_ =	shalt  }
0x68: {  	_ =	shalt  }
0x69: {  	_ =	shalt  }
0x6a: {  	_ =	shalt  }
0x6b: {  	_ =	shalt  }
0x6c: {  	_ =	shalt  }
0x6d: {  	_ =	shalt  }
0x6e: {  	_ =	shalt  }
0x6f: {  	_ =	shalt  }
0x70: {  	_ =	shalt  }
0x71: {  	_ =	shalt  }
0x72: {  	_ =	shalt  }
0x73: {  	_ =	shalt  }
0x74: {  	_ =	shalt  }
0x75: {  	_ =	shalt  }
0x76: {  	_ =	shalt  }
0x77: {  	_ =	shalt  }
0x78: {  	_ =	shalt  }
0x79: {  	_ =	shalt  }
0x7a: {  	_ =	shalt  }
0x7b: {  	_ =	shalt  }
0x7c: {  	_ =	shalt  }
0x7d: {  	_ =	shalt  }
0x7e: {  	_ =	shalt  }
0x7f: {  	_ =	shalt  }
0x80: {  	_ =	shalt  }
0x81: {  	_ =	shalt  }
0x82: {  	_ =	shalt  }
0x83: {  	_ =	shalt  }
0x84: {  	_ =	shalt  }
0x85: {  	_ =	shalt  }
0x86: {  	_ =	shalt  }
0x87: {  	_ =	shalt  }
.Lfunc_end0:
.L_simem_size_0:
called_computation_lowered:
.L_overlay_start_0:
0x88: {  	s2 =	sld [smem:$0x3FD9]  }
0x89: {  	s3 =	sld [smem:$0x3FFE];
	_ =	sdelay $0x1  }
0x8a: {  	s1 =	srdreg.scid  }
0x8b: {  	s0 =	sand.u32 $0x1, s1  }
0x8c: {  	s17 =	sshll.u32 s0, $0xA;
	s2 =	sadd.s32 s3, s2  }
0x8d: {  	s2 =	sadd.s32 s2, s17  }
0x8e: {  	[smem:$0x3FC4] =	sst s2  }
0x8f: {  	_ = 	snop  }
0x90: {  	s2 =	sld [smem:$0x3FD0];
	(tm) =	ssettm $0x1  }
0x91: {  	s18 =	sld [smem:$0x3FFB];
	_ =	sdelay $0x3  }
0x92: {  	_ =	strace s18  }
0x93: {  	s3 =	sld [smem:$0x3FFC];
	_ =	sdelay $0x3  }
0x94: {  	_ =	strace s3  }
0x95: {  	s3 =	sld [smem:$0x3FFD];
	_ =	sdelay $0x3  }
0x96: {  	_ =	strace s3  }
0x97: {  	_ =	strace $0x8FFFFFFF  }
0x98: {  	s19 =	sld [smem:$0x3FDB];
	_ =	sdelay $0x1  }
0x99: {  	s4 =	simm.s32 $_scs_section_size  }
0x9a: {  	s5 =	simm.s32 $_size__tile_overlayer_lowered;
	s6 =	simm.s32 $_tile_overlayer_lowered  }
0x9b: {  	s22 =	simm.s32 $0x1BFF;
	s21 =	sshll.u32 s6, $0x1;
	s3 =	sadd.s32 s4, s19  }
0x9c: {  	s7 =	simm.s32 $0x0;
	s20 =	sshll.u32 s5, $0x1;
	s5 =	sadd.s32 s21, s3  }
0x9d: {  	[timem:s7], [sflag:s22] =	dma.local [hbm:s5], s20  }
0x9e: {  	_ =	swait.ge [sflag:s22], s20  }
0x9f: {  	s4 =	ssub.s32 $0x0, s20;
	[sflag:s22] =	ssyncset.done $0x0  }
0xa0: {  	[sflag:s22] =	ssyncadd.s32 s4;
	_ =	sdelay $0x1  }
0xa1: {  	s23 =	simm.s32 $0x1B8B  }
0xa2: {  	_ =	swait.ge [sflag:s23], $0x1  }
0xa3: {  	[sflag:s23] =	ssyncset.done $0x0  }
0xa4: {  	s25 =	simm.s32 $0x1B8E;
	s24 =	sld [smem:$0x3FFE];
	[sflag:s23] =	ssyncadd.s32 $0xFFFFFFFF  }
0xa5: {  	s26 =	simm.s32 $execute0_lowered;
	[smem:$0x3FD2] =	sst s25  }
0xa6: {  	s5 =	sshll.u32 s26, $0x1;
	_ =	strace $0x80000046;
	[dreg:$0x1] =	wrdreg $0xFFFFFFFF  }
0xa7: {  	s28 =	simm.s32 $_size_execute0_lowered;
	s3 =	sadd.s32 s3, s5;
	[dreg:$0x0] =	wrdreg $0x0  }
0xa8: {  	s5 =	sshll.u32 s28, $0x1;
	[dreg:$0x2] =	wrdreg s3  }
0xa9: {  	[dreg:$0x3] =	wrdreg s5  }
0xaa: {  	[dreg:$0x4] =	wrdreg $0xC0  }
0xab: {  	_ =	task [dreg:s7], $0x5FFFF  }
0xac: {  	[dreg:$0x1] =	wrdreg $0xFFFFFFFF  }
0xad: {  	[dreg:$0x0] =	wrdreg $0x60  }
0xae: {  	[dreg:$0x2] =	wrdreg s24  }
0xaf: {  	[dreg:$0x3] =	wrdreg s2  }
0xb0: {  	[dreg:$0x4] =	wrdreg $0x9  }
0xb1: {  	_ =	task.clear_ibuf [dreg:s7], $0x5FFFF;
	_ =	strace $0x90000046  }
0xb2: {  	s29 =	simm.s32 $0x9;
	_ =	strace $0x80000048  }
0xb3: {  	_ =	swait.ge [sflag:s29], $0x1  }
0xb4: {  	[sflag:s29] =	ssyncadd.s32 $0xFFFFFFFF  }
0xb5: {  	_ =	strace $0x90000048  }
0xb6: {  	_ =	sfence  }
0xb7: {  	s30 =	sld [smem:$0x0];
	_ =	sdelay $0x2  }
0xb8: {  	s31 =	sshll.u32 s1, $0xD;
	s1 =	sshrl.u32 s1, $0x2  }
0xb9: {  	s3 =	sand.u32 $0x4000, s31;
	s1 =	sadd.s32 s1, s30  }
0xba: {  	s0 =	sor.u32 s3, s0;
	s1 =	sshll.u32 s1, $0x11  }
0xbb: {  	s0 =	sor.u32 s1, s0  }
0xbc: {  	s0 =	sadd.s32 $0x8F2B, s0  }
0xbd: {  	[sflag:s0] =	ssyncadd.remote.s32 $0x1  }
0xbe: {  	_ =	sfence.sel $0xFFFF  }
0xbf: {  	[dreg:$0x0] =	wrdreg $0xFFFFFFFF;
	(pc) =	sbr.abs _section_cstart, $3  }
0xc0: {  	[dreg:$0x1] =	wrdreg $0xFFFFFFFF  }
0xc1: {  	_ =	task.clear_ibuf [dreg:s7], $0x2FFFF;
	_ =	strace $0x9FFFFFFF  }
0xc2: {  	(tm) =	ssettm $0x7FFFFFFF  }
0xc3: {  	_ =	shalt  }
tec
execute0_lowered:
.L_overlay_start_1:
0x0: {  	(tag) =	ssettag $0x1  }
0x1: {  	s0 =	rddreg [dreg:$0x0]  }
0x2: {  	s2 =	rddreg [dreg:$0x1];
	s7 =	simm.s32 $0x0  }
0x3: {  	s1 =	simm.s32 $0x8880;
	[smem:$0x7FF] =	sst s7  }
0x4: {  	s19 =	simm.s32 $0x8A80;
	_ =	strace $0x80000047;
	[dreg:$0x4] =	wrdreg s1  }
0x5: {  	s20 =	simm.s32 $0x8C80;
	[dreg:$0x5] =	wrdreg s19  }
0x6: {  	s21 =	simm.s32 $0x8E80;
	[dreg:$0x6] =	wrdreg s20  }
0x7: {  	s22 =	simm.s32 $0x9080;
	[dreg:$0x7] =	wrdreg s21  }
0x8: {  	s23 =	simm.s32 $0x9280;
	[dreg:$0x8] =	wrdreg s22  }
0x9: {  	s24 =	simm.s32 $0x9480;
	[dreg:$0x9] =	wrdreg s23  }
0xa: {  	s25 =	simm.s32 $0x9680;
	[dreg:$0xa] =	wrdreg s24  }
0xb: {  	s26 =	simm.s32 $0x9880;
	[dreg:$0xb] =	wrdreg s25  }
0xc: {  	s28 =	simm.s32 $0x9A80;
	[dreg:$0xc] =	wrdreg s26  }
0xd: {  	s29 =	simm.s32 $0x9C80;
	[dreg:$0xd] =	wrdreg s28  }
0xe: {  	s30 =	simm.s32 $0x9E80;
	[dreg:$0xe] =	wrdreg s29  }
0xf: {  	s3 =	simm.s32 $0xA080;
	[dreg:$0xf] =	wrdreg s30  }
0x10: {  	s4 =	simm.s32 $0xA280;
	[dreg:$0x10] =	wrdreg s3  }
0x11: {  	s5 =	simm.s32 $0xA480;
	[dreg:$0x11] =	wrdreg s4  }
0x12: {  	s6 =	simm.s32 $0xA680;
	[dreg:$0x12] =	wrdreg s5  }
0x13: {  	s8 =	simm.s32 $0xA880;
	[dreg:$0x13] =	wrdreg s6  }
0x14: {  	s9 =	simm.s32 $0xAA80;
	[dreg:$0x14] =	wrdreg s8  }
0x15: {  	s10 =	simm.s32 $0xAC80;
	[dreg:$0x15] =	wrdreg s9  }
0x16: {  	s11 =	simm.s32 $0xAE80;
	[dreg:$0x16] =	wrdreg s10  }
0x17: {  	s12 =	simm.s32 $0xB080;
	[dreg:$0x17] =	wrdreg s11  }
0x18: {  	s13 =	simm.s32 $0xB280;
	[dreg:$0x18] =	wrdreg s12  }
0x19: {  	s14 =	simm.s32 $0xB480;
	[dreg:$0x19] =	wrdreg s13  }
0x1a: {  	s15 =	simm.s32 $0xB680;
	[dreg:$0x1a] =	wrdreg s14  }
0x1b: {  	s16 =	simm.s32 $0xB880;
	[dreg:$0x1b] =	wrdreg s15  }
0x1c: {  	s17 =	simm.s32 $0xBA80;
	[dreg:$0x1c] =	wrdreg s16  }
0x1d: {  	s18 =	simm.s32 $0xBC80;
	[dreg:$0x1d] =	wrdreg s17  }
0x1e: {  	[dreg:$0x1e] =	wrdreg s18;
	s19 =	simm.s32 $0xBE80  }
0x1f: {  	s20 =	simm.s32 $0xC080;
	[dreg:$0x1f] =	wrdreg s19  }
0x20: {  	s21 =	simm.s32 $0xC280;
	[smem:$0x612] =	sst s20  }
0x21: {  	s22 =	simm.s32 $0xC480;
	[smem:$0x613] =	sst s21  }
0x22: {  	s23 =	simm.s32 $0xC680;
	[smem:$0x614] =	sst s22  }
0x23: {  	s24 =	simm.s32 $0x8900;
	[smem:$0x615] =	sst s23  }
0x24: {  	s25 =	simm.s32 $0x8B00;
	[smem:$0x616] =	sst s24  }
0x25: {  	s26 =	simm.s32 $0x8D00;
	[smem:$0x617] =	sst s25  }
0x26: {  	s28 =	simm.s32 $0x8F00;
	[smem:$0x618] =	sst s26  }
0x27: {  	s29 =	simm.s32 $0x9100;
	[smem:$0x619] =	sst s28  }
0x28: {  	s30 =	simm.s32 $0x9300;
	[smem:$0x61A] =	sst s29  }
0x29: {  	s3 =	simm.s32 $0x9500;
	[smem:$0x61B] =	sst s30  }
0x2a: {  	s4 =	simm.s32 $0x9700;
	[smem:$0x61C] =	sst s3  }
0x2b: {  	s5 =	simm.s32 $0x9900;
	[smem:$0x61D] =	sst s4  }
0x2c: {  	s6 =	simm.s32 $0x9B00;
	[smem:$0x61E] =	sst s5  }
0x2d: {  	s8 =	simm.s32 $0x9D00;
	[smem:$0x61F] =	sst s6  }
0x2e: {  	s9 =	simm.s32 $0x9F00;
	[smem:$0x620] =	sst s8  }
0x2f: {  	s10 =	simm.s32 $0xA100;
	[smem:$0x621] =	sst s9  }
0x30: {  	s11 =	simm.s32 $0xA300;
	[smem:$0x622] =	sst s10  }
0x31: {  	s12 =	simm.s32 $0xA500;
	[smem:$0x623] =	sst s11  }
0x32: {  	s13 =	simm.s32 $0xA700;
	[smem:$0x624] =	sst s12  }
0x33: {  	s14 =	simm.s32 $0xA900;
	[smem:$0x625] =	sst s13  }
0x34: {  	s15 =	simm.s32 $0xAB00;
	[smem:$0x626] =	sst s14  }
0x35: {  	s16 =	simm.s32 $0xAD00;
	[smem:$0x627] =	sst s15  }
0x36: {  	s17 =	simm.s32 $0xAF00;
	[smem:$0x628] =	sst s16  }
0x37: {  	s18 =	simm.s32 $0xB100;
	[smem:$0x629] =	sst s17  }
0x38: {  	[smem:$0x62A] =	sst s18;
	s19 =	simm.s32 $0xB300  }
0x39: {  	s20 =	simm.s32 $0xB500;
	[smem:$0x62B] =	sst s19  }
0x3a: {  	s21 =	simm.s32 $0xB700;
	[smem:$0x62C] =	sst s20  }
0x3b: {  	s22 =	simm.s32 $0xB900;
	[smem:$0x62D] =	sst s21  }
0x3c: {  	s23 =	simm.s32 $0xBB00;
	[smem:$0x62E] =	sst s22  }
0x3d: {  	s24 =	simm.s32 $0xBD00;
	[smem:$0x62F] =	sst s23  }
0x3e: {  	s25 =	simm.s32 $0xBF00;
	[smem:$0x630] =	sst s24  }
0x3f: {  	s26 =	simm.s32 $0xC100;
	[smem:$0x631] =	sst s25  }
0x40: {  	s28 =	simm.s32 $0xC300;
	[smem:$0x632] =	sst s26  }
0x41: {  	s29 =	simm.s32 $0xC500;
	[smem:$0x633] =	sst s28  }
0x42: {  	s30 =	simm.s32 $0xC700;
	[smem:$0x634] =	sst s29  }
0x43: {  	s3 =	simm.s32 $0x8980;
	[smem:$0x635] =	sst s30  }
0x44: {  	s4 =	simm.s32 $0x8B80;
	[smem:$0x636] =	sst s3  }
0x45: {  	s5 =	simm.s32 $0x8D80;
	[smem:$0x637] =	sst s4  }
0x46: {  	s6 =	simm.s32 $0x8F80;
	[smem:$0x638] =	sst s5  }
0x47: {  	s8 =	simm.s32 $0x9180;
	[smem:$0x639] =	sst s6  }
0x48: {  	s9 =	simm.s32 $0x9380;
	[smem:$0x63A] =	sst s8  }
0x49: {  	s10 =	simm.s32 $0x9580;
	[smem:$0x63B] =	sst s9  }
0x4a: {  	s11 =	simm.s32 $0x9780;
	[smem:$0x63C] =	sst s10  }
0x4b: {  	s12 =	simm.s32 $0x9980;
	[smem:$0x63D] =	sst s11  }
0x4c: {  	s13 =	simm.s32 $0x9B80;
	[smem:$0x63E] =	sst s12  }
0x4d: {  	s14 =	simm.s32 $0x9D80;
	[smem:$0x63F] =	sst s13  }
0x4e: {  	s15 =	simm.s32 $0x9F80;
	[smem:$0x640] =	sst s14  }
0x4f: {  	s16 =	simm.s32 $0xA180;
	[smem:$0x641] =	sst s15  }
0x50: {  	s17 =	simm.s32 $0xA380;
	[smem:$0x642] =	sst s16  }
0x51: {  	s18 =	simm.s32 $0xA580;
	[smem:$0x643] =	sst s17  }
0x52: {  	[smem:$0x644] =	sst s18;
	s19 =	simm.s32 $0xA780  }
0x53: {  	s20 =	simm.s32 $0xA980;
	[smem:$0x645] =	sst s19  }
0x54: {  	s21 =	simm.s32 $0xAB80;
	[smem:$0x646] =	sst s20  }
0x55: {  	s22 =	simm.s32 $0xAD80;
	[smem:$0x647] =	sst s21  }
0x56: {  	s23 =	simm.s32 $0xAF80;
	[smem:$0x648] =	sst s22  }
0x57: {  	s24 =	simm.s32 $0xB180;
	[smem:$0x649] =	sst s23  }
0x58: {  	s25 =	simm.s32 $0xB380;
	[smem:$0x64A] =	sst s24  }
0x59: {  	s26 =	simm.s32 $0xB580;
	[smem:$0x64B] =	sst s25  }
0x5a: {  	s28 =	simm.s32 $0xB780;
	[smem:$0x64C] =	sst s26  }
0x5b: {  	s29 =	simm.s32 $0xB980;
	[smem:$0x64D] =	sst s28  }
0x5c: {  	s30 =	simm.s32 $0xBB80;
	[smem:$0x64E] =	sst s29  }
0x5d: {  	s3 =	simm.s32 $0xBD80;
	[smem:$0x64F] =	sst s30  }
0x5e: {  	s4 =	simm.s32 $0xBF80;
	[smem:$0x650] =	sst s3  }
0x5f: {  	s5 =	simm.s32 $0xC180;
	[smem:$0x651] =	sst s4  }
0x60: {  	s6 =	simm.s32 $0xC380;
	[smem:$0x652] =	sst s5  }
0x61: {  	s8 =	simm.s32 $0xC580;
	[smem:$0x653] =	sst s6  }
0x62: {  	s9 =	simm.s32 $0xC780;
	[smem:$0x654] =	sst s8  }
0x63: {  	s10 =	simm.s32 $0x8A00;
	[smem:$0x655] =	sst s9  }
0x64: {  	s11 =	simm.s32 $0x8C00;
	[smem:$0x656] =	sst s10  }
0x65: {  	s12 =	simm.s32 $0x8E00;
	[smem:$0x657] =	sst s11  }
0x66: {  	s13 =	simm.s32 $0x9000;
	[smem:$0x658] =	sst s12  }
0x67: {  	s14 =	simm.s32 $0x9200;
	[smem:$0x659] =	sst s13  }
0x68: {  	s15 =	simm.s32 $0x9400;
	[smem:$0x65A] =	sst s14  }
0x69: {  	s16 =	simm.s32 $0x9600;
	[smem:$0x65B] =	sst s15  }
0x6a: {  	s17 =	simm.s32 $0x9800;
	[smem:$0x65C] =	sst s16  }
0x6b: {  	s18 =	simm.s32 $0x9A00;
	[smem:$0x65D] =	sst s17  }
0x6c: {  	[smem:$0x65E] =	sst s18;
	s19 =	simm.s32 $0x9C00  }
0x6d: {  	s20 =	simm.s32 $0x9E00;
	[smem:$0x65F] =	sst s19  }
0x6e: {  	s21 =	simm.s32 $0xA000;
	[smem:$0x660] =	sst s20  }
0x6f: {  	s22 =	simm.s32 $0xA200;
	[smem:$0x661] =	sst s21  }
0x70: {  	s23 =	simm.s32 $0xA400;
	[smem:$0x662] =	sst s22  }
0x71: {  	s24 =	simm.s32 $0xA600;
	[smem:$0x663] =	sst s23  }
0x72: {  	s25 =	simm.s32 $0xA800;
	[smem:$0x664] =	sst s24  }
0x73: {  	s26 =	simm.s32 $0xAA00;
	[smem:$0x665] =	sst s25  }
0x74: {  	s28 =	simm.s32 $0xAC00;
	[smem:$0x666] =	sst s26  }
0x75: {  	s29 =	simm.s32 $0xAE00;
	[smem:$0x667] =	sst s28  }
0x76: {  	s30 =	simm.s32 $0xB000;
	[smem:$0x668] =	sst s29  }
0x77: {  	s3 =	simm.s32 $0xB200;
	[smem:$0x669] =	sst s30  }
0x78: {  	s4 =	simm.s32 $0xB400;
	[smem:$0x66A] =	sst s3  }
0x79: {  	s5 =	simm.s32 $0xB600;
	[smem:$0x66B] =	sst s4  }
0x7a: {  	s6 =	simm.s32 $0xB800;
	[smem:$0x66C] =	sst s5  }
0x7b: {  	s8 =	simm.s32 $0xBA00;
	[smem:$0x66D] =	sst s6  }
0x7c: {  	s9 =	simm.s32 $0xBC00;
	[smem:$0x66E] =	sst s8  }
0x7d: {  	s10 =	simm.s32 $0xBE00;
	[smem:$0x66F] =	sst s9  }
0x7e: {  	s11 =	simm.s32 $0xC000;
	[smem:$0x670] =	sst s10  }
0x7f: {  	s12 =	simm.s32 $0xC200;
	[smem:$0x671] =	sst s11  }
0x80: {  	s13 =	simm.s32 $0xC400;
	[smem:$0x672] =	sst s12  }
0x81: {  	s14 =	simm.s32 $0xC600;
	[smem:$0x673] =	sst s13  }
0x82: {  	s15 =	simm.s32 $0xC800;
	[smem:$0x674] =	sst s14  }
0x83: {  	s16 =	simm.s32 $0xCA80;
	[smem:$0x675] =	sst s15  }
0x84: {  	s17 =	simm.s32 $0xCC80;
	[smem:$0x676] =	sst s16  }
0x85: {  	s18 =	simm.s32 $0xCE80;
	[smem:$0x677] =	sst s17  }
0x86: {  	[smem:$0x678] =	sst s18;
	s19 =	simm.s32 $0xD080  }
0x87: {  	s20 =	simm.s32 $0xD280;
	[smem:$0x679] =	sst s19  }
0x88: {  	s21 =	simm.s32 $0xD480;
	[smem:$0x67A] =	sst s20  }
0x89: {  	s22 =	simm.s32 $0xD680;
	[smem:$0x67B] =	sst s21  }
0x8a: {  	s23 =	simm.s32 $0xD880;
	[smem:$0x67C] =	sst s22  }
0x8b: {  	s24 =	simm.s32 $0xDA80;
	[smem:$0x67D] =	sst s23  }
0x8c: {  	s25 =	simm.s32 $0xDC80;
	[smem:$0x67E] =	sst s24  }
0x8d: {  	s26 =	simm.s32 $0xDE80;
	[smem:$0x67F] =	sst s25  }
0x8e: {  	s28 =	simm.s32 $0xE080;
	[smem:$0x680] =	sst s26  }
0x8f: {  	s29 =	simm.s32 $0xE280;
	[smem:$0x681] =	sst s28  }
0x90: {  	s30 =	simm.s32 $0xE480;
	[smem:$0x682] =	sst s29  }
0x91: {  	s3 =	simm.s32 $0xE680;
	[smem:$0x683] =	sst s30  }
0x92: {  	s4 =	simm.s32 $0xE880;
	[smem:$0x684] =	sst s3  }
0x93: {  	s5 =	simm.s32 $0xEA80;
	[smem:$0x685] =	sst s4  }
0x94: {  	s6 =	simm.s32 $0xEC80;
	[smem:$0x686] =	sst s5  }
0x95: {  	s8 =	simm.s32 $0xEE80;
	[smem:$0x687] =	sst s6  }
0x96: {  	s9 =	simm.s32 $0xF080;
	[smem:$0x688] =	sst s8  }
0x97: {  	s10 =	simm.s32 $0xF280;
	[smem:$0x689] =	sst s9  }
0x98: {  	s11 =	simm.s32 $0xF480;
	[smem:$0x68A] =	sst s10  }
0x99: {  	s12 =	simm.s32 $0xF680;
	[smem:$0x68B] =	sst s11  }
0x9a: {  	s13 =	simm.s32 $0xF880;
	[smem:$0x68C] =	sst s12  }
0x9b: {  	s14 =	simm.s32 $0xFA80;
	[smem:$0x68D] =	sst s13  }
0x9c: {  	s15 =	simm.s32 $0xFC80;
	[smem:$0x68E] =	sst s14  }
0x9d: {  	s16 =	simm.s32 $0xFE80;
	[smem:$0x68F] =	sst s15  }
0x9e: {  	s17 =	simm.s32 $0x10080;
	[smem:$0x690] =	sst s16  }
0x9f: {  	s18 =	simm.s32 $0x10280;
	[smem:$0x691] =	sst s17  }
0xa0: {  	[smem:$0x692] =	sst s18;
	s19 =	simm.s32 $0x10480  }
0xa1: {  	s20 =	simm.s32 $0x10680;
	[smem:$0x693] =	sst s19  }
0xa2: {  	s21 =	simm.s32 $0x10880;
	[smem:$0x694] =	sst s20  }
0xa3: {  	s22 =	simm.s32 $0x10A80;
	[smem:$0x695] =	sst s21  }
0xa4: {  	s23 =	simm.s32 $0x10C80;
	[smem:$0x696] =	sst s22  }
0xa5: {  	s24 =	simm.s32 $0x10E80;
	[smem:$0x697] =	sst s23  }
0xa6: {  	s25 =	simm.s32 $0x11080;
	[smem:$0x698] =	sst s24  }
0xa7: {  	s26 =	simm.s32 $0x11280;
	[smem:$0x699] =	sst s25  }
0xa8: {  	s28 =	simm.s32 $0x11480;
	[smem:$0x69A] =	sst s26  }
0xa9: {  	s29 =	simm.s32 $0x11680;
	[smem:$0x69B] =	sst s28  }
0xaa: {  	s30 =	simm.s32 $0x11880;
	[smem:$0x69C] =	sst s29  }
0xab: {  	s3 =	simm.s32 $0x11A80;
	[smem:$0x69D] =	sst s30  }
0xac: {  	s4 =	simm.s32 $0x11C80;
	[smem:$0x69E] =	sst s3  }
0xad: {  	s5 =	simm.s32 $0x11E80;
	[smem:$0x69F] =	sst s4  }
0xae: {  	s6 =	simm.s32 $0x12080;
	[smem:$0x6A0] =	sst s5  }
0xaf: {  	s8 =	simm.s32 $0x12280;
	[smem:$0x6A1] =	sst s6  }
0xb0: {  	s9 =	simm.s32 $0x12480;
	[smem:$0x6A2] =	sst s8  }
0xb1: {  	s10 =	simm.s32 $0x12680;
	[smem:$0x6A3] =	sst s9  }
0xb2: {  	s11 =	simm.s32 $0x12880;
	[smem:$0x6A4] =	sst s10  }
0xb3: {  	s12 =	simm.s32 $0x12A80;
	[smem:$0x6A5] =	sst s11  }
0xb4: {  	s13 =	simm.s32 $0x12C80;
	[smem:$0x6A6] =	sst s12  }
0xb5: {  	s14 =	simm.s32 $0x12E80;
	[smem:$0x6A7] =	sst s13  }
0xb6: {  	s15 =	simm.s32 $0x13080;
	[smem:$0x6A8] =	sst s14  }
0xb7: {  	s16 =	simm.s32 $0x13280;
	[smem:$0x6A9] =	sst s15  }
0xb8: {  	s17 =	simm.s32 $0x13480;
	[smem:$0x6AA] =	sst s16  }
0xb9: {  	s18 =	simm.s32 $0x13680;
	[smem:$0x6AB] =	sst s17  }
0xba: {  	[smem:$0x6AC] =	sst s18;
	s19 =	simm.s32 $0x13880  }
0xbb: {  	s20 =	simm.s32 $0x13A80;
	[smem:$0x6AD] =	sst s19  }
0xbc: {  	s21 =	simm.s32 $0x13C80;
	[smem:$0x6AE] =	sst s20  }
0xbd: {  	s22 =	simm.s32 $0x13E80;
	[smem:$0x6AF] =	sst s21  }
0xbe: {  	s23 =	simm.s32 $0x14080;
	[smem:$0x6B0] =	sst s22  }
0xbf: {  	s24 =	simm.s32 $0x14280;
	[smem:$0x6B1] =	sst s23  }
0xc0: {  	s25 =	simm.s32 $0x14480;
	[smem:$0x6B2] =	sst s24  }
0xc1: {  	s26 =	simm.s32 $0x14680;
	[smem:$0x6B3] =	sst s25  }
0xc2: {  	s28 =	simm.s32 $0x14880;
	[smem:$0x6B4] =	sst s26  }
0xc3: {  	s29 =	simm.s32 $0x14A80;
	[smem:$0x6B5] =	sst s28  }
0xc4: {  	s30 =	simm.s32 $0x14C80;
	[smem:$0x6B6] =	sst s29  }
0xc5: {  	s3 =	simm.s32 $0x14E80;
	[smem:$0x6B7] =	sst s30  }
0xc6: {  	s4 =	simm.s32 $0x15080;
	[smem:$0x6B8] =	sst s3  }
0xc7: {  	s5 =	simm.s32 $0x15280;
	[smem:$0x6B9] =	sst s4  }
0xc8: {  	s6 =	simm.s32 $0x15480;
	[smem:$0x6BA] =	sst s5  }
0xc9: {  	s8 =	simm.s32 $0x15680;
	[smem:$0x6BB] =	sst s6  }
0xca: {  	s9 =	simm.s32 $0x15880;
	[smem:$0x6BC] =	sst s8  }
0xcb: {  	s10 =	simm.s32 $0x15A80;
	[smem:$0x6BD] =	sst s9  }
0xcc: {  	s11 =	simm.s32 $0x15C80;
	[smem:$0x6BE] =	sst s10  }
0xcd: {  	s12 =	simm.s32 $0x15E80;
	[smem:$0x6BF] =	sst s11  }
0xce: {  	s13 =	simm.s32 $0x16080;
	[smem:$0x6C0] =	sst s12  }
0xcf: {  	s14 =	simm.s32 $0x16280;
	[smem:$0x6C1] =	sst s13  }
0xd0: {  	s15 =	simm.s32 $0x16480;
	[smem:$0x6C2] =	sst s14  }
0xd1: {  	s16 =	simm.s32 $0x16680;
	[smem:$0x6C3] =	sst s15  }
0xd2: {  	s17 =	simm.s32 $0x16880;
	[smem:$0x6C4] =	sst s16  }
0xd3: {  	s18 =	simm.s32 $0x16A80;
	[smem:$0x6C5] =	sst s17  }
0xd4: {  	[smem:$0x6C6] =	sst s18;
	s19 =	simm.s32 $0x16C80  }
0xd5: {  	s20 =	simm.s32 $0x16E80;
	[smem:$0x6C7] =	sst s19  }
0xd6: {  	s21 =	simm.s32 $0x17080;
	[smem:$0x6C8] =	sst s20  }
0xd7: {  	s22 =	simm.s32 $0x17280;
	[smem:$0x6C9] =	sst s21  }
0xd8: {  	s23 =	simm.s32 $0x17480;
	[smem:$0x6CA] =	sst s22  }
0xd9: {  	s24 =	simm.s32 $0x17680;
	[smem:$0x6CB] =	sst s23  }
0xda: {  	s25 =	simm.s32 $0x17880;
	[smem:$0x6CC] =	sst s24  }
0xdb: {  	s26 =	simm.s32 $0x17A80;
	[smem:$0x6CD] =	sst s25  }
0xdc: {  	s28 =	simm.s32 $0x17C80;
	[smem:$0x6CE] =	sst s26  }
0xdd: {  	s29 =	simm.s32 $0x17E80;
	[smem:$0x6CF] =	sst s28  }
0xde: {  	s30 =	simm.s32 $0x18080;
	[smem:$0x6D0] =	sst s29  }
0xdf: {  	s3 =	simm.s32 $0x18280;
	[smem:$0x6D1] =	sst s30  }
0xe0: {  	s4 =	simm.s32 $0x18480;
	[smem:$0x6D2] =	sst s3  }
0xe1: {  	s5 =	simm.s32 $0x18680;
	[smem:$0x6D3] =	sst s4  }
0xe2: {  	s6 =	simm.s32 $0xC900;
	[smem:$0x6D4] =	sst s5  }
0xe3: {  	s8 =	simm.s32 $0xCB00;
	[smem:$0x6D5] =	sst s6  }
0xe4: {  	s9 =	simm.s32 $0xCD00;
	[smem:$0x6D6] =	sst s8  }
0xe5: {  	s10 =	simm.s32 $0xCF00;
	[smem:$0x6D7] =	sst s9  }
0xe6: {  	s11 =	simm.s32 $0xD100;
	[smem:$0x6D8] =	sst s10  }
0xe7: {  	s12 =	simm.s32 $0xD300;
	[smem:$0x6D9] =	sst s11  }
0xe8: {  	s13 =	simm.s32 $0xD500;
	[smem:$0x6DA] =	sst s12  }
0xe9: {  	s14 =	simm.s32 $0xD700;
	[smem:$0x6DB] =	sst s13  }
0xea: {  	s15 =	simm.s32 $0xD900;
	[smem:$0x6DC] =	sst s14  }
0xeb: {  	s16 =	simm.s32 $0xDB00;
	[smem:$0x6DD] =	sst s15  }
0xec: {  	s17 =	simm.s32 $0xDD00;
	[smem:$0x6DE] =	sst s16  }
0xed: {  	s18 =	simm.s32 $0xDF00;
	[smem:$0x6DF] =	sst s17  }
0xee: {  	[smem:$0x6E0] =	sst s18;
	s19 =	simm.s32 $0xE100  }
0xef: {  	s20 =	simm.s32 $0xE300;
	[smem:$0x6E1] =	sst s19  }
0xf0: {  	s21 =	simm.s32 $0xE500;
	[smem:$0x6E2] =	sst s20  }
0xf1: {  	s22 =	simm.s32 $0xE700;
	[smem:$0x6E3] =	sst s21  }
0xf2: {  	s23 =	simm.s32 $0xE900;
	[smem:$0x6E4] =	sst s22  }
0xf3: {  	s24 =	simm.s32 $0xEB00;
	[smem:$0x6E5] =	sst s23  }
0xf4: {  	s25 =	simm.s32 $0xED00;
	[smem:$0x6E6] =	sst s24  }
0xf5: {  	s26 =	simm.s32 $0xEF00;
	[smem:$0x6E7] =	sst s25  }
0xf6: {  	s28 =	simm.s32 $0xF100;
	[smem:$0x6E8] =	sst s26  }
0xf7: {  	s29 =	simm.s32 $0xF300;
	[smem:$0x6E9] =	sst s28  }
0xf8: {  	s30 =	simm.s32 $0xF500;
	[smem:$0x6EA] =	sst s29  }
0xf9: {  	s3 =	simm.s32 $0xF700;
	[smem:$0x6EB] =	sst s30  }
0xfa: {  	s4 =	simm.s32 $0xF900;
	[smem:$0x6EC] =	sst s3  }
0xfb: {  	s5 =	simm.s32 $0xFB00;
	[smem:$0x6ED] =	sst s4  }
0xfc: {  	s6 =	simm.s32 $0xFD00;
	[smem:$0x6EE] =	sst s5  }
0xfd: {  	s8 =	simm.s32 $0xFF00;
	[smem:$0x6EF] =	sst s6  }
0xfe: {  	s9 =	simm.s32 $0x10100;
	[smem:$0x6F0] =	sst s8  }
0xff: {  	s10 =	simm.s32 $0x10300;
	[smem:$0x6F1] =	sst s9  }
0x100: {  	s11 =	simm.s32 $0x10500;
	[smem:$0x6F2] =	sst s10  }
0x101: {  	s12 =	simm.s32 $0x10700;
	[smem:$0x6F3] =	sst s11  }
0x102: {  	s13 =	simm.s32 $0x10900;
	[smem:$0x6F4] =	sst s12  }
0x103: {  	s14 =	simm.s32 $0x10B00;
	[smem:$0x6F5] =	sst s13  }
0x104: {  	s15 =	simm.s32 $0x10D00;
	[smem:$0x6F6] =	sst s14  }
0x105: {  	s16 =	simm.s32 $0x10F00;
	[smem:$0x6F7] =	sst s15  }
0x106: {  	s17 =	simm.s32 $0x11100;
	[smem:$0x6F8] =	sst s16  }
0x107: {  	s18 =	simm.s32 $0x11300;
	[smem:$0x6F9] =	sst s17  }
0x108: {  	[smem:$0x6FA] =	sst s18;
	s19 =	simm.s32 $0x11500  }
0x109: {  	s20 =	simm.s32 $0x11700;
	[smem:$0x6FB] =	sst s19  }
0x10a: {  	s21 =	simm.s32 $0x11900;
	[smem:$0x6FC] =	sst s20  }
0x10b: {  	s22 =	simm.s32 $0x11B00;
	[smem:$0x6FD] =	sst s21  }
0x10c: {  	s23 =	simm.s32 $0x11D00;
	[smem:$0x6FE] =	sst s22  }
0x10d: {  	s24 =	simm.s32 $0x11F00;
	[smem:$0x6FF] =	sst s23  }
0x10e: {  	s25 =	simm.s32 $0x10E00;
	[smem:$0x700] =	sst s24  }
0x10f: {  	s3 =	simm.s32 $0x12100;
	[smem:$0x701] =	sst s25  }
0x110: {  	s26 =	simm.s32 $0x18400;
	[smem:$0x702] =	sst s3  }
0x111: {  	s28 =	simm.s32 $0x12300;
	[smem:$0x703] =	sst s26  }
0x112: {  	s29 =	simm.s32 $0x12500;
	[smem:$0x704] =	sst s28  }
0x113: {  	s30 =	simm.s32 $0x17600;
	[smem:$0x705] =	sst s29  }
0x114: {  	s4 =	simm.s32 $0x12700;
	[smem:$0x706] =	sst s30  }
0x115: {  	s5 =	simm.s32 $0x12900;
	[smem:$0x708] =	sst s4  }
0x116: {  	s6 =	simm.s32 $0x12B00;
	[smem:$0x709] =	sst s5  }
0x117: {  	s8 =	simm.s32 $0x12D00;
	[smem:$0x70A] =	sst s6  }
0x118: {  	s9 =	simm.s32 $0x12F00;
	[smem:$0x70B] =	sst s8  }
0x119: {  	s10 =	simm.s32 $0x13100;
	[smem:$0x70C] =	sst s9  }
0x11a: {  	s11 =	simm.s32 $0x13300;
	[smem:$0x70D] =	sst s10  }
0x11b: {  	s12 =	simm.s32 $0x13500;
	[smem:$0x70E] =	sst s11  }
0x11c: {  	s13 =	simm.s32 $0x13700;
	[smem:$0x70F] =	sst s12  }
0x11d: {  	s14 =	simm.s32 $0x13900;
	[smem:$0x710] =	sst s13  }
0x11e: {  	s15 =	simm.s32 $0x13B00;
	[smem:$0x711] =	sst s14  }
0x11f: {  	s16 =	simm.s32 $0x13D00;
	[smem:$0x712] =	sst s15  }
0x120: {  	s17 =	simm.s32 $0x13F00;
	[smem:$0x713] =	sst s16  }
0x121: {  	s18 =	simm.s32 $0x14100;
	[smem:$0x714] =	sst s17  }
0x122: {  	s3 =	simm.s32 $0x17400;
	[smem:$0x715] =	sst s18  }
0x123: {  	s19 =	simm.s32 $0x14300;
	[smem:$0x707] =	sst s3  }
0x124: {  	s20 =	simm.s32 $0x14500;
	[smem:$0x716] =	sst s19  }
0x125: {  	s21 =	simm.s32 $0x14700;
	[smem:$0x717] =	sst s20  }
0x126: {  	s22 =	simm.s32 $0x14900;
	[smem:$0x718] =	sst s21  }
0x127: {  	s23 =	simm.s32 $0x14B00;
	[smem:$0x719] =	sst s22  }
0x128: {  	s24 =	simm.s32 $0x14D00;
	[smem:$0x71A] =	sst s23  }
0x129: {  	s25 =	simm.s32 $0x14F00;
	[smem:$0x71B] =	sst s24  }
0x12a: {  	s26 =	simm.s32 $0x15100;
	[smem:$0x71C] =	sst s25  }
0x12b: {  	s28 =	simm.s32 $0x15300;
	[smem:$0x71D] =	sst s26  }
0x12c: {  	s29 =	simm.s32 $0x15500;
	[smem:$0x71E] =	sst s28  }
0x12d: {  	s30 =	simm.s32 $0x15700;
	[smem:$0x71F] =	sst s29  }
0x12e: {  	s4 =	simm.s32 $0x15B00;
	[smem:$0x720] =	sst s30  }
0x12f: {  	s5 =	simm.s32 $0x15D00;
	[smem:$0x722] =	sst s4  }
0x130: {  	s6 =	simm.s32 $0x15F00;
	[smem:$0x723] =	sst s5  }
0x131: {  	s8 =	simm.s32 $0x16100;
	[smem:$0x724] =	sst s6  }
0x132: {  	s9 =	simm.s32 $0x16300;
	[smem:$0x725] =	sst s8  }
0x133: {  	s10 =	simm.s32 $0x16500;
	[smem:$0x726] =	sst s9  }
0x134: {  	s11 =	simm.s32 $0x16700;
	[smem:$0x727] =	sst s10  }
0x135: {  	s12 =	simm.s32 $0x16900;
	[smem:$0x728] =	sst s11  }
0x136: {  	s13 =	simm.s32 $0x16B00;
	[smem:$0x729] =	sst s12  }
0x137: {  	s14 =	simm.s32 $0x16D00;
	[smem:$0x72A] =	sst s13  }
0x138: {  	s15 =	simm.s32 $0x16F00;
	[smem:$0x72B] =	sst s14  }
0x139: {  	s16 =	simm.s32 $0x17100;
	[smem:$0x72C] =	sst s15  }
0x13a: {  	s17 =	simm.s32 $0x17300;
	[smem:$0x72D] =	sst s16  }
0x13b: {  	s18 =	simm.s32 $0x17500;
	[smem:$0x72E] =	sst s17  }
0x13c: {  	s3 =	simm.s32 $0x15900;
	[smem:$0x72F] =	sst s18  }
0x13d: {  	s19 =	simm.s32 $0x17700;
	[smem:$0x721] =	sst s3  }
0x13e: {  	s20 =	simm.s32 $0x17900;
	[smem:$0x730] =	sst s19  }
0x13f: {  	s21 =	simm.s32 $0x17B00;
	[smem:$0x731] =	sst s20  }
0x140: {  	s22 =	simm.s32 $0x17D00;
	[smem:$0x732] =	sst s21  }
0x141: {  	s23 =	simm.s32 $0x17F00;
	[smem:$0x733] =	sst s22  }
0x142: {  	s24 =	simm.s32 $0x18100;
	[smem:$0x734] =	sst s23  }
0x143: {  	s25 =	simm.s32 $0x18300;
	[smem:$0x735] =	sst s24  }
0x144: {  	s26 =	simm.s32 $0x18500;
	[smem:$0x736] =	sst s25  }
0x145: {  	s28 =	simm.s32 $0x18700;
	[smem:$0x737] =	sst s26  }
0x146: {  	s29 =	simm.s32 $0xC980;
	[smem:$0x738] =	sst s28  }
0x147: {  	s30 =	simm.s32 $0xCB80;
	[smem:$0x739] =	sst s29  }
0x148: {  	s4 =	simm.s32 $0xCF80;
	[smem:$0x73A] =	sst s30  }
0x149: {  	s5 =	simm.s32 $0xD180;
	[smem:$0x73C] =	sst s4  }
0x14a: {  	s6 =	simm.s32 $0xD380;
	[smem:$0x73D] =	sst s5  }
0x14b: {  	s8 =	simm.s32 $0xD580;
	[smem:$0x73E] =	sst s6  }
0x14c: {  	s9 =	simm.s32 $0xD780;
	[smem:$0x73F] =	sst s8  }
0x14d: {  	s10 =	simm.s32 $0xD980;
	[smem:$0x740] =	sst s9  }
0x14e: {  	s11 =	simm.s32 $0xDB80;
	[smem:$0x741] =	sst s10  }
0x14f: {  	s12 =	simm.s32 $0xDD80;
	[smem:$0x742] =	sst s11  }
0x150: {  	s13 =	simm.s32 $0xDF80;
	[smem:$0x743] =	sst s12  }
0x151: {  	s14 =	simm.s32 $0xE180;
	[smem:$0x744] =	sst s13  }
0x152: {  	s15 =	simm.s32 $0xE380;
	[smem:$0x745] =	sst s14  }
0x153: {  	s16 =	simm.s32 $0xE580;
	[smem:$0x746] =	sst s15  }
0x154: {  	s17 =	simm.s32 $0xE780;
	[smem:$0x747] =	sst s16  }
0x155: {  	s18 =	simm.s32 $0xE980;
	[smem:$0x748] =	sst s17  }
0x156: {  	s3 =	simm.s32 $0xCD80;
	[smem:$0x749] =	sst s18  }
0x157: {  	s19 =	simm.s32 $0xEB80;
	[smem:$0x73B] =	sst s3  }
0x158: {  	s20 =	simm.s32 $0xED80;
	[smem:$0x74A] =	sst s19  }
0x159: {  	s21 =	simm.s32 $0xEF80;
	[smem:$0x74B] =	sst s20  }
0x15a: {  	s22 =	simm.s32 $0xF180;
	[smem:$0x74C] =	sst s21  }
0x15b: {  	s23 =	simm.s32 $0xF380;
	[smem:$0x74D] =	sst s22  }
0x15c: {  	s24 =	simm.s32 $0xF580;
	[smem:$0x74E] =	sst s23  }
0x15d: {  	s25 =	simm.s32 $0xF780;
	[smem:$0x74F] =	sst s24  }
0x15e: {  	s26 =	simm.s32 $0xF980;
	[smem:$0x750] =	sst s25  }
0x15f: {  	s28 =	simm.s32 $0xFB80;
	[smem:$0x751] =	sst s26  }
0x160: {  	s29 =	simm.s32 $0xFD80;
	[smem:$0x752] =	sst s28  }
0x161: {  	s30 =	simm.s32 $0xFF80;
	[smem:$0x753] =	sst s29  }
0x162: {  	s4 =	simm.s32 $0x10380;
	[smem:$0x754] =	sst s30  }
0x163: {  	s5 =	simm.s32 $0x10580;
	[smem:$0x756] =	sst s4  }
0x164: {  	s6 =	simm.s32 $0x10780;
	[smem:$0x757] =	sst s5  }
0x165: {  	s8 =	simm.s32 $0x10980;
	[smem:$0x758] =	sst s6  }
0x166: {  	s9 =	simm.s32 $0x10B80;
	[smem:$0x759] =	sst s8  }
0x167: {  	s10 =	simm.s32 $0x10D80;
	[smem:$0x75A] =	sst s9  }
0x168: {  	s11 =	simm.s32 $0x10F80;
	[smem:$0x75B] =	sst s10  }
0x169: {  	s12 =	simm.s32 $0x11180;
	[smem:$0x75C] =	sst s11  }
0x16a: {  	s13 =	simm.s32 $0x11380;
	[smem:$0x75D] =	sst s12  }
0x16b: {  	s14 =	simm.s32 $0x11580;
	[smem:$0x75E] =	sst s13  }
0x16c: {  	s15 =	simm.s32 $0x11780;
	[smem:$0x75F] =	sst s14  }
0x16d: {  	s16 =	simm.s32 $0x11980;
	[smem:$0x760] =	sst s15  }
0x16e: {  	s17 =	simm.s32 $0x11B80;
	[smem:$0x761] =	sst s16  }
0x16f: {  	s18 =	simm.s32 $0x11D80;
	[smem:$0x762] =	sst s17  }
0x170: {  	s3 =	simm.s32 $0x10180;
	[smem:$0x763] =	sst s18  }
0x171: {  	s19 =	simm.s32 $0x11F80;
	[smem:$0x755] =	sst s3  }
0x172: {  	s20 =	simm.s32 $0x12180;
	[smem:$0x764] =	sst s19  }
0x173: {  	s21 =	simm.s32 $0x12380;
	[smem:$0x765] =	sst s20  }
0x174: {  	s22 =	simm.s32 $0x12580;
	[smem:$0x766] =	sst s21  }
0x175: {  	s23 =	simm.s32 $0x12780;
	[smem:$0x767] =	sst s22  }
0x176: {  	s24 =	simm.s32 $0x12980;
	[smem:$0x768] =	sst s23  }
0x177: {  	s25 =	simm.s32 $0x12B80;
	[smem:$0x769] =	sst s24  }
0x178: {  	s26 =	simm.s32 $0x12D80;
	[smem:$0x76A] =	sst s25  }
0x179: {  	s28 =	simm.s32 $0x12F80;
	[smem:$0x76B] =	sst s26  }
0x17a: {  	s29 =	simm.s32 $0x13180;
	[smem:$0x76C] =	sst s28  }
0x17b: {  	s30 =	simm.s32 $0x13380;
	[smem:$0x76D] =	sst s29  }
0x17c: {  	s4 =	simm.s32 $0x13780;
	[smem:$0x76E] =	sst s30  }
0x17d: {  	s5 =	simm.s32 $0x13980;
	[smem:$0x770] =	sst s4  }
0x17e: {  	s6 =	simm.s32 $0x13B80;
	[smem:$0x771] =	sst s5  }
0x17f: {  	s8 =	simm.s32 $0x13D80;
	[smem:$0x772] =	sst s6  }
0x180: {  	s9 =	simm.s32 $0x13F80;
	[smem:$0x773] =	sst s8  }
0x181: {  	s10 =	simm.s32 $0x14180;
	[smem:$0x774] =	sst s9  }
0x182: {  	s11 =	simm.s32 $0x14380;
	[smem:$0x775] =	sst s10  }
0x183: {  	s12 =	simm.s32 $0x14580;
	[smem:$0x776] =	sst s11  }
0x184: {  	s13 =	simm.s32 $0x14780;
	[smem:$0x777] =	sst s12  }
0x185: {  	s14 =	simm.s32 $0x14980;
	[smem:$0x778] =	sst s13  }
0x186: {  	s15 =	simm.s32 $0x14B80;
	[smem:$0x779] =	sst s14  }
0x187: {  	s16 =	simm.s32 $0x14D80;
	[smem:$0x77A] =	sst s15  }
0x188: {  	s17 =	simm.s32 $0x14F80;
	[smem:$0x77B] =	sst s16  }
0x189: {  	s18 =	simm.s32 $0x15180;
	[smem:$0x77C] =	sst s17  }
0x18a: {  	s3 =	simm.s32 $0x13580;
	[smem:$0x77D] =	sst s18  }
0x18b: {  	s19 =	simm.s32 $0x15380;
	[smem:$0x76F] =	sst s3  }
0x18c: {  	s20 =	simm.s32 $0x15580;
	[smem:$0x77E] =	sst s19  }
0x18d: {  	s21 =	simm.s32 $0x15780;
	[smem:$0x77F] =	sst s20  }
0x18e: {  	s22 =	simm.s32 $0x15980;
	[smem:$0x780] =	sst s21  }
0x18f: {  	s23 =	simm.s32 $0x15B80;
	[smem:$0x781] =	sst s22  }
0x190: {  	s24 =	simm.s32 $0x15D80;
	[smem:$0x782] =	sst s23  }
0x191: {  	s25 =	simm.s32 $0x15F80;
	[smem:$0x783] =	sst s24  }
0x192: {  	s26 =	simm.s32 $0x17200;
	[smem:$0x784] =	sst s25  }
0x193: {  	s28 =	simm.s32 $0x16180;
	[smem:$0x785] =	sst s26  }
0x194: {  	s29 =	simm.s32 $0x16380;
	[smem:$0x786] =	sst s28  }
0x195: {  	s30 =	simm.s32 $0x16580;
	[smem:$0x787] =	sst s29  }
0x196: {  	s4 =	simm.s32 $0x16980;
	[smem:$0x788] =	sst s30  }
0x197: {  	s5 =	simm.s32 $0x16B80;
	[smem:$0x78A] =	sst s4  }
0x198: {  	s6 =	simm.s32 $0x16D80;
	[smem:$0x78B] =	sst s5  }
0x199: {  	s8 =	simm.s32 $0x16F80;
	[smem:$0x78C] =	sst s6  }
0x19a: {  	s9 =	simm.s32 $0x17180;
	[smem:$0x78D] =	sst s8  }
0x19b: {  	s10 =	simm.s32 $0x17380;
	[smem:$0x78E] =	sst s9  }
0x19c: {  	s11 =	simm.s32 $0x17580;
	[smem:$0x78F] =	sst s10  }
0x19d: {  	s12 =	simm.s32 $0x17780;
	[smem:$0x790] =	sst s11  }
0x19e: {  	s13 =	simm.s32 $0x17980;
	[smem:$0x791] =	sst s12  }
0x19f: {  	s14 =	simm.s32 $0x17B80;
	[smem:$0x792] =	sst s13  }
0x1a0: {  	s15 =	simm.s32 $0x17D80;
	[smem:$0x793] =	sst s14  }
0x1a1: {  	s16 =	simm.s32 $0x17F80;
	[smem:$0x794] =	sst s15  }
0x1a2: {  	s17 =	simm.s32 $0x18180;
	[smem:$0x795] =	sst s16  }
0x1a3: {  	s18 =	simm.s32 $0x18380;
	[smem:$0x796] =	sst s17  }
0x1a4: {  	s3 =	simm.s32 $0x16780;
	[smem:$0x797] =	sst s18  }
0x1a5: {  	s19 =	simm.s32 $0x18580;
	[smem:$0x789] =	sst s3  }
0x1a6: {  	s20 =	simm.s32 $0x18780;
	[smem:$0x798] =	sst s19  }
0x1a7: {  	s21 =	simm.s32 $0xCA00;
	[smem:$0x799] =	sst s20  }
0x1a8: {  	s22 =	simm.s32 $0xCC00;
	[smem:$0x79A] =	sst s21  }
0x1a9: {  	s23 =	simm.s32 $0xCE00;
	[smem:$0x79B] =	sst s22  }
0x1aa: {  	s24 =	simm.s32 $0xD000;
	[smem:$0x79C] =	sst s23  }
0x1ab: {  	s25 =	simm.s32 $0xD200;
	[smem:$0x79D] =	sst s24  }
0x1ac: {  	s26 =	simm.s32 $0xD400;
	[smem:$0x79E] =	sst s25  }
0x1ad: {  	s28 =	simm.s32 $0xD600;
	[smem:$0x79F] =	sst s26  }
0x1ae: {  	s29 =	simm.s32 $0xD800;
	[smem:$0x7A0] =	sst s28  }
0x1af: {  	s30 =	simm.s32 $0xDA00;
	[smem:$0x7A1] =	sst s29  }
0x1b0: {  	s4 =	simm.s32 $0xDE00;
	[smem:$0x7A2] =	sst s30  }
0x1b1: {  	s5 =	simm.s32 $0xE000;
	[smem:$0x7A4] =	sst s4  }
0x1b2: {  	s6 =	simm.s32 $0xE200;
	[smem:$0x7A5] =	sst s5  }
0x1b3: {  	s8 =	simm.s32 $0xE400;
	[smem:$0x7A6] =	sst s6  }
0x1b4: {  	s9 =	simm.s32 $0xFC00;
	[smem:$0x7A7] =	sst s8  }
0x1b5: {  	s10 =	simm.s32 $0x10600;
	[smem:$0x7A8] =	sst s9  }
0x1b6: {  	s11 =	simm.s32 $0x11C00;
	[smem:$0x7A9] =	sst s10  }
0x1b7: {  	s12 =	simm.s32 $0x16E00;
	[smem:$0x7AA] =	sst s11  }
0x1b8: {  	s13 =	simm.s32 $0x16C00;
	[smem:$0x7AB] =	sst s12  }
0x1b9: {  	s14 =	simm.s32 $0x16A00;
	[smem:$0x7AC] =	sst s13  }
0x1ba: {  	s15 =	simm.s32 $0x16800;
	[smem:$0x7AD] =	sst s14  }
0x1bb: {  	s16 =	simm.s32 $0x16600;
	[smem:$0x7AE] =	sst s15  }
0x1bc: {  	s17 =	simm.s32 $0x16400;
	[smem:$0x7AF] =	sst s16  }
0x1bd: {  	s18 =	simm.s32 $0x16200;
	[smem:$0x7B0] =	sst s17  }
0x1be: {  	s3 =	simm.s32 $0xDC00;
	[smem:$0x7B1] =	sst s18  }
0x1bf: {  	s19 =	simm.s32 $0x16000;
	[smem:$0x7A3] =	sst s3  }
0x1c0: {  	s20 =	simm.s32 $0x15E00;
	[smem:$0x7B2] =	sst s19  }
0x1c1: {  	s21 =	simm.s32 $0x15C00;
	[smem:$0x7B3] =	sst s20  }
0x1c2: {  	s22 =	simm.s32 $0x15A00;
	[smem:$0x7B4] =	sst s21  }
0x1c3: {  	s23 =	simm.s32 $0x15800;
	[smem:$0x7B5] =	sst s22  }
0x1c4: {  	s24 =	simm.s32 $0x15600;
	[smem:$0x7B6] =	sst s23  }
0x1c5: {  	s25 =	simm.s32 $0x15400;
	[smem:$0x7B7] =	sst s24  }
0x1c6: {  	s26 =	simm.s32 $0x15200;
	[smem:$0x7B8] =	sst s25  }
0x1c7: {  	s28 =	simm.s32 $0x15000;
	[smem:$0x7B9] =	sst s26  }
0x1c8: {  	s29 =	simm.s32 $0x14E00;
	[smem:$0x7BA] =	sst s28  }
0x1c9: {  	s30 =	simm.s32 $0x14C00;
	[smem:$0x7BB] =	sst s29  }
0x1ca: {  	s4 =	simm.s32 $0x14A00;
	[smem:$0x7BC] =	sst s30  }
0x1cb: {  	s5 =	simm.s32 $0x14800;
	[smem:$0x7BD] =	sst s4  }
0x1cc: {  	s6 =	simm.s32 $0x14600;
	[smem:$0x7BE] =	sst s5  }
0x1cd: {  	s8 =	simm.s32 $0x14400;
	[smem:$0x7BF] =	sst s6  }
0x1ce: {  	s9 =	simm.s32 $0x14200;
	[smem:$0x7C0] =	sst s8  }
0x1cf: {  	s10 =	simm.s32 $0x14000;
	[smem:$0x7C1] =	sst s9  }
0x1d0: {  	s11 =	simm.s32 $0x13E00;
	[smem:$0x7C2] =	sst s10  }
0x1d1: {  	s12 =	simm.s32 $0x13C00;
	[smem:$0x7C3] =	sst s11  }
0x1d2: {  	s13 =	simm.s32 $0x13A00;
	[smem:$0x7C4] =	sst s12  }
0x1d3: {  	s14 =	simm.s32 $0x13800;
	[smem:$0x7C5] =	sst s13  }
0x1d4: {  	s15 =	simm.s32 $0x13600;
	[smem:$0x7C6] =	sst s14  }
0x1d5: {  	s16 =	simm.s32 $0x13400;
	[smem:$0x7C7] =	sst s15  }
0x1d6: {  	s17 =	simm.s32 $0x13200;
	[smem:$0x7C8] =	sst s16  }
0x1d7: {  	s18 =	simm.s32 $0x13000;
	[smem:$0x7C9] =	sst s17  }
0x1d8: {  	s19 =	simm.s32 $0x12E00;
	[smem:$0x7CA] =	sst s18  }
0x1d9: {  	s20 =	simm.s32 $0x12C00;
	[smem:$0x7CB] =	sst s19  }
0x1da: {  	s21 =	simm.s32 $0x12A00;
	[smem:$0x7CC] =	sst s20  }
0x1db: {  	s22 =	simm.s32 $0x12800;
	[smem:$0x7CD] =	sst s21  }
0x1dc: {  	s23 =	simm.s32 $0x12600;
	[smem:$0x7CE] =	sst s22  }
0x1dd: {  	s24 =	simm.s32 $0x12400;
	[smem:$0x7CF] =	sst s23  }
0x1de: {  	s25 =	simm.s32 $0x12200;
	[smem:$0x7D0] =	sst s24  }
0x1df: {  	s26 =	simm.s32 $0x12000;
	[smem:$0x7D1] =	sst s25  }
0x1e0: {  	s28 =	simm.s32 $0x11E00;
	[smem:$0x7D2] =	sst s26  }
0x1e1: {  	s29 =	simm.s32 $0x11A00;
	[smem:$0x7D3] =	sst s28  }
0x1e2: {  	s4 =	simm.s32 $0x11800;
	[smem:$0x7D4] =	sst s29  }
0x1e3: {  	s5 =	simm.s32 $0x11600;
	[smem:$0x7D5] =	sst s4  }
0x1e4: {  	s6 =	simm.s32 $0x11400;
	[smem:$0x7D6] =	sst s5  }
0x1e5: {  	s10 =	simm.s32 $0x11000;
	[smem:$0x7D7] =	sst s6  }
0x1e6: {  	s12 =	simm.s32 $0x10A00;
	[smem:$0x7D9] =	sst s10  }
0x1e7: {  	s13 =	simm.s32 $0x10800;
	[smem:$0x7DB] =	sst s12  }
0x1e8: {  	s14 =	simm.s32 $0x10400;
	[smem:$0x7DC] =	sst s13  }
0x1e9: {  	s16 =	simm.s32 $0x10200;
	[smem:$0x7DD] =	sst s14  }
0x1ea: {  	s18 =	simm.s32 $0x10000;
	[smem:$0x7DE] =	sst s16  }
0x1eb: {  	s5 =	simm.s32 $0x11200;
	[smem:$0x7DF] =	sst s18  }
0x1ec: {  	s6 =	simm.s32 $0x10C00;
	[smem:$0x7D8] =	sst s5  }
0x1ed: {  	s19 =	simm.s32 $0xFE00;
	[smem:$0x7DA] =	sst s6  }
0x1ee: {  	s23 =	simm.s32 $0xE600;
	[smem:$0x7E1] =	sst s19  }
0x1ef: {  	s25 =	simm.s32 $0xE800;
	[smem:$0x7E2] =	sst s23  }
0x1f0: {  	s30 =	srdreg.scid;
	s28 =	simm.s32 $0xEA00;
	[smem:$0x7E3] =	sst s25  }
0x1f1: {  	s8 =	stileid.u32;
	s29 =	simm.s32 $0xEC00;
	[smem:$0x7E4] =	sst s28  }
0x1f2: {  	s1 =	sand.u32 $0x1, s30;
	s30 =	simm.s32 $0xEE00;
	[smem:$0x7E5] =	sst s29  }
0x1f3: {  	s9 =	sshll.u32 s8, $0x1;
	s4 =	simm.s32 $0xF000;
	[smem:$0x7E7] =	sst s30  }
0x1f4: {  	s26 =	smul.u32 $0x42000, s8;
	s8 =	simm.s32 $0xF600;
	[smem:$0x7E8] =	sst s4  }
0x1f5: {  	s10 =	simm.s32 $0xF800;
	[smem:$0x7EB] =	sst s8  }
0x1f6: {  	s12 =	simm.s32 $0x17000;
	[smem:$0x7EC] =	sst s10  }
0x1f7: {  	s13 =	simm.s32 $0x17800;
	[smem:$0x7EE] =	sst s12  }
0x1f8: {  	s14 =	simm.s32 $0x17A00;
	[smem:$0x7EF] =	sst s13  }
0x1f9: {  	s16 =	simm.s32 $0x17E00;
	[smem:$0x7F0] =	sst s14  }
0x1fa: {  	s18 =	simm.s32 $0x18600;
	[smem:$0x7F2] =	sst s16  }
0x1fb: {  	s3 =	sor.u32 s1, s9;
	s6 =	simm.s32 $0xF400;
	[smem:$0x7F4] =	sst s18  }
0x1fc: {  	s15 =	ssub.s32 $0x2, s1;
	s19 =	simm.s32 $0x18800;
	[smem:$0x7EA] =	sst s6  }
0x1fd: {  	s1 =	smul.u32 $0x21000, s1;
	s30 =	sadd.s32 $0x420000, s2;
	[smem:$0x7F5] =	sst s19  }
0x1fe: {  	s9 =	sadd.s32 $0x2C00, s0;
	s11 =	smul.u32 $0x210, s3;
	[smem:$0x7FC] =	sst s30  }
0x1ff: {  	s17 =	sshrl.u32 s15, $0x1;
	[smem:$0x7FD] =	sst s9;
	s1 =	sadd.s32 s1, s26  }
0x200: {  	s22 =	ssub.s32 s15, s17;
	s15 =	simm.s32 $0x17C00;
	[smem:$0x7E6] =	sst s1  }
0x201: {  	s17 =	simm.s32 $0x18200;
	[smem:$0x7F1] =	sst s15  }
0x202: {  	s5 =	sshrl.u32 s11, $0x3;
	s11 =	simm.s32 $0xFA00;
	[smem:$0x7F3] =	sst s17  }
0x203: {  	s24 =	smul.u32 $0x108000, s3;
	s29 =	smax.u32 s22, $0x1;
	[smem:$0x7ED] =	sst s11  }
0x204: {  	s21 =	sadd.s32 s5, s0;
	s5 =	simm.s32 $0xF200;
	[smem:$0x7FB] =	sst s29  }
0x205: {  	v0 =	vimm.s32 $0xECA86420;
	vm0 =	vcmask $0x1310;
	vm1 =	vcmask $0x300;
	s20 =	sadd.s32 $0x1242, s21;
	[smem:$0x7E9] =	sst s5  }
0x206: {  	vm2 =	vcmask $0x2320;
	vm3 =	vcmask $0x2B28;
	vm4 =	vcmask $0x3330;
	s23 =	sshrl.u32 s24, $0x3;
	s24 =	sadd.s32 $0xA00, s21;
	[smem:$0x7E0] =	sst s20  }
.Ltmp0:
0x207: {  	v1 =	vlaneseq.u32;
	vm5 =	vcmask $0x3B38;
	vm6 =	vmmov $0xff;
	s25 =	sadd.s32 $0x1A84, s21;
	[smem:$0x7F7] =	sst s24;
	(pc) =	sbr.rel .LBB2_1-.Ltmp0, $4  }
0x208: {  	vm7 =	vcmask $0x704;
	vm8 =	vcmask $0x1B18;
	vm9 =	vcmask $0xB08;
	s28 =	sadd.s32 s2, s23;
	s26 =	sadd.s32 $0x22C6, s21;
	[smem:$0x7F8] =	sst s25  }
0x209: {  	vm10 =	vcmask $0xF0C;
	vm11 =	vcmask $0x1714;
	v0 =	vunpack.c.l.s4.s8 v0;
	s0 =	sadd.s32 $0x1F800, s28;
	[smem:$0x7F9] =	sst s26  }
0x20a: {  	vm12 =	vcmask $0x1F1C;
	vm13 =	vcmask $0x2724;
	vm14 =	vcmask $0x2F2C;
	s31 =	simm.s32 $0x0;
	s20 =	simm.s32 $0x18000;
	[smem:$0x7FA] =	sst s0  }
0x20b: {  	vm15 =	vcmask $0x3734;
	v1 =	vmul.u32 $0x2, v1;
	v0 =	vunpack.c.0.s8.s32 v0;
	p0 =	sne.s32 s3, $0x1F;
	s1 =	simm.s32 $0x1;
	[smem:$0x7F6] =	sst s20  }
.LBB2_7:
0x20c: {  	s0 =	sld [smem:$0x7FB];
	_ =	sdelay $0x1  }
0x20d: {  	s31 =	sadd.s32 $0x1, s31  }
0x20e: {  	p1 =	sne.s32 s31, s0  }
.Ltmp1:
0x20f: {  	_ = 	snop;
	(pc) =	sbr.rel @!p1 .LBB2_8-.Ltmp1, $1  }
0x210: {  	_ =	sdelay $0x3  }
.LBB2_1:
0x211: {  	s0 =	sld [smem:$0x7F7];
	_ =	sdelay $0x1  }
0x212: {  	s12 =	sld [smem:$0x7E0]  }
0x213: {  	[tilespmem:s7], [sflag:$0x1] =	stream.linear.gather [hbm4b:s0+s7], $0x220, $0x38;
	[tilespmem:$0x18880] =	vst v63  }
0x214: {  	s2 =	simm.s32 $0x220;
	s13 =	sld [smem:$0x7F8]  }
0x215: {  	[tilespmem:s2], [sflag:$0x1] =	stream.linear.gather [hbm4b:s12+s7], $0x220, $0x38;
	[tilespmem:$0x18880] =	vst v63  }
0x216: {  	s14 =	simm.s32 $0x440;
	s15 =	sld [smem:$0x7F9]  }
0x217: {  	[tilespmem:s14], [sflag:$0x1] =	stream.linear.gather [hbm4b:s13+s7], $0x220, $0x38;
	[tilespmem:$0x18880] =	vst v63  }
0x218: {  	[smem:$0x610] =	sst s31;
	s16 =	simm.s32 $0x660  }
0x219: {  	[tilespmem:s16], [sflag:$0x1] =	stream.linear.gather [hbm4b:s15+s7], $0x220, $0x38;
	[tilespmem:$0x18880] =	vst v63  }
0x21a: {  	_ =	swait.ge [sflag:s1], $0x220  }
0x21b: {  	[sflag:s1] =	ssyncset.done $0x0  }
0x21c: {  	[sflag:s1] =	ssyncadd.s32 $0xFFFFFDE0  }
0x21d: {  	_ =	swait.ge [sflag:s1], $0x220  }
0x21e: {  	[sflag:s1] =	ssyncset.done $0x0  }
0x21f: {  	[sflag:s1] =	ssyncadd.s32 $0xFFFFFDE0  }
0x220: {  	_ =	swait.ge [sflag:s1], $0x220  }
0x221: {  	[sflag:s1] =	ssyncset.done $0x0  }
0x222: {  	[sflag:s1] =	ssyncadd.s32 $0xFFFFFDE0  }
0x223: {  	_ =	swait.ge [sflag:s1], $0x220  }
0x224: {  	[sflag:s1] =	ssyncset.done $0x0  }
0x225: {  	s22 =	simm.s32 $0x0;
	[sflag:s1] =	ssyncadd.s32 $0xFFFFFDE0  }
0x226: {  	v2 =	vld [tilespmem:s22+$0x0];
	_ =	sdelay $0x4  }
0x227: {  	v2 =	vadd.s32 $0x420D, v2  }
0x228: {  	(v2sf) =	vpush v2, $0x0  }
0x229: {  	(v2sf) =	vpush v2, $0x1;
	_ =	sdelay $0x1  }
0x22a: {  	(v2sf) =	vpush v2, $0x2;
	_ =	sdelay $0x1  }
0x22b: {  	(v2sf) =	vpush v2, $0x7;
	_ =	sdelay $0x2  }
0x22c: {  	(v2sf) =	vpush v2, $0x3  }
0x22d: {  	(v2sf) =	vpush v2, $0x4  }
0x22e: {  	(v2sf) =	vpush v2, $0xC  }
0x22f: {  	(v2sf) =	vpush v2, $0xD;
	_ =	sdelay $0x3  }
0x230: {  	(v2sf) =	vpush v2, $0xE;
	s17 =	spop (v2sf)  }
0x231: {  	s2 =	smulhi.u32 $0x3E034CED, s17;
	s3 =	spop (v2sf)  }
0x232: {  	(v2sf) =	vpush v2, $0x8;
	s1 =	sshra.s32 s17, $0x1F;
	s4 =	smulhi.u32 $0x3E034CED, s3  }
0x233: {  	s5 =	spop (v2sf);
	s1 =	smul.u32 $0x3E034CED, s1  }
0x234: {  	s3 =	sshra.s32 s3, $0x1F;
	s6 =	smulhi.u32 $0x3E034CED, s5  }
0x235: {  	(v2sf) =	vpush v2, $0xF;
	s18 =	spop (v2sf);
	s3 =	smul.u32 $0x3E034CED, s3  }
0x236: {  	s5 =	sshra.s32 s5, $0x1F;
	s8 =	smulhi.u32 $0x3E034CED, s18  }
0x237: {  	(v2sf) =	vpush v2, $0x9;
	s7 =	sshra.s32 s18, $0x1F;
	s5 =	smul.u32 $0x3E034CED, s5  }
0x238: {  	s9 =	spop (v2sf);
	s20 =	smul.u32 $0x3E034CED, s7  }
0x239: {  	(v2sf) =	vpush v2, $0xA;
	s10 =	spop (v2sf);
	s24 =	smulhi.u32 $0x3E034CED, s9  }
0x23a: {  	s9 =	sshra.s32 s9, $0x1F;
	s11 =	sshra.s32 s10, $0x1F;
	s12 =	spop (v2sf)  }
0x23b: {  	(v2sf) =	vpush v2, $0x5;
	s5 =	sadd.s32 s5, s6;
	s25 =	smul.u32 $0x3E034CED, s11;
	s19 =	spop (v2sf)  }
0x23c: {  	s14 =	sshra.s32 s12, $0x1F;
	s29 =	sshra.s32 s5, $0xC;
	s12 =	smulhi.u32 $0x3E034CED, s12  }
0x23d: {  	s26 =	sshrl.u32 s5, $0x1F;
	s28 =	sshra.s32 s5, $0x1F;
	s5 =	smul.u32 $0x3E034CED, s9  }
0x23e: {  	s15 =	smulhi.u32 $0x3E034CED, s19  }
0x23f: {  	s21 =	spop (v2sf);
	s14 =	smul.u32 $0x3E034CED, s14  }
0x240: {  	(v2sf) =	vpush v2, $0xB;
	s23 =	sshra.s32 s19, $0x1F;
	s30 =	smulhi.u32 $0x3E034CED, s21  }
0x241: {  	(v2sf) =	vpush v2, $0x6;
	s16 =	spop (v2sf);
	s21 =	sshra.s32 s21, $0x1F;
	s6 =	smul.u32 $0x3E034CED, s23  }
0x242: {  	s7 =	sadd.s32 s14, s12;
	s12 =	smulhi.u32 $0x3E034CED, s10;
	s10 =	sadd.s32 s5, s24  }
0x243: {  	s24 =	sadd.s32 s20, s8;
	s20 =	sadd.s32 s1, s2;
	s1 =	smulhi.u32 $0x3E034CED, s16  }
0x244: {  	s4 =	sadd.s32 s3, s4;
	s0 =	spop (v2sf);
	s21 =	smul.u32 $0x3E034CED, s21  }
0x245: {  	s8 =	sshra.s32 s4, $0xC;
	s9 =	sshra.s32 s0, $0x1F;
	s11 =	smulhi.u32 $0x3E034CED, s0  }
0x246: {  	s23 =	sshrl.u32 s7, $0x1F;
	s6 =	sadd.s32 s6, s15;
	s17 =	spop (v2sf)  }
0x247: {  	s7 =	sshra.s32 s7, $0xC;
	s5 =	sshrl.u32 s10, $0x1F;
	s13 =	sshra.s32 s17, $0x1F  }
0x248: {  	s14 =	smulhi.u32 $0x3E034CED, s17;
	s18 =	spop (v2sf);
	s17 =	sshra.s32 s6, $0xC  }
0x249: {  	s2 =	sshra.s32 s24, $0x1F;
	s19 =	smul.u32 $0x3E034CED, s13;
	[smem:$0x611] =	sst s17  }
0x24a: {  	v4 =	vmov s23;
	s23 =	simm.s32 $0x40;
	s15 =	spop (v2sf);
	s17 =	smul.u32 $0x3E034CED, s9  }
0x24b: {  	s0 =	sshra.s32 s18, $0x1F;
	s31 =	smulhi.u32 $0x3E034CED, s18;
	s9 =	sshra.s32 s10, $0xC  }
0x24c: {  	s13 =	sshrl.u32 s6, $0x1F;
	s18 =	sshra.s32 s15, $0x1F;
	s3 =	sadd.s32 s19, s14  }
0x24d: {  	s14 =	smulhi.u32 $0x3E034CED, s15;
	s15 =	sshra.s32 s16, $0x1F;
	s16 =	sld [smem:$0x611]  }
0x24e: {  	s6 =	sshra.s32 s10, $0x1F;
	s10 =	smul.u32 $0x3E034CED, s0;
	s0 =	sshrl.u32 s4, $0x1F  }
0x24f: {  	v3 =	vmov s7;
	v5 =	vmov s2;
	s7 =	spop (v2sf);
	s19 =	sshra.s32 s4, $0x1F;
	s4 =	sshra.s32 s20, $0xC  }
0x250: {  	v4 =	vsel vm9, s13, v4;
	s13 =	smulhi.u32 $0x3E034CED, s7;
	v5 =	vsel vm1, s4, v5;
	s4 =	sshra.s32 s20, $0x1F;
	v3 =	vsel vm9, s16, v3;
	s16 =	spop (v2sf)  }
.LBB2_2:
0x251: {  	s2 =	sshrl.u32 s3, $0x1F;
	s15 =	smul.u32 $0x3E034CED, s15;
	s7 =	sshra.s32 s7, $0x1F;
	v5 =	vsel vm7, s4, v5  }
0x252: {  	s18 =	smul.u32 $0x3E034CED, s18;
	s4 =	sadd.s32 s17, s11;
	s17 =	sshrl.u32 s20, $0x1F;
	v5 =	vsel vm9, s8, v5  }
0x253: {  	s8 =	sadd.s32 s21, s30;
	s11 =	sadd.s32 s25, s12;
	s20 =	sshra.s32 s16, $0x1F;
	v6 =	vmov s17;
	v5 =	vsel vm10, s19, v5  }
0x254: {  	s1 =	sadd.s32 s15, s1;
	s21 =	sshrl.u32 s8, $0x1F;
	s8 =	sshra.s32 s8, $0xC;
	v6 =	vnsel vm1, $0x0, v6;
	v5 =	vsel vm0, s29, v5  }
0x255: {  	s25 =	smulhi.u32 $0x3E034CED, s16;
	s12 =	sshrl.u32 s4, $0x1F;
	v4 =	vsel vm0, s21, v4;
	s17 =	sshrl.u32 s1, $0x1F;
	v3 =	vsel vm0, s8, v3;
	v6 =	vsel vm9, s0, v6  }
0x256: {  	s7 =	smul.u32 $0x3E034CED, s7;
	s4 =	sshra.s32 s4, $0xC;
	s1 =	sshra.s32 s1, $0xC;
	v5 =	vsel vm11, s28, v5;
	v4 =	vsel vm8, s12, v4;
	v7 =	vmov s17  }
0x257: {  	s15 =	sshrl.u32 s11, $0x1F;
	s0 =	sadd.s32 s18, s14;
	s14 =	smul.u32 $0x3E034CED, s20;
	v8 =	vmov s1;
	v3 =	vsel vm8, s4, v3;
	v5 =	vsel vm8, s9, v5  }
0x258: {  	s18 =	sshra.s32 s3, $0xC;
	s20 =	sadd.s32 s10, s31;
	v6 =	vsel vm0, s26, v6;
	s26 =	sshra.s32 s11, $0xC;
	v7 =	vsel vm9, s2, v7;
	v5 =	vsel vm12, s6, v5  }
0x259: {  	s21 =	sadd.s32 s7, s13;
	s12 =	sshra.s32 s11, $0x1F;
	v8 =	vsel vm9, s18, v8;
	s10 =	sshra.s32 s20, $0xC;
	v6 =	vsel vm8, s5, v6;
	v5 =	vsel vm2, s26, v5  }
0x25a: {  	s7 =	sshra.s32 s21, $0xC;
	s19 =	sshra.s32 s0, $0xC;
	s5 =	sshrl.u32 s0, $0x1F;
	v8 =	vsel vm0, s10, v8;
	v6 =	vsel vm2, s15, v6;
	v5 =	vsel vm13, s12, v5  }
0x25b: {  	s25 =	sadd.s32 s14, s25;
	s0 =	sshra.s32 s0, $0x1F;
	s26 =	sshrl.u32 s20, $0x1F;
	v8 =	vsel vm8, s7, v8;
	v6 =	vsel vm3, s5, v6;
	v5 =	vsel vm3, s19, v5  }
0x25c: {  	s2 =	sshrl.u32 s21, $0x1F;
	s8 =	sshrl.u32 s25, $0x1F;
	s11 =	sshra.s32 s25, $0xC;
	v7 =	vsel vm0, s26, v7;
	v3 =	vcombine.low v8, v3;
	v5 =	vsel vm14, s0, v5  }
0x25d: {  	s13 =	sshra.s32 s25, $0x1F;
	s12 =	sshrl.u32 s24, $0x1F;
	v6 =	vsel vm4, s8, v6;
	v7 =	vsel vm8, s2, v7;
	v5 =	vsel vm4, s11, v5  }
0x25e: {  	s14 =	sshra.s32 s24, $0xC;
	v4 =	vcombine.low v7, v4;
	v6 =	vsel vm5, s12, v6;
	v5 =	vsel vm15, s13, v5  }
0x25f: {  	v3 =	vperm.xlane v3, v0;
	v6 =	vperm.xlane v6, v1;
	v5 =	vsel vm5, s14, v5  }
0x260: {  	v4 =	vperm.xlane v4, v0;
	v5 =	vperm.xlane v5, v1;
	_ =	sdelay $0x1  }
0x261: {  	v4 =	vsel vm6, v6, v4;
	v3 =	vsel vm6, v5, v3  }
0x262: {  	v3 =	vadd.s32 v4, v3  }
0x263: {  	v3 =	vmul.u32 $0x420D, v3;
	_ =	sdelay $0x1  }
0x264: {  	s15 =	smov.u32 s23;
	v2 =	vsub.s32 v2, v3  }
0x265: {  	s16 =	sshra.s32 s15, $0x2;
	[tilespmem:s22+$0x0] =	vst v2  }
0x266: {  	v2 =	vld [tilespmem:s16+$0x0];
	_ =	sdelay $0x4  }
0x267: {  	v2 =	vadd.s32 $0x420D, v2  }
0x268: {  	(v2sf) =	vpush v2, $0x0  }
0x269: {  	(v2sf) =	vpush v2, $0x1  }
0x26a: {  	(v2sf) =	vpush v2, $0x2;
	_ =	sdelay $0x1  }
0x26b: {  	(v2sf) =	vpush v2, $0x7;
	_ =	sdelay $0x1  }
0x26c: {  	(v2sf) =	vpush v2, $0x3;
	_ =	sdelay $0x1  }
0x26d: {  	(v2sf) =	vpush v2, $0x4  }
0x26e: {  	(v2sf) =	vpush v2, $0xC;
	_ =	sdelay $0x1  }
0x26f: {  	(v2sf) =	vpush v2, $0xD;
	_ =	sdelay $0x2  }
0x270: {  	(v2sf) =	vpush v2, $0xE  }
0x271: {  	(v2sf) =	vpush v2, $0x8;
	s17 =	spop (v2sf)  }
0x272: {  	(v2sf) =	vpush v2, $0xF;
	s21 =	smulhi.u32 $0x3E034CED, s17;
	s18 =	spop (v2sf)  }
0x273: {  	(v2sf) =	vpush v2, $0x9;
	s19 =	smulhi.u32 $0x3E034CED, s18;
	s20 =	spop (v2sf)  }
0x274: {  	p1 =	sne.s32 s23, $0x21C0;
	s0 =	sshra.s32 s18, $0x1F;
	s22 =	smulhi.u32 $0x3E034CED, s20  }
0x275: {  	s23 =	sadd.s32 $0x40, s23;
	s25 =	spop (v2sf);
	s0 =	smul.u32 $0x3E034CED, s0  }
0x276: {  	[dreg:$0x3] =	wrdreg s16;
	(v2sf) =	vpush v2, $0xA;
	s2 =	sshra.s32 s20, $0x1F;
	s13 =	smulhi.u32 $0x3E034CED, s25  }
0x277: {  	s5 =	sshra.s32 s25, $0x1F;
	s26 =	spop (v2sf);
	s12 =	smul.u32 $0x3E034CED, s2  }
0x278: {  	s10 =	sshra.s32 s17, $0x1F;
	s3 =	sshra.s32 s26, $0x1F;
	s24 =	smul.u32 $0x3E034CED, s5  }
0x279: {  	s9 =	spop (v2sf);
	s16 =	sadd.s32 s0, s19;
	s6 =	smulhi.u32 $0x3E034CED, s26  }
0x27a: {  	s11 =	sshra.s32 s9, $0x1F;
	s14 =	spop (v2sf);
	s7 =	smul.u32 $0x3E034CED, s3  }
0x27b: {  	(v2sf) =	vpush v2, $0x5;
	s8 =	sshra.s32 s16, $0xC;
	s4 =	sadd.s32 s12, s22;
	s12 =	smulhi.u32 $0x3E034CED, s9  }
0x27c: {  	s0 =	sshrl.u32 s16, $0x1F;
	s25 =	smul.u32 $0x3E034CED, s11;
	s15 =	spop (v2sf)  }
0x27d: {  	s17 =	sshra.s32 s14, $0x1F;
	s29 =	sshra.s32 s4, $0xC;
	s1 =	smulhi.u32 $0x3E034CED, s14  }
0x27e: {  	(v2sf) =	vpush v2, $0xB;
	s26 =	sshrl.u32 s4, $0x1F;
	s28 =	sshra.s32 s4, $0x1F;
	s18 =	smulhi.u32 $0x3E034CED, s15  }
0x27f: {  	s2 =	sshra.s32 s15, $0x1F;
	s19 =	spop (v2sf);
	s5 =	smul.u32 $0x3E034CED, s17;
	(v2sf) =	vpush v2, $0x6  }
0x280: {  	s30 =	smulhi.u32 $0x3E034CED, s19;
	s4 =	sshra.s32 s19, $0x1F;
	s19 =	spop (v2sf)  }
0x281: {  	s24 =	sadd.s32 s24, s13;
	s2 =	smul.u32 $0x3E034CED, s2;
	s20 =	spop (v2sf)  }
0x282: {  	s1 =	sadd.s32 s5, s1;
	s22 =	spop (v2sf);
	s11 =	smulhi.u32 $0x3E034CED, s20  }
0x283: {  	s14 =	sshra.s32 s20, $0x1F;
	s5 =	sshra.s32 s22, $0x1F;
	s22 =	smulhi.u32 $0x3E034CED, s22  }
0x284: {  	s6 =	sadd.s32 s7, s6;
	s3 =	sshrl.u32 s1, $0x1F;
	s17 =	smul.u32 $0x3E034CED, s14  }
0x285: {  	s13 =	sshra.s32 s24, $0x1F;
	v4 =	vmov s3;
	s3 =	smul.u32 $0x3E034CED, s5;
	s20 =	spop (v2sf)  }
0x286: {  	s15 =	sshra.s32 s19, $0x1F;
	s2 =	sadd.s32 s2, s18;
	s31 =	smulhi.u32 $0x3E034CED, s20  }
0x287: {  	s1 =	sshra.s32 s1, $0xC;
	s18 =	sshra.s32 s20, $0x1F;
	s20 =	smul.u32 $0x3E034CED, s10  }
0x288: {  	s9 =	sshra.s32 s2, $0xC;
	s2 =	sshrl.u32 s2, $0x1F;
	s10 =	smul.u32 $0x3E034CED, s18  }
0x289: {  	v3 =	vmov s1;
	s5 =	sshrl.u32 s6, $0x1F;
	s20 =	sadd.s32 s20, s21;
	s21 =	smul.u32 $0x3E034CED, s4  }
.Ltmp2:
0x28a: {  	v3 =	vsel vm9, s9, v3;
	s9 =	sshra.s32 s6, $0xC;
	s1 =	spop (v2sf);
	(pc) =	sbr.rel @p1 .LBB2_2-.Ltmp2, $4  }
0x28b: {  	s6 =	sshra.s32 s6, $0x1F;
	s3 =	sadd.s32 s3, s22;
	s14 =	smulhi.u32 $0x3E034CED, s1  }
0x28c: {  	s22 =	rddreg [dreg:$0x3];
	s18 =	sshra.s32 s1, $0x1F;
	s1 =	smulhi.u32 $0x3E034CED, s19  }
0x28d: {  	v5 =	vmov s13;
	v4 =	vsel vm9, s2, v4;
	s19 =	sshra.s32 s16, $0x1F;
	s2 =	sshra.s32 s20, $0xC;
	s7 =	spop (v2sf)  }
0x28e: {  	s4 =	sshra.s32 s20, $0x1F;
	v5 =	vsel vm1, s2, v5;
	s13 =	smulhi.u32 $0x3E034CED, s7;
	s16 =	spop (v2sf)  }
0x28f: {  	s2 =	smul.u32 $0x3E034CED, s15  }
0x290: {  	v5 =	vsel vm7, s4, v5;
	s4 =	sadd.s32 s17, s11;
	s11 =	sadd.s32 s21, s30;
	s21 =	sshrl.u32 s20, $0x1F  }
0x291: {  	s23 =	smul.u32 $0x3E034CED, s18;
	s15 =	sshra.s32 s16, $0x1F;
	s12 =	sadd.s32 s25, s12  }
0x292: {  	s7 =	sshra.s32 s7, $0x1F;
	v5 =	vsel vm9, s8, v5;
	v6 =	vmov s21;
	s8 =	smul.u32 $0x3E034CED, s15;
	s18 =	sshrl.u32 s11, $0x1F  }
0x293: {  	s10 =	sadd.s32 s10, s31;
	s17 =	sshrl.u32 s4, $0x1F;
	v5 =	vsel vm10, s19, v5;
	v6 =	vnsel vm1, $0x0, v6;
	s19 =	smulhi.u32 $0x3E034CED, s16;
	v4 =	vsel vm0, s18, v4  }
0x294: {  	s1 =	sadd.s32 s2, s1;
	v5 =	vsel vm0, s29, v5;
	v6 =	vsel vm9, s0, v6;
	s0 =	sadd.s32 s23, s14;
	s23 =	sshra.s32 s11, $0xC;
	v4 =	vsel vm8, s17, v4  }
0x295: {  	s7 =	smul.u32 $0x3E034CED, s7;
	v5 =	vsel vm11, s28, v5;
	v6 =	vsel vm0, s26, v6;
	s26 =	sadd.s32 s8, s19;
	s8 =	sshrl.u32 s1, $0x1F;
	v3 =	vsel vm0, s23, v3  }
0x296: {  	s21 =	sshrl.u32 s12, $0x1F;
	s4 =	sshra.s32 s4, $0xC;
	s1 =	sshra.s32 s1, $0xC;
	v5 =	vsel vm8, s9, v5;
	v6 =	vsel vm8, s5, v6;
	v7 =	vmov s8  }
0x297: {  	s25 =	sshra.s32 s12, $0xC;
	s12 =	sshra.s32 s12, $0x1F;
	s11 =	sshrl.u32 s3, $0x1F;
	v8 =	vmov s1;
	v3 =	vsel vm8, s4, v3;
	v5 =	vsel vm12, s6, v5  }
0x298: {  	s15 =	sshra.s32 s3, $0xC;
	s20 =	sadd.s32 s7, s13;
	s13 =	sshrl.u32 s0, $0x1F;
	v6 =	vsel vm2, s21, v6;
	v7 =	vsel vm9, s11, v7;
	v5 =	vsel vm2, s25, v5  }
0x299: {  	s16 =	sshrl.u32 s10, $0x1F;
	s17 =	sshra.s32 s10, $0xC;
	s14 =	sshra.s32 s0, $0xC;
	v8 =	vsel vm9, s15, v8;
	v6 =	vsel vm3, s13, v6;
	v5 =	vsel vm13, s12, v5  }
0x29a: {  	s0 =	sshra.s32 s0, $0x1F;
	s19 =	sshrl.u32 s20, $0x1F;
	s20 =	sshra.s32 s20, $0xC;
	v7 =	vsel vm0, s16, v7;
	v8 =	vsel vm0, s17, v8;
	v5 =	vsel vm3, s14, v5  }
0x29b: {  	s18 =	sshra.s32 s26, $0xC;
	s23 =	sshrl.u32 s26, $0x1F;
	v7 =	vsel vm8, s19, v7;
	v8 =	vsel vm8, s20, v8;
	v5 =	vsel vm14, s0, v5  }
0x29c: {  	s21 =	sshra.s32 s26, $0x1F;
	s26 =	sshrl.u32 s24, $0x1F;
	v6 =	vsel vm4, s23, v6;
	v4 =	vcombine.low v7, v4;
	v5 =	vsel vm4, s18, v5  }
0x29d: {  	s25 =	sshra.s32 s24, $0xC;
	v3 =	vcombine.low v8, v3;
	v6 =	vsel vm5, s26, v6;
	v5 =	vsel vm15, s21, v5  }
0x29e: {  	s31 =	simm.s32 $0x6A00;
	s30 =	simm.s32 $0x6C00;
	v6 =	vperm.xlane v6, v1;
	v4 =	vperm.xlane v4, v0;
	v5 =	vsel vm5, s25, v5  }
0x29f: {  	s7 =	simm.s32 $0x0;
	s10 =	simm.s32 $0x6600;
	s4 =	rddreg [dreg:$0x1];
	v3 =	vperm.xlane v3, v0;
	v5 =	vperm.xlane v5, v1  }
0x2a0: {  	s29 =	simm.s32 $0x6E00;
	s28 =	simm.s32 $0x7000;
	s9 =	sld [smem:$0x7FD]  }
0x2a1: {  	s5 =	simm.s32 $0x880;
	s8 =	simm.s32 $0x6800;
	s11 =	simm.s32 $0x6400;
	v4 =	vsel vm6, v6, v4;
	v3 =	vsel vm6, v5, v3  }
0x2a2: {  	s6 =	simm.s32 $0x7400;
	s15 =	simm.s32 $0x8400;
	s17 =	simm.s32 $0x8000;
	v3 =	vadd.s32 v4, v3  }
0x2a3: {  	s16 =	simm.s32 $0x8200;
	s13 =	simm.s32 $0x8800;
	s23 =	sld [smem:$0x7E6];
	v3 =	vmul.u32 $0x420D, v3  }
0x2a4: {  	s20 =	simm.s32 $0x7A00;
	s19 =	simm.s32 $0x7C00;
	s12 =	simm.s32 $0x1  }
0x2a5: {  	s26 =	simm.s32 $0x7200;
	s14 =	simm.s32 $0x8600;
	s18 =	simm.s32 $0x7E00;
	v2 =	vsub.s32 v2, v3  }
0x2a6: {  	s21 =	simm.s32 $0x7800;
	s25 =	simm.s32 $0x7600;
	[tilespmem:s22+$0x0] =	vst v2;
	s22 =	simm.s32 $0x0  }
.LBB2_4:
0x2a7: {  	p1 =	seq.s32 s22, $0x0  }
0x2a8: {  	s0 =	simm.s32 @!p1 $0x3  }
0x2a9: {  	_ =	swait.ge @!p1 [sflag:s0], $0xC000  }
0x2aa: {  	[sflag:s0] =	ssyncset.done @!p1 $0x0  }
0x2ab: {  	s24 =	sshra.s32 s22, $0x2;
	[sflag:s0] =	ssyncadd.s32 @!p1 $0xFFFF4000  }
0x2ac: {  	v2 =	vld [tilespmem:s24+$0x0];
	_ =	sdelay $0x4  }
0x2ad: {  	v2 =	vshll.u32 v2, $0x6  }
0x2ae: {  	(v2sf) =	vpush v2, $0x0;
	_ =	sdelay $0x7  }
0x2af: {  	(v2sf) =	vpush v2, $0x1;
	_ =	sdelay $0x6  }
0x2b0: {  	s1 =	spop (v2sf)  }
0x2b1: {  	s0 =	sand.u32 $0x1FFFFFC0, s1  }
0x2b2: {  	(v2sf) =	vpush v2, $0x2;
	s0 =	sadd.s32 s9, s0  }
0x2b3: {  	[tilespmem:s5], [sflag:$0x1] =	stream.linear.gather [hbm4b:s0+s7], $0x80, $0x38;
	[tilespmem:$0x18880] =	vst v63  }
0x2b4: {  	s2 =	simm.s32 $0xA80;
	s1 =	sadd.s32 $0x10, s0  }
0x2b5: {  	[tilespmem:s2], [sflag:$0x1] =	stream.linear.gather [hbm4b:s1+s7], $0x80, $0x38;
	[tilespmem:$0x18880] =	vst v63  }
0x2b6: {  	s3 =	simm.s32 $0xC80;
	s2 =	sadd.s32 $0x20, s0  }
0x2b7: {  	[tilespmem:s3], [sflag:$0x1] =	stream.linear.gather [hbm4b:s2+s7], $0x80, $0x38;
	[tilespmem:$0x18880] =	vst v63  }
0x2b8: {  	s0 =	sadd.s32 $0x30, s0;
	s3 =	simm.s32 $0xE80;
	s2 =	spop (v2sf)  }
0x2b9: {  	[tilespmem:s3], [sflag:$0x1] =	stream.linear.gather [hbm4b:s0+s7], $0x80, $0x38;
	[tilespmem:$0x18880] =	vst v63  }
0x2ba: {  	s0 =	sand.u32 $0x1FFFFFC0, s2  }
0x2bb: {  	(v2sf) =	vpush v2, $0x3;
	s3 =	simm.s32 $0x1080;
	s0 =	sadd.s32 s9, s0  }
0x2bc: {  	[tilespmem:s3], [sflag:$0x1] =	stream.linear.gather [hbm4b:s0+s7], $0x80, $0x38;
	[tilespmem:$0x18880] =	vst v63  }
0x2bd: {  	s2 =	sadd.s32 $0x10, s0;
	s3 =	simm.s32 $0x1280  }
0x2be: {  	[tilespmem:s3], [sflag:$0x1] =	stream.linear.gather [hbm4b:s2+s7], $0x80, $0x38;
	[tilespmem:$0x18880] =	vst v63  }
0x2bf: {  	s2 =	sadd.s32 $0x20, s0;
	s3 =	simm.s32 $0x1480  }
0x2c0: {  	[tilespmem:s3], [sflag:$0x1] =	stream.linear.gather [hbm4b:s2+s7], $0x80, $0x38;
	[tilespmem:$0x18880] =	vst v63  }
0x2c1: {  	s0 =	sadd.s32 $0x30, s0;
	s3 =	simm.s32 $0x1680;
	s2 =	spop (v2sf)  }
0x2c2: {  	[tilespmem:s3], [sflag:$0x1] =	stream.linear.gather [hbm4b:s0+s7], $0x80, $0x38;
	[tilespmem:$0x18880] =	vst v63  }
0x2c3: {  	s0 =	sand.u32 $0x1FFFFFC0, s2  }
0x2c4: {  	(v2sf) =	vpush v2, $0x4;
	s3 =	simm.s32 $0x1880;
	s0 =	sadd.s32 s9, s0  }
0x2c5: {  	[tilespmem:s3], [sflag:$0x1] =	stream.linear.gather [hbm4b:s0+s7], $0x80, $0x38;
	[tilespmem:$0x18880] =	vst v63  }
0x2c6: {  	s2 =	sadd.s32 $0x10, s0;
	s3 =	simm.s32 $0x1A80  }
0x2c7: {  	[tilespmem:s3], [sflag:$0x1] =	stream.linear.gather [hbm4b:s2+s7], $0x80, $0x38;
	[tilespmem:$0x18880] =	vst v63  }
0x2c8: {  	s2 =	sadd.s32 $0x20, s0;
	s3 =	simm.s32 $0x1C80  }
0x2c9: {  	[tilespmem:s3], [sflag:$0x1] =	stream.linear.gather [hbm4b:s2+s7], $0x80, $0x38;
	[tilespmem:$0x18880] =	vst v63  }
0x2ca: {  	s0 =	sadd.s32 $0x30, s0;
	s3 =	simm.s32 $0x1E80;
	s2 =	spop (v2sf)  }
0x2cb: {  	[tilespmem:s3], [sflag:$0x1] =	stream.linear.gather [hbm4b:s0+s7], $0x80, $0x38;
	[tilespmem:$0x18880] =	vst v63  }
0x2cc: {  	s0 =	sand.u32 $0x1FFFFFC0, s2  }
0x2cd: {  	(v2sf) =	vpush v2, $0x5;
	s3 =	simm.s32 $0x2080;
	s0 =	sadd.s32 s9, s0  }
0x2ce: {  	[tilespmem:s3], [sflag:$0x1] =	stream.linear.gather [hbm4b:s0+s7], $0x80, $0x38;
	[tilespmem:$0x18880] =	vst v63  }
0x2cf: {  	s2 =	sadd.s32 $0x10, s0;
	s3 =	simm.s32 $0x2280  }
0x2d0: {  	[tilespmem:s3], [sflag:$0x1] =	stream.linear.gather [hbm4b:s2+s7], $0x80, $0x38;
	[tilespmem:$0x18880] =	vst v63  }
0x2d1: {  	s2 =	sadd.s32 $0x20, s0;
	s3 =	simm.s32 $0x2480  }
0x2d2: {  	[tilespmem:s3], [sflag:$0x1] =	stream.linear.gather [hbm4b:s2+s7], $0x80, $0x38;
	[tilespmem:$0x18880] =	vst v63  }
0x2d3: {  	s0 =	sadd.s32 $0x30, s0;
	s3 =	simm.s32 $0x2680;
	s2 =	spop (v2sf)  }
0x2d4: {  	[tilespmem:s3], [sflag:$0x1] =	stream.linear.gather [hbm4b:s0+s7], $0x80, $0x38;
	[tilespmem:$0x18880] =	vst v63  }
0x2d5: {  	s0 =	sand.u32 $0x1FFFFFC0, s2  }
0x2d6: {  	(v2sf) =	vpush v2, $0x6;
	s3 =	simm.s32 $0x2880;
	s0 =	sadd.s32 s9, s0  }
0x2d7: {  	[tilespmem:s3], [sflag:$0x1] =	stream.linear.gather [hbm4b:s0+s7], $0x80, $0x38;
	[tilespmem:$0x18880] =	vst v63  }
0x2d8: {  	s2 =	sadd.s32 $0x10, s0;
	s3 =	simm.s32 $0x2A80  }
0x2d9: {  	[tilespmem:s3], [sflag:$0x1] =	stream.linear.gather [hbm4b:s2+s7], $0x80, $0x38;
	[tilespmem:$0x18880] =	vst v63  }
0x2da: {  	s2 =	sadd.s32 $0x20, s0;
	s3 =	simm.s32 $0x2C80  }
0x2db: {  	[tilespmem:s3], [sflag:$0x1] =	stream.linear.gather [hbm4b:s2+s7], $0x80, $0x38;
	[tilespmem:$0x18880] =	vst v63  }
0x2dc: {  	s0 =	sadd.s32 $0x30, s0;
	s3 =	simm.s32 $0x2E80;
	s2 =	spop (v2sf)  }
0x2dd: {  	[tilespmem:s3], [sflag:$0x1] =	stream.linear.gather [hbm4b:s0+s7], $0x80, $0x38;
	[tilespmem:$0x18880] =	vst v63  }
0x2de: {  	s0 =	sand.u32 $0x1FFFFFC0, s2  }
0x2df: {  	(v2sf) =	vpush v2, $0x7;
	s3 =	simm.s32 $0x3080;
	s0 =	sadd.s32 s9, s0  }
0x2e0: {  	[tilespmem:s3], [sflag:$0x1] =	stream.linear.gather [hbm4b:s0+s7], $0x80, $0x38;
	[tilespmem:$0x18880] =	vst v63  }
0x2e1: {  	s2 =	sadd.s32 $0x10, s0;
	s3 =	simm.s32 $0x3280  }
0x2e2: {  	[tilespmem:s3], [sflag:$0x1] =	stream.linear.gather [hbm4b:s2+s7], $0x80, $0x38;
	[tilespmem:$0x18880] =	vst v63  }
0x2e3: {  	s2 =	sadd.s32 $0x20, s0;
	s3 =	simm.s32 $0x3480  }
0x2e4: {  	[tilespmem:s3], [sflag:$0x1] =	stream.linear.gather [hbm4b:s2+s7], $0x80, $0x38;
	[tilespmem:$0x18880] =	vst v63  }
0x2e5: {  	s0 =	sadd.s32 $0x30, s0;
	s3 =	simm.s32 $0x3680;
	s2 =	spop (v2sf)  }
0x2e6: {  	[tilespmem:s3], [sflag:$0x1] =	stream.linear.gather [hbm4b:s0+s7], $0x80, $0x38;
	[tilespmem:$0x18880] =	vst v63  }
0x2e7: {  	s0 =	sand.u32 $0x1FFFFFC0, s2  }
0x2e8: {  	(v2sf) =	vpush v2, $0x8;
	s3 =	simm.s32 $0x3880;
	s0 =	sadd.s32 s9, s0  }
0x2e9: {  	[tilespmem:s3], [sflag:$0x1] =	stream.linear.gather [hbm4b:s0+s7], $0x80, $0x38;
	[tilespmem:$0x18880] =	vst v63  }
0x2ea: {  	s2 =	sadd.s32 $0x10, s0;
	s3 =	simm.s32 $0x3A80  }
0x2eb: {  	[tilespmem:s3], [sflag:$0x1] =	stream.linear.gather [hbm4b:s2+s7], $0x80, $0x38;
	[tilespmem:$0x18880] =	vst v63  }
0x2ec: {  	s2 =	sadd.s32 $0x20, s0;
	s3 =	simm.s32 $0x3C80  }
0x2ed: {  	[tilespmem:s3], [sflag:$0x1] =	stream.linear.gather [hbm4b:s2+s7], $0x80, $0x38;
	[tilespmem:$0x18880] =	vst v63  }
0x2ee: {  	s0 =	sadd.s32 $0x30, s0;
	s3 =	simm.s32 $0x3E80;
	s2 =	spop (v2sf)  }
0x2ef: {  	[tilespmem:s3], [sflag:$0x1] =	stream.linear.gather [hbm4b:s0+s7], $0x80, $0x38;
	[tilespmem:$0x18880] =	vst v63  }
0x2f0: {  	s0 =	sand.u32 $0x1FFFFFC0, s2  }
0x2f1: {  	(v2sf) =	vpush v2, $0x9;
	s3 =	simm.s32 $0x4080;
	s0 =	sadd.s32 s9, s0  }
0x2f2: {  	[tilespmem:s3], [sflag:$0x1] =	stream.linear.gather [hbm4b:s0+s7], $0x80, $0x38;
	[tilespmem:$0x18880] =	vst v63  }
0x2f3: {  	s2 =	sadd.s32 $0x10, s0;
	s3 =	simm.s32 $0x4280  }
0x2f4: {  	[tilespmem:s3], [sflag:$0x1] =	stream.linear.gather [hbm4b:s2+s7], $0x80, $0x38;
	[tilespmem:$0x18880] =	vst v63  }
0x2f5: {  	s2 =	sadd.s32 $0x20, s0;
	s3 =	simm.s32 $0x4480  }
0x2f6: {  	[tilespmem:s3], [sflag:$0x1] =	stream.linear.gather [hbm4b:s2+s7], $0x80, $0x38;
	[tilespmem:$0x18880] =	vst v63  }
0x2f7: {  	s0 =	sadd.s32 $0x30, s0;
	s3 =	simm.s32 $0x4680;
	s2 =	spop (v2sf)  }
0x2f8: {  	[tilespmem:s3], [sflag:$0x1] =	stream.linear.gather [hbm4b:s0+s7], $0x80, $0x38;
	[tilespmem:$0x18880] =	vst v63  }
0x2f9: {  	s0 =	sand.u32 $0x1FFFFFC0, s2  }
0x2fa: {  	(v2sf) =	vpush v2, $0xA;
	s3 =	simm.s32 $0x4880;
	s0 =	sadd.s32 s9, s0  }
0x2fb: {  	[tilespmem:s3], [sflag:$0x1] =	stream.linear.gather [hbm4b:s0+s7], $0x80, $0x38;
	[tilespmem:$0x18880] =	vst v63  }
0x2fc: {  	s2 =	sadd.s32 $0x10, s0;
	s3 =	simm.s32 $0x4A80  }
0x2fd: {  	[tilespmem:s3], [sflag:$0x1] =	stream.linear.gather [hbm4b:s2+s7], $0x80, $0x38;
	[tilespmem:$0x18880] =	vst v63  }
0x2fe: {  	s2 =	sadd.s32 $0x20, s0;
	s3 =	simm.s32 $0x4C80  }
0x2ff: {  	[tilespmem:s3], [sflag:$0x1] =	stream.linear.gather [hbm4b:s2+s7], $0x80, $0x38;
	[tilespmem:$0x18880] =	vst v63  }
0x300: {  	s0 =	sadd.s32 $0x30, s0;
	s3 =	simm.s32 $0x4E80;
	s2 =	spop (v2sf)  }
0x301: {  	[tilespmem:s3], [sflag:$0x1] =	stream.linear.gather [hbm4b:s0+s7], $0x80, $0x38;
	[tilespmem:$0x18880] =	vst v63  }
0x302: {  	s0 =	sand.u32 $0x1FFFFFC0, s2  }
0x303: {  	(v2sf) =	vpush v2, $0xB;
	s3 =	simm.s32 $0x5080;
	s0 =	sadd.s32 s9, s0  }
0x304: {  	[tilespmem:s3], [sflag:$0x1] =	stream.linear.gather [hbm4b:s0+s7], $0x80, $0x38;
	[tilespmem:$0x18880] =	vst v63  }
0x305: {  	s2 =	sadd.s32 $0x10, s0;
	s3 =	simm.s32 $0x5280  }
0x306: {  	[tilespmem:s3], [sflag:$0x1] =	stream.linear.gather [hbm4b:s2+s7], $0x80, $0x38;
	[tilespmem:$0x18880] =	vst v63  }
0x307: {  	s2 =	sadd.s32 $0x20, s0;
	s3 =	simm.s32 $0x5480  }
0x308: {  	[tilespmem:s3], [sflag:$0x1] =	stream.linear.gather [hbm4b:s2+s7], $0x80, $0x38;
	[tilespmem:$0x18880] =	vst v63  }
0x309: {  	s0 =	sadd.s32 $0x30, s0;
	s3 =	simm.s32 $0x5680;
	s2 =	spop (v2sf)  }
0x30a: {  	[tilespmem:s3], [sflag:$0x1] =	stream.linear.gather [hbm4b:s0+s7], $0x80, $0x38;
	[tilespmem:$0x18880] =	vst v63  }
0x30b: {  	s0 =	sand.u32 $0x1FFFFFC0, s2  }
0x30c: {  	(v2sf) =	vpush v2, $0xC;
	s3 =	simm.s32 $0x5880;
	s0 =	sadd.s32 s9, s0  }
0x30d: {  	[tilespmem:s3], [sflag:$0x1] =	stream.linear.gather [hbm4b:s0+s7], $0x80, $0x38;
	[tilespmem:$0x18880] =	vst v63  }
0x30e: {  	s2 =	sadd.s32 $0x10, s0;
	s3 =	simm.s32 $0x5A80  }
0x30f: {  	[tilespmem:s3], [sflag:$0x1] =	stream.linear.gather [hbm4b:s2+s7], $0x80, $0x38;
	[tilespmem:$0x18880] =	vst v63  }
0x310: {  	s2 =	sadd.s32 $0x20, s0;
	s3 =	simm.s32 $0x5C80  }
0x311: {  	[tilespmem:s3], [sflag:$0x1] =	stream.linear.gather [hbm4b:s2+s7], $0x80, $0x38;
	[tilespmem:$0x18880] =	vst v63  }
0x312: {  	s0 =	sadd.s32 $0x30, s0;
	s3 =	simm.s32 $0x5E80;
	s2 =	spop (v2sf)  }
0x313: {  	[tilespmem:s3], [sflag:$0x1] =	stream.linear.gather [hbm4b:s0+s7], $0x80, $0x38;
	[tilespmem:$0x18880] =	vst v63  }
0x314: {  	s0 =	sand.u32 $0x1FFFFFC0, s2  }
0x315: {  	(v2sf) =	vpush v2, $0xD;
	s3 =	simm.s32 $0x6080;
	s0 =	sadd.s32 s9, s0  }
0x316: {  	[tilespmem:s3], [sflag:$0x1] =	stream.linear.gather [hbm4b:s0+s7], $0x80, $0x38;
	[tilespmem:$0x18880] =	vst v63  }
0x317: {  	s2 =	sadd.s32 $0x10, s0;
	s3 =	simm.s32 $0x6280  }
0x318: {  	[tilespmem:s3], [sflag:$0x1] =	stream.linear.gather [hbm4b:s2+s7], $0x80, $0x38;
	[tilespmem:$0x18880] =	vst v63  }
0x319: {  	s2 =	sadd.s32 $0x20, s0;
	s3 =	simm.s32 $0x6480  }
0x31a: {  	[tilespmem:s3], [sflag:$0x1] =	stream.linear.gather [hbm4b:s2+s7], $0x80, $0x38;
	[tilespmem:$0x18880] =	vst v63  }
0x31b: {  	s0 =	sadd.s32 $0x30, s0;
	s3 =	simm.s32 $0x6680;
	s2 =	spop (v2sf)  }
0x31c: {  	[tilespmem:s3], [sflag:$0x1] =	stream.linear.gather [hbm4b:s0+s7], $0x80, $0x38;
	[tilespmem:$0x18880] =	vst v63  }
0x31d: {  	s0 =	sand.u32 $0x1FFFFFC0, s2  }
0x31e: {  	(v2sf) =	vpush v2, $0xE;
	s3 =	simm.s32 $0x6880;
	s0 =	sadd.s32 s9, s0  }
0x31f: {  	[tilespmem:s3], [sflag:$0x1] =	stream.linear.gather [hbm4b:s0+s7], $0x80, $0x38;
	[tilespmem:$0x18880] =	vst v63  }
0x320: {  	s2 =	sadd.s32 $0x10, s0;
	s3 =	simm.s32 $0x6A80  }
0x321: {  	[tilespmem:s3], [sflag:$0x1] =	stream.linear.gather [hbm4b:s2+s7], $0x80, $0x38;
	[tilespmem:$0x18880] =	vst v63  }
0x322: {  	s2 =	sadd.s32 $0x20, s0;
	s3 =	simm.s32 $0x6C80  }
0x323: {  	[tilespmem:s3], [sflag:$0x1] =	stream.linear.gather [hbm4b:s2+s7], $0x80, $0x38;
	[tilespmem:$0x18880] =	vst v63  }
0x324: {  	s0 =	sadd.s32 $0x30, s0;
	s3 =	simm.s32 $0x6E80;
	s2 =	spop (v2sf)  }
0x325: {  	[tilespmem:s3], [sflag:$0x1] =	stream.linear.gather [hbm4b:s0+s7], $0x80, $0x38;
	[tilespmem:$0x18880] =	vst v63  }
0x326: {  	s0 =	sand.u32 $0x1FFFFFC0, s2  }
0x327: {  	(v2sf) =	vpush v2, $0xF;
	s3 =	simm.s32 $0x7080;
	s0 =	sadd.s32 s9, s0  }
0x328: {  	[tilespmem:s3], [sflag:$0x1] =	stream.linear.gather [hbm4b:s0+s7], $0x80, $0x38;
	[tilespmem:$0x18880] =	vst v63  }
0x329: {  	s2 =	sadd.s32 $0x10, s0;
	s3 =	simm.s32 $0x7280  }
0x32a: {  	[tilespmem:s3], [sflag:$0x1] =	stream.linear.gather [hbm4b:s2+s7], $0x80, $0x38;
	[tilespmem:$0x18880] =	vst v63  }
0x32b: {  	s2 =	sadd.s32 $0x20, s0;
	s3 =	simm.s32 $0x7480  }
0x32c: {  	[tilespmem:s3], [sflag:$0x1] =	stream.linear.gather [hbm4b:s2+s7], $0x80, $0x38;
	[tilespmem:$0x18880] =	vst v63  }
0x32d: {  	s0 =	sadd.s32 $0x30, s0;
	s3 =	simm.s32 $0x7680;
	s2 =	spop (v2sf)  }
0x32e: {  	[tilespmem:s3], [sflag:$0x1] =	stream.linear.gather [hbm4b:s0+s7], $0x80, $0x38;
	[tilespmem:$0x18880] =	vst v63  }
0x32f: {  	s0 =	sand.u32 $0x1FFFFFC0, s2  }
0x330: {  	s3 =	simm.s32 $0x7880;
	s0 =	sadd.s32 s9, s0  }
0x331: {  	[tilespmem:s3], [sflag:$0x1] =	stream.linear.gather [hbm4b:s0+s7], $0x80, $0x38;
	[tilespmem:$0x18880] =	vst v63  }
0x332: {  	s2 =	sadd.s32 $0x10, s0;
	s3 =	simm.s32 $0x7A80  }
0x333: {  	[tilespmem:s3], [sflag:$0x1] =	stream.linear.gather [hbm4b:s2+s7], $0x80, $0x38;
	[tilespmem:$0x18880] =	vst v63  }
0x334: {  	s2 =	sadd.s32 $0x20, s0;
	s3 =	simm.s32 $0x7C80  }
0x335: {  	[tilespmem:s3], [sflag:$0x1] =	stream.linear.gather [hbm4b:s2+s7], $0x80, $0x38;
	[tilespmem:$0x18880] =	vst v63  }
0x336: {  	s0 =	sadd.s32 $0x30, s0;
	s3 =	simm.s32 $0x7E80;
	s2 =	spop (v2sf)  }
0x337: {  	[tilespmem:s3], [sflag:$0x1] =	stream.linear.gather [hbm4b:s0+s7], $0x80, $0x38;
	[tilespmem:$0x18880] =	vst v63  }
0x338: {  	s0 =	sand.u32 $0x1FFFFFC0, s2  }
0x339: {  	s3 =	simm.s32 $0x8080;
	s0 =	sadd.s32 s9, s0  }
0x33a: {  	[tilespmem:s3], [sflag:$0x1] =	stream.linear.gather [hbm4b:s0+s7], $0x80, $0x38;
	[tilespmem:$0x18880] =	vst v63  }
0x33b: {  	s2 =	sadd.s32 $0x10, s0;
	s3 =	simm.s32 $0x8280  }
0x33c: {  	[tilespmem:s3], [sflag:$0x1] =	stream.linear.gather [hbm4b:s2+s7], $0x80, $0x38;
	[tilespmem:$0x18880] =	vst v63  }
0x33d: {  	s2 =	sadd.s32 $0x20, s0;
	s3 =	simm.s32 $0x8480  }
0x33e: {  	[tilespmem:s3], [sflag:$0x1] =	stream.linear.gather [hbm4b:s2+s7], $0x80, $0x38;
	[tilespmem:$0x18880] =	vst v63  }
0x33f: {  	s0 =	sadd.s32 $0x30, s0;
	s3 =	simm.s32 $0x8680  }
0x340: {  	[tilespmem:s3], [sflag:$0x1] =	stream.linear.gather [hbm4b:s0+s7], $0x80, $0x38;
	[tilespmem:$0x18880] =	vst v63  }
0x341: {  	v2 =	vld.msk [tilespmem:s24+$0x10], $0xff;
	_ =	sdelay $0x4  }
0x342: {  	v2 =	vshll.u32 v2, $0x6  }
0x343: {  	(v2sf) =	vpush v2, $0x0;
	_ =	sdelay $0x9  }
0x344: {  	(v2sf) =	vpush v2, $0x1;
	_ =	sdelay $0x4  }
0x345: {  	s2 =	spop (v2sf)  }
0x346: {  	s0 =	sand.u32 $0x1FFFFFC0, s2  }
0x347: {  	s3 =	rddreg [dreg:$0x4];
	s0 =	sadd.s32 s9, s0  }
0x348: {  	[tilespmem:s3], [sflag:$0x1] =	stream.linear.gather [hbm4b:s0+s7], $0x80, $0x38;
	[tilespmem:$0x18880] =	vst v63  }
0x349: {  	s2 =	rddreg [dreg:$0x5];
	s1 =	sadd.s32 $0x10, s0  }
0x34a: {  	(v2sf) =	vpush v2, $0x2;
	[tilespmem:s2], [sflag:$0x1] =	stream.linear.gather [hbm4b:s1+s7], $0x80, $0x38;
	[tilespmem:$0x18880] =	vst v63  }
0x34b: {  	s3 =	rddreg [dreg:$0x6];
	s1 =	sadd.s32 $0x20, s0  }
0x34c: {  	[tilespmem:s3], [sflag:$0x1] =	stream.linear.gather [hbm4b:s1+s7], $0x80, $0x38;
	[tilespmem:$0x18880] =	vst v63  }
0x34d: {  	s2 =	rddreg [dreg:$0x7];
	s0 =	sadd.s32 $0x30, s0  }
0x34e: {  	[tilespmem:s2], [sflag:$0x1] =	stream.linear.gather [hbm4b:s0+s7], $0x80, $0x38;
	[tilespmem:$0x18880] =	vst v63  }
0x34f: {  	s2 =	spop (v2sf)  }
0x350: {  	s0 =	sand.u32 $0x1FFFFFC0, s2  }
0x351: {  	s3 =	rddreg [dreg:$0x8];
	s0 =	sadd.s32 s9, s0  }
0x352: {  	[tilespmem:s3], [sflag:$0x1] =	stream.linear.gather [hbm4b:s0+s7], $0x80, $0x38;
	[tilespmem:$0x18880] =	vst v63  }
0x353: {  	s2 =	rddreg [dreg:$0x9];
	s1 =	sadd.s32 $0x10, s0  }
0x354: {  	(v2sf) =	vpush v2, $0x3;
	[tilespmem:s2], [sflag:$0x1] =	stream.linear.gather [hbm4b:s1+s7], $0x80, $0x38;
	[tilespmem:$0x18880] =	vst v63  }
0x355: {  	s3 =	rddreg [dreg:$0xa];
	s1 =	sadd.s32 $0x20, s0  }
0x356: {  	[tilespmem:s3], [sflag:$0x1] =	stream.linear.gather [hbm4b:s1+s7], $0x80, $0x38;
	[tilespmem:$0x18880] =	vst v63  }
0x357: {  	s2 =	rddreg [dreg:$0xb];
	s0 =	sadd.s32 $0x30, s0  }
0x358: {  	[tilespmem:s2], [sflag:$0x1] =	stream.linear.gather [hbm4b:s0+s7], $0x80, $0x38;
	[tilespmem:$0x18880] =	vst v63  }
0x359: {  	s2 =	spop (v2sf)  }
0x35a: {  	s0 =	sand.u32 $0x1FFFFFC0, s2  }
0x35b: {  	s3 =	rddreg [dreg:$0xc];
	s0 =	sadd.s32 s9, s0  }
0x35c: {  	[tilespmem:s3], [sflag:$0x1] =	stream.linear.gather [hbm4b:s0+s7], $0x80, $0x38;
	[tilespmem:$0x18880] =	vst v63  }
0x35d: {  	s2 =	rddreg [dreg:$0xd];
	s1 =	sadd.s32 $0x10, s0  }
0x35e: {  	(v2sf) =	vpush v2, $0x4;
	[tilespmem:s2], [sflag:$0x1] =	stream.linear.gather [hbm4b:s1+s7], $0x80, $0x38;
	[tilespmem:$0x18880] =	vst v63  }
0x35f: {  	s3 =	rddreg [dreg:$0xe];
	s1 =	sadd.s32 $0x20, s0  }
0x360: {  	[tilespmem:s3], [sflag:$0x1] =	stream.linear.gather [hbm4b:s1+s7], $0x80, $0x38;
	[tilespmem:$0x18880] =	vst v63  }
0x361: {  	s2 =	rddreg [dreg:$0xf];
	s0 =	sadd.s32 $0x30, s0  }
0x362: {  	[tilespmem:s2], [sflag:$0x1] =	stream.linear.gather [hbm4b:s0+s7], $0x80, $0x38;
	[tilespmem:$0x18880] =	vst v63  }
0x363: {  	s2 =	spop (v2sf)  }
0x364: {  	s0 =	sand.u32 $0x1FFFFFC0, s2  }
0x365: {  	s3 =	rddreg [dreg:$0x10];
	s0 =	sadd.s32 s9, s0  }
0x366: {  	[tilespmem:s3], [sflag:$0x1] =	stream.linear.gather [hbm4b:s0+s7], $0x80, $0x38;
	[tilespmem:$0x18880] =	vst v63  }
0x367: {  	s2 =	rddreg [dreg:$0x11];
	s1 =	sadd.s32 $0x10, s0  }
0x368: {  	(v2sf) =	vpush v2, $0x5;
	[tilespmem:s2], [sflag:$0x1] =	stream.linear.gather [hbm4b:s1+s7], $0x80, $0x38;
	[tilespmem:$0x18880] =	vst v63  }
0x369: {  	s3 =	rddreg [dreg:$0x12];
	s1 =	sadd.s32 $0x20, s0  }
0x36a: {  	[tilespmem:s3], [sflag:$0x1] =	stream.linear.gather [hbm4b:s1+s7], $0x80, $0x38;
	[tilespmem:$0x18880] =	vst v63  }
0x36b: {  	s2 =	rddreg [dreg:$0x13];
	s0 =	sadd.s32 $0x30, s0  }
0x36c: {  	[tilespmem:s2], [sflag:$0x1] =	stream.linear.gather [hbm4b:s0+s7], $0x80, $0x38;
	[tilespmem:$0x18880] =	vst v63  }
0x36d: {  	s2 =	spop (v2sf)  }
0x36e: {  	s0 =	sand.u32 $0x1FFFFFC0, s2  }
0x36f: {  	s3 =	rddreg [dreg:$0x14];
	s0 =	sadd.s32 s9, s0  }
0x370: {  	[tilespmem:s3], [sflag:$0x1] =	stream.linear.gather [hbm4b:s0+s7], $0x80, $0x38;
	[tilespmem:$0x18880] =	vst v63  }
0x371: {  	s2 =	rddreg [dreg:$0x15];
	s1 =	sadd.s32 $0x10, s0  }
0x372: {  	(v2sf) =	vpush v2, $0x6;
	[tilespmem:s2], [sflag:$0x1] =	stream.linear.gather [hbm4b:s1+s7], $0x80, $0x38;
	[tilespmem:$0x18880] =	vst v63  }
0x373: {  	s3 =	rddreg [dreg:$0x16];
	s1 =	sadd.s32 $0x20, s0  }
0x374: {  	[tilespmem:s3], [sflag:$0x1] =	stream.linear.gather [hbm4b:s1+s7], $0x80, $0x38;
	[tilespmem:$0x18880] =	vst v63  }
0x375: {  	s2 =	rddreg [dreg:$0x17];
	s0 =	sadd.s32 $0x30, s0  }
0x376: {  	[tilespmem:s2], [sflag:$0x1] =	stream.linear.gather [hbm4b:s0+s7], $0x80, $0x38;
	[tilespmem:$0x18880] =	vst v63  }
0x377: {  	s2 =	spop (v2sf)  }
0x378: {  	s0 =	sand.u32 $0x1FFFFFC0, s2  }
0x379: {  	s3 =	rddreg [dreg:$0x18];
	s0 =	sadd.s32 s9, s0  }
0x37a: {  	[tilespmem:s3], [sflag:$0x1] =	stream.linear.gather [hbm4b:s0+s7], $0x80, $0x38;
	[tilespmem:$0x18880] =	vst v63  }
0x37b: {  	s2 =	rddreg [dreg:$0x19];
	s1 =	sadd.s32 $0x10, s0  }
0x37c: {  	(v2sf) =	vpush v2, $0x7;
	[tilespmem:s2], [sflag:$0x1] =	stream.linear.gather [hbm4b:s1+s7], $0x80, $0x38;
	[tilespmem:$0x18880] =	vst v63  }
0x37d: {  	s3 =	rddreg [dreg:$0x1a];
	s1 =	sadd.s32 $0x20, s0  }
0x37e: {  	[tilespmem:s3], [sflag:$0x1] =	stream.linear.gather [hbm4b:s1+s7], $0x80, $0x38;
	[tilespmem:$0x18880] =	vst v63  }
0x37f: {  	s2 =	rddreg [dreg:$0x1b];
	s0 =	sadd.s32 $0x30, s0  }
0x380: {  	[tilespmem:s2], [sflag:$0x1] =	stream.linear.gather [hbm4b:s0+s7], $0x80, $0x38;
	[tilespmem:$0x18880] =	vst v63  }
0x381: {  	s2 =	spop (v2sf)  }
0x382: {  	s0 =	sand.u32 $0x1FFFFFC0, s2  }
0x383: {  	s3 =	rddreg [dreg:$0x1c];
	s0 =	sadd.s32 s9, s0  }
0x384: {  	[tilespmem:s3], [sflag:$0x1] =	stream.linear.gather [hbm4b:s0+s7], $0x80, $0x38;
	[tilespmem:$0x18880] =	vst v63  }
0x385: {  	s2 =	rddreg [dreg:$0x1d];
	s1 =	sadd.s32 $0x10, s0  }
0x386: {  	[tilespmem:s2], [sflag:$0x1] =	stream.linear.gather [hbm4b:s1+s7], $0x80, $0x38;
	[tilespmem:$0x18880] =	vst v63  }
0x387: {  	s3 =	rddreg [dreg:$0x1e];
	s1 =	sadd.s32 $0x20, s0  }
0x388: {  	[tilespmem:s3], [sflag:$0x1] =	stream.linear.gather [hbm4b:s1+s7], $0x80, $0x38;
	[tilespmem:$0x18880] =	vst v63  }
0x389: {  	s2 =	rddreg [dreg:$0x1f];
	s0 =	sadd.s32 $0x30, s0  }
0x38a: {  	[tilespmem:s2], [sflag:$0x1] =	stream.linear.gather [hbm4b:s0+s7], $0x80, $0x38;
	[tilespmem:$0x18880] =	vst v63  }
0x38b: {  	s3 =	sld [smem:$0x612];
	s2 =	spop (v2sf)  }
0x38c: {  	s0 =	sand.u32 $0x1FFFFFC0, s2  }
0x38d: {  	s2 =	sld [smem:$0x613];
	s0 =	sadd.s32 s9, s0  }
0x38e: {  	[tilespmem:s3], [sflag:$0x1] =	stream.linear.gather [hbm4b:s0+s7], $0x80, $0x38;
	[tilespmem:$0x18880] =	vst v63  }
0x38f: {  	s1 =	sadd.s32 $0x10, s0;
	s3 =	sld [smem:$0x614]  }
0x390: {  	[tilespmem:s2], [sflag:$0x1] =	stream.linear.gather [hbm4b:s1+s7], $0x80, $0x38;
	[tilespmem:$0x18880] =	vst v63  }
0x391: {  	s1 =	sadd.s32 $0x20, s0;
	s2 =	sld [smem:$0x615]  }
0x392: {  	[tilespmem:s3], [sflag:$0x1] =	stream.linear.gather [hbm4b:s1+s7], $0x80, $0x38;
	[tilespmem:$0x18880] =	vst v63  }
0x393: {  	s0 =	sadd.s32 $0x30, s0  }
0x394: {  	[tilespmem:s2], [sflag:$0x1] =	stream.linear.gather [hbm4b:s0+s7], $0x80, $0x38;
	[tilespmem:$0x18880] =	vst v63  }
0x395: {  	v2 =	vld [tilespmem:s24+$0x220];
	_ =	sdelay $0x4  }
0x396: {  	v2 =	vshll.u32 v2, $0x6  }
0x397: {  	(v2sf) =	vpush v2, $0x0;
	_ =	sdelay $0x7  }
0x398: {  	(v2sf) =	vpush v2, $0x1;
	_ =	sdelay $0x6  }
0x399: {  	s2 =	spop (v2sf)  }
0x39a: {  	s0 =	sand.u32 $0x1FFFFFC0, s2  }
0x39b: {  	s3 =	simm.s32 $0x900;
	(v2sf) =	vpush v2, $0x2;
	s0 =	sadd.s32 s9, s0  }
0x39c: {  	[tilespmem:s3], [sflag:$0x1] =	stream.linear.gather [hbm4b:s0+s7], $0x80, $0x38;
	[tilespmem:$0x18880] =	vst v63  }
0x39d: {  	s2 =	sadd.s32 $0x10, s0;
	s3 =	simm.s32 $0xB00  }
0x39e: {  	[tilespmem:s3], [sflag:$0x1] =	stream.linear.gather [hbm4b:s2+s7], $0x80, $0x38;
	[tilespmem:$0x18880] =	vst v63  }
0x39f: {  	s2 =	sadd.s32 $0x20, s0;
	s3 =	simm.s32 $0xD00  }
0x3a0: {  	[tilespmem:s3], [sflag:$0x1] =	stream.linear.gather [hbm4b:s2+s7], $0x80, $0x38;
	[tilespmem:$0x18880] =	vst v63  }
0x3a1: {  	s0 =	sadd.s32 $0x30, s0;
	s3 =	simm.s32 $0xF00;
	s2 =	spop (v2sf)  }
0x3a2: {  	[tilespmem:s3], [sflag:$0x1] =	stream.linear.gather [hbm4b:s0+s7], $0x80, $0x38;
	[tilespmem:$0x18880] =	vst v63  }
0x3a3: {  	s0 =	sand.u32 $0x1FFFFFC0, s2  }
0x3a4: {  	(v2sf) =	vpush v2, $0x3;
	s3 =	simm.s32 $0x1100;
	s0 =	sadd.s32 s9, s0  }
0x3a5: {  	[tilespmem:s3], [sflag:$0x1] =	stream.linear.gather [hbm4b:s0+s7], $0x80, $0x38;
	[tilespmem:$0x18880] =	vst v63  }
0x3a6: {  	s2 =	sadd.s32 $0x10, s0;
	s3 =	simm.s32 $0x1300  }
0x3a7: {  	[tilespmem:s3], [sflag:$0x1] =	stream.linear.gather [hbm4b:s2+s7], $0x80, $0x38;
	[tilespmem:$0x18880] =	vst v63  }
0x3a8: {  	s2 =	sadd.s32 $0x20, s0;
	s3 =	simm.s32 $0x1500  }
0x3a9: {  	[tilespmem:s3], [sflag:$0x1] =	stream.linear.gather [hbm4b:s2+s7], $0x80, $0x38;
	[tilespmem:$0x18880] =	vst v63  }
0x3aa: {  	s0 =	sadd.s32 $0x30, s0;
	s3 =	simm.s32 $0x1700;
	s2 =	spop (v2sf)  }
0x3ab: {  	[tilespmem:s3], [sflag:$0x1] =	stream.linear.gather [hbm4b:s0+s7], $0x80, $0x38;
	[tilespmem:$0x18880] =	vst v63  }
0x3ac: {  	s0 =	sand.u32 $0x1FFFFFC0, s2  }
0x3ad: {  	s3 =	simm.s32 $0x1900;
	s0 =	sadd.s32 s9, s0  }
0x3ae: {  	[tilespmem:s3], [sflag:$0x1] =	stream.linear.gather [hbm4b:s0+s7], $0x80, $0x38;
	[tilespmem:$0x18880] =	vst v63  }
0x3af: {  	s2 =	sadd.s32 $0x10, s0;
	s3 =	simm.s32 $0x1B00  }
0x3b0: {  	[tilespmem:s3], [sflag:$0x1] =	stream.linear.gather [hbm4b:s2+s7], $0x80, $0x38;
	[tilespmem:$0x18880] =	vst v63  }
0x3b1: {  	s2 =	sadd.s32 $0x20, s0;
	s3 =	simm.s32 $0x1D00  }
0x3b2: {  	[tilespmem:s3], [sflag:$0x1] =	stream.linear.gather [hbm4b:s2+s7], $0x80, $0x38;
	[tilespmem:$0x18880] =	vst v63  }
0x3b3: {  	s0 =	sadd.s32 $0x30, s0;
	s3 =	simm.s32 $0x1F00;
	s2 =	spop (v2sf)  }
0x3b4: {  	[tilespmem:s3], [sflag:$0x1] =	stream.linear.gather [hbm4b:s0+s7], $0x80, $0x38;
	[tilespmem:$0x18880] =	vst v63  }
0x3b5: {  	s0 =	sand.u32 $0x1FFFFFC0, s2  }
0x3b6: {  	s3 =	simm.s32 $0x2100;
	s0 =	sadd.s32 s9, s0  }
0x3b7: {  	[tilespmem:s3], [sflag:$0x1] =	stream.linear.gather [hbm4b:s0+s7], $0x80, $0x38;
	[tilespmem:$0x18880] =	vst v63  }
0x3b8: {  	(v2sf) =	vpush v2, $0x4;
	_ =	sdelay $0x7  }
0x3b9: {  	(v2sf) =	vpush v2, $0x5  }
0x3ba: {  	s2 =	sadd.s32 $0x10, s0;
	s3 =	simm.s32 $0x2300  }
0x3bb: {  	[tilespmem:s3], [sflag:$0x1] =	stream.linear.gather [hbm4b:s2+s7], $0x80, $0x38;
	[tilespmem:$0x18880] =	vst v63  }
0x3bc: {  	s2 =	sadd.s32 $0x20, s0;
	s3 =	simm.s32 $0x2500  }
0x3bd: {  	[tilespmem:s3], [sflag:$0x1] =	stream.linear.gather [hbm4b:s2+s7], $0x80, $0x38;
	[tilespmem:$0x18880] =	vst v63  }
0x3be: {  	s0 =	sadd.s32 $0x30, s0;
	s3 =	simm.s32 $0x2700  }
0x3bf: {  	[tilespmem:s3], [sflag:$0x1] =	stream.linear.gather [hbm4b:s0+s7], $0x80, $0x38;
	[tilespmem:$0x18880] =	vst v63  }
0x3c0: {  	s2 =	spop (v2sf)  }
0x3c1: {  	s0 =	sand.u32 $0x1FFFFFC0, s2  }
0x3c2: {  	s3 =	simm.s32 $0x2900;
	(v2sf) =	vpush v2, $0x6;
	s0 =	sadd.s32 s9, s0  }
0x3c3: {  	[tilespmem:s3], [sflag:$0x1] =	stream.linear.gather [hbm4b:s0+s7], $0x80, $0x38;
	[tilespmem:$0x18880] =	vst v63  }
0x3c4: {  	s2 =	sadd.s32 $0x10, s0;
	s3 =	simm.s32 $0x2B00  }
0x3c5: {  	[tilespmem:s3], [sflag:$0x1] =	stream.linear.gather [hbm4b:s2+s7], $0x80, $0x38;
	[tilespmem:$0x18880] =	vst v63  }
0x3c6: {  	s2 =	sadd.s32 $0x20, s0;
	s3 =	simm.s32 $0x2D00  }
0x3c7: {  	[tilespmem:s3], [sflag:$0x1] =	stream.linear.gather [hbm4b:s2+s7], $0x80, $0x38;
	[tilespmem:$0x18880] =	vst v63  }
0x3c8: {  	s0 =	sadd.s32 $0x30, s0;
	s3 =	simm.s32 $0x2F00;
	s2 =	spop (v2sf)  }
0x3c9: {  	[tilespmem:s3], [sflag:$0x1] =	stream.linear.gather [hbm4b:s0+s7], $0x80, $0x38;
	[tilespmem:$0x18880] =	vst v63  }
0x3ca: {  	s0 =	sand.u32 $0x1FFFFFC0, s2  }
0x3cb: {  	(v2sf) =	vpush v2, $0x7;
	s3 =	simm.s32 $0x3100;
	s0 =	sadd.s32 s9, s0  }
0x3cc: {  	[tilespmem:s3], [sflag:$0x1] =	stream.linear.gather [hbm4b:s0+s7], $0x80, $0x38;
	[tilespmem:$0x18880] =	vst v63  }
0x3cd: {  	s2 =	sadd.s32 $0x10, s0;
	s3 =	simm.s32 $0x3300  }
0x3ce: {  	[tilespmem:s3], [sflag:$0x1] =	stream.linear.gather [hbm4b:s2+s7], $0x80, $0x38;
	[tilespmem:$0x18880] =	vst v63  }
0x3cf: {  	s2 =	sadd.s32 $0x20, s0;
	s3 =	simm.s32 $0x3500  }
0x3d0: {  	[tilespmem:s3], [sflag:$0x1] =	stream.linear.gather [hbm4b:s2+s7], $0x80, $0x38;
	[tilespmem:$0x18880] =	vst v63  }
0x3d1: {  	s0 =	sadd.s32 $0x30, s0;
	s3 =	simm.s32 $0x3700;
	s2 =	spop (v2sf)  }
0x3d2: {  	[tilespmem:s3], [sflag:$0x1] =	stream.linear.gather [hbm4b:s0+s7], $0x80, $0x38;
	[tilespmem:$0x18880] =	vst v63  }
0x3d3: {  	s0 =	sand.u32 $0x1FFFFFC0, s2  }
0x3d4: {  	(v2sf) =	vpush v2, $0x8;
	s3 =	simm.s32 $0x3900;
	s0 =	sadd.s32 s9, s0  }
0x3d5: {  	[tilespmem:s3], [sflag:$0x1] =	stream.linear.gather [hbm4b:s0+s7], $0x80, $0x38;
	[tilespmem:$0x18880] =	vst v63  }
0x3d6: {  	s2 =	sadd.s32 $0x10, s0;
	s3 =	simm.s32 $0x3B00  }
0x3d7: {  	[tilespmem:s3], [sflag:$0x1] =	stream.linear.gather [hbm4b:s2+s7], $0x80, $0x38;
	[tilespmem:$0x18880] =	vst v63  }
0x3d8: {  	s2 =	sadd.s32 $0x20, s0;
	s3 =	simm.s32 $0x3D00  }
0x3d9: {  	[tilespmem:s3], [sflag:$0x1] =	stream.linear.gather [hbm4b:s2+s7], $0x80, $0x38;
	[tilespmem:$0x18880] =	vst v63  }
0x3da: {  	s0 =	sadd.s32 $0x30, s0;
	s3 =	simm.s32 $0x3F00;
	s2 =	spop (v2sf)  }
0x3db: {  	[tilespmem:s3], [sflag:$0x1] =	stream.linear.gather [hbm4b:s0+s7], $0x80, $0x38;
	[tilespmem:$0x18880] =	vst v63  }
0x3dc: {  	s0 =	sand.u32 $0x1FFFFFC0, s2  }
0x3dd: {  	(v2sf) =	vpush v2, $0x9;
	s3 =	simm.s32 $0x4100;
	s0 =	sadd.s32 s9, s0  }
0x3de: {  	[tilespmem:s3], [sflag:$0x1] =	stream.linear.gather [hbm4b:s0+s7], $0x80, $0x38;
	[tilespmem:$0x18880] =	vst v63  }
0x3df: {  	s2 =	sadd.s32 $0x10, s0;
	s3 =	simm.s32 $0x4300  }
0x3e0: {  	[tilespmem:s3], [sflag:$0x1] =	stream.linear.gather [hbm4b:s2+s7], $0x80, $0x38;
	[tilespmem:$0x18880] =	vst v63  }
0x3e1: {  	s2 =	sadd.s32 $0x20, s0;
	s3 =	simm.s32 $0x4500  }
0x3e2: {  	[tilespmem:s3], [sflag:$0x1] =	stream.linear.gather [hbm4b:s2+s7], $0x80, $0x38;
	[tilespmem:$0x18880] =	vst v63  }
0x3e3: {  	s0 =	sadd.s32 $0x30, s0;
	s3 =	simm.s32 $0x4700;
	s2 =	spop (v2sf)  }
0x3e4: {  	[tilespmem:s3], [sflag:$0x1] =	stream.linear.gather [hbm4b:s0+s7], $0x80, $0x38;
	[tilespmem:$0x18880] =	vst v63  }
0x3e5: {  	s0 =	sand.u32 $0x1FFFFFC0, s2  }
0x3e6: {  	(v2sf) =	vpush v2, $0xA;
	s3 =	simm.s32 $0x4900;
	s0 =	sadd.s32 s9, s0  }
0x3e7: {  	[tilespmem:s3], [sflag:$0x1] =	stream.linear.gather [hbm4b:s0+s7], $0x80, $0x38;
	[tilespmem:$0x18880] =	vst v63  }
0x3e8: {  	s2 =	sadd.s32 $0x10, s0;
	s3 =	simm.s32 $0x4B00  }
0x3e9: {  	[tilespmem:s3], [sflag:$0x1] =	stream.linear.gather [hbm4b:s2+s7], $0x80, $0x38;
	[tilespmem:$0x18880] =	vst v63  }
0x3ea: {  	s2 =	sadd.s32 $0x20, s0;
	s3 =	simm.s32 $0x4D00  }
0x3eb: {  	[tilespmem:s3], [sflag:$0x1] =	stream.linear.gather [hbm4b:s2+s7], $0x80, $0x38;
	[tilespmem:$0x18880] =	vst v63  }
0x3ec: {  	s0 =	sadd.s32 $0x30, s0;
	s3 =	simm.s32 $0x4F00;
	s2 =	spop (v2sf)  }
0x3ed: {  	[tilespmem:s3], [sflag:$0x1] =	stream.linear.gather [hbm4b:s0+s7], $0x80, $0x38;
	[tilespmem:$0x18880] =	vst v63  }
0x3ee: {  	s0 =	sand.u32 $0x1FFFFFC0, s2  }
0x3ef: {  	(v2sf) =	vpush v2, $0xB;
	s3 =	simm.s32 $0x5100;
	s0 =	sadd.s32 s9, s0  }
0x3f0: {  	[tilespmem:s3], [sflag:$0x1] =	stream.linear.gather [hbm4b:s0+s7], $0x80, $0x38;
	[tilespmem:$0x18880] =	vst v63  }
0x3f1: {  	s2 =	sadd.s32 $0x10, s0;
	s3 =	simm.s32 $0x5300  }
0x3f2: {  	[tilespmem:s3], [sflag:$0x1] =	stream.linear.gather [hbm4b:s2+s7], $0x80, $0x38;
	[tilespmem:$0x18880] =	vst v63  }
0x3f3: {  	s2 =	sadd.s32 $0x20, s0;
	s3 =	simm.s32 $0x5500  }
0x3f4: {  	[tilespmem:s3], [sflag:$0x1] =	stream.linear.gather [hbm4b:s2+s7], $0x80, $0x38;
	[tilespmem:$0x18880] =	vst v63  }
0x3f5: {  	s0 =	sadd.s32 $0x30, s0;
	s3 =	simm.s32 $0x5700;
	s2 =	spop (v2sf)  }
0x3f6: {  	[tilespmem:s3], [sflag:$0x1] =	stream.linear.gather [hbm4b:s0+s7], $0x80, $0x38;
	[tilespmem:$0x18880] =	vst v63  }
0x3f7: {  	s0 =	sand.u32 $0x1FFFFFC0, s2  }
0x3f8: {  	(v2sf) =	vpush v2, $0xC;
	s3 =	simm.s32 $0x5900;
	s0 =	sadd.s32 s9, s0  }
0x3f9: {  	[tilespmem:s3], [sflag:$0x1] =	stream.linear.gather [hbm4b:s0+s7], $0x80, $0x38;
	[tilespmem:$0x18880] =	vst v63  }
0x3fa: {  	s2 =	sadd.s32 $0x10, s0;
	s3 =	simm.s32 $0x5B00  }
0x3fb: {  	[tilespmem:s3], [sflag:$0x1] =	stream.linear.gather [hbm4b:s2+s7], $0x80, $0x38;
	[tilespmem:$0x18880] =	vst v63  }
0x3fc: {  	s2 =	sadd.s32 $0x20, s0;
	s3 =	simm.s32 $0x5D00  }
0x3fd: {  	[tilespmem:s3], [sflag:$0x1] =	stream.linear.gather [hbm4b:s2+s7], $0x80, $0x38;
	[tilespmem:$0x18880] =	vst v63  }
0x3fe: {  	s0 =	sadd.s32 $0x30, s0;
	s3 =	simm.s32 $0x5F00;
	s2 =	spop (v2sf)  }
0x3ff: {  	[tilespmem:s3], [sflag:$0x1] =	stream.linear.gather [hbm4b:s0+s7], $0x80, $0x38;
	[tilespmem:$0x18880] =	vst v63  }
0x400: {  	s0 =	sand.u32 $0x1FFFFFC0, s2  }
0x401: {  	(v2sf) =	vpush v2, $0xD;
	s3 =	simm.s32 $0x6100;
	s0 =	sadd.s32 s9, s0  }
0x402: {  	[tilespmem:s3], [sflag:$0x1] =	stream.linear.gather [hbm4b:s0+s7], $0x80, $0x38;
	[tilespmem:$0x18880] =	vst v63  }
0x403: {  	s2 =	sadd.s32 $0x10, s0;
	s3 =	simm.s32 $0x6300  }
0x404: {  	[tilespmem:s3], [sflag:$0x1] =	stream.linear.gather [hbm4b:s2+s7], $0x80, $0x38;
	[tilespmem:$0x18880] =	vst v63  }
0x405: {  	s2 =	sadd.s32 $0x20, s0;
	s3 =	simm.s32 $0x6500  }
0x406: {  	[tilespmem:s3], [sflag:$0x1] =	stream.linear.gather [hbm4b:s2+s7], $0x80, $0x38;
	[tilespmem:$0x18880] =	vst v63  }
0x407: {  	s0 =	sadd.s32 $0x30, s0;
	s3 =	simm.s32 $0x6700;
	s2 =	spop (v2sf)  }
0x408: {  	[tilespmem:s3], [sflag:$0x1] =	stream.linear.gather [hbm4b:s0+s7], $0x80, $0x38;
	[tilespmem:$0x18880] =	vst v63  }
0x409: {  	s0 =	sand.u32 $0x1FFFFFC0, s2  }
0x40a: {  	(v2sf) =	vpush v2, $0xE;
	s3 =	simm.s32 $0x6900;
	s0 =	sadd.s32 s9, s0  }
0x40b: {  	[tilespmem:s3], [sflag:$0x1] =	stream.linear.gather [hbm4b:s0+s7], $0x80, $0x38;
	[tilespmem:$0x18880] =	vst v63  }
0x40c: {  	s2 =	sadd.s32 $0x10, s0;
	s3 =	simm.s32 $0x6B00  }
0x40d: {  	[tilespmem:s3], [sflag:$0x1] =	stream.linear.gather [hbm4b:s2+s7], $0x80, $0x38;
	[tilespmem:$0x18880] =	vst v63  }
0x40e: {  	s2 =	sadd.s32 $0x20, s0;
	s3 =	simm.s32 $0x6D00  }
0x40f: {  	[tilespmem:s3], [sflag:$0x1] =	stream.linear.gather [hbm4b:s2+s7], $0x80, $0x38;
	[tilespmem:$0x18880] =	vst v63  }
0x410: {  	s0 =	sadd.s32 $0x30, s0;
	s3 =	simm.s32 $0x6F00;
	s2 =	spop (v2sf)  }
0x411: {  	[tilespmem:s3], [sflag:$0x1] =	stream.linear.gather [hbm4b:s0+s7], $0x80, $0x38;
	[tilespmem:$0x18880] =	vst v63  }
0x412: {  	s0 =	sand.u32 $0x1FFFFFC0, s2  }
0x413: {  	(v2sf) =	vpush v2, $0xF;
	s3 =	simm.s32 $0x7100;
	s0 =	sadd.s32 s9, s0  }
0x414: {  	[tilespmem:s3], [sflag:$0x1] =	stream.linear.gather [hbm4b:s0+s7], $0x80, $0x38;
	[tilespmem:$0x18880] =	vst v63  }
0x415: {  	s2 =	sadd.s32 $0x10, s0;
	s3 =	simm.s32 $0x7300  }
0x416: {  	[tilespmem:s3], [sflag:$0x1] =	stream.linear.gather [hbm4b:s2+s7], $0x80, $0x38;
	[tilespmem:$0x18880] =	vst v63  }
0x417: {  	s2 =	sadd.s32 $0x20, s0;
	s3 =	simm.s32 $0x7500  }
0x418: {  	[tilespmem:s3], [sflag:$0x1] =	stream.linear.gather [hbm4b:s2+s7], $0x80, $0x38;
	[tilespmem:$0x18880] =	vst v63  }
0x419: {  	s0 =	sadd.s32 $0x30, s0;
	s3 =	simm.s32 $0x7700;
	s2 =	spop (v2sf)  }
0x41a: {  	[tilespmem:s3], [sflag:$0x1] =	stream.linear.gather [hbm4b:s0+s7], $0x80, $0x38;
	[tilespmem:$0x18880] =	vst v63  }
0x41b: {  	s0 =	sand.u32 $0x1FFFFFC0, s2  }
0x41c: {  	s3 =	simm.s32 $0x7900;
	s0 =	sadd.s32 s9, s0  }
0x41d: {  	[tilespmem:s3], [sflag:$0x1] =	stream.linear.gather [hbm4b:s0+s7], $0x80, $0x38;
	[tilespmem:$0x18880] =	vst v63  }
0x41e: {  	s2 =	sadd.s32 $0x10, s0;
	s3 =	simm.s32 $0x7B00  }
0x41f: {  	[tilespmem:s3], [sflag:$0x1] =	stream.linear.gather [hbm4b:s2+s7], $0x80, $0x38;
	[tilespmem:$0x18880] =	vst v63  }
0x420: {  	s2 =	sadd.s32 $0x20, s0;
	s3 =	simm.s32 $0x7D00  }
0x421: {  	[tilespmem:s3], [sflag:$0x1] =	stream.linear.gather [hbm4b:s2+s7], $0x80, $0x38;
	[tilespmem:$0x18880] =	vst v63  }
0x422: {  	s0 =	sadd.s32 $0x30, s0;
	s3 =	simm.s32 $0x7F00;
	s2 =	spop (v2sf)  }
0x423: {  	[tilespmem:s3], [sflag:$0x1] =	stream.linear.gather [hbm4b:s0+s7], $0x80, $0x38;
	[tilespmem:$0x18880] =	vst v63  }
0x424: {  	s0 =	sand.u32 $0x1FFFFFC0, s2  }
0x425: {  	s3 =	simm.s32 $0x8100;
	s0 =	sadd.s32 s9, s0  }
0x426: {  	[tilespmem:s3], [sflag:$0x1] =	stream.linear.gather [hbm4b:s0+s7], $0x80, $0x38;
	[tilespmem:$0x18880] =	vst v63  }
0x427: {  	s2 =	sadd.s32 $0x10, s0;
	s3 =	simm.s32 $0x8300  }
0x428: {  	[tilespmem:s3], [sflag:$0x1] =	stream.linear.gather [hbm4b:s2+s7], $0x80, $0x38;
	[tilespmem:$0x18880] =	vst v63  }
0x429: {  	s2 =	sadd.s32 $0x20, s0;
	s3 =	simm.s32 $0x8500  }
0x42a: {  	[tilespmem:s3], [sflag:$0x1] =	stream.linear.gather [hbm4b:s2+s7], $0x80, $0x38;
	[tilespmem:$0x18880] =	vst v63  }
0x42b: {  	s0 =	sadd.s32 $0x30, s0;
	s3 =	simm.s32 $0x8700  }
0x42c: {  	[tilespmem:s3], [sflag:$0x1] =	stream.linear.gather [hbm4b:s0+s7], $0x80, $0x38;
	[tilespmem:$0x18880] =	vst v63  }
0x42d: {  	v2 =	vld.msk [tilespmem:s24+$0x230], $0xff;
	_ =	sdelay $0x4  }
0x42e: {  	v2 =	vshll.u32 v2, $0x6  }
0x42f: {  	(v2sf) =	vpush v2, $0x0;
	_ =	sdelay $0x9  }
0x430: {  	(v2sf) =	vpush v2, $0x1;
	_ =	sdelay $0x4  }
0x431: {  	s3 =	sld [smem:$0x616];
	s2 =	spop (v2sf)  }
0x432: {  	s0 =	sand.u32 $0x1FFFFFC0, s2  }
0x433: {  	s2 =	sld [smem:$0x617];
	s0 =	sadd.s32 s9, s0  }
0x434: {  	[tilespmem:s3], [sflag:$0x1] =	stream.linear.gather [hbm4b:s0+s7], $0x80, $0x38;
	[tilespmem:$0x18880] =	vst v63  }
0x435: {  	s1 =	sadd.s32 $0x10, s0;
	s3 =	sld [smem:$0x618]  }
0x436: {  	(v2sf) =	vpush v2, $0x2;
	[tilespmem:s2], [sflag:$0x1] =	stream.linear.gather [hbm4b:s1+s7], $0x80, $0x38;
	[tilespmem:$0x18880] =	vst v63  }
0x437: {  	s1 =	sadd.s32 $0x20, s0;
	s2 =	sld [smem:$0x619]  }
0x438: {  	[tilespmem:s3], [sflag:$0x1] =	stream.linear.gather [hbm4b:s1+s7], $0x80, $0x38;
	[tilespmem:$0x18880] =	vst v63  }
0x439: {  	s0 =	sadd.s32 $0x30, s0  }
0x43a: {  	[tilespmem:s2], [sflag:$0x1] =	stream.linear.gather [hbm4b:s0+s7], $0x80, $0x38;
	[tilespmem:$0x18880] =	vst v63  }
0x43b: {  	s3 =	sld [smem:$0x61A];
	s2 =	spop (v2sf)  }
0x43c: {  	s0 =	sand.u32 $0x1FFFFFC0, s2  }
0x43d: {  	s2 =	sld [smem:$0x61B];
	s0 =	sadd.s32 s9, s0  }
0x43e: {  	[tilespmem:s3], [sflag:$0x1] =	stream.linear.gather [hbm4b:s0+s7], $0x80, $0x38;
	[tilespmem:$0x18880] =	vst v63  }
0x43f: {  	s1 =	sadd.s32 $0x10, s0;
	s3 =	sld [smem:$0x61C]  }
0x440: {  	(v2sf) =	vpush v2, $0x3;
	[tilespmem:s2], [sflag:$0x1] =	stream.linear.gather [hbm4b:s1+s7], $0x80, $0x38;
	[tilespmem:$0x18880] =	vst v63  }
0x441: {  	s1 =	sadd.s32 $0x20, s0;
	s2 =	sld [smem:$0x61D]  }
0x442: {  	[tilespmem:s3], [sflag:$0x1] =	stream.linear.gather [hbm4b:s1+s7], $0x80, $0x38;
	[tilespmem:$0x18880] =	vst v63  }
0x443: {  	s0 =	sadd.s32 $0x30, s0  }
0x444: {  	[tilespmem:s2], [sflag:$0x1] =	stream.linear.gather [hbm4b:s0+s7], $0x80, $0x38;
	[tilespmem:$0x18880] =	vst v63  }
0x445: {  	s3 =	sld [smem:$0x61E];
	s2 =	spop (v2sf)  }
0x446: {  	s0 =	sand.u32 $0x1FFFFFC0, s2  }
0x447: {  	s2 =	sld [smem:$0x61F];
	s0 =	sadd.s32 s9, s0  }
0x448: {  	[tilespmem:s3], [sflag:$0x1] =	stream.linear.gather [hbm4b:s0+s7], $0x80, $0x38;
	[tilespmem:$0x18880] =	vst v63  }
0x449: {  	s1 =	sadd.s32 $0x10, s0;
	s3 =	sld [smem:$0x620]  }
0x44a: {  	(v2sf) =	vpush v2, $0x4;
	[tilespmem:s2], [sflag:$0x1] =	stream.linear.gather [hbm4b:s1+s7], $0x80, $0x38;
	[tilespmem:$0x18880] =	vst v63  }
0x44b: {  	s1 =	sadd.s32 $0x20, s0;
	s2 =	sld [smem:$0x621]  }
0x44c: {  	[tilespmem:s3], [sflag:$0x1] =	stream.linear.gather [hbm4b:s1+s7], $0x80, $0x38;
	[tilespmem:$0x18880] =	vst v63  }
0x44d: {  	s0 =	sadd.s32 $0x30, s0  }
0x44e: {  	[tilespmem:s2], [sflag:$0x1] =	stream.linear.gather [hbm4b:s0+s7], $0x80, $0x38;
	[tilespmem:$0x18880] =	vst v63  }
0x44f: {  	s3 =	sld [smem:$0x622];
	s2 =	spop (v2sf)  }
0x450: {  	s0 =	sand.u32 $0x1FFFFFC0, s2  }
0x451: {  	s2 =	sld [smem:$0x623];
	s0 =	sadd.s32 s9, s0  }
0x452: {  	[tilespmem:s3], [sflag:$0x1] =	stream.linear.gather [hbm4b:s0+s7], $0x80, $0x38;
	[tilespmem:$0x18880] =	vst v63  }
0x453: {  	s1 =	sadd.s32 $0x10, s0;
	s3 =	sld [smem:$0x624]  }
0x454: {  	(v2sf) =	vpush v2, $0x5;
	[tilespmem:s2], [sflag:$0x1] =	stream.linear.gather [hbm4b:s1+s7], $0x80, $0x38;
	[tilespmem:$0x18880] =	vst v63  }
0x455: {  	s1 =	sadd.s32 $0x20, s0;
	s2 =	sld [smem:$0x625]  }
0x456: {  	[tilespmem:s3], [sflag:$0x1] =	stream.linear.gather [hbm4b:s1+s7], $0x80, $0x38;
	[tilespmem:$0x18880] =	vst v63  }
0x457: {  	s0 =	sadd.s32 $0x30, s0  }
0x458: {  	[tilespmem:s2], [sflag:$0x1] =	stream.linear.gather [hbm4b:s0+s7], $0x80, $0x38;
	[tilespmem:$0x18880] =	vst v63  }
0x459: {  	s3 =	sld [smem:$0x626];
	s2 =	spop (v2sf)  }
0x45a: {  	s0 =	sand.u32 $0x1FFFFFC0, s2  }
0x45b: {  	s2 =	sld [smem:$0x627];
	s0 =	sadd.s32 s9, s0  }
0x45c: {  	[tilespmem:s3], [sflag:$0x1] =	stream.linear.gather [hbm4b:s0+s7], $0x80, $0x38;
	[tilespmem:$0x18880] =	vst v63  }
0x45d: {  	s1 =	sadd.s32 $0x10, s0;
	s3 =	sld [smem:$0x628]  }
0x45e: {  	(v2sf) =	vpush v2, $0x6;
	[tilespmem:s2], [sflag:$0x1] =	stream.linear.gather [hbm4b:s1+s7], $0x80, $0x38;
	[tilespmem:$0x18880] =	vst v63  }
0x45f: {  	s1 =	sadd.s32 $0x20, s0;
	s2 =	sld [smem:$0x629]  }
0x460: {  	[tilespmem:s3], [sflag:$0x1] =	stream.linear.gather [hbm4b:s1+s7], $0x80, $0x38;
	[tilespmem:$0x18880] =	vst v63  }
0x461: {  	s0 =	sadd.s32 $0x30, s0  }
0x462: {  	[tilespmem:s2], [sflag:$0x1] =	stream.linear.gather [hbm4b:s0+s7], $0x80, $0x38;
	[tilespmem:$0x18880] =	vst v63  }
0x463: {  	s3 =	sld [smem:$0x62A];
	s2 =	spop (v2sf)  }
0x464: {  	s0 =	sand.u32 $0x1FFFFFC0, s2  }
0x465: {  	s2 =	sld [smem:$0x62B];
	s0 =	sadd.s32 s9, s0  }
0x466: {  	[tilespmem:s3], [sflag:$0x1] =	stream.linear.gather [hbm4b:s0+s7], $0x80, $0x38;
	[tilespmem:$0x18880] =	vst v63  }
0x467: {  	s1 =	sadd.s32 $0x10, s0;
	s3 =	sld [smem:$0x62C]  }
0x468: {  	(v2sf) =	vpush v2, $0x7;
	[tilespmem:s2], [sflag:$0x1] =	stream.linear.gather [hbm4b:s1+s7], $0x80, $0x38;
	[tilespmem:$0x18880] =	vst v63  }
0x469: {  	s1 =	sadd.s32 $0x20, s0;
	s2 =	sld [smem:$0x62D]  }
0x46a: {  	[tilespmem:s3], [sflag:$0x1] =	stream.linear.gather [hbm4b:s1+s7], $0x80, $0x38;
	[tilespmem:$0x18880] =	vst v63  }
0x46b: {  	s0 =	sadd.s32 $0x30, s0  }
0x46c: {  	[tilespmem:s2], [sflag:$0x1] =	stream.linear.gather [hbm4b:s0+s7], $0x80, $0x38;
	[tilespmem:$0x18880] =	vst v63  }
0x46d: {  	s3 =	sld [smem:$0x62E];
	s2 =	spop (v2sf)  }
0x46e: {  	s0 =	sand.u32 $0x1FFFFFC0, s2  }
0x46f: {  	s2 =	sld [smem:$0x62F];
	s0 =	sadd.s32 s9, s0  }
0x470: {  	[tilespmem:s3], [sflag:$0x1] =	stream.linear.gather [hbm4b:s0+s7], $0x80, $0x38;
	[tilespmem:$0x18880] =	vst v63  }
0x471: {  	s1 =	sadd.s32 $0x10, s0;
	s3 =	sld [smem:$0x630]  }
0x472: {  	[tilespmem:s2], [sflag:$0x1] =	stream.linear.gather [hbm4b:s1+s7], $0x80, $0x38;
	[tilespmem:$0x18880] =	vst v63  }
0x473: {  	s1 =	sadd.s32 $0x20, s0;
	s2 =	sld [smem:$0x631]  }
0x474: {  	[tilespmem:s3], [sflag:$0x1] =	stream.linear.gather [hbm4b:s1+s7], $0x80, $0x38;
	[tilespmem:$0x18880] =	vst v63  }
0x475: {  	s0 =	sadd.s32 $0x30, s0  }
0x476: {  	[tilespmem:s2], [sflag:$0x1] =	stream.linear.gather [hbm4b:s0+s7], $0x80, $0x38;
	[tilespmem:$0x18880] =	vst v63  }
0x477: {  	s3 =	sld [smem:$0x632];
	s2 =	spop (v2sf)  }
0x478: {  	s0 =	sand.u32 $0x1FFFFFC0, s2  }
0x479: {  	s2 =	sld [smem:$0x633];
	s0 =	sadd.s32 s9, s0  }
0x47a: {  	[tilespmem:s3], [sflag:$0x1] =	stream.linear.gather [hbm4b:s0+s7], $0x80, $0x38;
	[tilespmem:$0x18880] =	vst v63  }
0x47b: {  	s1 =	sadd.s32 $0x10, s0;
	s3 =	sld [smem:$0x634]  }
0x47c: {  	[tilespmem:s2], [sflag:$0x1] =	stream.linear.gather [hbm4b:s1+s7], $0x80, $0x38;
	[tilespmem:$0x18880] =	vst v63  }
0x47d: {  	s1 =	sadd.s32 $0x20, s0;
	s2 =	sld [smem:$0x635]  }
0x47e: {  	[tilespmem:s3], [sflag:$0x1] =	stream.linear.gather [hbm4b:s1+s7], $0x80, $0x38;
	[tilespmem:$0x18880] =	vst v63  }
0x47f: {  	s0 =	sadd.s32 $0x30, s0  }
0x480: {  	[tilespmem:s2], [sflag:$0x1] =	stream.linear.gather [hbm4b:s0+s7], $0x80, $0x38;
	[tilespmem:$0x18880] =	vst v63  }
0x481: {  	v2 =	vld [tilespmem:s24+$0x440];
	_ =	sdelay $0x4  }
0x482: {  	v2 =	vshll.u32 v2, $0x6  }
0x483: {  	(v2sf) =	vpush v2, $0x0;
	_ =	sdelay $0x7  }
0x484: {  	(v2sf) =	vpush v2, $0x1;
	_ =	sdelay $0x6  }
0x485: {  	s2 =	spop (v2sf)  }
0x486: {  	s0 =	sand.u32 $0x1FFFFFC0, s2  }
0x487: {  	s3 =	simm.s32 $0x980;
	(v2sf) =	vpush v2, $0x2;
	s0 =	sadd.s32 s9, s0  }
0x488: {  	[tilespmem:s3], [sflag:$0x1] =	stream.linear.gather [hbm4b:s0+s7], $0x80, $0x38;
	[tilespmem:$0x18880] =	vst v63  }
0x489: {  	s2 =	sadd.s32 $0x10, s0;
	s3 =	simm.s32 $0xB80  }
0x48a: {  	[tilespmem:s3], [sflag:$0x1] =	stream.linear.gather [hbm4b:s2+s7], $0x80, $0x38;
	[tilespmem:$0x18880] =	vst v63  }
0x48b: {  	s2 =	sadd.s32 $0x20, s0;
	s3 =	simm.s32 $0xD80  }
0x48c: {  	[tilespmem:s3], [sflag:$0x1] =	stream.linear.gather [hbm4b:s2+s7], $0x80, $0x38;
	[tilespmem:$0x18880] =	vst v63  }
0x48d: {  	s0 =	sadd.s32 $0x30, s0;
	s3 =	simm.s32 $0xF80;
	s2 =	spop (v2sf)  }
0x48e: {  	[tilespmem:s3], [sflag:$0x1] =	stream.linear.gather [hbm4b:s0+s7], $0x80, $0x38;
	[tilespmem:$0x18880] =	vst v63  }
0x48f: {  	s0 =	sand.u32 $0x1FFFFFC0, s2  }
0x490: {  	(v2sf) =	vpush v2, $0x3;
	s3 =	simm.s32 $0x1180;
	s0 =	sadd.s32 s9, s0  }
0x491: {  	[tilespmem:s3], [sflag:$0x1] =	stream.linear.gather [hbm4b:s0+s7], $0x80, $0x38;
	[tilespmem:$0x18880] =	vst v63  }
0x492: {  	s2 =	sadd.s32 $0x10, s0;
	s3 =	simm.s32 $0x1380  }
0x493: {  	[tilespmem:s3], [sflag:$0x1] =	stream.linear.gather [hbm4b:s2+s7], $0x80, $0x38;
	[tilespmem:$0x18880] =	vst v63  }
0x494: {  	s2 =	sadd.s32 $0x20, s0;
	s3 =	simm.s32 $0x1580  }
0x495: {  	[tilespmem:s3], [sflag:$0x1] =	stream.linear.gather [hbm4b:s2+s7], $0x80, $0x38;
	[tilespmem:$0x18880] =	vst v63  }
0x496: {  	s0 =	sadd.s32 $0x30, s0;
	s3 =	simm.s32 $0x1780;
	s2 =	spop (v2sf)  }
0x497: {  	[tilespmem:s3], [sflag:$0x1] =	stream.linear.gather [hbm4b:s0+s7], $0x80, $0x38;
	[tilespmem:$0x18880] =	vst v63  }
0x498: {  	s0 =	sand.u32 $0x1FFFFFC0, s2  }
0x499: {  	(v2sf) =	vpush v2, $0x4;
	s3 =	simm.s32 $0x1980;
	s0 =	sadd.s32 s9, s0  }
0x49a: {  	[tilespmem:s3], [sflag:$0x1] =	stream.linear.gather [hbm4b:s0+s7], $0x80, $0x38;
	[tilespmem:$0x18880] =	vst v63  }
0x49b: {  	s2 =	sadd.s32 $0x10, s0;
	s3 =	simm.s32 $0x1B80  }
0x49c: {  	[tilespmem:s3], [sflag:$0x1] =	stream.linear.gather [hbm4b:s2+s7], $0x80, $0x38;
	[tilespmem:$0x18880] =	vst v63  }
0x49d: {  	s2 =	sadd.s32 $0x20, s0;
	s3 =	simm.s32 $0x1D80  }
0x49e: {  	[tilespmem:s3], [sflag:$0x1] =	stream.linear.gather [hbm4b:s2+s7], $0x80, $0x38;
	[tilespmem:$0x18880] =	vst v63  }
0x49f: {  	s0 =	sadd.s32 $0x30, s0;
	s3 =	simm.s32 $0x1F80;
	s2 =	spop (v2sf)  }
0x4a0: {  	[tilespmem:s3], [sflag:$0x1] =	stream.linear.gather [hbm4b:s0+s7], $0x80, $0x38;
	[tilespmem:$0x18880] =	vst v63  }
0x4a1: {  	s0 =	sand.u32 $0x1FFFFFC0, s2  }
0x4a2: {  	(v2sf) =	vpush v2, $0x5;
	s3 =	simm.s32 $0x2180;
	s0 =	sadd.s32 s9, s0  }
0x4a3: {  	[tilespmem:s3], [sflag:$0x1] =	stream.linear.gather [hbm4b:s0+s7], $0x80, $0x38;
	[tilespmem:$0x18880] =	vst v63  }
0x4a4: {  	s2 =	sadd.s32 $0x10, s0;
	s3 =	simm.s32 $0x2380  }
0x4a5: {  	[tilespmem:s3], [sflag:$0x1] =	stream.linear.gather [hbm4b:s2+s7], $0x80, $0x38;
	[tilespmem:$0x18880] =	vst v63  }
0x4a6: {  	s2 =	sadd.s32 $0x20, s0;
	s3 =	simm.s32 $0x2580  }
0x4a7: {  	[tilespmem:s3], [sflag:$0x1] =	stream.linear.gather [hbm4b:s2+s7], $0x80, $0x38;
	[tilespmem:$0x18880] =	vst v63  }
0x4a8: {  	s0 =	sadd.s32 $0x30, s0;
	s3 =	simm.s32 $0x2780;
	s2 =	spop (v2sf)  }
0x4a9: {  	[tilespmem:s3], [sflag:$0x1] =	stream.linear.gather [hbm4b:s0+s7], $0x80, $0x38;
	[tilespmem:$0x18880] =	vst v63  }
0x4aa: {  	s0 =	sand.u32 $0x1FFFFFC0, s2  }
0x4ab: {  	(v2sf) =	vpush v2, $0x6;
	s3 =	simm.s32 $0x2980;
	s0 =	sadd.s32 s9, s0  }
0x4ac: {  	[tilespmem:s3], [sflag:$0x1] =	stream.linear.gather [hbm4b:s0+s7], $0x80, $0x38;
	[tilespmem:$0x18880] =	vst v63  }
0x4ad: {  	s2 =	sadd.s32 $0x10, s0;
	s3 =	simm.s32 $0x2B80  }
0x4ae: {  	[tilespmem:s3], [sflag:$0x1] =	stream.linear.gather [hbm4b:s2+s7], $0x80, $0x38;
	[tilespmem:$0x18880] =	vst v63  }
0x4af: {  	s2 =	sadd.s32 $0x20, s0;
	s3 =	simm.s32 $0x2D80  }
0x4b0: {  	[tilespmem:s3], [sflag:$0x1] =	stream.linear.gather [hbm4b:s2+s7], $0x80, $0x38;
	[tilespmem:$0x18880] =	vst v63  }
0x4b1: {  	s0 =	sadd.s32 $0x30, s0;
	s3 =	simm.s32 $0x2F80;
	s2 =	spop (v2sf)  }
0x4b2: {  	[tilespmem:s3], [sflag:$0x1] =	stream.linear.gather [hbm4b:s0+s7], $0x80, $0x38;
	[tilespmem:$0x18880] =	vst v63  }
0x4b3: {  	s0 =	sand.u32 $0x1FFFFFC0, s2  }
0x4b4: {  	(v2sf) =	vpush v2, $0x7;
	s3 =	simm.s32 $0x3180;
	s0 =	sadd.s32 s9, s0  }
0x4b5: {  	[tilespmem:s3], [sflag:$0x1] =	stream.linear.gather [hbm4b:s0+s7], $0x80, $0x38;
	[tilespmem:$0x18880] =	vst v63  }
0x4b6: {  	s2 =	sadd.s32 $0x10, s0;
	s3 =	simm.s32 $0x3380  }
0x4b7: {  	[tilespmem:s3], [sflag:$0x1] =	stream.linear.gather [hbm4b:s2+s7], $0x80, $0x38;
	[tilespmem:$0x18880] =	vst v63  }
0x4b8: {  	s2 =	sadd.s32 $0x20, s0;
	s3 =	simm.s32 $0x3580  }
0x4b9: {  	[tilespmem:s3], [sflag:$0x1] =	stream.linear.gather [hbm4b:s2+s7], $0x80, $0x38;
	[tilespmem:$0x18880] =	vst v63  }
0x4ba: {  	s0 =	sadd.s32 $0x30, s0;
	s3 =	simm.s32 $0x3780;
	s2 =	spop (v2sf)  }
0x4bb: {  	[tilespmem:s3], [sflag:$0x1] =	stream.linear.gather [hbm4b:s0+s7], $0x80, $0x38;
	[tilespmem:$0x18880] =	vst v63  }
0x4bc: {  	s0 =	sand.u32 $0x1FFFFFC0, s2  }
0x4bd: {  	(v2sf) =	vpush v2, $0x8;
	s3 =	simm.s32 $0x3980;
	s0 =	sadd.s32 s9, s0  }
0x4be: {  	[tilespmem:s3], [sflag:$0x1] =	stream.linear.gather [hbm4b:s0+s7], $0x80, $0x38;
	[tilespmem:$0x18880] =	vst v63  }
0x4bf: {  	s2 =	sadd.s32 $0x10, s0;
	s3 =	simm.s32 $0x3B80  }
0x4c0: {  	[tilespmem:s3], [sflag:$0x1] =	stream.linear.gather [hbm4b:s2+s7], $0x80, $0x38;
	[tilespmem:$0x18880] =	vst v63  }
0x4c1: {  	s2 =	sadd.s32 $0x20, s0;
	s3 =	simm.s32 $0x3D80  }
0x4c2: {  	[tilespmem:s3], [sflag:$0x1] =	stream.linear.gather [hbm4b:s2+s7], $0x80, $0x38;
	[tilespmem:$0x18880] =	vst v63  }
0x4c3: {  	s0 =	sadd.s32 $0x30, s0;
	s3 =	simm.s32 $0x3F80;
	s2 =	spop (v2sf)  }
0x4c4: {  	[tilespmem:s3], [sflag:$0x1] =	stream.linear.gather [hbm4b:s0+s7], $0x80, $0x38;
	[tilespmem:$0x18880] =	vst v63  }
0x4c5: {  	s0 =	sand.u32 $0x1FFFFFC0, s2  }
0x4c6: {  	(v2sf) =	vpush v2, $0x9;
	s3 =	simm.s32 $0x4180;
	s0 =	sadd.s32 s9, s0  }
0x4c7: {  	[tilespmem:s3], [sflag:$0x1] =	stream.linear.gather [hbm4b:s0+s7], $0x80, $0x38;
	[tilespmem:$0x18880] =	vst v63  }
0x4c8: {  	s2 =	sadd.s32 $0x10, s0;
	s3 =	simm.s32 $0x4380  }
0x4c9: {  	[tilespmem:s3], [sflag:$0x1] =	stream.linear.gather [hbm4b:s2+s7], $0x80, $0x38;
	[tilespmem:$0x18880] =	vst v63  }
0x4ca: {  	s2 =	sadd.s32 $0x20, s0;
	s3 =	simm.s32 $0x4580  }
0x4cb: {  	[tilespmem:s3], [sflag:$0x1] =	stream.linear.gather [hbm4b:s2+s7], $0x80, $0x38;
	[tilespmem:$0x18880] =	vst v63  }
0x4cc: {  	s0 =	sadd.s32 $0x30, s0;
	s3 =	simm.s32 $0x4780;
	s2 =	spop (v2sf)  }
0x4cd: {  	[tilespmem:s3], [sflag:$0x1] =	stream.linear.gather [hbm4b:s0+s7], $0x80, $0x38;
	[tilespmem:$0x18880] =	vst v63  }
0x4ce: {  	s0 =	sand.u32 $0x1FFFFFC0, s2  }
0x4cf: {  	(v2sf) =	vpush v2, $0xA;
	s3 =	simm.s32 $0x4980;
	s0 =	sadd.s32 s9, s0  }
0x4d0: {  	[tilespmem:s3], [sflag:$0x1] =	stream.linear.gather [hbm4b:s0+s7], $0x80, $0x38;
	[tilespmem:$0x18880] =	vst v63  }
0x4d1: {  	s2 =	sadd.s32 $0x10, s0;
	s3 =	simm.s32 $0x4B80  }
0x4d2: {  	[tilespmem:s3], [sflag:$0x1] =	stream.linear.gather [hbm4b:s2+s7], $0x80, $0x38;
	[tilespmem:$0x18880] =	vst v63  }
0x4d3: {  	s2 =	sadd.s32 $0x20, s0;
	s3 =	simm.s32 $0x4D80  }
0x4d4: {  	[tilespmem:s3], [sflag:$0x1] =	stream.linear.gather [hbm4b:s2+s7], $0x80, $0x38;
	[tilespmem:$0x18880] =	vst v63  }
0x4d5: {  	s0 =	sadd.s32 $0x30, s0;
	s3 =	simm.s32 $0x4F80;
	s2 =	spop (v2sf)  }
0x4d6: {  	[tilespmem:s3], [sflag:$0x1] =	stream.linear.gather [hbm4b:s0+s7], $0x80, $0x38;
	[tilespmem:$0x18880] =	vst v63  }
0x4d7: {  	s0 =	sand.u32 $0x1FFFFFC0, s2  }
0x4d8: {  	(v2sf) =	vpush v2, $0xB;
	s3 =	simm.s32 $0x5180;
	s0 =	sadd.s32 s9, s0  }
0x4d9: {  	[tilespmem:s3], [sflag:$0x1] =	stream.linear.gather [hbm4b:s0+s7], $0x80, $0x38;
	[tilespmem:$0x18880] =	vst v63  }
0x4da: {  	s2 =	sadd.s32 $0x10, s0;
	s3 =	simm.s32 $0x5380  }
0x4db: {  	[tilespmem:s3], [sflag:$0x1] =	stream.linear.gather [hbm4b:s2+s7], $0x80, $0x38;
	[tilespmem:$0x18880] =	vst v63  }
0x4dc: {  	s2 =	sadd.s32 $0x20, s0;
	s3 =	simm.s32 $0x5580  }
0x4dd: {  	[tilespmem:s3], [sflag:$0x1] =	stream.linear.gather [hbm4b:s2+s7], $0x80, $0x38;
	[tilespmem:$0x18880] =	vst v63  }
0x4de: {  	s0 =	sadd.s32 $0x30, s0;
	s3 =	simm.s32 $0x5780;
	s2 =	spop (v2sf)  }
0x4df: {  	[tilespmem:s3], [sflag:$0x1] =	stream.linear.gather [hbm4b:s0+s7], $0x80, $0x38;
	[tilespmem:$0x18880] =	vst v63  }
0x4e0: {  	s0 =	sand.u32 $0x1FFFFFC0, s2  }
0x4e1: {  	(v2sf) =	vpush v2, $0xC;
	s3 =	simm.s32 $0x5980;
	s0 =	sadd.s32 s9, s0  }
0x4e2: {  	[tilespmem:s3], [sflag:$0x1] =	stream.linear.gather [hbm4b:s0+s7], $0x80, $0x38;
	[tilespmem:$0x18880] =	vst v63  }
0x4e3: {  	s2 =	sadd.s32 $0x10, s0;
	s3 =	simm.s32 $0x5B80  }
0x4e4: {  	[tilespmem:s3], [sflag:$0x1] =	stream.linear.gather [hbm4b:s2+s7], $0x80, $0x38;
	[tilespmem:$0x18880] =	vst v63  }
0x4e5: {  	s2 =	sadd.s32 $0x20, s0;
	s3 =	simm.s32 $0x5D80  }
0x4e6: {  	[tilespmem:s3], [sflag:$0x1] =	stream.linear.gather [hbm4b:s2+s7], $0x80, $0x38;
	[tilespmem:$0x18880] =	vst v63  }
0x4e7: {  	s0 =	sadd.s32 $0x30, s0;
	s3 =	simm.s32 $0x5F80;
	s2 =	spop (v2sf)  }
0x4e8: {  	[tilespmem:s3], [sflag:$0x1] =	stream.linear.gather [hbm4b:s0+s7], $0x80, $0x38;
	[tilespmem:$0x18880] =	vst v63  }
0x4e9: {  	s0 =	sand.u32 $0x1FFFFFC0, s2  }
0x4ea: {  	(v2sf) =	vpush v2, $0xD;
	s3 =	simm.s32 $0x6180;
	s0 =	sadd.s32 s9, s0  }
0x4eb: {  	[tilespmem:s3], [sflag:$0x1] =	stream.linear.gather [hbm4b:s0+s7], $0x80, $0x38;
	[tilespmem:$0x18880] =	vst v63  }
0x4ec: {  	s2 =	sadd.s32 $0x10, s0;
	s3 =	simm.s32 $0x6380  }
0x4ed: {  	[tilespmem:s3], [sflag:$0x1] =	stream.linear.gather [hbm4b:s2+s7], $0x80, $0x38;
	[tilespmem:$0x18880] =	vst v63  }
0x4ee: {  	s2 =	sadd.s32 $0x20, s0;
	s3 =	simm.s32 $0x6580  }
0x4ef: {  	[tilespmem:s3], [sflag:$0x1] =	stream.linear.gather [hbm4b:s2+s7], $0x80, $0x38;
	[tilespmem:$0x18880] =	vst v63  }
0x4f0: {  	s0 =	sadd.s32 $0x30, s0;
	s3 =	simm.s32 $0x6780;
	s2 =	spop (v2sf)  }
0x4f1: {  	[tilespmem:s3], [sflag:$0x1] =	stream.linear.gather [hbm4b:s0+s7], $0x80, $0x38;
	[tilespmem:$0x18880] =	vst v63  }
0x4f2: {  	s0 =	sand.u32 $0x1FFFFFC0, s2  }
0x4f3: {  	(v2sf) =	vpush v2, $0xE;
	s3 =	simm.s32 $0x6980;
	s0 =	sadd.s32 s9, s0  }
0x4f4: {  	[tilespmem:s3], [sflag:$0x1] =	stream.linear.gather [hbm4b:s0+s7], $0x80, $0x38;
	[tilespmem:$0x18880] =	vst v63  }
0x4f5: {  	s2 =	sadd.s32 $0x10, s0;
	s3 =	simm.s32 $0x6B80  }
0x4f6: {  	[tilespmem:s3], [sflag:$0x1] =	stream.linear.gather [hbm4b:s2+s7], $0x80, $0x38;
	[tilespmem:$0x18880] =	vst v63  }
0x4f7: {  	s2 =	sadd.s32 $0x20, s0;
	s3 =	simm.s32 $0x6D80  }
0x4f8: {  	[tilespmem:s3], [sflag:$0x1] =	stream.linear.gather [hbm4b:s2+s7], $0x80, $0x38;
	[tilespmem:$0x18880] =	vst v63  }
0x4f9: {  	s0 =	sadd.s32 $0x30, s0;
	s3 =	simm.s32 $0x6F80;
	s2 =	spop (v2sf)  }
0x4fa: {  	[tilespmem:s3], [sflag:$0x1] =	stream.linear.gather [hbm4b:s0+s7], $0x80, $0x38;
	[tilespmem:$0x18880] =	vst v63  }
0x4fb: {  	s0 =	sand.u32 $0x1FFFFFC0, s2  }
0x4fc: {  	(v2sf) =	vpush v2, $0xF;
	s3 =	simm.s32 $0x7180;
	s0 =	sadd.s32 s9, s0  }
0x4fd: {  	[tilespmem:s3], [sflag:$0x1] =	stream.linear.gather [hbm4b:s0+s7], $0x80, $0x38;
	[tilespmem:$0x18880] =	vst v63  }
0x4fe: {  	s2 =	sadd.s32 $0x10, s0;
	s3 =	simm.s32 $0x7380  }
0x4ff: {  	[tilespmem:s3], [sflag:$0x1] =	stream.linear.gather [hbm4b:s2+s7], $0x80, $0x38;
	[tilespmem:$0x18880] =	vst v63  }
0x500: {  	s2 =	sadd.s32 $0x20, s0;
	s3 =	simm.s32 $0x7580  }
0x501: {  	[tilespmem:s3], [sflag:$0x1] =	stream.linear.gather [hbm4b:s2+s7], $0x80, $0x38;
	[tilespmem:$0x18880] =	vst v63  }
0x502: {  	s0 =	sadd.s32 $0x30, s0;
	s3 =	simm.s32 $0x7780;
	s2 =	spop (v2sf)  }
0x503: {  	[tilespmem:s3], [sflag:$0x1] =	stream.linear.gather [hbm4b:s0+s7], $0x80, $0x38;
	[tilespmem:$0x18880] =	vst v63  }
0x504: {  	s0 =	sand.u32 $0x1FFFFFC0, s2  }
0x505: {  	s3 =	simm.s32 $0x7980;
	s0 =	sadd.s32 s9, s0  }
0x506: {  	[tilespmem:s3], [sflag:$0x1] =	stream.linear.gather [hbm4b:s0+s7], $0x80, $0x38;
	[tilespmem:$0x18880] =	vst v63  }
0x507: {  	s2 =	sadd.s32 $0x10, s0;
	s3 =	simm.s32 $0x7B80  }
0x508: {  	[tilespmem:s3], [sflag:$0x1] =	stream.linear.gather [hbm4b:s2+s7], $0x80, $0x38;
	[tilespmem:$0x18880] =	vst v63  }
0x509: {  	s2 =	sadd.s32 $0x20, s0;
	s3 =	simm.s32 $0x7D80  }
0x50a: {  	[tilespmem:s3], [sflag:$0x1] =	stream.linear.gather [hbm4b:s2+s7], $0x80, $0x38;
	[tilespmem:$0x18880] =	vst v63  }
0x50b: {  	s0 =	sadd.s32 $0x30, s0;
	s3 =	simm.s32 $0x7F80;
	s2 =	spop (v2sf)  }
0x50c: {  	[tilespmem:s3], [sflag:$0x1] =	stream.linear.gather [hbm4b:s0+s7], $0x80, $0x38;
	[tilespmem:$0x18880] =	vst v63  }
0x50d: {  	s0 =	sand.u32 $0x1FFFFFC0, s2  }
0x50e: {  	s3 =	simm.s32 $0x8180;
	s0 =	sadd.s32 s9, s0  }
0x50f: {  	[tilespmem:s3], [sflag:$0x1] =	stream.linear.gather [hbm4b:s0+s7], $0x80, $0x38;
	[tilespmem:$0x18880] =	vst v63  }
0x510: {  	s2 =	sadd.s32 $0x10, s0;
	s3 =	simm.s32 $0x8380  }
0x511: {  	[tilespmem:s3], [sflag:$0x1] =	stream.linear.gather [hbm4b:s2+s7], $0x80, $0x38;
	[tilespmem:$0x18880] =	vst v63  }
0x512: {  	s2 =	sadd.s32 $0x20, s0;
	s3 =	simm.s32 $0x8580  }
0x513: {  	[tilespmem:s3], [sflag:$0x1] =	stream.linear.gather [hbm4b:s2+s7], $0x80, $0x38;
	[tilespmem:$0x18880] =	vst v63  }
0x514: {  	s0 =	sadd.s32 $0x30, s0;
	s3 =	simm.s32 $0x8780  }
0x515: {  	[tilespmem:s3], [sflag:$0x1] =	stream.linear.gather [hbm4b:s0+s7], $0x80, $0x38;
	[tilespmem:$0x18880] =	vst v63  }
0x516: {  	v2 =	vld.msk [tilespmem:s24+$0x450], $0xff;
	_ =	sdelay $0x4  }
0x517: {  	v2 =	vshll.u32 v2, $0x6  }
0x518: {  	(v2sf) =	vpush v2, $0x0;
	_ =	sdelay $0x9  }
0x519: {  	(v2sf) =	vpush v2, $0x1;
	_ =	sdelay $0x4  }
0x51a: {  	s3 =	sld [smem:$0x636];
	s2 =	spop (v2sf)  }
0x51b: {  	s0 =	sand.u32 $0x1FFFFFC0, s2  }
0x51c: {  	s2 =	sld [smem:$0x637];
	s0 =	sadd.s32 s9, s0  }
0x51d: {  	[tilespmem:s3], [sflag:$0x1] =	stream.linear.gather [hbm4b:s0+s7], $0x80, $0x38;
	[tilespmem:$0x18880] =	vst v63  }
0x51e: {  	s1 =	sadd.s32 $0x10, s0;
	s3 =	sld [smem:$0x638]  }
0x51f: {  	(v2sf) =	vpush v2, $0x2;
	[tilespmem:s2], [sflag:$0x1] =	stream.linear.gather [hbm4b:s1+s7], $0x80, $0x38;
	[tilespmem:$0x18880] =	vst v63  }
0x520: {  	s1 =	sadd.s32 $0x20, s0;
	s2 =	sld [smem:$0x639]  }
0x521: {  	[tilespmem:s3], [sflag:$0x1] =	stream.linear.gather [hbm4b:s1+s7], $0x80, $0x38;
	[tilespmem:$0x18880] =	vst v63  }
0x522: {  	s0 =	sadd.s32 $0x30, s0  }
0x523: {  	[tilespmem:s2], [sflag:$0x1] =	stream.linear.gather [hbm4b:s0+s7], $0x80, $0x38;
	[tilespmem:$0x18880] =	vst v63  }
0x524: {  	s3 =	sld [smem:$0x63A];
	s2 =	spop (v2sf)  }
0x525: {  	s0 =	sand.u32 $0x1FFFFFC0, s2  }
0x526: {  	s2 =	sld [smem:$0x63B];
	s0 =	sadd.s32 s9, s0  }
0x527: {  	[tilespmem:s3], [sflag:$0x1] =	stream.linear.gather [hbm4b:s0+s7], $0x80, $0x38;
	[tilespmem:$0x18880] =	vst v63  }
0x528: {  	s1 =	sadd.s32 $0x10, s0;
	s3 =	sld [smem:$0x63C]  }
0x529: {  	(v2sf) =	vpush v2, $0x3;
	[tilespmem:s2], [sflag:$0x1] =	stream.linear.gather [hbm4b:s1+s7], $0x80, $0x38;
	[tilespmem:$0x18880] =	vst v63  }
0x52a: {  	s1 =	sadd.s32 $0x20, s0;
	s2 =	sld [smem:$0x63D]  }
0x52b: {  	[tilespmem:s3], [sflag:$0x1] =	stream.linear.gather [hbm4b:s1+s7], $0x80, $0x38;
	[tilespmem:$0x18880] =	vst v63  }
0x52c: {  	s0 =	sadd.s32 $0x30, s0  }
0x52d: {  	[tilespmem:s2], [sflag:$0x1] =	stream.linear.gather [hbm4b:s0+s7], $0x80, $0x38;
	[tilespmem:$0x18880] =	vst v63  }
0x52e: {  	s3 =	sld [smem:$0x63E];
	s2 =	spop (v2sf)  }
0x52f: {  	s0 =	sand.u32 $0x1FFFFFC0, s2  }
0x530: {  	s2 =	sld [smem:$0x63F];
	s0 =	sadd.s32 s9, s0  }
0x531: {  	[tilespmem:s3], [sflag:$0x1] =	stream.linear.gather [hbm4b:s0+s7], $0x80, $0x38;
	[tilespmem:$0x18880] =	vst v63  }
0x532: {  	s1 =	sadd.s32 $0x10, s0;
	s3 =	sld [smem:$0x640]  }
0x533: {  	(v2sf) =	vpush v2, $0x4;
	[tilespmem:s2], [sflag:$0x1] =	stream.linear.gather [hbm4b:s1+s7], $0x80, $0x38;
	[tilespmem:$0x18880] =	vst v63  }
0x534: {  	s1 =	sadd.s32 $0x20, s0;
	s2 =	sld [smem:$0x641]  }
0x535: {  	[tilespmem:s3], [sflag:$0x1] =	stream.linear.gather [hbm4b:s1+s7], $0x80, $0x38;
	[tilespmem:$0x18880] =	vst v63  }
0x536: {  	s0 =	sadd.s32 $0x30, s0  }
0x537: {  	[tilespmem:s2], [sflag:$0x1] =	stream.linear.gather [hbm4b:s0+s7], $0x80, $0x38;
	[tilespmem:$0x18880] =	vst v63  }
0x538: {  	s3 =	sld [smem:$0x642];
	s2 =	spop (v2sf)  }
0x539: {  	s0 =	sand.u32 $0x1FFFFFC0, s2  }
0x53a: {  	s2 =	sld [smem:$0x643];
	s0 =	sadd.s32 s9, s0  }
0x53b: {  	[tilespmem:s3], [sflag:$0x1] =	stream.linear.gather [hbm4b:s0+s7], $0x80, $0x38;
	[tilespmem:$0x18880] =	vst v63  }
0x53c: {  	s1 =	sadd.s32 $0x10, s0;
	s3 =	sld [smem:$0x644]  }
0x53d: {  	(v2sf) =	vpush v2, $0x5;
	[tilespmem:s2], [sflag:$0x1] =	stream.linear.gather [hbm4b:s1+s7], $0x80, $0x38;
	[tilespmem:$0x18880] =	vst v63  }
0x53e: {  	s1 =	sadd.s32 $0x20, s0;
	s2 =	sld [smem:$0x645]  }
0x53f: {  	[tilespmem:s3], [sflag:$0x1] =	stream.linear.gather [hbm4b:s1+s7], $0x80, $0x38;
	[tilespmem:$0x18880] =	vst v63  }
0x540: {  	s0 =	sadd.s32 $0x30, s0  }
0x541: {  	[tilespmem:s2], [sflag:$0x1] =	stream.linear.gather [hbm4b:s0+s7], $0x80, $0x38;
	[tilespmem:$0x18880] =	vst v63  }
0x542: {  	s3 =	sld [smem:$0x646];
	s2 =	spop (v2sf)  }
0x543: {  	s0 =	sand.u32 $0x1FFFFFC0, s2  }
0x544: {  	s2 =	sld [smem:$0x647];
	s0 =	sadd.s32 s9, s0  }
0x545: {  	[tilespmem:s3], [sflag:$0x1] =	stream.linear.gather [hbm4b:s0+s7], $0x80, $0x38;
	[tilespmem:$0x18880] =	vst v63  }
0x546: {  	s1 =	sadd.s32 $0x10, s0;
	s3 =	sld [smem:$0x648]  }
0x547: {  	(v2sf) =	vpush v2, $0x6;
	[tilespmem:s2], [sflag:$0x1] =	stream.linear.gather [hbm4b:s1+s7], $0x80, $0x38;
	[tilespmem:$0x18880] =	vst v63  }
0x548: {  	s1 =	sadd.s32 $0x20, s0;
	s2 =	sld [smem:$0x649]  }
0x549: {  	[tilespmem:s3], [sflag:$0x1] =	stream.linear.gather [hbm4b:s1+s7], $0x80, $0x38;
	[tilespmem:$0x18880] =	vst v63  }
0x54a: {  	s0 =	sadd.s32 $0x30, s0  }
0x54b: {  	[tilespmem:s2], [sflag:$0x1] =	stream.linear.gather [hbm4b:s0+s7], $0x80, $0x38;
	[tilespmem:$0x18880] =	vst v63  }
0x54c: {  	s3 =	sld [smem:$0x64A];
	s2 =	spop (v2sf)  }
0x54d: {  	s0 =	sand.u32 $0x1FFFFFC0, s2  }
0x54e: {  	s2 =	sld [smem:$0x64B];
	s0 =	sadd.s32 s9, s0  }
0x54f: {  	[tilespmem:s3], [sflag:$0x1] =	stream.linear.gather [hbm4b:s0+s7], $0x80, $0x38;
	[tilespmem:$0x18880] =	vst v63  }
0x550: {  	s1 =	sadd.s32 $0x10, s0;
	s3 =	sld [smem:$0x64C]  }
0x551: {  	(v2sf) =	vpush v2, $0x7;
	[tilespmem:s2], [sflag:$0x1] =	stream.linear.gather [hbm4b:s1+s7], $0x80, $0x38;
	[tilespmem:$0x18880] =	vst v63  }
0x552: {  	s1 =	sadd.s32 $0x20, s0;
	s2 =	sld [smem:$0x64D]  }
0x553: {  	[tilespmem:s3], [sflag:$0x1] =	stream.linear.gather [hbm4b:s1+s7], $0x80, $0x38;
	[tilespmem:$0x18880] =	vst v63  }
0x554: {  	s0 =	sadd.s32 $0x30, s0  }
0x555: {  	[tilespmem:s2], [sflag:$0x1] =	stream.linear.gather [hbm4b:s0+s7], $0x80, $0x38;
	[tilespmem:$0x18880] =	vst v63  }
0x556: {  	s3 =	sld [smem:$0x64E];
	s2 =	spop (v2sf)  }
0x557: {  	s0 =	sand.u32 $0x1FFFFFC0, s2  }
0x558: {  	s2 =	sld [smem:$0x64F];
	s0 =	sadd.s32 s9, s0  }
0x559: {  	[tilespmem:s3], [sflag:$0x1] =	stream.linear.gather [hbm4b:s0+s7], $0x80, $0x38;
	[tilespmem:$0x18880] =	vst v63  }
0x55a: {  	s1 =	sadd.s32 $0x10, s0;
	s3 =	sld [smem:$0x650]  }
0x55b: {  	[tilespmem:s2], [sflag:$0x1] =	stream.linear.gather [hbm4b:s1+s7], $0x80, $0x38;
	[tilespmem:$0x18880] =	vst v63  }
0x55c: {  	s1 =	sadd.s32 $0x20, s0;
	s2 =	sld [smem:$0x651]  }
0x55d: {  	[tilespmem:s3], [sflag:$0x1] =	stream.linear.gather [hbm4b:s1+s7], $0x80, $0x38;
	[tilespmem:$0x18880] =	vst v63  }
0x55e: {  	s0 =	sadd.s32 $0x30, s0  }
0x55f: {  	[tilespmem:s2], [sflag:$0x1] =	stream.linear.gather [hbm4b:s0+s7], $0x80, $0x38;
	[tilespmem:$0x18880] =	vst v63  }
0x560: {  	s3 =	sld [smem:$0x652];
	s2 =	spop (v2sf)  }
0x561: {  	s0 =	sand.u32 $0x1FFFFFC0, s2  }
0x562: {  	s2 =	sld [smem:$0x653];
	s0 =	sadd.s32 s9, s0  }
0x563: {  	[tilespmem:s3], [sflag:$0x1] =	stream.linear.gather [hbm4b:s0+s7], $0x80, $0x38;
	[tilespmem:$0x18880] =	vst v63  }
0x564: {  	s1 =	sadd.s32 $0x10, s0;
	s3 =	sld [smem:$0x654]  }
0x565: {  	[tilespmem:s2], [sflag:$0x1] =	stream.linear.gather [hbm4b:s1+s7], $0x80, $0x38;
	[tilespmem:$0x18880] =	vst v63  }
0x566: {  	s1 =	sadd.s32 $0x20, s0;
	s2 =	sld [smem:$0x655]  }
0x567: {  	[tilespmem:s3], [sflag:$0x1] =	stream.linear.gather [hbm4b:s1+s7], $0x80, $0x38;
	[tilespmem:$0x18880] =	vst v63  }
0x568: {  	s0 =	sadd.s32 $0x30, s0  }
0x569: {  	[tilespmem:s2], [sflag:$0x1] =	stream.linear.gather [hbm4b:s0+s7], $0x80, $0x38;
	[tilespmem:$0x18880] =	vst v63  }
0x56a: {  	v2 =	vld [tilespmem:s24+$0x660];
	_ =	sdelay $0x4  }
0x56b: {  	v2 =	vshll.u32 v2, $0x6  }
0x56c: {  	(v2sf) =	vpush v2, $0x0;
	_ =	sdelay $0x7  }
0x56d: {  	(v2sf) =	vpush v2, $0x1;
	_ =	sdelay $0x6  }
0x56e: {  	s2 =	spop (v2sf)  }
0x56f: {  	s0 =	sand.u32 $0x1FFFFFC0, s2  }
0x570: {  	s3 =	simm.s32 $0xA00;
	(v2sf) =	vpush v2, $0x2;
	s0 =	sadd.s32 s9, s0  }
0x571: {  	[tilespmem:s3], [sflag:$0x1] =	stream.linear.gather [hbm4b:s0+s7], $0x80, $0x38;
	[tilespmem:$0x18880] =	vst v63  }
0x572: {  	s2 =	sadd.s32 $0x10, s0;
	s3 =	simm.s32 $0xC00  }
0x573: {  	[tilespmem:s3], [sflag:$0x1] =	stream.linear.gather [hbm4b:s2+s7], $0x80, $0x38;
	[tilespmem:$0x18880] =	vst v63  }
0x574: {  	s2 =	sadd.s32 $0x20, s0;
	s3 =	simm.s32 $0xE00  }
0x575: {  	[tilespmem:s3], [sflag:$0x1] =	stream.linear.gather [hbm4b:s2+s7], $0x80, $0x38;
	[tilespmem:$0x18880] =	vst v63  }
0x576: {  	s0 =	sadd.s32 $0x30, s0;
	s3 =	simm.s32 $0x1000;
	s2 =	spop (v2sf)  }
0x577: {  	[tilespmem:s3], [sflag:$0x1] =	stream.linear.gather [hbm4b:s0+s7], $0x80, $0x38;
	[tilespmem:$0x18880] =	vst v63  }
0x578: {  	s0 =	sand.u32 $0x1FFFFFC0, s2  }
0x579: {  	(v2sf) =	vpush v2, $0x3;
	s3 =	simm.s32 $0x1200;
	s0 =	sadd.s32 s9, s0  }
0x57a: {  	[tilespmem:s3], [sflag:$0x1] =	stream.linear.gather [hbm4b:s0+s7], $0x80, $0x38;
	[tilespmem:$0x18880] =	vst v63  }
0x57b: {  	s2 =	sadd.s32 $0x10, s0;
	s3 =	simm.s32 $0x1400  }
0x57c: {  	[tilespmem:s3], [sflag:$0x1] =	stream.linear.gather [hbm4b:s2+s7], $0x80, $0x38;
	[tilespmem:$0x18880] =	vst v63  }
0x57d: {  	s2 =	sadd.s32 $0x20, s0;
	s3 =	simm.s32 $0x1600  }
0x57e: {  	[tilespmem:s3], [sflag:$0x1] =	stream.linear.gather [hbm4b:s2+s7], $0x80, $0x38;
	[tilespmem:$0x18880] =	vst v63  }
0x57f: {  	s0 =	sadd.s32 $0x30, s0;
	s3 =	simm.s32 $0x1800;
	s2 =	spop (v2sf)  }
0x580: {  	[tilespmem:s3], [sflag:$0x1] =	stream.linear.gather [hbm4b:s0+s7], $0x80, $0x38;
	[tilespmem:$0x18880] =	vst v63  }
0x581: {  	s0 =	sand.u32 $0x1FFFFFC0, s2  }
0x582: {  	(v2sf) =	vpush v2, $0x4;
	s3 =	simm.s32 $0x1A00;
	s0 =	sadd.s32 s9, s0  }
0x583: {  	[tilespmem:s3], [sflag:$0x1] =	stream.linear.gather [hbm4b:s0+s7], $0x80, $0x38;
	[tilespmem:$0x18880] =	vst v63  }
0x584: {  	s2 =	sadd.s32 $0x10, s0;
	s3 =	simm.s32 $0x1C00  }
0x585: {  	[tilespmem:s3], [sflag:$0x1] =	stream.linear.gather [hbm4b:s2+s7], $0x80, $0x38;
	[tilespmem:$0x18880] =	vst v63  }
0x586: {  	s2 =	sadd.s32 $0x20, s0;
	s3 =	simm.s32 $0x1E00  }
0x587: {  	[tilespmem:s3], [sflag:$0x1] =	stream.linear.gather [hbm4b:s2+s7], $0x80, $0x38;
	[tilespmem:$0x18880] =	vst v63  }
0x588: {  	s0 =	sadd.s32 $0x30, s0;
	s3 =	simm.s32 $0x2000;
	s2 =	spop (v2sf)  }
0x589: {  	[tilespmem:s3], [sflag:$0x1] =	stream.linear.gather [hbm4b:s0+s7], $0x80, $0x38;
	[tilespmem:$0x18880] =	vst v63  }
0x58a: {  	s0 =	sand.u32 $0x1FFFFFC0, s2  }
0x58b: {  	(v2sf) =	vpush v2, $0x5;
	s3 =	simm.s32 $0x2200;
	s0 =	sadd.s32 s9, s0  }
0x58c: {  	[tilespmem:s3], [sflag:$0x1] =	stream.linear.gather [hbm4b:s0+s7], $0x80, $0x38;
	[tilespmem:$0x18880] =	vst v63  }
0x58d: {  	s2 =	sadd.s32 $0x10, s0;
	s3 =	simm.s32 $0x2400  }
0x58e: {  	[tilespmem:s3], [sflag:$0x1] =	stream.linear.gather [hbm4b:s2+s7], $0x80, $0x38;
	[tilespmem:$0x18880] =	vst v63  }
0x58f: {  	s2 =	sadd.s32 $0x20, s0;
	s3 =	simm.s32 $0x2600  }
0x590: {  	[tilespmem:s3], [sflag:$0x1] =	stream.linear.gather [hbm4b:s2+s7], $0x80, $0x38;
	[tilespmem:$0x18880] =	vst v63  }
0x591: {  	s0 =	sadd.s32 $0x30, s0;
	s3 =	simm.s32 $0x2800;
	s2 =	spop (v2sf)  }
0x592: {  	[tilespmem:s3], [sflag:$0x1] =	stream.linear.gather [hbm4b:s0+s7], $0x80, $0x38;
	[tilespmem:$0x18880] =	vst v63  }
0x593: {  	s0 =	sand.u32 $0x1FFFFFC0, s2  }
0x594: {  	(v2sf) =	vpush v2, $0x6;
	s3 =	simm.s32 $0x2A00;
	s0 =	sadd.s32 s9, s0  }
0x595: {  	[tilespmem:s3], [sflag:$0x1] =	stream.linear.gather [hbm4b:s0+s7], $0x80, $0x38;
	[tilespmem:$0x18880] =	vst v63  }
0x596: {  	s2 =	sadd.s32 $0x10, s0;
	s3 =	simm.s32 $0x2C00  }
0x597: {  	[tilespmem:s3], [sflag:$0x1] =	stream.linear.gather [hbm4b:s2+s7], $0x80, $0x38;
	[tilespmem:$0x18880] =	vst v63  }
0x598: {  	s2 =	sadd.s32 $0x20, s0;
	s3 =	simm.s32 $0x2E00  }
0x599: {  	[tilespmem:s3], [sflag:$0x1] =	stream.linear.gather [hbm4b:s2+s7], $0x80, $0x38;
	[tilespmem:$0x18880] =	vst v63  }
0x59a: {  	s0 =	sadd.s32 $0x30, s0;
	s3 =	simm.s32 $0x3000;
	s2 =	spop (v2sf)  }
0x59b: {  	[tilespmem:s3], [sflag:$0x1] =	stream.linear.gather [hbm4b:s0+s7], $0x80, $0x38;
	[tilespmem:$0x18880] =	vst v63  }
0x59c: {  	s0 =	sand.u32 $0x1FFFFFC0, s2  }
0x59d: {  	(v2sf) =	vpush v2, $0x7;
	s3 =	simm.s32 $0x3200;
	s0 =	sadd.s32 s9, s0  }
0x59e: {  	[tilespmem:s3], [sflag:$0x1] =	stream.linear.gather [hbm4b:s0+s7], $0x80, $0x38;
	[tilespmem:$0x18880] =	vst v63  }
0x59f: {  	s2 =	sadd.s32 $0x10, s0;
	s3 =	simm.s32 $0x3400  }
0x5a0: {  	[tilespmem:s3], [sflag:$0x1] =	stream.linear.gather [hbm4b:s2+s7], $0x80, $0x38;
	[tilespmem:$0x18880] =	vst v63  }
0x5a1: {  	s2 =	sadd.s32 $0x20, s0;
	s3 =	simm.s32 $0x3600  }
0x5a2: {  	[tilespmem:s3], [sflag:$0x1] =	stream.linear.gather [hbm4b:s2+s7], $0x80, $0x38;
	[tilespmem:$0x18880] =	vst v63  }
0x5a3: {  	s0 =	sadd.s32 $0x30, s0;
	s3 =	simm.s32 $0x3800;
	s2 =	spop (v2sf)  }
0x5a4: {  	[tilespmem:s3], [sflag:$0x1] =	stream.linear.gather [hbm4b:s0+s7], $0x80, $0x38;
	[tilespmem:$0x18880] =	vst v63  }
0x5a5: {  	s0 =	sand.u32 $0x1FFFFFC0, s2  }
0x5a6: {  	(v2sf) =	vpush v2, $0x8;
	s3 =	simm.s32 $0x3A00;
	s0 =	sadd.s32 s9, s0  }
0x5a7: {  	[tilespmem:s3], [sflag:$0x1] =	stream.linear.gather [hbm4b:s0+s7], $0x80, $0x38;
	[tilespmem:$0x18880] =	vst v63  }
0x5a8: {  	s2 =	sadd.s32 $0x10, s0;
	s3 =	simm.s32 $0x3C00  }
0x5a9: {  	[tilespmem:s3], [sflag:$0x1] =	stream.linear.gather [hbm4b:s2+s7], $0x80, $0x38;
	[tilespmem:$0x18880] =	vst v63  }
0x5aa: {  	s2 =	sadd.s32 $0x20, s0;
	s3 =	simm.s32 $0x3E00  }
0x5ab: {  	[tilespmem:s3], [sflag:$0x1] =	stream.linear.gather [hbm4b:s2+s7], $0x80, $0x38;
	[tilespmem:$0x18880] =	vst v63  }
0x5ac: {  	s0 =	sadd.s32 $0x30, s0;
	s3 =	simm.s32 $0x4000;
	s2 =	spop (v2sf)  }
0x5ad: {  	[tilespmem:s3], [sflag:$0x1] =	stream.linear.gather [hbm4b:s0+s7], $0x80, $0x38;
	[tilespmem:$0x18880] =	vst v63  }
0x5ae: {  	s0 =	sand.u32 $0x1FFFFFC0, s2  }
0x5af: {  	(v2sf) =	vpush v2, $0x9;
	s3 =	simm.s32 $0x4200;
	s0 =	sadd.s32 s9, s0  }
0x5b0: {  	[tilespmem:s3], [sflag:$0x1] =	stream.linear.gather [hbm4b:s0+s7], $0x80, $0x38;
	[tilespmem:$0x18880] =	vst v63  }
0x5b1: {  	s2 =	sadd.s32 $0x10, s0;
	s3 =	simm.s32 $0x4400  }
0x5b2: {  	[tilespmem:s3], [sflag:$0x1] =	stream.linear.gather [hbm4b:s2+s7], $0x80, $0x38;
	[tilespmem:$0x18880] =	vst v63  }
0x5b3: {  	s2 =	sadd.s32 $0x20, s0;
	s3 =	simm.s32 $0x4600  }
0x5b4: {  	[tilespmem:s3], [sflag:$0x1] =	stream.linear.gather [hbm4b:s2+s7], $0x80, $0x38;
	[tilespmem:$0x18880] =	vst v63  }
0x5b5: {  	s0 =	sadd.s32 $0x30, s0;
	s3 =	simm.s32 $0x4800;
	s2 =	spop (v2sf)  }
0x5b6: {  	[tilespmem:s3], [sflag:$0x1] =	stream.linear.gather [hbm4b:s0+s7], $0x80, $0x38;
	[tilespmem:$0x18880] =	vst v63  }
0x5b7: {  	s0 =	sand.u32 $0x1FFFFFC0, s2  }
0x5b8: {  	(v2sf) =	vpush v2, $0xA;
	s3 =	simm.s32 $0x4A00;
	s0 =	sadd.s32 s9, s0  }
0x5b9: {  	[tilespmem:s3], [sflag:$0x1] =	stream.linear.gather [hbm4b:s0+s7], $0x80, $0x38;
	[tilespmem:$0x18880] =	vst v63  }
0x5ba: {  	s2 =	sadd.s32 $0x10, s0;
	s3 =	simm.s32 $0x4C00  }
0x5bb: {  	[tilespmem:s3], [sflag:$0x1] =	stream.linear.gather [hbm4b:s2+s7], $0x80, $0x38;
	[tilespmem:$0x18880] =	vst v63  }
0x5bc: {  	s2 =	sadd.s32 $0x20, s0;
	s3 =	simm.s32 $0x4E00  }
0x5bd: {  	[tilespmem:s3], [sflag:$0x1] =	stream.linear.gather [hbm4b:s2+s7], $0x80, $0x38;
	[tilespmem:$0x18880] =	vst v63  }
0x5be: {  	s0 =	sadd.s32 $0x30, s0;
	s3 =	simm.s32 $0x5000;
	s2 =	spop (v2sf)  }
0x5bf: {  	[tilespmem:s3], [sflag:$0x1] =	stream.linear.gather [hbm4b:s0+s7], $0x80, $0x38;
	[tilespmem:$0x18880] =	vst v63  }
0x5c0: {  	s0 =	sand.u32 $0x1FFFFFC0, s2  }
0x5c1: {  	(v2sf) =	vpush v2, $0xB;
	s3 =	simm.s32 $0x5200;
	s0 =	sadd.s32 s9, s0  }
0x5c2: {  	[tilespmem:s3], [sflag:$0x1] =	stream.linear.gather [hbm4b:s0+s7], $0x80, $0x38;
	[tilespmem:$0x18880] =	vst v63  }
0x5c3: {  	s2 =	sadd.s32 $0x10, s0;
	s3 =	simm.s32 $0x5400  }
0x5c4: {  	[tilespmem:s3], [sflag:$0x1] =	stream.linear.gather [hbm4b:s2+s7], $0x80, $0x38;
	[tilespmem:$0x18880] =	vst v63  }
0x5c5: {  	s2 =	sadd.s32 $0x20, s0;
	s3 =	simm.s32 $0x5600  }
0x5c6: {  	[tilespmem:s3], [sflag:$0x1] =	stream.linear.gather [hbm4b:s2+s7], $0x80, $0x38;
	[tilespmem:$0x18880] =	vst v63  }
0x5c7: {  	s0 =	sadd.s32 $0x30, s0;
	s3 =	simm.s32 $0x5800;
	s2 =	spop (v2sf)  }
0x5c8: {  	[tilespmem:s3], [sflag:$0x1] =	stream.linear.gather [hbm4b:s0+s7], $0x80, $0x38;
	[tilespmem:$0x18880] =	vst v63  }
0x5c9: {  	s0 =	sand.u32 $0x1FFFFFC0, s2  }
0x5ca: {  	(v2sf) =	vpush v2, $0xC;
	s3 =	simm.s32 $0x5A00;
	s0 =	sadd.s32 s9, s0  }
0x5cb: {  	[tilespmem:s3], [sflag:$0x1] =	stream.linear.gather [hbm4b:s0+s7], $0x80, $0x38;
	[tilespmem:$0x18880] =	vst v63  }
0x5cc: {  	s2 =	sadd.s32 $0x10, s0;
	s3 =	simm.s32 $0x5C00  }
0x5cd: {  	[tilespmem:s3], [sflag:$0x1] =	stream.linear.gather [hbm4b:s2+s7], $0x80, $0x38;
	[tilespmem:$0x18880] =	vst v63  }
0x5ce: {  	s2 =	sadd.s32 $0x20, s0;
	s3 =	simm.s32 $0x5E00  }
0x5cf: {  	[tilespmem:s3], [sflag:$0x1] =	stream.linear.gather [hbm4b:s2+s7], $0x80, $0x38;
	[tilespmem:$0x18880] =	vst v63  }
0x5d0: {  	s0 =	sadd.s32 $0x30, s0;
	s3 =	simm.s32 $0x6000;
	s2 =	spop (v2sf)  }
0x5d1: {  	[tilespmem:s3], [sflag:$0x1] =	stream.linear.gather [hbm4b:s0+s7], $0x80, $0x38;
	[tilespmem:$0x18880] =	vst v63  }
0x5d2: {  	s0 =	sand.u32 $0x1FFFFFC0, s2  }
0x5d3: {  	(v2sf) =	vpush v2, $0xD;
	s3 =	simm.s32 $0x6200;
	s0 =	sadd.s32 s9, s0  }
0x5d4: {  	[tilespmem:s3], [sflag:$0x1] =	stream.linear.gather [hbm4b:s0+s7], $0x80, $0x38;
	[tilespmem:$0x18880] =	vst v63  }
0x5d5: {  	s2 =	sadd.s32 $0x10, s0  }
0x5d6: {  	[tilespmem:s11], [sflag:$0x1] =	stream.linear.gather [hbm4b:s2+s7], $0x80, $0x38;
	[tilespmem:$0x18880] =	vst v63  }
0x5d7: {  	s3 =	sadd.s32 $0x20, s0  }
0x5d8: {  	[tilespmem:s10], [sflag:$0x1] =	stream.linear.gather [hbm4b:s3+s7], $0x80, $0x38;
	[tilespmem:$0x18880] =	vst v63  }
0x5d9: {  	s0 =	sadd.s32 $0x30, s0;
	s1 =	spop (v2sf)  }
0x5da: {  	[tilespmem:s8], [sflag:$0x1] =	stream.linear.gather [hbm4b:s0+s7], $0x80, $0x38;
	[tilespmem:$0x18880] =	vst v63  }
0x5db: {  	s0 =	sand.u32 $0x1FFFFFC0, s1  }
0x5dc: {  	(v2sf) =	vpush v2, $0xE;
	s0 =	sadd.s32 s9, s0  }
0x5dd: {  	[tilespmem:s31], [sflag:$0x1] =	stream.linear.gather [hbm4b:s0+s7], $0x80, $0x38;
	[tilespmem:$0x18880] =	vst v63  }
0x5de: {  	s2 =	sadd.s32 $0x10, s0  }
0x5df: {  	[tilespmem:s30], [sflag:$0x1] =	stream.linear.gather [hbm4b:s2+s7], $0x80, $0x38;
	[tilespmem:$0x18880] =	vst v63  }
0x5e0: {  	s3 =	sadd.s32 $0x20, s0  }
0x5e1: {  	[tilespmem:s29], [sflag:$0x1] =	stream.linear.gather [hbm4b:s3+s7], $0x80, $0x38;
	[tilespmem:$0x18880] =	vst v63  }
0x5e2: {  	s0 =	sadd.s32 $0x30, s0;
	s1 =	spop (v2sf)  }
0x5e3: {  	[tilespmem:s28], [sflag:$0x1] =	stream.linear.gather [hbm4b:s0+s7], $0x80, $0x38;
	[tilespmem:$0x18880] =	vst v63  }
0x5e4: {  	s0 =	sand.u32 $0x1FFFFFC0, s1  }
0x5e5: {  	(v2sf) =	vpush v2, $0xF;
	s0 =	sadd.s32 s9, s0  }
0x5e6: {  	[tilespmem:s26], [sflag:$0x1] =	stream.linear.gather [hbm4b:s0+s7], $0x80, $0x38;
	[tilespmem:$0x18880] =	vst v63  }
0x5e7: {  	s2 =	sadd.s32 $0x10, s0  }
0x5e8: {  	[tilespmem:s6], [sflag:$0x1] =	stream.linear.gather [hbm4b:s2+s7], $0x80, $0x38;
	[tilespmem:$0x18880] =	vst v63  }
0x5e9: {  	s3 =	sadd.s32 $0x20, s0  }
0x5ea: {  	[tilespmem:s25], [sflag:$0x1] =	stream.linear.gather [hbm4b:s3+s7], $0x80, $0x38;
	[tilespmem:$0x18880] =	vst v63  }
0x5eb: {  	s0 =	sadd.s32 $0x30, s0;
	s1 =	spop (v2sf)  }
0x5ec: {  	[tilespmem:s21], [sflag:$0x1] =	stream.linear.gather [hbm4b:s0+s7], $0x80, $0x38;
	[tilespmem:$0x18880] =	vst v63  }
0x5ed: {  	s0 =	sand.u32 $0x1FFFFFC0, s1  }
0x5ee: {  	s0 =	sadd.s32 s9, s0  }
0x5ef: {  	[tilespmem:s20], [sflag:$0x1] =	stream.linear.gather [hbm4b:s0+s7], $0x80, $0x38;
	[tilespmem:$0x18880] =	vst v63  }
0x5f0: {  	s2 =	sadd.s32 $0x10, s0  }
0x5f1: {  	[tilespmem:s19], [sflag:$0x1] =	stream.linear.gather [hbm4b:s2+s7], $0x80, $0x38;
	[tilespmem:$0x18880] =	vst v63  }
0x5f2: {  	s3 =	sadd.s32 $0x20, s0  }
0x5f3: {  	[tilespmem:s18], [sflag:$0x1] =	stream.linear.gather [hbm4b:s3+s7], $0x80, $0x38;
	[tilespmem:$0x18880] =	vst v63  }
0x5f4: {  	s0 =	sadd.s32 $0x30, s0;
	s1 =	spop (v2sf)  }
0x5f5: {  	[tilespmem:s17], [sflag:$0x1] =	stream.linear.gather [hbm4b:s0+s7], $0x80, $0x38;
	[tilespmem:$0x18880] =	vst v63  }
0x5f6: {  	s0 =	sand.u32 $0x1FFFFFC0, s1  }
0x5f7: {  	s0 =	sadd.s32 s9, s0  }
0x5f8: {  	[tilespmem:s16], [sflag:$0x1] =	stream.linear.gather [hbm4b:s0+s7], $0x80, $0x38;
	[tilespmem:$0x18880] =	vst v63  }
0x5f9: {  	s2 =	sadd.s32 $0x10, s0  }
0x5fa: {  	[tilespmem:s15], [sflag:$0x1] =	stream.linear.gather [hbm4b:s2+s7], $0x80, $0x38;
	[tilespmem:$0x18880] =	vst v63  }
0x5fb: {  	s3 =	sadd.s32 $0x20, s0  }
0x5fc: {  	[tilespmem:s14], [sflag:$0x1] =	stream.linear.gather [hbm4b:s3+s7], $0x80, $0x38;
	[tilespmem:$0x18880] =	vst v63  }
0x5fd: {  	s0 =	sadd.s32 $0x30, s0  }
0x5fe: {  	[tilespmem:s13], [sflag:$0x1] =	stream.linear.gather [hbm4b:s0+s7], $0x80, $0x38;
	[tilespmem:$0x18880] =	vst v63  }
0x5ff: {  	v2 =	vld.msk [tilespmem:s24+$0x670], $0xff;
	_ =	sdelay $0x4  }
0x600: {  	v2 =	vshll.u32 v2, $0x6  }
0x601: {  	(v2sf) =	vpush v2, $0x0;
	_ =	sdelay $0x9  }
0x602: {  	(v2sf) =	vpush v2, $0x1;
	_ =	sdelay $0x4  }
0x603: {  	s3 =	sld [smem:$0x656];
	s2 =	spop (v2sf)  }
0x604: {  	s0 =	sand.u32 $0x1FFFFFC0, s2  }
0x605: {  	s2 =	sld [smem:$0x657];
	s0 =	sadd.s32 s9, s0  }
0x606: {  	[tilespmem:s3], [sflag:$0x1] =	stream.linear.gather [hbm4b:s0+s7], $0x80, $0x38;
	[tilespmem:$0x18880] =	vst v63  }
0x607: {  	s1 =	sadd.s32 $0x10, s0;
	s3 =	sld [smem:$0x658]  }
0x608: {  	(v2sf) =	vpush v2, $0x2;
	[tilespmem:s2], [sflag:$0x1] =	stream.linear.gather [hbm4b:s1+s7], $0x80, $0x38;
	[tilespmem:$0x18880] =	vst v63  }
0x609: {  	s1 =	sadd.s32 $0x20, s0;
	s2 =	sld [smem:$0x659]  }
0x60a: {  	[tilespmem:s3], [sflag:$0x1] =	stream.linear.gather [hbm4b:s1+s7], $0x80, $0x38;
	[tilespmem:$0x18880] =	vst v63  }
0x60b: {  	s0 =	sadd.s32 $0x30, s0  }
0x60c: {  	[tilespmem:s2], [sflag:$0x1] =	stream.linear.gather [hbm4b:s0+s7], $0x80, $0x38;
	[tilespmem:$0x18880] =	vst v63  }
0x60d: {  	s3 =	sld [smem:$0x65A];
	s2 =	spop (v2sf)  }
0x60e: {  	s0 =	sand.u32 $0x1FFFFFC0, s2  }
0x60f: {  	s2 =	sld [smem:$0x65B];
	s0 =	sadd.s32 s9, s0  }
0x610: {  	[tilespmem:s3], [sflag:$0x1] =	stream.linear.gather [hbm4b:s0+s7], $0x80, $0x38;
	[tilespmem:$0x18880] =	vst v63  }
0x611: {  	s1 =	sadd.s32 $0x10, s0;
	s3 =	sld [smem:$0x65C]  }
0x612: {  	(v2sf) =	vpush v2, $0x3;
	[tilespmem:s2], [sflag:$0x1] =	stream.linear.gather [hbm4b:s1+s7], $0x80, $0x38;
	[tilespmem:$0x18880] =	vst v63  }
0x613: {  	s1 =	sadd.s32 $0x20, s0;
	s2 =	sld [smem:$0x65D]  }
0x614: {  	[tilespmem:s3], [sflag:$0x1] =	stream.linear.gather [hbm4b:s1+s7], $0x80, $0x38;
	[tilespmem:$0x18880] =	vst v63  }
0x615: {  	s0 =	sadd.s32 $0x30, s0  }
0x616: {  	[tilespmem:s2], [sflag:$0x1] =	stream.linear.gather [hbm4b:s0+s7], $0x80, $0x38;
	[tilespmem:$0x18880] =	vst v63  }
0x617: {  	s3 =	sld [smem:$0x65E];
	s2 =	spop (v2sf)  }
0x618: {  	s0 =	sand.u32 $0x1FFFFFC0, s2  }
0x619: {  	s2 =	sld [smem:$0x65F];
	s0 =	sadd.s32 s9, s0  }
0x61a: {  	[tilespmem:s3], [sflag:$0x1] =	stream.linear.gather [hbm4b:s0+s7], $0x80, $0x38;
	[tilespmem:$0x18880] =	vst v63  }
0x61b: {  	s1 =	sadd.s32 $0x10, s0;
	s3 =	sld [smem:$0x660]  }
0x61c: {  	(v2sf) =	vpush v2, $0x4;
	[tilespmem:s2], [sflag:$0x1] =	stream.linear.gather [hbm4b:s1+s7], $0x80, $0x38;
	[tilespmem:$0x18880] =	vst v63  }
0x61d: {  	s1 =	sadd.s32 $0x20, s0;
	s2 =	sld [smem:$0x661]  }
0x61e: {  	[tilespmem:s3], [sflag:$0x1] =	stream.linear.gather [hbm4b:s1+s7], $0x80, $0x38;
	[tilespmem:$0x18880] =	vst v63  }
0x61f: {  	s0 =	sadd.s32 $0x30, s0  }
0x620: {  	[tilespmem:s2], [sflag:$0x1] =	stream.linear.gather [hbm4b:s0+s7], $0x80, $0x38;
	[tilespmem:$0x18880] =	vst v63  }
0x621: {  	s3 =	sld [smem:$0x662];
	s2 =	spop (v2sf)  }
0x622: {  	s0 =	sand.u32 $0x1FFFFFC0, s2  }
0x623: {  	s2 =	sld [smem:$0x663];
	s0 =	sadd.s32 s9, s0  }
0x624: {  	[tilespmem:s3], [sflag:$0x1] =	stream.linear.gather [hbm4b:s0+s7], $0x80, $0x38;
	[tilespmem:$0x18880] =	vst v63  }
0x625: {  	s1 =	sadd.s32 $0x10, s0;
	s3 =	sld [smem:$0x664]  }
0x626: {  	(v2sf) =	vpush v2, $0x5;
	[tilespmem:s2], [sflag:$0x1] =	stream.linear.gather [hbm4b:s1+s7], $0x80, $0x38;
	[tilespmem:$0x18880] =	vst v63  }
0x627: {  	s1 =	sadd.s32 $0x20, s0;
	s2 =	sld [smem:$0x665]  }
0x628: {  	[tilespmem:s3], [sflag:$0x1] =	stream.linear.gather [hbm4b:s1+s7], $0x80, $0x38;
	[tilespmem:$0x18880] =	vst v63  }
0x629: {  	s0 =	sadd.s32 $0x30, s0  }
0x62a: {  	[tilespmem:s2], [sflag:$0x1] =	stream.linear.gather [hbm4b:s0+s7], $0x80, $0x38;
	[tilespmem:$0x18880] =	vst v63  }
0x62b: {  	s3 =	sld [smem:$0x666];
	s2 =	spop (v2sf)  }
0x62c: {  	s0 =	sand.u32 $0x1FFFFFC0, s2  }
0x62d: {  	s2 =	sld [smem:$0x667];
	s0 =	sadd.s32 s9, s0  }
0x62e: {  	[tilespmem:s3], [sflag:$0x1] =	stream.linear.gather [hbm4b:s0+s7], $0x80, $0x38;
	[tilespmem:$0x18880] =	vst v63  }
0x62f: {  	s1 =	sadd.s32 $0x10, s0;
	s3 =	sld [smem:$0x668]  }
0x630: {  	(v2sf) =	vpush v2, $0x6;
	[tilespmem:s2], [sflag:$0x1] =	stream.linear.gather [hbm4b:s1+s7], $0x80, $0x38;
	[tilespmem:$0x18880] =	vst v63  }
0x631: {  	s1 =	sadd.s32 $0x20, s0;
	s2 =	sld [smem:$0x669]  }
0x632: {  	[tilespmem:s3], [sflag:$0x1] =	stream.linear.gather [hbm4b:s1+s7], $0x80, $0x38;
	[tilespmem:$0x18880] =	vst v63  }
0x633: {  	s0 =	sadd.s32 $0x30, s0  }
0x634: {  	[tilespmem:s2], [sflag:$0x1] =	stream.linear.gather [hbm4b:s0+s7], $0x80, $0x38;
	[tilespmem:$0x18880] =	vst v63  }
0x635: {  	s3 =	sld [smem:$0x66A];
	s2 =	spop (v2sf)  }
0x636: {  	s0 =	sand.u32 $0x1FFFFFC0, s2  }
0x637: {  	s2 =	sld [smem:$0x66B];
	s0 =	sadd.s32 s9, s0  }
0x638: {  	[tilespmem:s3], [sflag:$0x1] =	stream.linear.gather [hbm4b:s0+s7], $0x80, $0x38;
	[tilespmem:$0x18880] =	vst v63  }
0x639: {  	s1 =	sadd.s32 $0x10, s0;
	s3 =	sld [smem:$0x66C]  }
0x63a: {  	[tilespmem:s2], [sflag:$0x1] =	stream.linear.gather [hbm4b:s1+s7], $0x80, $0x38;
	[tilespmem:$0x18880] =	vst v63  }
0x63b: {  	s1 =	sadd.s32 $0x20, s0;
	s2 =	sld [smem:$0x66D]  }
0x63c: {  	[tilespmem:s3], [sflag:$0x1] =	stream.linear.gather [hbm4b:s1+s7], $0x80, $0x38;
	[tilespmem:$0x18880] =	vst v63  }
0x63d: {  	s0 =	sadd.s32 $0x30, s0  }
0x63e: {  	[tilespmem:s2], [sflag:$0x1] =	stream.linear.gather [hbm4b:s0+s7], $0x80, $0x38;
	[tilespmem:$0x18880] =	vst v63  }
0x63f: {  	s3 =	sld [smem:$0x66E];
	s2 =	spop (v2sf)  }
0x640: {  	s0 =	sand.u32 $0x1FFFFFC0, s2  }
0x641: {  	s2 =	sld [smem:$0x66F];
	s0 =	sadd.s32 s9, s0  }
0x642: {  	[tilespmem:s3], [sflag:$0x1] =	stream.linear.gather [hbm4b:s0+s7], $0x80, $0x38;
	[tilespmem:$0x18880] =	vst v63  }
0x643: {  	s1 =	sadd.s32 $0x10, s0;
	s3 =	sld [smem:$0x670]  }
0x644: {  	[tilespmem:s2], [sflag:$0x1] =	stream.linear.gather [hbm4b:s1+s7], $0x80, $0x38;
	[tilespmem:$0x18880] =	vst v63  }
0x645: {  	s2 =	sadd.s32 $0x20, s0  }
0x646: {  	[tilespmem:s3], [sflag:$0x1] =	stream.linear.gather [hbm4b:s2+s7], $0x80, $0x38;
	[tilespmem:$0x18880] =	vst v63  }
0x647: {  	(v2sf) =	vpush v2, $0x7;
	_ =	sdelay $0xa  }
0x648: {  	s1 =	sld [smem:$0x671];
	_ =	sdelay $0x1  }
0x649: {  	s0 =	sadd.s32 $0x30, s0  }
0x64a: {  	[tilespmem:s1], [sflag:$0x1] =	stream.linear.gather [hbm4b:s0+s7], $0x80, $0x38;
	[tilespmem:$0x18880] =	vst v63  }
0x64b: {  	s3 =	sld [smem:$0x672];
	s2 =	spop (v2sf)  }
0x64c: {  	s0 =	sand.u32 $0x1FFFFFC0, s2  }
0x64d: {  	s2 =	sld [smem:$0x673];
	s0 =	sadd.s32 s9, s0  }
0x64e: {  	[tilespmem:s3], [sflag:$0x1] =	stream.linear.gather [hbm4b:s0+s7], $0x80, $0x38;
	[tilespmem:$0x18880] =	vst v63  }
0x64f: {  	s1 =	sadd.s32 $0x10, s0;
	s3 =	sld [smem:$0x674]  }
0x650: {  	[tilespmem:s2], [sflag:$0x1] =	stream.linear.gather [hbm4b:s1+s7], $0x80, $0x38;
	[tilespmem:$0x18880] =	vst v63  }
0x651: {  	s1 =	sadd.s32 $0x20, s0;
	s2 =	sld [smem:$0x675]  }
0x652: {  	[tilespmem:s3], [sflag:$0x1] =	stream.linear.gather [hbm4b:s1+s7], $0x80, $0x38;
	[tilespmem:$0x18880] =	vst v63  }
0x653: {  	s0 =	sadd.s32 $0x30, s0  }
0x654: {  	[tilespmem:s2], [sflag:$0x1] =	stream.linear.gather [hbm4b:s0+s7], $0x80, $0x38;
	[tilespmem:$0x18880] =	vst v63  }
0x655: {  	s0 =	simm.s32 @!p1 $0x2  }
0x656: {  	_ =	swait.ge @!p1 [sflag:s0], $0x3000  }
0x657: {  	[sflag:s0] =	ssyncset.done @!p1 $0x0  }
0x658: {  	[sflag:s0] =	ssyncadd.s32 @!p1 $0xFFFFD000  }
0x659: {  	_ =	swait.ge @!p1 [sflag:s0], $0x3000  }
0x65a: {  	[sflag:s0] =	ssyncset.done @!p1 $0x0  }
0x65b: {  	[sflag:s0] =	ssyncadd.s32 @!p1 $0xFFFFD000  }
0x65c: {  	_ =	swait.ge @!p1 [sflag:s0], $0x3000  }
0x65d: {  	[sflag:s0] =	ssyncset.done @!p1 $0x0  }
0x65e: {  	[sflag:s0] =	ssyncadd.s32 @!p1 $0xFFFFD000  }
0x65f: {  	_ =	swait.ge @!p1 [sflag:s0], $0x3000  }
0x660: {  	s1 =	sadd.s32 @!p1 $0x1FFFE800, s23;
	[sflag:s0] =	ssyncset.done @!p1 $0x0  }
0x661: {  	[sflag:s0] =	ssyncadd.s32 @!p1 $0xFFFFD000;
	s0 =	sand.u32 @!p1 $0x1FFFF800, s1  }
0x662: {  	s2 =	simm.s32 @!p1 $0xC880;
	s1 =	simm.s32 @!p1 $0x0;
	s0 =	sadd.s32 @!p1 s4, s0  }
0x663: {  	[hbm4b:s0+s1] =	stream.linear.scatter @!p1 [tilespmem:s2], [sflag:$0x4], $0xC000, $0x38;
	[tilespmem:$0x18880] =	vst v63  }
0x664: {  	s0 =	simm.s32 @!p1 $0x4  }
0x665: {  	_ =	swait.ge @!p1 [sflag:s0], $0xC000  }
0x666: {  	[sflag:s0] =	ssyncset.done @!p1 $0x0  }
0x667: {  	[sflag:s0] =	ssyncadd.s32 @!p1 $0xFFFF4000  }
0x668: {  	v2 =	vld [tilespmem:s24+$0x18];
	_ =	sdelay $0x4  }
0x669: {  	v2 =	vshll.u32 v2, $0x6  }
0x66a: {  	(v2sf) =	vpush v2, $0x0;
	_ =	sdelay $0x9  }
0x66b: {  	(v2sf) =	vpush v2, $0x1;
	_ =	sdelay $0x4  }
0x66c: {  	s2 =	spop (v2sf)  }
0x66d: {  	s0 =	sand.u32 $0x1FFFFFC0, s2  }
0x66e: {  	s3 =	simm.s32 $0xC880;
	s1 =	sld [smem:$0x676];
	s0 =	sadd.s32 s9, s0  }
0x66f: {  	[tilespmem:s3], [sflag:$0x2] =	stream.linear.gather [hbm4b:s0+s7], $0x80, $0x38;
	[tilespmem:$0x18880] =	vst v63  }
0x670: {  	s2 =	sadd.s32 $0x10, s0;
	s3 =	sld [smem:$0x677]  }
0x671: {  	(v2sf) =	vpush v2, $0x2;
	[tilespmem:s1], [sflag:$0x2] =	stream.linear.gather [hbm4b:s2+s7], $0x80, $0x38;
	[tilespmem:$0x18880] =	vst v63  }
0x672: {  	s1 =	sadd.s32 $0x20, s0;
	s2 =	sld [smem:$0x678]  }
0x673: {  	[tilespmem:s3], [sflag:$0x2] =	stream.linear.gather [hbm4b:s1+s7], $0x80, $0x38;
	[tilespmem:$0x18880] =	vst v63  }
0x674: {  	s0 =	sadd.s32 $0x30, s0  }
0x675: {  	[tilespmem:s2], [sflag:$0x2] =	stream.linear.gather [hbm4b:s0+s7], $0x80, $0x38;
	[tilespmem:$0x18880] =	vst v63  }
0x676: {  	s3 =	sld [smem:$0x679];
	s2 =	spop (v2sf)  }
0x677: {  	s0 =	sand.u32 $0x1FFFFFC0, s2  }
0x678: {  	s2 =	sld [smem:$0x67A];
	s0 =	sadd.s32 s9, s0  }
0x679: {  	[tilespmem:s3], [sflag:$0x2] =	stream.linear.gather [hbm4b:s0+s7], $0x80, $0x38;
	[tilespmem:$0x18880] =	vst v63  }
0x67a: {  	s1 =	sadd.s32 $0x10, s0;
	s3 =	sld [smem:$0x67B]  }
0x67b: {  	(v2sf) =	vpush v2, $0x3;
	[tilespmem:s2], [sflag:$0x2] =	stream.linear.gather [hbm4b:s1+s7], $0x80, $0x38;
	[tilespmem:$0x18880] =	vst v63  }
0x67c: {  	s1 =	sadd.s32 $0x20, s0;
	s2 =	sld [smem:$0x67C]  }
0x67d: {  	[tilespmem:s3], [sflag:$0x2] =	stream.linear.gather [hbm4b:s1+s7], $0x80, $0x38;
	[tilespmem:$0x18880] =	vst v63  }
0x67e: {  	s0 =	sadd.s32 $0x30, s0  }
0x67f: {  	[tilespmem:s2], [sflag:$0x2] =	stream.linear.gather [hbm4b:s0+s7], $0x80, $0x38;
	[tilespmem:$0x18880] =	vst v63  }
0x680: {  	s3 =	sld [smem:$0x67D];
	s2 =	spop (v2sf)  }
0x681: {  	s0 =	sand.u32 $0x1FFFFFC0, s2  }
0x682: {  	s2 =	sld [smem:$0x67E];
	s0 =	sadd.s32 s9, s0  }
0x683: {  	[tilespmem:s3], [sflag:$0x2] =	stream.linear.gather [hbm4b:s0+s7], $0x80, $0x38;
	[tilespmem:$0x18880] =	vst v63  }
0x684: {  	s1 =	sadd.s32 $0x10, s0;
	s3 =	sld [smem:$0x67F]  }
0x685: {  	(v2sf) =	vpush v2, $0x4;
	[tilespmem:s2], [sflag:$0x2] =	stream.linear.gather [hbm4b:s1+s7], $0x80, $0x38;
	[tilespmem:$0x18880] =	vst v63  }
0x686: {  	s1 =	sadd.s32 $0x20, s0;
	s2 =	sld [smem:$0x680]  }
0x687: {  	[tilespmem:s3], [sflag:$0x2] =	stream.linear.gather [hbm4b:s1+s7], $0x80, $0x38;
	[tilespmem:$0x18880] =	vst v63  }
0x688: {  	s0 =	sadd.s32 $0x30, s0  }
0x689: {  	[tilespmem:s2], [sflag:$0x2] =	stream.linear.gather [hbm4b:s0+s7], $0x80, $0x38;
	[tilespmem:$0x18880] =	vst v63  }
0x68a: {  	s3 =	sld [smem:$0x681];
	s2 =	spop (v2sf)  }
0x68b: {  	s0 =	sand.u32 $0x1FFFFFC0, s2  }
0x68c: {  	s2 =	sld [smem:$0x682];
	s0 =	sadd.s32 s9, s0  }
0x68d: {  	[tilespmem:s3], [sflag:$0x2] =	stream.linear.gather [hbm4b:s0+s7], $0x80, $0x38;
	[tilespmem:$0x18880] =	vst v63  }
0x68e: {  	s1 =	sadd.s32 $0x10, s0;
	s3 =	sld [smem:$0x683]  }
0x68f: {  	(v2sf) =	vpush v2, $0x5;
	[tilespmem:s2], [sflag:$0x2] =	stream.linear.gather [hbm4b:s1+s7], $0x80, $0x38;
	[tilespmem:$0x18880] =	vst v63  }
0x690: {  	s1 =	sadd.s32 $0x20, s0;
	s2 =	sld [smem:$0x684]  }
0x691: {  	[tilespmem:s3], [sflag:$0x2] =	stream.linear.gather [hbm4b:s1+s7], $0x80, $0x38;
	[tilespmem:$0x18880] =	vst v63  }
0x692: {  	s0 =	sadd.s32 $0x30, s0  }
0x693: {  	[tilespmem:s2], [sflag:$0x2] =	stream.linear.gather [hbm4b:s0+s7], $0x80, $0x38;
	[tilespmem:$0x18880] =	vst v63  }
0x694: {  	s3 =	sld [smem:$0x685];
	s2 =	spop (v2sf)  }
0x695: {  	s0 =	sand.u32 $0x1FFFFFC0, s2  }
0x696: {  	s2 =	sld [smem:$0x686];
	s0 =	sadd.s32 s9, s0  }
0x697: {  	[tilespmem:s3], [sflag:$0x2] =	stream.linear.gather [hbm4b:s0+s7], $0x80, $0x38;
	[tilespmem:$0x18880] =	vst v63  }
0x698: {  	s1 =	sadd.s32 $0x10, s0;
	s3 =	sld [smem:$0x687]  }
0x699: {  	(v2sf) =	vpush v2, $0x6;
	[tilespmem:s2], [sflag:$0x2] =	stream.linear.gather [hbm4b:s1+s7], $0x80, $0x38;
	[tilespmem:$0x18880] =	vst v63  }
0x69a: {  	s1 =	sadd.s32 $0x20, s0;
	s2 =	sld [smem:$0x688]  }
0x69b: {  	[tilespmem:s3], [sflag:$0x2] =	stream.linear.gather [hbm4b:s1+s7], $0x80, $0x38;
	[tilespmem:$0x18880] =	vst v63  }
0x69c: {  	s0 =	sadd.s32 $0x30, s0  }
0x69d: {  	[tilespmem:s2], [sflag:$0x2] =	stream.linear.gather [hbm4b:s0+s7], $0x80, $0x38;
	[tilespmem:$0x18880] =	vst v63  }
0x69e: {  	s3 =	sld [smem:$0x689];
	s2 =	spop (v2sf)  }
0x69f: {  	s0 =	sand.u32 $0x1FFFFFC0, s2  }
0x6a0: {  	s2 =	sld [smem:$0x68A];
	s0 =	sadd.s32 s9, s0  }
0x6a1: {  	[tilespmem:s3], [sflag:$0x2] =	stream.linear.gather [hbm4b:s0+s7], $0x80, $0x38;
	[tilespmem:$0x18880] =	vst v63  }
0x6a2: {  	s1 =	sadd.s32 $0x10, s0;
	s3 =	sld [smem:$0x68B]  }
0x6a3: {  	(v2sf) =	vpush v2, $0x7;
	[tilespmem:s2], [sflag:$0x2] =	stream.linear.gather [hbm4b:s1+s7], $0x80, $0x38;
	[tilespmem:$0x18880] =	vst v63  }
0x6a4: {  	s1 =	sadd.s32 $0x20, s0;
	s2 =	sld [smem:$0x68C]  }
0x6a5: {  	[tilespmem:s3], [sflag:$0x2] =	stream.linear.gather [hbm4b:s1+s7], $0x80, $0x38;
	[tilespmem:$0x18880] =	vst v63  }
0x6a6: {  	s0 =	sadd.s32 $0x30, s0  }
0x6a7: {  	[tilespmem:s2], [sflag:$0x2] =	stream.linear.gather [hbm4b:s0+s7], $0x80, $0x38;
	[tilespmem:$0x18880] =	vst v63  }
0x6a8: {  	s3 =	sld [smem:$0x68D];
	s2 =	spop (v2sf)  }
0x6a9: {  	s0 =	sand.u32 $0x1FFFFFC0, s2  }
0x6aa: {  	s2 =	sld [smem:$0x68E];
	s0 =	sadd.s32 s9, s0  }
0x6ab: {  	[tilespmem:s3], [sflag:$0x2] =	stream.linear.gather [hbm4b:s0+s7], $0x80, $0x38;
	[tilespmem:$0x18880] =	vst v63  }
0x6ac: {  	s1 =	sadd.s32 $0x10, s0;
	s3 =	sld [smem:$0x68F]  }
0x6ad: {  	(v2sf) =	vpush v2, $0x8;
	[tilespmem:s2], [sflag:$0x2] =	stream.linear.gather [hbm4b:s1+s7], $0x80, $0x38;
	[tilespmem:$0x18880] =	vst v63  }
0x6ae: {  	s1 =	sadd.s32 $0x20, s0;
	s2 =	sld [smem:$0x690]  }
0x6af: {  	[tilespmem:s3], [sflag:$0x2] =	stream.linear.gather [hbm4b:s1+s7], $0x80, $0x38;
	[tilespmem:$0x18880] =	vst v63  }
0x6b0: {  	s0 =	sadd.s32 $0x30, s0  }
0x6b1: {  	[tilespmem:s2], [sflag:$0x2] =	stream.linear.gather [hbm4b:s0+s7], $0x80, $0x38;
	[tilespmem:$0x18880] =	vst v63  }
0x6b2: {  	s3 =	sld [smem:$0x691];
	s2 =	spop (v2sf)  }
0x6b3: {  	s0 =	sand.u32 $0x1FFFFFC0, s2  }
0x6b4: {  	s2 =	sld [smem:$0x692];
	s0 =	sadd.s32 s9, s0  }
0x6b5: {  	[tilespmem:s3], [sflag:$0x2] =	stream.linear.gather [hbm4b:s0+s7], $0x80, $0x38;
	[tilespmem:$0x18880] =	vst v63  }
0x6b6: {  	s1 =	sadd.s32 $0x10, s0;
	s3 =	sld [smem:$0x693]  }
0x6b7: {  	(v2sf) =	vpush v2, $0x9;
	[tilespmem:s2], [sflag:$0x2] =	stream.linear.gather [hbm4b:s1+s7], $0x80, $0x38;
	[tilespmem:$0x18880] =	vst v63  }
0x6b8: {  	s1 =	sadd.s32 $0x20, s0;
	s2 =	sld [smem:$0x694]  }
0x6b9: {  	[tilespmem:s3], [sflag:$0x2] =	stream.linear.gather [hbm4b:s1+s7], $0x80, $0x38;
	[tilespmem:$0x18880] =	vst v63  }
0x6ba: {  	s0 =	sadd.s32 $0x30, s0  }
0x6bb: {  	[tilespmem:s2], [sflag:$0x2] =	stream.linear.gather [hbm4b:s0+s7], $0x80, $0x38;
	[tilespmem:$0x18880] =	vst v63  }
0x6bc: {  	s3 =	sld [smem:$0x695];
	s2 =	spop (v2sf)  }
0x6bd: {  	s0 =	sand.u32 $0x1FFFFFC0, s2  }
0x6be: {  	s2 =	sld [smem:$0x696];
	s0 =	sadd.s32 s9, s0  }
0x6bf: {  	[tilespmem:s3], [sflag:$0x2] =	stream.linear.gather [hbm4b:s0+s7], $0x80, $0x38;
	[tilespmem:$0x18880] =	vst v63  }
0x6c0: {  	s1 =	sadd.s32 $0x10, s0;
	s3 =	sld [smem:$0x697]  }
0x6c1: {  	(v2sf) =	vpush v2, $0xA;
	[tilespmem:s2], [sflag:$0x2] =	stream.linear.gather [hbm4b:s1+s7], $0x80, $0x38;
	[tilespmem:$0x18880] =	vst v63  }
0x6c2: {  	s1 =	sadd.s32 $0x20, s0;
	s2 =	sld [smem:$0x698]  }
0x6c3: {  	[tilespmem:s3], [sflag:$0x2] =	stream.linear.gather [hbm4b:s1+s7], $0x80, $0x38;
	[tilespmem:$0x18880] =	vst v63  }
0x6c4: {  	s0 =	sadd.s32 $0x30, s0  }
0x6c5: {  	[tilespmem:s2], [sflag:$0x2] =	stream.linear.gather [hbm4b:s0+s7], $0x80, $0x38;
	[tilespmem:$0x18880] =	vst v63  }
0x6c6: {  	s3 =	sld [smem:$0x699];
	s2 =	spop (v2sf)  }
0x6c7: {  	s0 =	sand.u32 $0x1FFFFFC0, s2  }
0x6c8: {  	s2 =	sld [smem:$0x69A];
	s0 =	sadd.s32 s9, s0  }
0x6c9: {  	[tilespmem:s3], [sflag:$0x2] =	stream.linear.gather [hbm4b:s0+s7], $0x80, $0x38;
	[tilespmem:$0x18880] =	vst v63  }
0x6ca: {  	s1 =	sadd.s32 $0x10, s0;
	s3 =	sld [smem:$0x69B]  }
0x6cb: {  	(v2sf) =	vpush v2, $0xB;
	[tilespmem:s2], [sflag:$0x2] =	stream.linear.gather [hbm4b:s1+s7], $0x80, $0x38;
	[tilespmem:$0x18880] =	vst v63  }
0x6cc: {  	s1 =	sadd.s32 $0x20, s0;
	s2 =	sld [smem:$0x69C]  }
0x6cd: {  	[tilespmem:s3], [sflag:$0x2] =	stream.linear.gather [hbm4b:s1+s7], $0x80, $0x38;
	[tilespmem:$0x18880] =	vst v63  }
0x6ce: {  	s0 =	sadd.s32 $0x30, s0  }
0x6cf: {  	[tilespmem:s2], [sflag:$0x2] =	stream.linear.gather [hbm4b:s0+s7], $0x80, $0x38;
	[tilespmem:$0x18880] =	vst v63  }
0x6d0: {  	s3 =	sld [smem:$0x69D];
	s2 =	spop (v2sf)  }
0x6d1: {  	s0 =	sand.u32 $0x1FFFFFC0, s2  }
0x6d2: {  	s2 =	sld [smem:$0x69E];
	s0 =	sadd.s32 s9, s0  }
0x6d3: {  	[tilespmem:s3], [sflag:$0x2] =	stream.linear.gather [hbm4b:s0+s7], $0x80, $0x38;
	[tilespmem:$0x18880] =	vst v63  }
0x6d4: {  	s1 =	sadd.s32 $0x10, s0;
	s3 =	sld [smem:$0x69F]  }
0x6d5: {  	(v2sf) =	vpush v2, $0xC;
	[tilespmem:s2], [sflag:$0x2] =	stream.linear.gather [hbm4b:s1+s7], $0x80, $0x38;
	[tilespmem:$0x18880] =	vst v63  }
0x6d6: {  	s1 =	sadd.s32 $0x20, s0;
	s2 =	sld [smem:$0x6A0]  }
0x6d7: {  	[tilespmem:s3], [sflag:$0x2] =	stream.linear.gather [hbm4b:s1+s7], $0x80, $0x38;
	[tilespmem:$0x18880] =	vst v63  }
0x6d8: {  	s0 =	sadd.s32 $0x30, s0  }
0x6d9: {  	[tilespmem:s2], [sflag:$0x2] =	stream.linear.gather [hbm4b:s0+s7], $0x80, $0x38;
	[tilespmem:$0x18880] =	vst v63  }
0x6da: {  	s3 =	sld [smem:$0x6A1];
	s2 =	spop (v2sf)  }
0x6db: {  	s0 =	sand.u32 $0x1FFFFFC0, s2  }
0x6dc: {  	s2 =	sld [smem:$0x6A2];
	s0 =	sadd.s32 s9, s0  }
0x6dd: {  	[tilespmem:s3], [sflag:$0x2] =	stream.linear.gather [hbm4b:s0+s7], $0x80, $0x38;
	[tilespmem:$0x18880] =	vst v63  }
0x6de: {  	s1 =	sadd.s32 $0x10, s0;
	s3 =	sld [smem:$0x6A3]  }
0x6df: {  	(v2sf) =	vpush v2, $0xD;
	[tilespmem:s2], [sflag:$0x2] =	stream.linear.gather [hbm4b:s1+s7], $0x80, $0x38;
	[tilespmem:$0x18880] =	vst v63  }
0x6e0: {  	s1 =	sadd.s32 $0x20, s0;
	s2 =	sld [smem:$0x6A4]  }
0x6e1: {  	[tilespmem:s3], [sflag:$0x2] =	stream.linear.gather [hbm4b:s1+s7], $0x80, $0x38;
	[tilespmem:$0x18880] =	vst v63  }
0x6e2: {  	s0 =	sadd.s32 $0x30, s0  }
0x6e3: {  	[tilespmem:s2], [sflag:$0x2] =	stream.linear.gather [hbm4b:s0+s7], $0x80, $0x38;
	[tilespmem:$0x18880] =	vst v63  }
0x6e4: {  	s3 =	sld [smem:$0x6A5];
	s2 =	spop (v2sf)  }
0x6e5: {  	s0 =	sand.u32 $0x1FFFFFC0, s2  }
0x6e6: {  	s2 =	sld [smem:$0x6A6];
	s0 =	sadd.s32 s9, s0  }
0x6e7: {  	[tilespmem:s3], [sflag:$0x2] =	stream.linear.gather [hbm4b:s0+s7], $0x80, $0x38;
	[tilespmem:$0x18880] =	vst v63  }
0x6e8: {  	s1 =	sadd.s32 $0x10, s0;
	s3 =	sld [smem:$0x6A7]  }
0x6e9: {  	(v2sf) =	vpush v2, $0xE;
	[tilespmem:s2], [sflag:$0x2] =	stream.linear.gather [hbm4b:s1+s7], $0x80, $0x38;
	[tilespmem:$0x18880] =	vst v63  }
0x6ea: {  	s1 =	sadd.s32 $0x20, s0;
	s2 =	sld [smem:$0x6A8]  }
0x6eb: {  	[tilespmem:s3], [sflag:$0x2] =	stream.linear.gather [hbm4b:s1+s7], $0x80, $0x38;
	[tilespmem:$0x18880] =	vst v63  }
0x6ec: {  	s0 =	sadd.s32 $0x30, s0  }
0x6ed: {  	[tilespmem:s2], [sflag:$0x2] =	stream.linear.gather [hbm4b:s0+s7], $0x80, $0x38;
	[tilespmem:$0x18880] =	vst v63  }
0x6ee: {  	s3 =	sld [smem:$0x6A9];
	s2 =	spop (v2sf)  }
0x6ef: {  	s0 =	sand.u32 $0x1FFFFFC0, s2  }
0x6f0: {  	s2 =	sld [smem:$0x6AA];
	s0 =	sadd.s32 s9, s0  }
0x6f1: {  	[tilespmem:s3], [sflag:$0x2] =	stream.linear.gather [hbm4b:s0+s7], $0x80, $0x38;
	[tilespmem:$0x18880] =	vst v63  }
0x6f2: {  	s1 =	sadd.s32 $0x10, s0;
	s3 =	sld [smem:$0x6AB]  }
0x6f3: {  	(v2sf) =	vpush v2, $0xF;
	[tilespmem:s2], [sflag:$0x2] =	stream.linear.gather [hbm4b:s1+s7], $0x80, $0x38;
	[tilespmem:$0x18880] =	vst v63  }
0x6f4: {  	s1 =	sadd.s32 $0x20, s0;
	s2 =	sld [smem:$0x6AC]  }
0x6f5: {  	[tilespmem:s3], [sflag:$0x2] =	stream.linear.gather [hbm4b:s1+s7], $0x80, $0x38;
	[tilespmem:$0x18880] =	vst v63  }
0x6f6: {  	s0 =	sadd.s32 $0x30, s0  }
0x6f7: {  	[tilespmem:s2], [sflag:$0x2] =	stream.linear.gather [hbm4b:s0+s7], $0x80, $0x38;
	[tilespmem:$0x18880] =	vst v63  }
0x6f8: {  	s3 =	sld [smem:$0x6AD];
	s2 =	spop (v2sf)  }
0x6f9: {  	s0 =	sand.u32 $0x1FFFFFC0, s2  }
0x6fa: {  	s2 =	sld [smem:$0x6AE];
	s0 =	sadd.s32 s9, s0  }
0x6fb: {  	[tilespmem:s3], [sflag:$0x2] =	stream.linear.gather [hbm4b:s0+s7], $0x80, $0x38;
	[tilespmem:$0x18880] =	vst v63  }
0x6fc: {  	s1 =	sadd.s32 $0x10, s0;
	s3 =	sld [smem:$0x6AF]  }
0x6fd: {  	[tilespmem:s2], [sflag:$0x2] =	stream.linear.gather [hbm4b:s1+s7], $0x80, $0x38;
	[tilespmem:$0x18880] =	vst v63  }
0x6fe: {  	s1 =	sadd.s32 $0x20, s0;
	s2 =	sld [smem:$0x6B0]  }
0x6ff: {  	[tilespmem:s3], [sflag:$0x2] =	stream.linear.gather [hbm4b:s1+s7], $0x80, $0x38;
	[tilespmem:$0x18880] =	vst v63  }
0x700: {  	s0 =	sadd.s32 $0x30, s0  }
0x701: {  	[tilespmem:s2], [sflag:$0x2] =	stream.linear.gather [hbm4b:s0+s7], $0x80, $0x38;
	[tilespmem:$0x18880] =	vst v63  }
0x702: {  	s3 =	sld [smem:$0x6B1];
	s2 =	spop (v2sf)  }
0x703: {  	s0 =	sand.u32 $0x1FFFFFC0, s2  }
0x704: {  	s2 =	sld [smem:$0x6B2];
	s0 =	sadd.s32 s9, s0  }
0x705: {  	[tilespmem:s3], [sflag:$0x2] =	stream.linear.gather [hbm4b:s0+s7], $0x80, $0x38;
	[tilespmem:$0x18880] =	vst v63  }
0x706: {  	s1 =	sadd.s32 $0x10, s0;
	s3 =	sld [smem:$0x6B3]  }
0x707: {  	[tilespmem:s2], [sflag:$0x2] =	stream.linear.gather [hbm4b:s1+s7], $0x80, $0x38;
	[tilespmem:$0x18880] =	vst v63  }
0x708: {  	s1 =	sadd.s32 $0x20, s0;
	s2 =	sld [smem:$0x6B4]  }
0x709: {  	[tilespmem:s3], [sflag:$0x2] =	stream.linear.gather [hbm4b:s1+s7], $0x80, $0x38;
	[tilespmem:$0x18880] =	vst v63  }
0x70a: {  	s0 =	sadd.s32 $0x30, s0  }
0x70b: {  	[tilespmem:s2], [sflag:$0x2] =	stream.linear.gather [hbm4b:s0+s7], $0x80, $0x38;
	[tilespmem:$0x18880] =	vst v63  }
0x70c: {  	v2 =	vld.msk [tilespmem:s24+$0x28], $0xff;
	_ =	sdelay $0x4  }
0x70d: {  	v2 =	vshll.u32 v2, $0x6  }
0x70e: {  	(v2sf) =	vpush v2, $0x0;
	_ =	sdelay $0x9  }
0x70f: {  	(v2sf) =	vpush v2, $0x1;
	_ =	sdelay $0x4  }
0x710: {  	s3 =	sld [smem:$0x6B5];
	s2 =	spop (v2sf)  }
0x711: {  	s0 =	sand.u32 $0x1FFFFFC0, s2  }
0x712: {  	s2 =	sld [smem:$0x6B6];
	s0 =	sadd.s32 s9, s0  }
0x713: {  	[tilespmem:s3], [sflag:$0x2] =	stream.linear.gather [hbm4b:s0+s7], $0x80, $0x38;
	[tilespmem:$0x18880] =	vst v63  }
0x714: {  	s1 =	sadd.s32 $0x10, s0;
	s3 =	sld [smem:$0x6B7]  }
0x715: {  	(v2sf) =	vpush v2, $0x2;
	[tilespmem:s2], [sflag:$0x2] =	stream.linear.gather [hbm4b:s1+s7], $0x80, $0x38;
	[tilespmem:$0x18880] =	vst v63  }
0x716: {  	s1 =	sadd.s32 $0x20, s0;
	s2 =	sld [smem:$0x6B8]  }
0x717: {  	[tilespmem:s3], [sflag:$0x2] =	stream.linear.gather [hbm4b:s1+s7], $0x80, $0x38;
	[tilespmem:$0x18880] =	vst v63  }
0x718: {  	s0 =	sadd.s32 $0x30, s0  }
0x719: {  	[tilespmem:s2], [sflag:$0x2] =	stream.linear.gather [hbm4b:s0+s7], $0x80, $0x38;
	[tilespmem:$0x18880] =	vst v63  }
0x71a: {  	s3 =	sld [smem:$0x6B9];
	s2 =	spop (v2sf)  }
0x71b: {  	s0 =	sand.u32 $0x1FFFFFC0, s2  }
0x71c: {  	s2 =	sld [smem:$0x6BA];
	s0 =	sadd.s32 s9, s0  }
0x71d: {  	[tilespmem:s3], [sflag:$0x2] =	stream.linear.gather [hbm4b:s0+s7], $0x80, $0x38;
	[tilespmem:$0x18880] =	vst v63  }
0x71e: {  	s1 =	sadd.s32 $0x10, s0;
	s3 =	sld [smem:$0x6BB]  }
0x71f: {  	(v2sf) =	vpush v2, $0x3;
	[tilespmem:s2], [sflag:$0x2] =	stream.linear.gather [hbm4b:s1+s7], $0x80, $0x38;
	[tilespmem:$0x18880] =	vst v63  }
0x720: {  	s1 =	sadd.s32 $0x20, s0;
	s2 =	sld [smem:$0x6BC]  }
0x721: {  	[tilespmem:s3], [sflag:$0x2] =	stream.linear.gather [hbm4b:s1+s7], $0x80, $0x38;
	[tilespmem:$0x18880] =	vst v63  }
0x722: {  	s0 =	sadd.s32 $0x30, s0  }
0x723: {  	[tilespmem:s2], [sflag:$0x2] =	stream.linear.gather [hbm4b:s0+s7], $0x80, $0x38;
	[tilespmem:$0x18880] =	vst v63  }
0x724: {  	s3 =	sld [smem:$0x6BD];
	s2 =	spop (v2sf)  }
0x725: {  	s0 =	sand.u32 $0x1FFFFFC0, s2  }
0x726: {  	s2 =	sld [smem:$0x6BE];
	s0 =	sadd.s32 s9, s0  }
0x727: {  	[tilespmem:s3], [sflag:$0x2] =	stream.linear.gather [hbm4b:s0+s7], $0x80, $0x38;
	[tilespmem:$0x18880] =	vst v63  }
0x728: {  	s1 =	sadd.s32 $0x10, s0;
	s3 =	sld [smem:$0x6BF]  }
0x729: {  	(v2sf) =	vpush v2, $0x4;
	[tilespmem:s2], [sflag:$0x2] =	stream.linear.gather [hbm4b:s1+s7], $0x80, $0x38;
	[tilespmem:$0x18880] =	vst v63  }
0x72a: {  	s1 =	sadd.s32 $0x20, s0;
	s2 =	sld [smem:$0x6C0]  }
0x72b: {  	[tilespmem:s3], [sflag:$0x2] =	stream.linear.gather [hbm4b:s1+s7], $0x80, $0x38;
	[tilespmem:$0x18880] =	vst v63  }
0x72c: {  	s0 =	sadd.s32 $0x30, s0  }
0x72d: {  	[tilespmem:s2], [sflag:$0x2] =	stream.linear.gather [hbm4b:s0+s7], $0x80, $0x38;
	[tilespmem:$0x18880] =	vst v63  }
0x72e: {  	s3 =	sld [smem:$0x6C1];
	s2 =	spop (v2sf)  }
0x72f: {  	s0 =	sand.u32 $0x1FFFFFC0, s2  }
0x730: {  	s2 =	sld [smem:$0x6C2];
	s0 =	sadd.s32 s9, s0  }
0x731: {  	[tilespmem:s3], [sflag:$0x2] =	stream.linear.gather [hbm4b:s0+s7], $0x80, $0x38;
	[tilespmem:$0x18880] =	vst v63  }
0x732: {  	s1 =	sadd.s32 $0x10, s0;
	s3 =	sld [smem:$0x6C3]  }
0x733: {  	(v2sf) =	vpush v2, $0x5;
	[tilespmem:s2], [sflag:$0x2] =	stream.linear.gather [hbm4b:s1+s7], $0x80, $0x38;
	[tilespmem:$0x18880] =	vst v63  }
0x734: {  	s1 =	sadd.s32 $0x20, s0;
	s2 =	sld [smem:$0x6C4]  }
0x735: {  	[tilespmem:s3], [sflag:$0x2] =	stream.linear.gather [hbm4b:s1+s7], $0x80, $0x38;
	[tilespmem:$0x18880] =	vst v63  }
0x736: {  	s0 =	sadd.s32 $0x30, s0  }
0x737: {  	[tilespmem:s2], [sflag:$0x2] =	stream.linear.gather [hbm4b:s0+s7], $0x80, $0x38;
	[tilespmem:$0x18880] =	vst v63  }
0x738: {  	s3 =	sld [smem:$0x6C5];
	s2 =	spop (v2sf)  }
0x739: {  	s0 =	sand.u32 $0x1FFFFFC0, s2  }
0x73a: {  	s2 =	sld [smem:$0x6C6];
	s0 =	sadd.s32 s9, s0  }
0x73b: {  	[tilespmem:s3], [sflag:$0x2] =	stream.linear.gather [hbm4b:s0+s7], $0x80, $0x38;
	[tilespmem:$0x18880] =	vst v63  }
0x73c: {  	s1 =	sadd.s32 $0x10, s0;
	s3 =	sld [smem:$0x6C7]  }
0x73d: {  	(v2sf) =	vpush v2, $0x6;
	[tilespmem:s2], [sflag:$0x2] =	stream.linear.gather [hbm4b:s1+s7], $0x80, $0x38;
	[tilespmem:$0x18880] =	vst v63  }
0x73e: {  	s1 =	sadd.s32 $0x20, s0;
	s2 =	sld [smem:$0x6C8]  }
0x73f: {  	[tilespmem:s3], [sflag:$0x2] =	stream.linear.gather [hbm4b:s1+s7], $0x80, $0x38;
	[tilespmem:$0x18880] =	vst v63  }
0x740: {  	s0 =	sadd.s32 $0x30, s0  }
0x741: {  	[tilespmem:s2], [sflag:$0x2] =	stream.linear.gather [hbm4b:s0+s7], $0x80, $0x38;
	[tilespmem:$0x18880] =	vst v63  }
0x742: {  	s3 =	sld [smem:$0x6C9];
	s2 =	spop (v2sf)  }
0x743: {  	s0 =	sand.u32 $0x1FFFFFC0, s2  }
0x744: {  	s2 =	sld [smem:$0x6CA];
	s0 =	sadd.s32 s9, s0  }
0x745: {  	[tilespmem:s3], [sflag:$0x2] =	stream.linear.gather [hbm4b:s0+s7], $0x80, $0x38;
	[tilespmem:$0x18880] =	vst v63  }
0x746: {  	s1 =	sadd.s32 $0x10, s0;
	s3 =	sld [smem:$0x6CB]  }
0x747: {  	(v2sf) =	vpush v2, $0x7;
	[tilespmem:s2], [sflag:$0x2] =	stream.linear.gather [hbm4b:s1+s7], $0x80, $0x38;
	[tilespmem:$0x18880] =	vst v63  }
0x748: {  	s1 =	sadd.s32 $0x20, s0;
	s2 =	sld [smem:$0x6CC]  }
0x749: {  	[tilespmem:s3], [sflag:$0x2] =	stream.linear.gather [hbm4b:s1+s7], $0x80, $0x38;
	[tilespmem:$0x18880] =	vst v63  }
0x74a: {  	s0 =	sadd.s32 $0x30, s0  }
0x74b: {  	[tilespmem:s2], [sflag:$0x2] =	stream.linear.gather [hbm4b:s0+s7], $0x80, $0x38;
	[tilespmem:$0x18880] =	vst v63  }
0x74c: {  	s3 =	sld [smem:$0x6CD];
	s2 =	spop (v2sf)  }
0x74d: {  	s0 =	sand.u32 $0x1FFFFFC0, s2  }
0x74e: {  	s2 =	sld [smem:$0x6CE];
	s0 =	sadd.s32 s9, s0  }
0x74f: {  	[tilespmem:s3], [sflag:$0x2] =	stream.linear.gather [hbm4b:s0+s7], $0x80, $0x38;
	[tilespmem:$0x18880] =	vst v63  }
0x750: {  	s1 =	sadd.s32 $0x10, s0;
	s3 =	sld [smem:$0x6CF]  }
0x751: {  	[tilespmem:s2], [sflag:$0x2] =	stream.linear.gather [hbm4b:s1+s7], $0x80, $0x38;
	[tilespmem:$0x18880] =	vst v63  }
0x752: {  	s1 =	sadd.s32 $0x20, s0;
	s2 =	sld [smem:$0x6D0]  }
0x753: {  	[tilespmem:s3], [sflag:$0x2] =	stream.linear.gather [hbm4b:s1+s7], $0x80, $0x38;
	[tilespmem:$0x18880] =	vst v63  }
0x754: {  	s0 =	sadd.s32 $0x30, s0  }
0x755: {  	[tilespmem:s2], [sflag:$0x2] =	stream.linear.gather [hbm4b:s0+s7], $0x80, $0x38;
	[tilespmem:$0x18880] =	vst v63  }
0x756: {  	s3 =	sld [smem:$0x6D1];
	s2 =	spop (v2sf)  }
0x757: {  	s0 =	sand.u32 $0x1FFFFFC0, s2  }
0x758: {  	s2 =	sld [smem:$0x6D2];
	s0 =	sadd.s32 s9, s0  }
0x759: {  	[tilespmem:s3], [sflag:$0x2] =	stream.linear.gather [hbm4b:s0+s7], $0x80, $0x38;
	[tilespmem:$0x18880] =	vst v63  }
0x75a: {  	s1 =	sadd.s32 $0x10, s0;
	s3 =	sld [smem:$0x6D3]  }
0x75b: {  	[tilespmem:s2], [sflag:$0x2] =	stream.linear.gather [hbm4b:s1+s7], $0x80, $0x38;
	[tilespmem:$0x18880] =	vst v63  }
0x75c: {  	s1 =	sadd.s32 $0x20, s0;
	s2 =	sld [smem:$0x6D4]  }
0x75d: {  	[tilespmem:s3], [sflag:$0x2] =	stream.linear.gather [hbm4b:s1+s7], $0x80, $0x38;
	[tilespmem:$0x18880] =	vst v63  }
0x75e: {  	s0 =	sadd.s32 $0x30, s0  }
0x75f: {  	[tilespmem:s2], [sflag:$0x2] =	stream.linear.gather [hbm4b:s0+s7], $0x80, $0x38;
	[tilespmem:$0x18880] =	vst v63  }
0x760: {  	v2 =	vld [tilespmem:s24+$0x238];
	_ =	sdelay $0x4  }
0x761: {  	v2 =	vshll.u32 v2, $0x6  }
0x762: {  	(v2sf) =	vpush v2, $0x0;
	_ =	sdelay $0x9  }
0x763: {  	(v2sf) =	vpush v2, $0x1;
	_ =	sdelay $0x4  }
0x764: {  	s3 =	sld [smem:$0x6D5];
	s2 =	spop (v2sf)  }
0x765: {  	s0 =	sand.u32 $0x1FFFFFC0, s2  }
0x766: {  	s2 =	sld [smem:$0x6D6];
	s0 =	sadd.s32 s9, s0  }
0x767: {  	[tilespmem:s3], [sflag:$0x2] =	stream.linear.gather [hbm4b:s0+s7], $0x80, $0x38;
	[tilespmem:$0x18880] =	vst v63  }
0x768: {  	s1 =	sadd.s32 $0x10, s0;
	s3 =	sld [smem:$0x6D7]  }
0x769: {  	(v2sf) =	vpush v2, $0x2;
	[tilespmem:s2], [sflag:$0x2] =	stream.linear.gather [hbm4b:s1+s7], $0x80, $0x38;
	[tilespmem:$0x18880] =	vst v63  }
0x76a: {  	s1 =	sadd.s32 $0x20, s0;
	s2 =	sld [smem:$0x6D8]  }
0x76b: {  	[tilespmem:s3], [sflag:$0x2] =	stream.linear.gather [hbm4b:s1+s7], $0x80, $0x38;
	[tilespmem:$0x18880] =	vst v63  }
0x76c: {  	s0 =	sadd.s32 $0x30, s0  }
0x76d: {  	[tilespmem:s2], [sflag:$0x2] =	stream.linear.gather [hbm4b:s0+s7], $0x80, $0x38;
	[tilespmem:$0x18880] =	vst v63  }
0x76e: {  	s3 =	sld [smem:$0x6D9];
	s2 =	spop (v2sf)  }
0x76f: {  	s0 =	sand.u32 $0x1FFFFFC0, s2  }
0x770: {  	s2 =	sld [smem:$0x6DA];
	s0 =	sadd.s32 s9, s0  }
0x771: {  	[tilespmem:s3], [sflag:$0x2] =	stream.linear.gather [hbm4b:s0+s7], $0x80, $0x38;
	[tilespmem:$0x18880] =	vst v63  }
0x772: {  	s1 =	sadd.s32 $0x10, s0;
	s3 =	sld [smem:$0x6DB]  }
0x773: {  	(v2sf) =	vpush v2, $0x3;
	[tilespmem:s2], [sflag:$0x2] =	stream.linear.gather [hbm4b:s1+s7], $0x80, $0x38;
	[tilespmem:$0x18880] =	vst v63  }
0x774: {  	s1 =	sadd.s32 $0x20, s0;
	s2 =	sld [smem:$0x6DC]  }
0x775: {  	[tilespmem:s3], [sflag:$0x2] =	stream.linear.gather [hbm4b:s1+s7], $0x80, $0x38;
	[tilespmem:$0x18880] =	vst v63  }
0x776: {  	s0 =	sadd.s32 $0x30, s0  }
0x777: {  	[tilespmem:s2], [sflag:$0x2] =	stream.linear.gather [hbm4b:s0+s7], $0x80, $0x38;
	[tilespmem:$0x18880] =	vst v63  }
0x778: {  	s3 =	sld [smem:$0x6DD];
	s2 =	spop (v2sf)  }
0x779: {  	s0 =	sand.u32 $0x1FFFFFC0, s2  }
0x77a: {  	s2 =	sld [smem:$0x6DE];
	s0 =	sadd.s32 s9, s0  }
0x77b: {  	[tilespmem:s3], [sflag:$0x2] =	stream.linear.gather [hbm4b:s0+s7], $0x80, $0x38;
	[tilespmem:$0x18880] =	vst v63  }
0x77c: {  	s1 =	sadd.s32 $0x10, s0;
	s3 =	sld [smem:$0x6DF]  }
0x77d: {  	(v2sf) =	vpush v2, $0x4;
	[tilespmem:s2], [sflag:$0x2] =	stream.linear.gather [hbm4b:s1+s7], $0x80, $0x38;
	[tilespmem:$0x18880] =	vst v63  }
0x77e: {  	s1 =	sadd.s32 $0x20, s0;
	s2 =	sld [smem:$0x6E0]  }
0x77f: {  	[tilespmem:s3], [sflag:$0x2] =	stream.linear.gather [hbm4b:s1+s7], $0x80, $0x38;
	[tilespmem:$0x18880] =	vst v63  }
0x780: {  	s0 =	sadd.s32 $0x30, s0  }
0x781: {  	[tilespmem:s2], [sflag:$0x2] =	stream.linear.gather [hbm4b:s0+s7], $0x80, $0x38;
	[tilespmem:$0x18880] =	vst v63  }
0x782: {  	s3 =	sld [smem:$0x6E1];
	s2 =	spop (v2sf)  }
0x783: {  	s0 =	sand.u32 $0x1FFFFFC0, s2  }
0x784: {  	s2 =	sld [smem:$0x6E2];
	s0 =	sadd.s32 s9, s0  }
0x785: {  	[tilespmem:s3], [sflag:$0x2] =	stream.linear.gather [hbm4b:s0+s7], $0x80, $0x38;
	[tilespmem:$0x18880] =	vst v63  }
0x786: {  	s1 =	sadd.s32 $0x10, s0;
	s3 =	sld [smem:$0x6E3]  }
0x787: {  	(v2sf) =	vpush v2, $0x5;
	[tilespmem:s2], [sflag:$0x2] =	stream.linear.gather [hbm4b:s1+s7], $0x80, $0x38;
	[tilespmem:$0x18880] =	vst v63  }
0x788: {  	s1 =	sadd.s32 $0x20, s0;
	s2 =	sld [smem:$0x6E4]  }
0x789: {  	[tilespmem:s3], [sflag:$0x2] =	stream.linear.gather [hbm4b:s1+s7], $0x80, $0x38;
	[tilespmem:$0x18880] =	vst v63  }
0x78a: {  	s0 =	sadd.s32 $0x30, s0  }
0x78b: {  	[tilespmem:s2], [sflag:$0x2] =	stream.linear.gather [hbm4b:s0+s7], $0x80, $0x38;
	[tilespmem:$0x18880] =	vst v63  }
0x78c: {  	s3 =	sld [smem:$0x6E5];
	s2 =	spop (v2sf)  }
0x78d: {  	s0 =	sand.u32 $0x1FFFFFC0, s2  }
0x78e: {  	s2 =	sld [smem:$0x6E6];
	s0 =	sadd.s32 s9, s0  }
0x78f: {  	[tilespmem:s3], [sflag:$0x2] =	stream.linear.gather [hbm4b:s0+s7], $0x80, $0x38;
	[tilespmem:$0x18880] =	vst v63  }
0x790: {  	s1 =	sadd.s32 $0x10, s0;
	s3 =	sld [smem:$0x6E7]  }
0x791: {  	(v2sf) =	vpush v2, $0x6;
	[tilespmem:s2], [sflag:$0x2] =	stream.linear.gather [hbm4b:s1+s7], $0x80, $0x38;
	[tilespmem:$0x18880] =	vst v63  }
0x792: {  	s1 =	sadd.s32 $0x20, s0;
	s2 =	sld [smem:$0x6E8]  }
0x793: {  	[tilespmem:s3], [sflag:$0x2] =	stream.linear.gather [hbm4b:s1+s7], $0x80, $0x38;
	[tilespmem:$0x18880] =	vst v63  }
0x794: {  	s0 =	sadd.s32 $0x30, s0  }
0x795: {  	[tilespmem:s2], [sflag:$0x2] =	stream.linear.gather [hbm4b:s0+s7], $0x80, $0x38;
	[tilespmem:$0x18880] =	vst v63  }
0x796: {  	s3 =	sld [smem:$0x6E9];
	s2 =	spop (v2sf)  }
0x797: {  	s0 =	sand.u32 $0x1FFFFFC0, s2  }
0x798: {  	s2 =	sld [smem:$0x6EA];
	s0 =	sadd.s32 s9, s0  }
0x799: {  	[tilespmem:s3], [sflag:$0x2] =	stream.linear.gather [hbm4b:s0+s7], $0x80, $0x38;
	[tilespmem:$0x18880] =	vst v63  }
0x79a: {  	s1 =	sadd.s32 $0x10, s0;
	s3 =	sld [smem:$0x6EB]  }
0x79b: {  	(v2sf) =	vpush v2, $0x7;
	[tilespmem:s2], [sflag:$0x2] =	stream.linear.gather [hbm4b:s1+s7], $0x80, $0x38;
	[tilespmem:$0x18880] =	vst v63  }
0x79c: {  	s1 =	sadd.s32 $0x20, s0;
	s2 =	sld [smem:$0x6EC]  }
0x79d: {  	[tilespmem:s3], [sflag:$0x2] =	stream.linear.gather [hbm4b:s1+s7], $0x80, $0x38;
	[tilespmem:$0x18880] =	vst v63  }
0x79e: {  	s0 =	sadd.s32 $0x30, s0  }
0x79f: {  	[tilespmem:s2], [sflag:$0x2] =	stream.linear.gather [hbm4b:s0+s7], $0x80, $0x38;
	[tilespmem:$0x18880] =	vst v63  }
0x7a0: {  	s3 =	sld [smem:$0x6ED];
	s2 =	spop (v2sf)  }
0x7a1: {  	s0 =	sand.u32 $0x1FFFFFC0, s2  }
0x7a2: {  	s2 =	sld [smem:$0x6EE];
	s0 =	sadd.s32 s9, s0  }
0x7a3: {  	[tilespmem:s3], [sflag:$0x2] =	stream.linear.gather [hbm4b:s0+s7], $0x80, $0x38;
	[tilespmem:$0x18880] =	vst v63  }
0x7a4: {  	s1 =	sadd.s32 $0x10, s0;
	s3 =	sld [smem:$0x6EF]  }
0x7a5: {  	(v2sf) =	vpush v2, $0x8;
	[tilespmem:s2], [sflag:$0x2] =	stream.linear.gather [hbm4b:s1+s7], $0x80, $0x38;
	[tilespmem:$0x18880] =	vst v63  }
0x7a6: {  	s1 =	sadd.s32 $0x20, s0;
	s2 =	sld [smem:$0x6F0]  }
0x7a7: {  	[tilespmem:s3], [sflag:$0x2] =	stream.linear.gather [hbm4b:s1+s7], $0x80, $0x38;
	[tilespmem:$0x18880] =	vst v63  }
0x7a8: {  	s0 =	sadd.s32 $0x30, s0  }
0x7a9: {  	[tilespmem:s2], [sflag:$0x2] =	stream.linear.gather [hbm4b:s0+s7], $0x80, $0x38;
	[tilespmem:$0x18880] =	vst v63  }
0x7aa: {  	s3 =	sld [smem:$0x6F1];
	s2 =	spop (v2sf)  }
0x7ab: {  	s0 =	sand.u32 $0x1FFFFFC0, s2  }
0x7ac: {  	s2 =	sld [smem:$0x6F2];
	s0 =	sadd.s32 s9, s0  }
0x7ad: {  	[tilespmem:s3], [sflag:$0x2] =	stream.linear.gather [hbm4b:s0+s7], $0x80, $0x38;
	[tilespmem:$0x18880] =	vst v63  }
0x7ae: {  	s1 =	sadd.s32 $0x10, s0;
	s3 =	sld [smem:$0x6F3]  }
0x7af: {  	(v2sf) =	vpush v2, $0x9;
	[tilespmem:s2], [sflag:$0x2] =	stream.linear.gather [hbm4b:s1+s7], $0x80, $0x38;
	[tilespmem:$0x18880] =	vst v63  }
0x7b0: {  	s1 =	sadd.s32 $0x20, s0;
	s2 =	sld [smem:$0x6F4]  }
0x7b1: {  	[tilespmem:s3], [sflag:$0x2] =	stream.linear.gather [hbm4b:s1+s7], $0x80, $0x38;
	[tilespmem:$0x18880] =	vst v63  }
0x7b2: {  	s0 =	sadd.s32 $0x30, s0  }
0x7b3: {  	[tilespmem:s2], [sflag:$0x2] =	stream.linear.gather [hbm4b:s0+s7], $0x80, $0x38;
	[tilespmem:$0x18880] =	vst v63  }
0x7b4: {  	s3 =	sld [smem:$0x6F5];
	s2 =	spop (v2sf)  }
0x7b5: {  	s0 =	sand.u32 $0x1FFFFFC0, s2  }
0x7b6: {  	s2 =	sld [smem:$0x6F6];
	s0 =	sadd.s32 s9, s0  }
0x7b7: {  	[tilespmem:s3], [sflag:$0x2] =	stream.linear.gather [hbm4b:s0+s7], $0x80, $0x38;
	[tilespmem:$0x18880] =	vst v63  }
0x7b8: {  	s1 =	sadd.s32 $0x10, s0;
	s3 =	sld [smem:$0x6F7]  }
0x7b9: {  	(v2sf) =	vpush v2, $0xA;
	[tilespmem:s2], [sflag:$0x2] =	stream.linear.gather [hbm4b:s1+s7], $0x80, $0x38;
	[tilespmem:$0x18880] =	vst v63  }
0x7ba: {  	s1 =	sadd.s32 $0x20, s0;
	s2 =	sld [smem:$0x6F8]  }
0x7bb: {  	[tilespmem:s3], [sflag:$0x2] =	stream.linear.gather [hbm4b:s1+s7], $0x80, $0x38;
	[tilespmem:$0x18880] =	vst v63  }
0x7bc: {  	s0 =	sadd.s32 $0x30, s0  }
0x7bd: {  	[tilespmem:s2], [sflag:$0x2] =	stream.linear.gather [hbm4b:s0+s7], $0x80, $0x38;
	[tilespmem:$0x18880] =	vst v63  }
0x7be: {  	s3 =	sld [smem:$0x6F9];
	s2 =	spop (v2sf)  }
0x7bf: {  	s0 =	sand.u32 $0x1FFFFFC0, s2  }
0x7c0: {  	s2 =	sld [smem:$0x6FA];
	s0 =	sadd.s32 s9, s0  }
0x7c1: {  	[tilespmem:s3], [sflag:$0x2] =	stream.linear.gather [hbm4b:s0+s7], $0x80, $0x38;
	[tilespmem:$0x18880] =	vst v63  }
0x7c2: {  	s1 =	sadd.s32 $0x10, s0;
	s3 =	sld [smem:$0x6FB]  }
0x7c3: {  	(v2sf) =	vpush v2, $0xB;
	[tilespmem:s2], [sflag:$0x2] =	stream.linear.gather [hbm4b:s1+s7], $0x80, $0x38;
	[tilespmem:$0x18880] =	vst v63  }
0x7c4: {  	s1 =	sadd.s32 $0x20, s0;
	s2 =	sld [smem:$0x6FC]  }
0x7c5: {  	[tilespmem:s3], [sflag:$0x2] =	stream.linear.gather [hbm4b:s1+s7], $0x80, $0x38;
	[tilespmem:$0x18880] =	vst v63  }
0x7c6: {  	s0 =	sadd.s32 $0x30, s0  }
0x7c7: {  	[tilespmem:s2], [sflag:$0x2] =	stream.linear.gather [hbm4b:s0+s7], $0x80, $0x38;
	[tilespmem:$0x18880] =	vst v63  }
0x7c8: {  	s3 =	sld [smem:$0x6FD];
	s2 =	spop (v2sf)  }
0x7c9: {  	s0 =	sand.u32 $0x1FFFFFC0, s2  }
0x7ca: {  	s2 =	sld [smem:$0x6FE];
	s0 =	sadd.s32 s9, s0  }
0x7cb: {  	[tilespmem:s3], [sflag:$0x2] =	stream.linear.gather [hbm4b:s0+s7], $0x80, $0x38;
	[tilespmem:$0x18880] =	vst v63  }
0x7cc: {  	s1 =	sadd.s32 $0x10, s0;
	s3 =	sld [smem:$0x6FF]  }
0x7cd: {  	(v2sf) =	vpush v2, $0xC;
	[tilespmem:s2], [sflag:$0x2] =	stream.linear.gather [hbm4b:s1+s7], $0x80, $0x38;
	[tilespmem:$0x18880] =	vst v63  }
0x7ce: {  	s1 =	sadd.s32 $0x20, s0;
	s2 =	sld [smem:$0x700]  }
0x7cf: {  	[tilespmem:s3], [sflag:$0x2] =	stream.linear.gather [hbm4b:s1+s7], $0x80, $0x38;
	[tilespmem:$0x18880] =	vst v63  }
0x7d0: {  	s0 =	sadd.s32 $0x30, s0  }
0x7d1: {  	[tilespmem:s2], [sflag:$0x2] =	stream.linear.gather [hbm4b:s0+s7], $0x80, $0x38;
	[tilespmem:$0x18880] =	vst v63  }
0x7d2: {  	s3 =	sld [smem:$0x702];
	s2 =	spop (v2sf)  }
0x7d3: {  	s0 =	sand.u32 $0x1FFFFFC0, s2  }
0x7d4: {  	s2 =	sld [smem:$0x704];
	s0 =	sadd.s32 s9, s0  }
0x7d5: {  	[tilespmem:s3], [sflag:$0x2] =	stream.linear.gather [hbm4b:s0+s7], $0x80, $0x38;
	[tilespmem:$0x18880] =	vst v63  }
0x7d6: {  	s1 =	sadd.s32 $0x10, s0;
	s3 =	sld [smem:$0x705]  }
0x7d7: {  	(v2sf) =	vpush v2, $0xD;
	[tilespmem:s2], [sflag:$0x2] =	stream.linear.gather [hbm4b:s1+s7], $0x80, $0x38;
	[tilespmem:$0x18880] =	vst v63  }
0x7d8: {  	s1 =	sadd.s32 $0x20, s0;
	s2 =	sld [smem:$0x708]  }
0x7d9: {  	[tilespmem:s3], [sflag:$0x2] =	stream.linear.gather [hbm4b:s1+s7], $0x80, $0x38;
	[tilespmem:$0x18880] =	vst v63  }
0x7da: {  	s0 =	sadd.s32 $0x30, s0  }
0x7db: {  	[tilespmem:s2], [sflag:$0x2] =	stream.linear.gather [hbm4b:s0+s7], $0x80, $0x38;
	[tilespmem:$0x18880] =	vst v63  }
0x7dc: {  	s3 =	sld [smem:$0x709];
	s2 =	spop (v2sf)  }
0x7dd: {  	s0 =	sand.u32 $0x1FFFFFC0, s2  }
0x7de: {  	s2 =	sld [smem:$0x70A];
	s0 =	sadd.s32 s9, s0  }
0x7df: {  	[tilespmem:s3], [sflag:$0x2] =	stream.linear.gather [hbm4b:s0+s7], $0x80, $0x38;
	[tilespmem:$0x18880] =	vst v63  }
0x7e0: {  	s1 =	sadd.s32 $0x10, s0;
	s3 =	sld [smem:$0x70B]  }
0x7e1: {  	(v2sf) =	vpush v2, $0xE;
	[tilespmem:s2], [sflag:$0x2] =	stream.linear.gather [hbm4b:s1+s7], $0x80, $0x38;
	[tilespmem:$0x18880] =	vst v63  }
0x7e2: {  	s1 =	sadd.s32 $0x20, s0;
	s2 =	sld [smem:$0x70C]  }
0x7e3: {  	[tilespmem:s3], [sflag:$0x2] =	stream.linear.gather [hbm4b:s1+s7], $0x80, $0x38;
	[tilespmem:$0x18880] =	vst v63  }
0x7e4: {  	s0 =	sadd.s32 $0x30, s0  }
0x7e5: {  	[tilespmem:s2], [sflag:$0x2] =	stream.linear.gather [hbm4b:s0+s7], $0x80, $0x38;
	[tilespmem:$0x18880] =	vst v63  }
0x7e6: {  	s3 =	sld [smem:$0x70D];
	s2 =	spop (v2sf)  }
0x7e7: {  	s0 =	sand.u32 $0x1FFFFFC0, s2  }
0x7e8: {  	s2 =	sld [smem:$0x70E];
	s0 =	sadd.s32 s9, s0  }
0x7e9: {  	[tilespmem:s3], [sflag:$0x2] =	stream.linear.gather [hbm4b:s0+s7], $0x80, $0x38;
	[tilespmem:$0x18880] =	vst v63  }
0x7ea: {  	s1 =	sadd.s32 $0x10, s0;
	s3 =	sld [smem:$0x70F]  }
0x7eb: {  	(v2sf) =	vpush v2, $0xF;
	[tilespmem:s2], [sflag:$0x2] =	stream.linear.gather [hbm4b:s1+s7], $0x80, $0x38;
	[tilespmem:$0x18880] =	vst v63  }
0x7ec: {  	s1 =	sadd.s32 $0x20, s0;
	s2 =	sld [smem:$0x710]  }
0x7ed: {  	[tilespmem:s3], [sflag:$0x2] =	stream.linear.gather [hbm4b:s1+s7], $0x80, $0x38;
	[tilespmem:$0x18880] =	vst v63  }
0x7ee: {  	s0 =	sadd.s32 $0x30, s0  }
0x7ef: {  	[tilespmem:s2], [sflag:$0x2] =	stream.linear.gather [hbm4b:s0+s7], $0x80, $0x38;
	[tilespmem:$0x18880] =	vst v63  }
0x7f0: {  	s3 =	sld [smem:$0x711];
	s2 =	spop (v2sf)  }
0x7f1: {  	s0 =	sand.u32 $0x1FFFFFC0, s2  }
0x7f2: {  	s2 =	sld [smem:$0x712];
	s0 =	sadd.s32 s9, s0  }
0x7f3: {  	[tilespmem:s3], [sflag:$0x2] =	stream.linear.gather [hbm4b:s0+s7], $0x80, $0x38;
	[tilespmem:$0x18880] =	vst v63  }
0x7f4: {  	s1 =	sadd.s32 $0x10, s0;
	s3 =	sld [smem:$0x713]  }
0x7f5: {  	[tilespmem:s2], [sflag:$0x2] =	stream.linear.gather [hbm4b:s1+s7], $0x80, $0x38;
	[tilespmem:$0x18880] =	vst v63  }
0x7f6: {  	s1 =	sadd.s32 $0x20, s0;
	s2 =	sld [smem:$0x714]  }
0x7f7: {  	[tilespmem:s3], [sflag:$0x2] =	stream.linear.gather [hbm4b:s1+s7], $0x80, $0x38;
	[tilespmem:$0x18880] =	vst v63  }
0x7f8: {  	s0 =	sadd.s32 $0x30, s0  }
0x7f9: {  	[tilespmem:s2], [sflag:$0x2] =	stream.linear.gather [hbm4b:s0+s7], $0x80, $0x38;
	[tilespmem:$0x18880] =	vst v63  }
0x7fa: {  	s3 =	sld [smem:$0x715];
	s2 =	spop (v2sf)  }
0x7fb: {  	s0 =	sand.u32 $0x1FFFFFC0, s2  }
0x7fc: {  	s2 =	sld [smem:$0x716];
	s0 =	sadd.s32 s9, s0  }
0x7fd: {  	[tilespmem:s3], [sflag:$0x2] =	stream.linear.gather [hbm4b:s0+s7], $0x80, $0x38;
	[tilespmem:$0x18880] =	vst v63  }
0x7fe: {  	s1 =	sadd.s32 $0x10, s0;
	s3 =	sld [smem:$0x717]  }
0x7ff: {  	[tilespmem:s2], [sflag:$0x2] =	stream.linear.gather [hbm4b:s1+s7], $0x80, $0x38;
	[tilespmem:$0x18880] =	vst v63  }
0x800: {  	s1 =	sadd.s32 $0x20, s0;
	s2 =	sld [smem:$0x718]  }
0x801: {  	[tilespmem:s3], [sflag:$0x2] =	stream.linear.gather [hbm4b:s1+s7], $0x80, $0x38;
	[tilespmem:$0x18880] =	vst v63  }
0x802: {  	s0 =	sadd.s32 $0x30, s0  }
0x803: {  	[tilespmem:s2], [sflag:$0x2] =	stream.linear.gather [hbm4b:s0+s7], $0x80, $0x38;
	[tilespmem:$0x18880] =	vst v63  }
0x804: {  	v2 =	vld.msk [tilespmem:s24+$0x248], $0xff;
	_ =	sdelay $0x4  }
0x805: {  	v2 =	vshll.u32 v2, $0x6  }
0x806: {  	(v2sf) =	vpush v2, $0x0;
	_ =	sdelay $0x9  }
0x807: {  	(v2sf) =	vpush v2, $0x1;
	_ =	sdelay $0x4  }
0x808: {  	s3 =	sld [smem:$0x719];
	s2 =	spop (v2sf)  }
0x809: {  	s0 =	sand.u32 $0x1FFFFFC0, s2  }
0x80a: {  	s2 =	sld [smem:$0x71A];
	s0 =	sadd.s32 s9, s0  }
0x80b: {  	[tilespmem:s3], [sflag:$0x2] =	stream.linear.gather [hbm4b:s0+s7], $0x80, $0x38;
	[tilespmem:$0x18880] =	vst v63  }
0x80c: {  	s1 =	sadd.s32 $0x10, s0;
	s3 =	sld [smem:$0x71B]  }
0x80d: {  	(v2sf) =	vpush v2, $0x2;
	[tilespmem:s2], [sflag:$0x2] =	stream.linear.gather [hbm4b:s1+s7], $0x80, $0x38;
	[tilespmem:$0x18880] =	vst v63  }
0x80e: {  	s1 =	sadd.s32 $0x20, s0;
	s2 =	sld [smem:$0x71C]  }
0x80f: {  	[tilespmem:s3], [sflag:$0x2] =	stream.linear.gather [hbm4b:s1+s7], $0x80, $0x38;
	[tilespmem:$0x18880] =	vst v63  }
0x810: {  	s0 =	sadd.s32 $0x30, s0  }
0x811: {  	[tilespmem:s2], [sflag:$0x2] =	stream.linear.gather [hbm4b:s0+s7], $0x80, $0x38;
	[tilespmem:$0x18880] =	vst v63  }
0x812: {  	s3 =	sld [smem:$0x71D];
	s2 =	spop (v2sf)  }
0x813: {  	s0 =	sand.u32 $0x1FFFFFC0, s2  }
0x814: {  	s2 =	sld [smem:$0x71E];
	s0 =	sadd.s32 s9, s0  }
0x815: {  	[tilespmem:s3], [sflag:$0x2] =	stream.linear.gather [hbm4b:s0+s7], $0x80, $0x38;
	[tilespmem:$0x18880] =	vst v63  }
0x816: {  	s1 =	sadd.s32 $0x10, s0;
	s3 =	sld [smem:$0x71F]  }
0x817: {  	(v2sf) =	vpush v2, $0x3;
	[tilespmem:s2], [sflag:$0x2] =	stream.linear.gather [hbm4b:s1+s7], $0x80, $0x38;
	[tilespmem:$0x18880] =	vst v63  }
0x818: {  	s1 =	sadd.s32 $0x20, s0;
	s2 =	sld [smem:$0x720]  }
0x819: {  	[tilespmem:s3], [sflag:$0x2] =	stream.linear.gather [hbm4b:s1+s7], $0x80, $0x38;
	[tilespmem:$0x18880] =	vst v63  }
0x81a: {  	s0 =	sadd.s32 $0x30, s0  }
0x81b: {  	[tilespmem:s2], [sflag:$0x2] =	stream.linear.gather [hbm4b:s0+s7], $0x80, $0x38;
	[tilespmem:$0x18880] =	vst v63  }
0x81c: {  	s3 =	sld [smem:$0x721];
	s2 =	spop (v2sf)  }
0x81d: {  	s0 =	sand.u32 $0x1FFFFFC0, s2  }
0x81e: {  	s2 =	sld [smem:$0x722];
	s0 =	sadd.s32 s9, s0  }
0x81f: {  	[tilespmem:s3], [sflag:$0x2] =	stream.linear.gather [hbm4b:s0+s7], $0x80, $0x38;
	[tilespmem:$0x18880] =	vst v63  }
0x820: {  	s1 =	sadd.s32 $0x10, s0;
	s3 =	sld [smem:$0x723]  }
0x821: {  	(v2sf) =	vpush v2, $0x4;
	[tilespmem:s2], [sflag:$0x2] =	stream.linear.gather [hbm4b:s1+s7], $0x80, $0x38;
	[tilespmem:$0x18880] =	vst v63  }
0x822: {  	s1 =	sadd.s32 $0x20, s0;
	s2 =	sld [smem:$0x724]  }
0x823: {  	[tilespmem:s3], [sflag:$0x2] =	stream.linear.gather [hbm4b:s1+s7], $0x80, $0x38;
	[tilespmem:$0x18880] =	vst v63  }
0x824: {  	s0 =	sadd.s32 $0x30, s0  }
0x825: {  	[tilespmem:s2], [sflag:$0x2] =	stream.linear.gather [hbm4b:s0+s7], $0x80, $0x38;
	[tilespmem:$0x18880] =	vst v63  }
0x826: {  	s3 =	sld [smem:$0x725];
	s2 =	spop (v2sf)  }
0x827: {  	s0 =	sand.u32 $0x1FFFFFC0, s2  }
0x828: {  	s2 =	sld [smem:$0x726];
	s0 =	sadd.s32 s9, s0  }
0x829: {  	[tilespmem:s3], [sflag:$0x2] =	stream.linear.gather [hbm4b:s0+s7], $0x80, $0x38;
	[tilespmem:$0x18880] =	vst v63  }
0x82a: {  	s1 =	sadd.s32 $0x10, s0;
	s3 =	sld [smem:$0x727]  }
0x82b: {  	(v2sf) =	vpush v2, $0x5;
	[tilespmem:s2], [sflag:$0x2] =	stream.linear.gather [hbm4b:s1+s7], $0x80, $0x38;
	[tilespmem:$0x18880] =	vst v63  }
0x82c: {  	s1 =	sadd.s32 $0x20, s0;
	s2 =	sld [smem:$0x728]  }
0x82d: {  	[tilespmem:s3], [sflag:$0x2] =	stream.linear.gather [hbm4b:s1+s7], $0x80, $0x38;
	[tilespmem:$0x18880] =	vst v63  }
0x82e: {  	s0 =	sadd.s32 $0x30, s0  }
0x82f: {  	[tilespmem:s2], [sflag:$0x2] =	stream.linear.gather [hbm4b:s0+s7], $0x80, $0x38;
	[tilespmem:$0x18880] =	vst v63  }
0x830: {  	s3 =	sld [smem:$0x729];
	s2 =	spop (v2sf)  }
0x831: {  	s0 =	sand.u32 $0x1FFFFFC0, s2  }
0x832: {  	s2 =	sld [smem:$0x72A];
	s0 =	sadd.s32 s9, s0  }
0x833: {  	[tilespmem:s3], [sflag:$0x2] =	stream.linear.gather [hbm4b:s0+s7], $0x80, $0x38;
	[tilespmem:$0x18880] =	vst v63  }
0x834: {  	s1 =	sadd.s32 $0x10, s0;
	s3 =	sld [smem:$0x72B]  }
0x835: {  	(v2sf) =	vpush v2, $0x6;
	[tilespmem:s2], [sflag:$0x2] =	stream.linear.gather [hbm4b:s1+s7], $0x80, $0x38;
	[tilespmem:$0x18880] =	vst v63  }
0x836: {  	s1 =	sadd.s32 $0x20, s0;
	s2 =	sld [smem:$0x72C]  }
0x837: {  	[tilespmem:s3], [sflag:$0x2] =	stream.linear.gather [hbm4b:s1+s7], $0x80, $0x38;
	[tilespmem:$0x18880] =	vst v63  }
0x838: {  	s0 =	sadd.s32 $0x30, s0  }
0x839: {  	[tilespmem:s2], [sflag:$0x2] =	stream.linear.gather [hbm4b:s0+s7], $0x80, $0x38;
	[tilespmem:$0x18880] =	vst v63  }
0x83a: {  	s3 =	sld [smem:$0x72D];
	s2 =	spop (v2sf)  }
0x83b: {  	s0 =	sand.u32 $0x1FFFFFC0, s2  }
0x83c: {  	s2 =	sld [smem:$0x72E];
	s0 =	sadd.s32 s9, s0  }
0x83d: {  	[tilespmem:s3], [sflag:$0x2] =	stream.linear.gather [hbm4b:s0+s7], $0x80, $0x38;
	[tilespmem:$0x18880] =	vst v63  }
0x83e: {  	s1 =	sadd.s32 $0x10, s0;
	s3 =	sld [smem:$0x72F]  }
0x83f: {  	(v2sf) =	vpush v2, $0x7;
	[tilespmem:s2], [sflag:$0x2] =	stream.linear.gather [hbm4b:s1+s7], $0x80, $0x38;
	[tilespmem:$0x18880] =	vst v63  }
0x840: {  	s1 =	sadd.s32 $0x20, s0;
	s2 =	sld [smem:$0x730]  }
0x841: {  	[tilespmem:s3], [sflag:$0x2] =	stream.linear.gather [hbm4b:s1+s7], $0x80, $0x38;
	[tilespmem:$0x18880] =	vst v63  }
0x842: {  	s0 =	sadd.s32 $0x30, s0  }
0x843: {  	[tilespmem:s2], [sflag:$0x2] =	stream.linear.gather [hbm4b:s0+s7], $0x80, $0x38;
	[tilespmem:$0x18880] =	vst v63  }
0x844: {  	s3 =	sld [smem:$0x731];
	s2 =	spop (v2sf)  }
0x845: {  	s0 =	sand.u32 $0x1FFFFFC0, s2  }
0x846: {  	s2 =	sld [smem:$0x732];
	s0 =	sadd.s32 s9, s0  }
0x847: {  	[tilespmem:s3], [sflag:$0x2] =	stream.linear.gather [hbm4b:s0+s7], $0x80, $0x38;
	[tilespmem:$0x18880] =	vst v63  }
0x848: {  	s1 =	sadd.s32 $0x10, s0;
	s3 =	sld [smem:$0x733]  }
0x849: {  	[tilespmem:s2], [sflag:$0x2] =	stream.linear.gather [hbm4b:s1+s7], $0x80, $0x38;
	[tilespmem:$0x18880] =	vst v63  }
0x84a: {  	s1 =	sadd.s32 $0x20, s0;
	s2 =	sld [smem:$0x734]  }
0x84b: {  	[tilespmem:s3], [sflag:$0x2] =	stream.linear.gather [hbm4b:s1+s7], $0x80, $0x38;
	[tilespmem:$0x18880] =	vst v63  }
0x84c: {  	s0 =	sadd.s32 $0x30, s0  }
0x84d: {  	[tilespmem:s2], [sflag:$0x2] =	stream.linear.gather [hbm4b:s0+s7], $0x80, $0x38;
	[tilespmem:$0x18880] =	vst v63  }
0x84e: {  	s3 =	sld [smem:$0x735];
	s2 =	spop (v2sf)  }
0x84f: {  	s0 =	sand.u32 $0x1FFFFFC0, s2  }
0x850: {  	s0 =	sadd.s32 s9, s0  }
0x851: {  	[tilespmem:s3], [sflag:$0x2] =	stream.linear.gather [hbm4b:s0+s7], $0x80, $0x38;
	[tilespmem:$0x18880] =	vst v63  }
0x852: {  	s1 =	sld [smem:$0x736];
	_ =	sdelay $0x1  }
0x853: {  	s2 =	sadd.s32 $0x10, s0;
	s3 =	sld [smem:$0x737]  }
0x854: {  	[tilespmem:s1], [sflag:$0x2] =	stream.linear.gather [hbm4b:s2+s7], $0x80, $0x38;
	[tilespmem:$0x18880] =	vst v63  }
0x855: {  	s1 =	sadd.s32 $0x20, s0;
	s2 =	sld [smem:$0x738]  }
0x856: {  	[tilespmem:s3], [sflag:$0x2] =	stream.linear.gather [hbm4b:s1+s7], $0x80, $0x38;
	[tilespmem:$0x18880] =	vst v63  }
0x857: {  	s0 =	sadd.s32 $0x30, s0  }
0x858: {  	[tilespmem:s2], [sflag:$0x2] =	stream.linear.gather [hbm4b:s0+s7], $0x80, $0x38;
	[tilespmem:$0x18880] =	vst v63  }
0x859: {  	v2 =	vld [tilespmem:s24+$0x458];
	_ =	sdelay $0x4  }
0x85a: {  	v2 =	vshll.u32 v2, $0x6  }
0x85b: {  	(v2sf) =	vpush v2, $0x0;
	_ =	sdelay $0x9  }
0x85c: {  	(v2sf) =	vpush v2, $0x1;
	_ =	sdelay $0x4  }
0x85d: {  	s3 =	sld [smem:$0x739];
	s2 =	spop (v2sf)  }
0x85e: {  	s0 =	sand.u32 $0x1FFFFFC0, s2  }
0x85f: {  	s2 =	sld [smem:$0x73A];
	s0 =	sadd.s32 s9, s0  }
0x860: {  	[tilespmem:s3], [sflag:$0x2] =	stream.linear.gather [hbm4b:s0+s7], $0x80, $0x38;
	[tilespmem:$0x18880] =	vst v63  }
0x861: {  	s1 =	sadd.s32 $0x10, s0;
	s3 =	sld [smem:$0x73B]  }
0x862: {  	(v2sf) =	vpush v2, $0x2;
	[tilespmem:s2], [sflag:$0x2] =	stream.linear.gather [hbm4b:s1+s7], $0x80, $0x38;
	[tilespmem:$0x18880] =	vst v63  }
0x863: {  	s1 =	sadd.s32 $0x20, s0;
	s2 =	sld [smem:$0x73C]  }
0x864: {  	[tilespmem:s3], [sflag:$0x2] =	stream.linear.gather [hbm4b:s1+s7], $0x80, $0x38;
	[tilespmem:$0x18880] =	vst v63  }
0x865: {  	s0 =	sadd.s32 $0x30, s0  }
0x866: {  	[tilespmem:s2], [sflag:$0x2] =	stream.linear.gather [hbm4b:s0+s7], $0x80, $0x38;
	[tilespmem:$0x18880] =	vst v63  }
0x867: {  	s3 =	sld [smem:$0x73D];
	s2 =	spop (v2sf)  }
0x868: {  	s0 =	sand.u32 $0x1FFFFFC0, s2  }
0x869: {  	s2 =	sld [smem:$0x73E];
	s0 =	sadd.s32 s9, s0  }
0x86a: {  	[tilespmem:s3], [sflag:$0x2] =	stream.linear.gather [hbm4b:s0+s7], $0x80, $0x38;
	[tilespmem:$0x18880] =	vst v63  }
0x86b: {  	s1 =	sadd.s32 $0x10, s0;
	s3 =	sld [smem:$0x73F]  }
0x86c: {  	(v2sf) =	vpush v2, $0x3;
	[tilespmem:s2], [sflag:$0x2] =	stream.linear.gather [hbm4b:s1+s7], $0x80, $0x38;
	[tilespmem:$0x18880] =	vst v63  }
0x86d: {  	s1 =	sadd.s32 $0x20, s0;
	s2 =	sld [smem:$0x740]  }
0x86e: {  	[tilespmem:s3], [sflag:$0x2] =	stream.linear.gather [hbm4b:s1+s7], $0x80, $0x38;
	[tilespmem:$0x18880] =	vst v63  }
0x86f: {  	s0 =	sadd.s32 $0x30, s0  }
0x870: {  	[tilespmem:s2], [sflag:$0x2] =	stream.linear.gather [hbm4b:s0+s7], $0x80, $0x38;
	[tilespmem:$0x18880] =	vst v63  }
0x871: {  	s3 =	sld [smem:$0x741];
	s2 =	spop (v2sf)  }
0x872: {  	s0 =	sand.u32 $0x1FFFFFC0, s2  }
0x873: {  	s2 =	sld [smem:$0x742];
	s0 =	sadd.s32 s9, s0  }
0x874: {  	[tilespmem:s3], [sflag:$0x2] =	stream.linear.gather [hbm4b:s0+s7], $0x80, $0x38;
	[tilespmem:$0x18880] =	vst v63  }
0x875: {  	s1 =	sadd.s32 $0x10, s0;
	s3 =	sld [smem:$0x743]  }
0x876: {  	(v2sf) =	vpush v2, $0x4;
	[tilespmem:s2], [sflag:$0x2] =	stream.linear.gather [hbm4b:s1+s7], $0x80, $0x38;
	[tilespmem:$0x18880] =	vst v63  }
0x877: {  	s1 =	sadd.s32 $0x20, s0;
	s2 =	sld [smem:$0x744]  }
0x878: {  	[tilespmem:s3], [sflag:$0x2] =	stream.linear.gather [hbm4b:s1+s7], $0x80, $0x38;
	[tilespmem:$0x18880] =	vst v63  }
0x879: {  	s0 =	sadd.s32 $0x30, s0  }
0x87a: {  	[tilespmem:s2], [sflag:$0x2] =	stream.linear.gather [hbm4b:s0+s7], $0x80, $0x38;
	[tilespmem:$0x18880] =	vst v63  }
0x87b: {  	s3 =	sld [smem:$0x745];
	s2 =	spop (v2sf)  }
0x87c: {  	s0 =	sand.u32 $0x1FFFFFC0, s2  }
0x87d: {  	s2 =	sld [smem:$0x746];
	s0 =	sadd.s32 s9, s0  }
0x87e: {  	[tilespmem:s3], [sflag:$0x2] =	stream.linear.gather [hbm4b:s0+s7], $0x80, $0x38;
	[tilespmem:$0x18880] =	vst v63  }
0x87f: {  	s1 =	sadd.s32 $0x10, s0;
	s3 =	sld [smem:$0x747]  }
0x880: {  	(v2sf) =	vpush v2, $0x5;
	[tilespmem:s2], [sflag:$0x2] =	stream.linear.gather [hbm4b:s1+s7], $0x80, $0x38;
	[tilespmem:$0x18880] =	vst v63  }
0x881: {  	s1 =	sadd.s32 $0x20, s0;
	s2 =	sld [smem:$0x748]  }
0x882: {  	[tilespmem:s3], [sflag:$0x2] =	stream.linear.gather [hbm4b:s1+s7], $0x80, $0x38;
	[tilespmem:$0x18880] =	vst v63  }
0x883: {  	s0 =	sadd.s32 $0x30, s0  }
0x884: {  	[tilespmem:s2], [sflag:$0x2] =	stream.linear.gather [hbm4b:s0+s7], $0x80, $0x38;
	[tilespmem:$0x18880] =	vst v63  }
0x885: {  	s3 =	sld [smem:$0x749];
	s2 =	spop (v2sf)  }
0x886: {  	s0 =	sand.u32 $0x1FFFFFC0, s2  }
0x887: {  	s2 =	sld [smem:$0x74A];
	s0 =	sadd.s32 s9, s0  }
0x888: {  	[tilespmem:s3], [sflag:$0x2] =	stream.linear.gather [hbm4b:s0+s7], $0x80, $0x38;
	[tilespmem:$0x18880] =	vst v63  }
0x889: {  	s1 =	sadd.s32 $0x10, s0;
	s3 =	sld [smem:$0x74B]  }
0x88a: {  	(v2sf) =	vpush v2, $0x6;
	[tilespmem:s2], [sflag:$0x2] =	stream.linear.gather [hbm4b:s1+s7], $0x80, $0x38;
	[tilespmem:$0x18880] =	vst v63  }
0x88b: {  	s1 =	sadd.s32 $0x20, s0;
	s2 =	sld [smem:$0x74C]  }
0x88c: {  	[tilespmem:s3], [sflag:$0x2] =	stream.linear.gather [hbm4b:s1+s7], $0x80, $0x38;
	[tilespmem:$0x18880] =	vst v63  }
0x88d: {  	s0 =	sadd.s32 $0x30, s0  }
0x88e: {  	[tilespmem:s2], [sflag:$0x2] =	stream.linear.gather [hbm4b:s0+s7], $0x80, $0x38;
	[tilespmem:$0x18880] =	vst v63  }
0x88f: {  	s3 =	sld [smem:$0x74D];
	s2 =	spop (v2sf)  }
0x890: {  	s0 =	sand.u32 $0x1FFFFFC0, s2  }
0x891: {  	s2 =	sld [smem:$0x74E];
	s0 =	sadd.s32 s9, s0  }
0x892: {  	[tilespmem:s3], [sflag:$0x2] =	stream.linear.gather [hbm4b:s0+s7], $0x80, $0x38;
	[tilespmem:$0x18880] =	vst v63  }
0x893: {  	s1 =	sadd.s32 $0x10, s0;
	s3 =	sld [smem:$0x74F]  }
0x894: {  	(v2sf) =	vpush v2, $0x7;
	[tilespmem:s2], [sflag:$0x2] =	stream.linear.gather [hbm4b:s1+s7], $0x80, $0x38;
	[tilespmem:$0x18880] =	vst v63  }
0x895: {  	s1 =	sadd.s32 $0x20, s0;
	s2 =	sld [smem:$0x750]  }
0x896: {  	[tilespmem:s3], [sflag:$0x2] =	stream.linear.gather [hbm4b:s1+s7], $0x80, $0x38;
	[tilespmem:$0x18880] =	vst v63  }
0x897: {  	s0 =	sadd.s32 $0x30, s0  }
0x898: {  	[tilespmem:s2], [sflag:$0x2] =	stream.linear.gather [hbm4b:s0+s7], $0x80, $0x38;
	[tilespmem:$0x18880] =	vst v63  }
0x899: {  	s3 =	sld [smem:$0x751];
	s2 =	spop (v2sf)  }
0x89a: {  	s0 =	sand.u32 $0x1FFFFFC0, s2  }
0x89b: {  	s2 =	sld [smem:$0x752];
	s0 =	sadd.s32 s9, s0  }
0x89c: {  	[tilespmem:s3], [sflag:$0x2] =	stream.linear.gather [hbm4b:s0+s7], $0x80, $0x38;
	[tilespmem:$0x18880] =	vst v63  }
0x89d: {  	s1 =	sadd.s32 $0x10, s0;
	s3 =	sld [smem:$0x753]  }
0x89e: {  	(v2sf) =	vpush v2, $0x8;
	[tilespmem:s2], [sflag:$0x2] =	stream.linear.gather [hbm4b:s1+s7], $0x80, $0x38;
	[tilespmem:$0x18880] =	vst v63  }
0x89f: {  	s1 =	sadd.s32 $0x20, s0;
	s2 =	sld [smem:$0x754]  }
0x8a0: {  	[tilespmem:s3], [sflag:$0x2] =	stream.linear.gather [hbm4b:s1+s7], $0x80, $0x38;
	[tilespmem:$0x18880] =	vst v63  }
0x8a1: {  	s0 =	sadd.s32 $0x30, s0  }
0x8a2: {  	[tilespmem:s2], [sflag:$0x2] =	stream.linear.gather [hbm4b:s0+s7], $0x80, $0x38;
	[tilespmem:$0x18880] =	vst v63  }
0x8a3: {  	s3 =	sld [smem:$0x755];
	s2 =	spop (v2sf)  }
0x8a4: {  	s0 =	sand.u32 $0x1FFFFFC0, s2  }
0x8a5: {  	s2 =	sld [smem:$0x756];
	s0 =	sadd.s32 s9, s0  }
0x8a6: {  	[tilespmem:s3], [sflag:$0x2] =	stream.linear.gather [hbm4b:s0+s7], $0x80, $0x38;
	[tilespmem:$0x18880] =	vst v63  }
0x8a7: {  	s1 =	sadd.s32 $0x10, s0;
	s3 =	sld [smem:$0x757]  }
0x8a8: {  	(v2sf) =	vpush v2, $0x9;
	[tilespmem:s2], [sflag:$0x2] =	stream.linear.gather [hbm4b:s1+s7], $0x80, $0x38;
	[tilespmem:$0x18880] =	vst v63  }
0x8a9: {  	s1 =	sadd.s32 $0x20, s0;
	s2 =	sld [smem:$0x758]  }
0x8aa: {  	[tilespmem:s3], [sflag:$0x2] =	stream.linear.gather [hbm4b:s1+s7], $0x80, $0x38;
	[tilespmem:$0x18880] =	vst v63  }
0x8ab: {  	s0 =	sadd.s32 $0x30, s0  }
0x8ac: {  	[tilespmem:s2], [sflag:$0x2] =	stream.linear.gather [hbm4b:s0+s7], $0x80, $0x38;
	[tilespmem:$0x18880] =	vst v63  }
0x8ad: {  	s3 =	sld [smem:$0x759];
	s2 =	spop (v2sf)  }
0x8ae: {  	s0 =	sand.u32 $0x1FFFFFC0, s2  }
0x8af: {  	s2 =	sld [smem:$0x75A];
	s0 =	sadd.s32 s9, s0  }
0x8b0: {  	[tilespmem:s3], [sflag:$0x2] =	stream.linear.gather [hbm4b:s0+s7], $0x80, $0x38;
	[tilespmem:$0x18880] =	vst v63  }
0x8b1: {  	s1 =	sadd.s32 $0x10, s0;
	s3 =	sld [smem:$0x75B]  }
0x8b2: {  	(v2sf) =	vpush v2, $0xA;
	[tilespmem:s2], [sflag:$0x2] =	stream.linear.gather [hbm4b:s1+s7], $0x80, $0x38;
	[tilespmem:$0x18880] =	vst v63  }
0x8b3: {  	s1 =	sadd.s32 $0x20, s0;
	s2 =	sld [smem:$0x75C]  }
0x8b4: {  	[tilespmem:s3], [sflag:$0x2] =	stream.linear.gather [hbm4b:s1+s7], $0x80, $0x38;
	[tilespmem:$0x18880] =	vst v63  }
0x8b5: {  	s0 =	sadd.s32 $0x30, s0  }
0x8b6: {  	[tilespmem:s2], [sflag:$0x2] =	stream.linear.gather [hbm4b:s0+s7], $0x80, $0x38;
	[tilespmem:$0x18880] =	vst v63  }
0x8b7: {  	s3 =	sld [smem:$0x75D];
	s2 =	spop (v2sf)  }
0x8b8: {  	s0 =	sand.u32 $0x1FFFFFC0, s2  }
0x8b9: {  	s2 =	sld [smem:$0x75E];
	s0 =	sadd.s32 s9, s0  }
0x8ba: {  	[tilespmem:s3], [sflag:$0x2] =	stream.linear.gather [hbm4b:s0+s7], $0x80, $0x38;
	[tilespmem:$0x18880] =	vst v63  }
0x8bb: {  	s1 =	sadd.s32 $0x10, s0;
	s3 =	sld [smem:$0x75F]  }
0x8bc: {  	(v2sf) =	vpush v2, $0xB;
	[tilespmem:s2], [sflag:$0x2] =	stream.linear.gather [hbm4b:s1+s7], $0x80, $0x38;
	[tilespmem:$0x18880] =	vst v63  }
0x8bd: {  	s1 =	sadd.s32 $0x20, s0;
	s2 =	sld [smem:$0x760]  }
0x8be: {  	[tilespmem:s3], [sflag:$0x2] =	stream.linear.gather [hbm4b:s1+s7], $0x80, $0x38;
	[tilespmem:$0x18880] =	vst v63  }
0x8bf: {  	s0 =	sadd.s32 $0x30, s0  }
0x8c0: {  	[tilespmem:s2], [sflag:$0x2] =	stream.linear.gather [hbm4b:s0+s7], $0x80, $0x38;
	[tilespmem:$0x18880] =	vst v63  }
0x8c1: {  	s3 =	sld [smem:$0x761];
	s2 =	spop (v2sf)  }
0x8c2: {  	s0 =	sand.u32 $0x1FFFFFC0, s2  }
0x8c3: {  	s2 =	sld [smem:$0x762];
	s0 =	sadd.s32 s9, s0  }
0x8c4: {  	[tilespmem:s3], [sflag:$0x2] =	stream.linear.gather [hbm4b:s0+s7], $0x80, $0x38;
	[tilespmem:$0x18880] =	vst v63  }
0x8c5: {  	s1 =	sadd.s32 $0x10, s0;
	s3 =	sld [smem:$0x763]  }
0x8c6: {  	(v2sf) =	vpush v2, $0xC;
	[tilespmem:s2], [sflag:$0x2] =	stream.linear.gather [hbm4b:s1+s7], $0x80, $0x38;
	[tilespmem:$0x18880] =	vst v63  }
0x8c7: {  	s1 =	sadd.s32 $0x20, s0;
	s2 =	sld [smem:$0x764]  }
0x8c8: {  	[tilespmem:s3], [sflag:$0x2] =	stream.linear.gather [hbm4b:s1+s7], $0x80, $0x38;
	[tilespmem:$0x18880] =	vst v63  }
0x8c9: {  	s0 =	sadd.s32 $0x30, s0  }
0x8ca: {  	[tilespmem:s2], [sflag:$0x2] =	stream.linear.gather [hbm4b:s0+s7], $0x80, $0x38;
	[tilespmem:$0x18880] =	vst v63  }
0x8cb: {  	s3 =	sld [smem:$0x765];
	s2 =	spop (v2sf)  }
0x8cc: {  	s0 =	sand.u32 $0x1FFFFFC0, s2  }
0x8cd: {  	s2 =	sld [smem:$0x766];
	s0 =	sadd.s32 s9, s0  }
0x8ce: {  	[tilespmem:s3], [sflag:$0x2] =	stream.linear.gather [hbm4b:s0+s7], $0x80, $0x38;
	[tilespmem:$0x18880] =	vst v63  }
0x8cf: {  	s1 =	sadd.s32 $0x10, s0;
	s3 =	sld [smem:$0x767]  }
0x8d0: {  	(v2sf) =	vpush v2, $0xD;
	[tilespmem:s2], [sflag:$0x2] =	stream.linear.gather [hbm4b:s1+s7], $0x80, $0x38;
	[tilespmem:$0x18880] =	vst v63  }
0x8d1: {  	s1 =	sadd.s32 $0x20, s0;
	s2 =	sld [smem:$0x768]  }
0x8d2: {  	[tilespmem:s3], [sflag:$0x2] =	stream.linear.gather [hbm4b:s1+s7], $0x80, $0x38;
	[tilespmem:$0x18880] =	vst v63  }
0x8d3: {  	s0 =	sadd.s32 $0x30, s0  }
0x8d4: {  	[tilespmem:s2], [sflag:$0x2] =	stream.linear.gather [hbm4b:s0+s7], $0x80, $0x38;
	[tilespmem:$0x18880] =	vst v63  }
0x8d5: {  	s3 =	sld [smem:$0x769];
	s2 =	spop (v2sf)  }
0x8d6: {  	s0 =	sand.u32 $0x1FFFFFC0, s2  }
0x8d7: {  	s2 =	sld [smem:$0x76A];
	s0 =	sadd.s32 s9, s0  }
0x8d8: {  	[tilespmem:s3], [sflag:$0x2] =	stream.linear.gather [hbm4b:s0+s7], $0x80, $0x38;
	[tilespmem:$0x18880] =	vst v63  }
0x8d9: {  	s1 =	sadd.s32 $0x10, s0;
	s3 =	sld [smem:$0x76B]  }
0x8da: {  	(v2sf) =	vpush v2, $0xE;
	[tilespmem:s2], [sflag:$0x2] =	stream.linear.gather [hbm4b:s1+s7], $0x80, $0x38;
	[tilespmem:$0x18880] =	vst v63  }
0x8db: {  	s1 =	sadd.s32 $0x20, s0;
	s2 =	sld [smem:$0x76C]  }
0x8dc: {  	[tilespmem:s3], [sflag:$0x2] =	stream.linear.gather [hbm4b:s1+s7], $0x80, $0x38;
	[tilespmem:$0x18880] =	vst v63  }
0x8dd: {  	s0 =	sadd.s32 $0x30, s0  }
0x8de: {  	[tilespmem:s2], [sflag:$0x2] =	stream.linear.gather [hbm4b:s0+s7], $0x80, $0x38;
	[tilespmem:$0x18880] =	vst v63  }
0x8df: {  	s3 =	sld [smem:$0x76D];
	s2 =	spop (v2sf)  }
0x8e0: {  	s0 =	sand.u32 $0x1FFFFFC0, s2  }
0x8e1: {  	s2 =	sld [smem:$0x76E];
	s0 =	sadd.s32 s9, s0  }
0x8e2: {  	[tilespmem:s3], [sflag:$0x2] =	stream.linear.gather [hbm4b:s0+s7], $0x80, $0x38;
	[tilespmem:$0x18880] =	vst v63  }
0x8e3: {  	s1 =	sadd.s32 $0x10, s0;
	s3 =	sld [smem:$0x76F]  }
0x8e4: {  	(v2sf) =	vpush v2, $0xF;
	[tilespmem:s2], [sflag:$0x2] =	stream.linear.gather [hbm4b:s1+s7], $0x80, $0x38;
	[tilespmem:$0x18880] =	vst v63  }
0x8e5: {  	s1 =	sadd.s32 $0x20, s0;
	s2 =	sld [smem:$0x770]  }
0x8e6: {  	[tilespmem:s3], [sflag:$0x2] =	stream.linear.gather [hbm4b:s1+s7], $0x80, $0x38;
	[tilespmem:$0x18880] =	vst v63  }
0x8e7: {  	s0 =	sadd.s32 $0x30, s0  }
0x8e8: {  	[tilespmem:s2], [sflag:$0x2] =	stream.linear.gather [hbm4b:s0+s7], $0x80, $0x38;
	[tilespmem:$0x18880] =	vst v63  }
0x8e9: {  	s3 =	sld [smem:$0x771];
	s2 =	spop (v2sf)  }
0x8ea: {  	s0 =	sand.u32 $0x1FFFFFC0, s2  }
0x8eb: {  	s2 =	sld [smem:$0x772];
	s0 =	sadd.s32 s9, s0  }
0x8ec: {  	[tilespmem:s3], [sflag:$0x2] =	stream.linear.gather [hbm4b:s0+s7], $0x80, $0x38;
	[tilespmem:$0x18880] =	vst v63  }
0x8ed: {  	s1 =	sadd.s32 $0x10, s0;
	s3 =	sld [smem:$0x773]  }
0x8ee: {  	[tilespmem:s2], [sflag:$0x2] =	stream.linear.gather [hbm4b:s1+s7], $0x80, $0x38;
	[tilespmem:$0x18880] =	vst v63  }
0x8ef: {  	s1 =	sadd.s32 $0x20, s0;
	s2 =	sld [smem:$0x774]  }
0x8f0: {  	[tilespmem:s3], [sflag:$0x2] =	stream.linear.gather [hbm4b:s1+s7], $0x80, $0x38;
	[tilespmem:$0x18880] =	vst v63  }
0x8f1: {  	s0 =	sadd.s32 $0x30, s0  }
0x8f2: {  	[tilespmem:s2], [sflag:$0x2] =	stream.linear.gather [hbm4b:s0+s7], $0x80, $0x38;
	[tilespmem:$0x18880] =	vst v63  }
0x8f3: {  	s3 =	sld [smem:$0x775];
	s2 =	spop (v2sf)  }
0x8f4: {  	s0 =	sand.u32 $0x1FFFFFC0, s2  }
0x8f5: {  	s2 =	sld [smem:$0x776];
	s0 =	sadd.s32 s9, s0  }
0x8f6: {  	[tilespmem:s3], [sflag:$0x2] =	stream.linear.gather [hbm4b:s0+s7], $0x80, $0x38;
	[tilespmem:$0x18880] =	vst v63  }
0x8f7: {  	s1 =	sadd.s32 $0x10, s0;
	s3 =	sld [smem:$0x777]  }
0x8f8: {  	[tilespmem:s2], [sflag:$0x2] =	stream.linear.gather [hbm4b:s1+s7], $0x80, $0x38;
	[tilespmem:$0x18880] =	vst v63  }
0x8f9: {  	s1 =	sadd.s32 $0x20, s0;
	s2 =	sld [smem:$0x778]  }
0x8fa: {  	[tilespmem:s3], [sflag:$0x2] =	stream.linear.gather [hbm4b:s1+s7], $0x80, $0x38;
	[tilespmem:$0x18880] =	vst v63  }
0x8fb: {  	s0 =	sadd.s32 $0x30, s0  }
0x8fc: {  	[tilespmem:s2], [sflag:$0x2] =	stream.linear.gather [hbm4b:s0+s7], $0x80, $0x38;
	[tilespmem:$0x18880] =	vst v63  }
0x8fd: {  	v2 =	vld.msk [tilespmem:s24+$0x468], $0xff;
	_ =	sdelay $0x4  }
0x8fe: {  	v2 =	vshll.u32 v2, $0x6  }
0x8ff: {  	(v2sf) =	vpush v2, $0x0;
	_ =	sdelay $0x9  }
0x900: {  	(v2sf) =	vpush v2, $0x1;
	_ =	sdelay $0x4  }
0x901: {  	s3 =	sld [smem:$0x779];
	s2 =	spop (v2sf)  }
0x902: {  	s0 =	sand.u32 $0x1FFFFFC0, s2  }
0x903: {  	s2 =	sld [smem:$0x77A];
	s0 =	sadd.s32 s9, s0  }
0x904: {  	[tilespmem:s3], [sflag:$0x2] =	stream.linear.gather [hbm4b:s0+s7], $0x80, $0x38;
	[tilespmem:$0x18880] =	vst v63  }
0x905: {  	s1 =	sadd.s32 $0x10, s0;
	s3 =	sld [smem:$0x77B]  }
0x906: {  	(v2sf) =	vpush v2, $0x2;
	[tilespmem:s2], [sflag:$0x2] =	stream.linear.gather [hbm4b:s1+s7], $0x80, $0x38;
	[tilespmem:$0x18880] =	vst v63  }
0x907: {  	s1 =	sadd.s32 $0x20, s0;
	s2 =	sld [smem:$0x77C]  }
0x908: {  	[tilespmem:s3], [sflag:$0x2] =	stream.linear.gather [hbm4b:s1+s7], $0x80, $0x38;
	[tilespmem:$0x18880] =	vst v63  }
0x909: {  	s0 =	sadd.s32 $0x30, s0  }
0x90a: {  	[tilespmem:s2], [sflag:$0x2] =	stream.linear.gather [hbm4b:s0+s7], $0x80, $0x38;
	[tilespmem:$0x18880] =	vst v63  }
0x90b: {  	s3 =	sld [smem:$0x77D];
	s2 =	spop (v2sf)  }
0x90c: {  	s0 =	sand.u32 $0x1FFFFFC0, s2  }
0x90d: {  	s2 =	sld [smem:$0x77E];
	s0 =	sadd.s32 s9, s0  }
0x90e: {  	[tilespmem:s3], [sflag:$0x2] =	stream.linear.gather [hbm4b:s0+s7], $0x80, $0x38;
	[tilespmem:$0x18880] =	vst v63  }
0x90f: {  	s1 =	sadd.s32 $0x10, s0;
	s3 =	sld [smem:$0x77F]  }
0x910: {  	(v2sf) =	vpush v2, $0x3;
	[tilespmem:s2], [sflag:$0x2] =	stream.linear.gather [hbm4b:s1+s7], $0x80, $0x38;
	[tilespmem:$0x18880] =	vst v63  }
0x911: {  	s1 =	sadd.s32 $0x20, s0;
	s2 =	sld [smem:$0x780]  }
0x912: {  	[tilespmem:s3], [sflag:$0x2] =	stream.linear.gather [hbm4b:s1+s7], $0x80, $0x38;
	[tilespmem:$0x18880] =	vst v63  }
0x913: {  	s0 =	sadd.s32 $0x30, s0  }
0x914: {  	[tilespmem:s2], [sflag:$0x2] =	stream.linear.gather [hbm4b:s0+s7], $0x80, $0x38;
	[tilespmem:$0x18880] =	vst v63  }
0x915: {  	s3 =	sld [smem:$0x781];
	s2 =	spop (v2sf)  }
0x916: {  	s0 =	sand.u32 $0x1FFFFFC0, s2  }
0x917: {  	s2 =	sld [smem:$0x782];
	s0 =	sadd.s32 s9, s0  }
0x918: {  	[tilespmem:s3], [sflag:$0x2] =	stream.linear.gather [hbm4b:s0+s7], $0x80, $0x38;
	[tilespmem:$0x18880] =	vst v63  }
0x919: {  	s1 =	sadd.s32 $0x10, s0;
	s3 =	sld [smem:$0x783]  }
0x91a: {  	(v2sf) =	vpush v2, $0x4;
	[tilespmem:s2], [sflag:$0x2] =	stream.linear.gather [hbm4b:s1+s7], $0x80, $0x38;
	[tilespmem:$0x18880] =	vst v63  }
0x91b: {  	s1 =	sadd.s32 $0x20, s0;
	s2 =	sld [smem:$0x784]  }
0x91c: {  	[tilespmem:s3], [sflag:$0x2] =	stream.linear.gather [hbm4b:s1+s7], $0x80, $0x38;
	[tilespmem:$0x18880] =	vst v63  }
0x91d: {  	s0 =	sadd.s32 $0x30, s0  }
0x91e: {  	[tilespmem:s2], [sflag:$0x2] =	stream.linear.gather [hbm4b:s0+s7], $0x80, $0x38;
	[tilespmem:$0x18880] =	vst v63  }
0x91f: {  	s3 =	sld [smem:$0x786];
	s2 =	spop (v2sf)  }
0x920: {  	s0 =	sand.u32 $0x1FFFFFC0, s2  }
0x921: {  	s2 =	sld [smem:$0x787];
	s0 =	sadd.s32 s9, s0  }
0x922: {  	[tilespmem:s3], [sflag:$0x2] =	stream.linear.gather [hbm4b:s0+s7], $0x80, $0x38;
	[tilespmem:$0x18880] =	vst v63  }
0x923: {  	s1 =	sadd.s32 $0x10, s0;
	s3 =	sld [smem:$0x788]  }
0x924: {  	(v2sf) =	vpush v2, $0x5;
	[tilespmem:s2], [sflag:$0x2] =	stream.linear.gather [hbm4b:s1+s7], $0x80, $0x38;
	[tilespmem:$0x18880] =	vst v63  }
0x925: {  	s1 =	sadd.s32 $0x20, s0;
	s2 =	sld [smem:$0x789]  }
0x926: {  	[tilespmem:s3], [sflag:$0x2] =	stream.linear.gather [hbm4b:s1+s7], $0x80, $0x38;
	[tilespmem:$0x18880] =	vst v63  }
0x927: {  	s0 =	sadd.s32 $0x30, s0  }
0x928: {  	[tilespmem:s2], [sflag:$0x2] =	stream.linear.gather [hbm4b:s0+s7], $0x80, $0x38;
	[tilespmem:$0x18880] =	vst v63  }
0x929: {  	s3 =	sld [smem:$0x78A];
	s2 =	spop (v2sf)  }
0x92a: {  	s0 =	sand.u32 $0x1FFFFFC0, s2  }
0x92b: {  	s2 =	sld [smem:$0x78B];
	s0 =	sadd.s32 s9, s0  }
0x92c: {  	[tilespmem:s3], [sflag:$0x2] =	stream.linear.gather [hbm4b:s0+s7], $0x80, $0x38;
	[tilespmem:$0x18880] =	vst v63  }
0x92d: {  	s1 =	sadd.s32 $0x10, s0;
	s3 =	sld [smem:$0x78C]  }
0x92e: {  	(v2sf) =	vpush v2, $0x6;
	[tilespmem:s2], [sflag:$0x2] =	stream.linear.gather [hbm4b:s1+s7], $0x80, $0x38;
	[tilespmem:$0x18880] =	vst v63  }
0x92f: {  	s1 =	sadd.s32 $0x20, s0;
	s2 =	sld [smem:$0x78D]  }
0x930: {  	[tilespmem:s3], [sflag:$0x2] =	stream.linear.gather [hbm4b:s1+s7], $0x80, $0x38;
	[tilespmem:$0x18880] =	vst v63  }
0x931: {  	s0 =	sadd.s32 $0x30, s0  }
0x932: {  	[tilespmem:s2], [sflag:$0x2] =	stream.linear.gather [hbm4b:s0+s7], $0x80, $0x38;
	[tilespmem:$0x18880] =	vst v63  }
0x933: {  	s3 =	sld [smem:$0x78E];
	s2 =	spop (v2sf)  }
0x934: {  	s0 =	sand.u32 $0x1FFFFFC0, s2  }
0x935: {  	s2 =	sld [smem:$0x78F];
	s0 =	sadd.s32 s9, s0  }
0x936: {  	[tilespmem:s3], [sflag:$0x2] =	stream.linear.gather [hbm4b:s0+s7], $0x80, $0x38;
	[tilespmem:$0x18880] =	vst v63  }
0x937: {  	s1 =	sadd.s32 $0x10, s0;
	s3 =	sld [smem:$0x790]  }
0x938: {  	(v2sf) =	vpush v2, $0x7;
	[tilespmem:s2], [sflag:$0x2] =	stream.linear.gather [hbm4b:s1+s7], $0x80, $0x38;
	[tilespmem:$0x18880] =	vst v63  }
0x939: {  	s1 =	sadd.s32 $0x20, s0;
	s2 =	sld [smem:$0x791]  }
0x93a: {  	[tilespmem:s3], [sflag:$0x2] =	stream.linear.gather [hbm4b:s1+s7], $0x80, $0x38;
	[tilespmem:$0x18880] =	vst v63  }
0x93b: {  	s0 =	sadd.s32 $0x30, s0  }
0x93c: {  	[tilespmem:s2], [sflag:$0x2] =	stream.linear.gather [hbm4b:s0+s7], $0x80, $0x38;
	[tilespmem:$0x18880] =	vst v63  }
0x93d: {  	s3 =	sld [smem:$0x792];
	s2 =	spop (v2sf)  }
0x93e: {  	s0 =	sand.u32 $0x1FFFFFC0, s2  }
0x93f: {  	s2 =	sld [smem:$0x793];
	s0 =	sadd.s32 s9, s0  }
0x940: {  	[tilespmem:s3], [sflag:$0x2] =	stream.linear.gather [hbm4b:s0+s7], $0x80, $0x38;
	[tilespmem:$0x18880] =	vst v63  }
0x941: {  	s1 =	sadd.s32 $0x10, s0;
	s3 =	sld [smem:$0x794]  }
0x942: {  	[tilespmem:s2], [sflag:$0x2] =	stream.linear.gather [hbm4b:s1+s7], $0x80, $0x38;
	[tilespmem:$0x18880] =	vst v63  }
0x943: {  	s1 =	sadd.s32 $0x20, s0;
	s2 =	sld [smem:$0x795]  }
0x944: {  	[tilespmem:s3], [sflag:$0x2] =	stream.linear.gather [hbm4b:s1+s7], $0x80, $0x38;
	[tilespmem:$0x18880] =	vst v63  }
0x945: {  	s0 =	sadd.s32 $0x30, s0  }
0x946: {  	[tilespmem:s2], [sflag:$0x2] =	stream.linear.gather [hbm4b:s0+s7], $0x80, $0x38;
	[tilespmem:$0x18880] =	vst v63  }
0x947: {  	s3 =	sld [smem:$0x796];
	s2 =	spop (v2sf)  }
0x948: {  	s0 =	sand.u32 $0x1FFFFFC0, s2  }
0x949: {  	s2 =	sld [smem:$0x797];
	s0 =	sadd.s32 s9, s0  }
0x94a: {  	[tilespmem:s3], [sflag:$0x2] =	stream.linear.gather [hbm4b:s0+s7], $0x80, $0x38;
	[tilespmem:$0x18880] =	vst v63  }
0x94b: {  	s1 =	sadd.s32 $0x10, s0;
	s3 =	sld [smem:$0x798]  }
0x94c: {  	[tilespmem:s2], [sflag:$0x2] =	stream.linear.gather [hbm4b:s1+s7], $0x80, $0x38;
	[tilespmem:$0x18880] =	vst v63  }
0x94d: {  	s1 =	sadd.s32 $0x20, s0;
	s2 =	sld [smem:$0x799]  }
0x94e: {  	[tilespmem:s3], [sflag:$0x2] =	stream.linear.gather [hbm4b:s1+s7], $0x80, $0x38;
	[tilespmem:$0x18880] =	vst v63  }
0x94f: {  	s0 =	sadd.s32 $0x30, s0  }
0x950: {  	[tilespmem:s2], [sflag:$0x2] =	stream.linear.gather [hbm4b:s0+s7], $0x80, $0x38;
	[tilespmem:$0x18880] =	vst v63  }
0x951: {  	v2 =	vld [tilespmem:s24+$0x678];
	_ =	sdelay $0x4  }
0x952: {  	v2 =	vshll.u32 v2, $0x6  }
0x953: {  	(v2sf) =	vpush v2, $0x0;
	_ =	sdelay $0x9  }
0x954: {  	(v2sf) =	vpush v2, $0x1;
	_ =	sdelay $0x4  }
0x955: {  	s3 =	sld [smem:$0x79A];
	s2 =	spop (v2sf)  }
0x956: {  	s0 =	sand.u32 $0x1FFFFFC0, s2  }
0x957: {  	s2 =	sld [smem:$0x79B];
	s0 =	sadd.s32 s9, s0  }
0x958: {  	[tilespmem:s3], [sflag:$0x2] =	stream.linear.gather [hbm4b:s0+s7], $0x80, $0x38;
	[tilespmem:$0x18880] =	vst v63  }
0x959: {  	s1 =	sadd.s32 $0x10, s0;
	s3 =	sld [smem:$0x79C]  }
0x95a: {  	(v2sf) =	vpush v2, $0x2;
	[tilespmem:s2], [sflag:$0x2] =	stream.linear.gather [hbm4b:s1+s7], $0x80, $0x38;
	[tilespmem:$0x18880] =	vst v63  }
0x95b: {  	s1 =	sadd.s32 $0x20, s0;
	s2 =	sld [smem:$0x79D]  }
0x95c: {  	[tilespmem:s3], [sflag:$0x2] =	stream.linear.gather [hbm4b:s1+s7], $0x80, $0x38;
	[tilespmem:$0x18880] =	vst v63  }
0x95d: {  	s0 =	sadd.s32 $0x30, s0  }
0x95e: {  	[tilespmem:s2], [sflag:$0x2] =	stream.linear.gather [hbm4b:s0+s7], $0x80, $0x38;
	[tilespmem:$0x18880] =	vst v63  }
0x95f: {  	s3 =	sld [smem:$0x79E];
	s2 =	spop (v2sf)  }
0x960: {  	s0 =	sand.u32 $0x1FFFFFC0, s2  }
0x961: {  	s2 =	sld [smem:$0x79F];
	s0 =	sadd.s32 s9, s0  }
0x962: {  	[tilespmem:s3], [sflag:$0x2] =	stream.linear.gather [hbm4b:s0+s7], $0x80, $0x38;
	[tilespmem:$0x18880] =	vst v63  }
0x963: {  	s1 =	sadd.s32 $0x10, s0;
	s3 =	sld [smem:$0x7A0]  }
0x964: {  	(v2sf) =	vpush v2, $0x3;
	[tilespmem:s2], [sflag:$0x2] =	stream.linear.gather [hbm4b:s1+s7], $0x80, $0x38;
	[tilespmem:$0x18880] =	vst v63  }
0x965: {  	s1 =	sadd.s32 $0x20, s0;
	s2 =	sld [smem:$0x7A1]  }
0x966: {  	[tilespmem:s3], [sflag:$0x2] =	stream.linear.gather [hbm4b:s1+s7], $0x80, $0x38;
	[tilespmem:$0x18880] =	vst v63  }
0x967: {  	s0 =	sadd.s32 $0x30, s0  }
0x968: {  	[tilespmem:s2], [sflag:$0x2] =	stream.linear.gather [hbm4b:s0+s7], $0x80, $0x38;
	[tilespmem:$0x18880] =	vst v63  }
0x969: {  	s3 =	sld [smem:$0x7A2];
	s2 =	spop (v2sf)  }
0x96a: {  	s0 =	sand.u32 $0x1FFFFFC0, s2  }
0x96b: {  	s2 =	sld [smem:$0x7A3];
	s0 =	sadd.s32 s9, s0  }
0x96c: {  	[tilespmem:s3], [sflag:$0x2] =	stream.linear.gather [hbm4b:s0+s7], $0x80, $0x38;
	[tilespmem:$0x18880] =	vst v63  }
0x96d: {  	s1 =	sadd.s32 $0x10, s0;
	s3 =	sld [smem:$0x7A4]  }
0x96e: {  	(v2sf) =	vpush v2, $0x4;
	[tilespmem:s2], [sflag:$0x2] =	stream.linear.gather [hbm4b:s1+s7], $0x80, $0x38;
	[tilespmem:$0x18880] =	vst v63  }
0x96f: {  	s1 =	sadd.s32 $0x20, s0;
	s2 =	sld [smem:$0x7A5]  }
0x970: {  	[tilespmem:s3], [sflag:$0x2] =	stream.linear.gather [hbm4b:s1+s7], $0x80, $0x38;
	[tilespmem:$0x18880] =	vst v63  }
0x971: {  	s0 =	sadd.s32 $0x30, s0  }
0x972: {  	[tilespmem:s2], [sflag:$0x2] =	stream.linear.gather [hbm4b:s0+s7], $0x80, $0x38;
	[tilespmem:$0x18880] =	vst v63  }
0x973: {  	s3 =	sld [smem:$0x7A6];
	s2 =	spop (v2sf)  }
0x974: {  	s0 =	sand.u32 $0x1FFFFFC0, s2  }
0x975: {  	s2 =	sld [smem:$0x7A7];
	s0 =	sadd.s32 s9, s0  }
0x976: {  	[tilespmem:s3], [sflag:$0x2] =	stream.linear.gather [hbm4b:s0+s7], $0x80, $0x38;
	[tilespmem:$0x18880] =	vst v63  }
0x977: {  	s1 =	sadd.s32 $0x10, s0;
	s3 =	sld [smem:$0x7E2]  }
0x978: {  	(v2sf) =	vpush v2, $0x5;
	[tilespmem:s2], [sflag:$0x2] =	stream.linear.gather [hbm4b:s1+s7], $0x80, $0x38;
	[tilespmem:$0x18880] =	vst v63  }
0x979: {  	s1 =	sadd.s32 $0x20, s0;
	s2 =	sld [smem:$0x7E3]  }
0x97a: {  	[tilespmem:s3], [sflag:$0x2] =	stream.linear.gather [hbm4b:s1+s7], $0x80, $0x38;
	[tilespmem:$0x18880] =	vst v63  }
0x97b: {  	s0 =	sadd.s32 $0x30, s0  }
0x97c: {  	[tilespmem:s2], [sflag:$0x2] =	stream.linear.gather [hbm4b:s0+s7], $0x80, $0x38;
	[tilespmem:$0x18880] =	vst v63  }
0x97d: {  	s3 =	sld [smem:$0x7E4];
	s2 =	spop (v2sf)  }
0x97e: {  	s0 =	sand.u32 $0x1FFFFFC0, s2  }
0x97f: {  	s2 =	sld [smem:$0x7E5];
	s0 =	sadd.s32 s9, s0  }
0x980: {  	[tilespmem:s3], [sflag:$0x2] =	stream.linear.gather [hbm4b:s0+s7], $0x80, $0x38;
	[tilespmem:$0x18880] =	vst v63  }
0x981: {  	s1 =	sadd.s32 $0x10, s0;
	s3 =	sld [smem:$0x7E7]  }
0x982: {  	(v2sf) =	vpush v2, $0x6;
	[tilespmem:s2], [sflag:$0x2] =	stream.linear.gather [hbm4b:s1+s7], $0x80, $0x38;
	[tilespmem:$0x18880] =	vst v63  }
0x983: {  	s1 =	sadd.s32 $0x20, s0;
	s2 =	sld [smem:$0x7E8]  }
0x984: {  	[tilespmem:s3], [sflag:$0x2] =	stream.linear.gather [hbm4b:s1+s7], $0x80, $0x38;
	[tilespmem:$0x18880] =	vst v63  }
0x985: {  	s0 =	sadd.s32 $0x30, s0  }
0x986: {  	[tilespmem:s2], [sflag:$0x2] =	stream.linear.gather [hbm4b:s0+s7], $0x80, $0x38;
	[tilespmem:$0x18880] =	vst v63  }
0x987: {  	s3 =	sld [smem:$0x7E9];
	s2 =	spop (v2sf)  }
0x988: {  	s0 =	sand.u32 $0x1FFFFFC0, s2  }
0x989: {  	s2 =	sld [smem:$0x7EA];
	s0 =	sadd.s32 s9, s0  }
0x98a: {  	[tilespmem:s3], [sflag:$0x2] =	stream.linear.gather [hbm4b:s0+s7], $0x80, $0x38;
	[tilespmem:$0x18880] =	vst v63  }
0x98b: {  	s1 =	sadd.s32 $0x10, s0;
	s3 =	sld [smem:$0x7EB]  }
0x98c: {  	(v2sf) =	vpush v2, $0x7;
	[tilespmem:s2], [sflag:$0x2] =	stream.linear.gather [hbm4b:s1+s7], $0x80, $0x38;
	[tilespmem:$0x18880] =	vst v63  }
0x98d: {  	s1 =	sadd.s32 $0x20, s0;
	s2 =	sld [smem:$0x7EC]  }
0x98e: {  	[tilespmem:s3], [sflag:$0x2] =	stream.linear.gather [hbm4b:s1+s7], $0x80, $0x38;
	[tilespmem:$0x18880] =	vst v63  }
0x98f: {  	s0 =	sadd.s32 $0x30, s0  }
0x990: {  	[tilespmem:s2], [sflag:$0x2] =	stream.linear.gather [hbm4b:s0+s7], $0x80, $0x38;
	[tilespmem:$0x18880] =	vst v63  }
0x991: {  	s3 =	sld [smem:$0x7ED];
	s2 =	spop (v2sf)  }
0x992: {  	s0 =	sand.u32 $0x1FFFFFC0, s2  }
0x993: {  	s2 =	sld [smem:$0x7A8];
	s0 =	sadd.s32 s9, s0  }
0x994: {  	[tilespmem:s3], [sflag:$0x2] =	stream.linear.gather [hbm4b:s0+s7], $0x80, $0x38;
	[tilespmem:$0x18880] =	vst v63  }
0x995: {  	s1 =	sadd.s32 $0x10, s0;
	s3 =	sld [smem:$0x7E1]  }
0x996: {  	(v2sf) =	vpush v2, $0x8;
	[tilespmem:s2], [sflag:$0x2] =	stream.linear.gather [hbm4b:s1+s7], $0x80, $0x38;
	[tilespmem:$0x18880] =	vst v63  }
0x997: {  	s1 =	sadd.s32 $0x20, s0;
	s2 =	sld [smem:$0x7DF]  }
0x998: {  	[tilespmem:s3], [sflag:$0x2] =	stream.linear.gather [hbm4b:s1+s7], $0x80, $0x38;
	[tilespmem:$0x18880] =	vst v63  }
0x999: {  	s0 =	sadd.s32 $0x30, s0  }
0x99a: {  	[tilespmem:s2], [sflag:$0x2] =	stream.linear.gather [hbm4b:s0+s7], $0x80, $0x38;
	[tilespmem:$0x18880] =	vst v63  }
0x99b: {  	s3 =	sld [smem:$0x7DE];
	s2 =	spop (v2sf)  }
0x99c: {  	s0 =	sand.u32 $0x1FFFFFC0, s2  }
0x99d: {  	s2 =	sld [smem:$0x7DD];
	s0 =	sadd.s32 s9, s0  }
0x99e: {  	[tilespmem:s3], [sflag:$0x2] =	stream.linear.gather [hbm4b:s0+s7], $0x80, $0x38;
	[tilespmem:$0x18880] =	vst v63  }
0x99f: {  	s1 =	sadd.s32 $0x10, s0;
	s3 =	sld [smem:$0x7A9]  }
0x9a0: {  	(v2sf) =	vpush v2, $0x9;
	[tilespmem:s2], [sflag:$0x2] =	stream.linear.gather [hbm4b:s1+s7], $0x80, $0x38;
	[tilespmem:$0x18880] =	vst v63  }
0x9a1: {  	s1 =	sadd.s32 $0x20, s0;
	s2 =	sld [smem:$0x7DC]  }
0x9a2: {  	[tilespmem:s3], [sflag:$0x2] =	stream.linear.gather [hbm4b:s1+s7], $0x80, $0x38;
	[tilespmem:$0x18880] =	vst v63  }
0x9a3: {  	s0 =	sadd.s32 $0x30, s0  }
0x9a4: {  	[tilespmem:s2], [sflag:$0x2] =	stream.linear.gather [hbm4b:s0+s7], $0x80, $0x38;
	[tilespmem:$0x18880] =	vst v63  }
0x9a5: {  	s3 =	sld [smem:$0x7DB];
	s2 =	spop (v2sf)  }
0x9a6: {  	s0 =	sand.u32 $0x1FFFFFC0, s2  }
0x9a7: {  	s2 =	sld [smem:$0x7DA];
	s0 =	sadd.s32 s9, s0  }
0x9a8: {  	[tilespmem:s3], [sflag:$0x2] =	stream.linear.gather [hbm4b:s0+s7], $0x80, $0x38;
	[tilespmem:$0x18880] =	vst v63  }
0x9a9: {  	s1 =	sadd.s32 $0x10, s0;
	s3 =	sld [smem:$0x701]  }
0x9aa: {  	(v2sf) =	vpush v2, $0xA;
	[tilespmem:s2], [sflag:$0x2] =	stream.linear.gather [hbm4b:s1+s7], $0x80, $0x38;
	[tilespmem:$0x18880] =	vst v63  }
0x9ab: {  	s1 =	sadd.s32 $0x20, s0;
	s2 =	sld [smem:$0x7D9]  }
0x9ac: {  	[tilespmem:s3], [sflag:$0x2] =	stream.linear.gather [hbm4b:s1+s7], $0x80, $0x38;
	[tilespmem:$0x18880] =	vst v63  }
0x9ad: {  	s0 =	sadd.s32 $0x30, s0  }
0x9ae: {  	[tilespmem:s2], [sflag:$0x2] =	stream.linear.gather [hbm4b:s0+s7], $0x80, $0x38;
	[tilespmem:$0x18880] =	vst v63  }
0x9af: {  	s3 =	sld [smem:$0x7D8];
	s2 =	spop (v2sf)  }
0x9b0: {  	s0 =	sand.u32 $0x1FFFFFC0, s2  }
0x9b1: {  	s2 =	sld [smem:$0x7D7];
	s0 =	sadd.s32 s9, s0  }
0x9b2: {  	[tilespmem:s3], [sflag:$0x2] =	stream.linear.gather [hbm4b:s0+s7], $0x80, $0x38;
	[tilespmem:$0x18880] =	vst v63  }
0x9b3: {  	s1 =	sadd.s32 $0x10, s0;
	s3 =	sld [smem:$0x7D6]  }
0x9b4: {  	(v2sf) =	vpush v2, $0xB;
	[tilespmem:s2], [sflag:$0x2] =	stream.linear.gather [hbm4b:s1+s7], $0x80, $0x38;
	[tilespmem:$0x18880] =	vst v63  }
0x9b5: {  	s1 =	sadd.s32 $0x20, s0;
	s2 =	sld [smem:$0x7D5]  }
0x9b6: {  	[tilespmem:s3], [sflag:$0x2] =	stream.linear.gather [hbm4b:s1+s7], $0x80, $0x38;
	[tilespmem:$0x18880] =	vst v63  }
0x9b7: {  	s0 =	sadd.s32 $0x30, s0  }
0x9b8: {  	[tilespmem:s2], [sflag:$0x2] =	stream.linear.gather [hbm4b:s0+s7], $0x80, $0x38;
	[tilespmem:$0x18880] =	vst v63  }
0x9b9: {  	s3 =	sld [smem:$0x7D4];
	s2 =	spop (v2sf)  }
0x9ba: {  	s0 =	sand.u32 $0x1FFFFFC0, s2  }
0x9bb: {  	s2 =	sld [smem:$0x7AA];
	s0 =	sadd.s32 s9, s0  }
0x9bc: {  	[tilespmem:s3], [sflag:$0x2] =	stream.linear.gather [hbm4b:s0+s7], $0x80, $0x38;
	[tilespmem:$0x18880] =	vst v63  }
0x9bd: {  	s1 =	sadd.s32 $0x10, s0;
	s3 =	sld [smem:$0x7D3]  }
0x9be: {  	(v2sf) =	vpush v2, $0xC;
	[tilespmem:s2], [sflag:$0x2] =	stream.linear.gather [hbm4b:s1+s7], $0x80, $0x38;
	[tilespmem:$0x18880] =	vst v63  }
0x9bf: {  	s1 =	sadd.s32 $0x20, s0;
	s2 =	sld [smem:$0x7D2]  }
0x9c0: {  	[tilespmem:s3], [sflag:$0x2] =	stream.linear.gather [hbm4b:s1+s7], $0x80, $0x38;
	[tilespmem:$0x18880] =	vst v63  }
0x9c1: {  	s0 =	sadd.s32 $0x30, s0  }
0x9c2: {  	[tilespmem:s2], [sflag:$0x2] =	stream.linear.gather [hbm4b:s0+s7], $0x80, $0x38;
	[tilespmem:$0x18880] =	vst v63  }
0x9c3: {  	s3 =	sld [smem:$0x7D1];
	s2 =	spop (v2sf)  }
0x9c4: {  	s0 =	sand.u32 $0x1FFFFFC0, s2  }
0x9c5: {  	s2 =	sld [smem:$0x7D0];
	s0 =	sadd.s32 s9, s0  }
0x9c6: {  	[tilespmem:s3], [sflag:$0x2] =	stream.linear.gather [hbm4b:s0+s7], $0x80, $0x38;
	[tilespmem:$0x18880] =	vst v63  }
0x9c7: {  	s1 =	sadd.s32 $0x10, s0;
	s3 =	sld [smem:$0x7CF]  }
0x9c8: {  	(v2sf) =	vpush v2, $0xD;
	[tilespmem:s2], [sflag:$0x2] =	stream.linear.gather [hbm4b:s1+s7], $0x80, $0x38;
	[tilespmem:$0x18880] =	vst v63  }
0x9c9: {  	s1 =	sadd.s32 $0x20, s0;
	s2 =	sld [smem:$0x7CE]  }
0x9ca: {  	[tilespmem:s3], [sflag:$0x2] =	stream.linear.gather [hbm4b:s1+s7], $0x80, $0x38;
	[tilespmem:$0x18880] =	vst v63  }
0x9cb: {  	s0 =	sadd.s32 $0x30, s0  }
0x9cc: {  	[tilespmem:s2], [sflag:$0x2] =	stream.linear.gather [hbm4b:s0+s7], $0x80, $0x38;
	[tilespmem:$0x18880] =	vst v63  }
0x9cd: {  	s3 =	sld [smem:$0x7CD];
	s2 =	spop (v2sf)  }
0x9ce: {  	s0 =	sand.u32 $0x1FFFFFC0, s2  }
0x9cf: {  	s2 =	sld [smem:$0x7CC];
	s0 =	sadd.s32 s9, s0  }
0x9d0: {  	[tilespmem:s3], [sflag:$0x2] =	stream.linear.gather [hbm4b:s0+s7], $0x80, $0x38;
	[tilespmem:$0x18880] =	vst v63  }
0x9d1: {  	s1 =	sadd.s32 $0x10, s0;
	s3 =	sld [smem:$0x7CB]  }
0x9d2: {  	(v2sf) =	vpush v2, $0xE;
	[tilespmem:s2], [sflag:$0x2] =	stream.linear.gather [hbm4b:s1+s7], $0x80, $0x38;
	[tilespmem:$0x18880] =	vst v63  }
0x9d3: {  	s1 =	sadd.s32 $0x20, s0;
	s2 =	sld [smem:$0x7CA]  }
0x9d4: {  	[tilespmem:s3], [sflag:$0x2] =	stream.linear.gather [hbm4b:s1+s7], $0x80, $0x38;
	[tilespmem:$0x18880] =	vst v63  }
0x9d5: {  	s0 =	sadd.s32 $0x30, s0  }
0x9d6: {  	[tilespmem:s2], [sflag:$0x2] =	stream.linear.gather [hbm4b:s0+s7], $0x80, $0x38;
	[tilespmem:$0x18880] =	vst v63  }
0x9d7: {  	s3 =	sld [smem:$0x7C9];
	s2 =	spop (v2sf)  }
0x9d8: {  	s0 =	sand.u32 $0x1FFFFFC0, s2  }
0x9d9: {  	s2 =	sld [smem:$0x7C8];
	s0 =	sadd.s32 s9, s0  }
0x9da: {  	[tilespmem:s3], [sflag:$0x2] =	stream.linear.gather [hbm4b:s0+s7], $0x80, $0x38;
	[tilespmem:$0x18880] =	vst v63  }
0x9db: {  	s1 =	sadd.s32 $0x10, s0;
	s3 =	sld [smem:$0x7C7]  }
0x9dc: {  	(v2sf) =	vpush v2, $0xF;
	[tilespmem:s2], [sflag:$0x2] =	stream.linear.gather [hbm4b:s1+s7], $0x80, $0x38;
	[tilespmem:$0x18880] =	vst v63  }
0x9dd: {  	s1 =	sadd.s32 $0x20, s0;
	s2 =	sld [smem:$0x7C6]  }
0x9de: {  	[tilespmem:s3], [sflag:$0x2] =	stream.linear.gather [hbm4b:s1+s7], $0x80, $0x38;
	[tilespmem:$0x18880] =	vst v63  }
0x9df: {  	s0 =	sadd.s32 $0x30, s0  }
0x9e0: {  	[tilespmem:s2], [sflag:$0x2] =	stream.linear.gather [hbm4b:s0+s7], $0x80, $0x38;
	[tilespmem:$0x18880] =	vst v63  }
0x9e1: {  	s3 =	sld [smem:$0x7C5];
	s2 =	spop (v2sf)  }
0x9e2: {  	s0 =	sand.u32 $0x1FFFFFC0, s2  }
0x9e3: {  	s2 =	sld [smem:$0x7C4];
	s0 =	sadd.s32 s9, s0  }
0x9e4: {  	[tilespmem:s3], [sflag:$0x2] =	stream.linear.gather [hbm4b:s0+s7], $0x80, $0x38;
	[tilespmem:$0x18880] =	vst v63  }
0x9e5: {  	s1 =	sadd.s32 $0x10, s0;
	s3 =	sld [smem:$0x7C3]  }
0x9e6: {  	[tilespmem:s2], [sflag:$0x2] =	stream.linear.gather [hbm4b:s1+s7], $0x80, $0x38;
	[tilespmem:$0x18880] =	vst v63  }
0x9e7: {  	s1 =	sadd.s32 $0x20, s0;
	s2 =	sld [smem:$0x7C2]  }
0x9e8: {  	[tilespmem:s3], [sflag:$0x2] =	stream.linear.gather [hbm4b:s1+s7], $0x80, $0x38;
	[tilespmem:$0x18880] =	vst v63  }
0x9e9: {  	s0 =	sadd.s32 $0x30, s0  }
0x9ea: {  	[tilespmem:s2], [sflag:$0x2] =	stream.linear.gather [hbm4b:s0+s7], $0x80, $0x38;
	[tilespmem:$0x18880] =	vst v63  }
0x9eb: {  	s3 =	sld [smem:$0x7C1];
	s2 =	spop (v2sf)  }
0x9ec: {  	s0 =	sand.u32 $0x1FFFFFC0, s2  }
0x9ed: {  	s2 =	sld [smem:$0x7C0];
	s0 =	sadd.s32 s9, s0  }
0x9ee: {  	[tilespmem:s3], [sflag:$0x2] =	stream.linear.gather [hbm4b:s0+s7], $0x80, $0x38;
	[tilespmem:$0x18880] =	vst v63  }
0x9ef: {  	s1 =	sadd.s32 $0x10, s0;
	s3 =	sld [smem:$0x7BF]  }
0x9f0: {  	[tilespmem:s2], [sflag:$0x2] =	stream.linear.gather [hbm4b:s1+s7], $0x80, $0x38;
	[tilespmem:$0x18880] =	vst v63  }
0x9f1: {  	s1 =	sadd.s32 $0x20, s0;
	s2 =	sld [smem:$0x7BE]  }
0x9f2: {  	[tilespmem:s3], [sflag:$0x2] =	stream.linear.gather [hbm4b:s1+s7], $0x80, $0x38;
	[tilespmem:$0x18880] =	vst v63  }
0x9f3: {  	s0 =	sadd.s32 $0x30, s0  }
0x9f4: {  	[tilespmem:s2], [sflag:$0x2] =	stream.linear.gather [hbm4b:s0+s7], $0x80, $0x38;
	[tilespmem:$0x18880] =	vst v63  }
0x9f5: {  	v2 =	vld.msk [tilespmem:s24+$0x688], $0xff;
	_ =	sdelay $0x4  }
0x9f6: {  	v2 =	vshll.u32 v2, $0x6  }
0x9f7: {  	(v2sf) =	vpush v2, $0x0;
	_ =	sdelay $0x7  }
0x9f8: {  	(v2sf) =	vpush v2, $0x1;
	_ =	sdelay $0x6  }
0x9f9: {  	s3 =	sld [smem:$0x7BD];
	s2 =	spop (v2sf)  }
0x9fa: {  	s0 =	sand.u32 $0x1FFFFFC0, s2  }
0x9fb: {  	(v2sf) =	vpush v2, $0x2;
	s2 =	sld [smem:$0x7BC];
	s0 =	sadd.s32 s9, s0  }
0x9fc: {  	[tilespmem:s3], [sflag:$0x2] =	stream.linear.gather [hbm4b:s0+s7], $0x80, $0x38;
	[tilespmem:$0x18880] =	vst v63  }
0x9fd: {  	s24 =	sadd.s32 $0x10, s0;
	s3 =	sld [smem:$0x7BB]  }
0x9fe: {  	[tilespmem:s2], [sflag:$0x2] =	stream.linear.gather [hbm4b:s24+s7], $0x80, $0x38;
	[tilespmem:$0x18880] =	vst v63  }
0x9ff: {  	s2 =	sadd.s32 $0x20, s0;
	s24 =	sld [smem:$0x7BA]  }
0xa00: {  	[tilespmem:s3], [sflag:$0x2] =	stream.linear.gather [hbm4b:s2+s7], $0x80, $0x38;
	[tilespmem:$0x18880] =	vst v63  }
0xa01: {  	s0 =	sadd.s32 $0x30, s0;
	s2 =	spop (v2sf);
	s3 =	sld [smem:$0x7B9]  }
0xa02: {  	[tilespmem:s24], [sflag:$0x2] =	stream.linear.gather [hbm4b:s0+s7], $0x80, $0x38;
	[tilespmem:$0x18880] =	vst v63  }
0xa03: {  	s0 =	sand.u32 $0x1FFFFFC0, s2  }
0xa04: {  	(v2sf) =	vpush v2, $0x3;
	s2 =	sld [smem:$0x7B8];
	s0 =	sadd.s32 s9, s0  }
0xa05: {  	[tilespmem:s3], [sflag:$0x2] =	stream.linear.gather [hbm4b:s0+s7], $0x80, $0x38;
	[tilespmem:$0x18880] =	vst v63  }
0xa06: {  	s24 =	sadd.s32 $0x10, s0;
	s3 =	sld [smem:$0x7B7]  }
0xa07: {  	[tilespmem:s2], [sflag:$0x2] =	stream.linear.gather [hbm4b:s24+s7], $0x80, $0x38;
	[tilespmem:$0x18880] =	vst v63  }
0xa08: {  	s2 =	sadd.s32 $0x20, s0;
	s24 =	sld [smem:$0x7B6]  }
0xa09: {  	[tilespmem:s3], [sflag:$0x2] =	stream.linear.gather [hbm4b:s2+s7], $0x80, $0x38;
	[tilespmem:$0x18880] =	vst v63  }
0xa0a: {  	s0 =	sadd.s32 $0x30, s0;
	s2 =	spop (v2sf);
	s3 =	sld [smem:$0x7B5]  }
0xa0b: {  	[tilespmem:s24], [sflag:$0x2] =	stream.linear.gather [hbm4b:s0+s7], $0x80, $0x38;
	[tilespmem:$0x18880] =	vst v63  }
0xa0c: {  	s0 =	sand.u32 $0x1FFFFFC0, s2  }
0xa0d: {  	(v2sf) =	vpush v2, $0x4;
	s2 =	sld [smem:$0x7B4];
	s0 =	sadd.s32 s9, s0  }
0xa0e: {  	[tilespmem:s3], [sflag:$0x2] =	stream.linear.gather [hbm4b:s0+s7], $0x80, $0x38;
	[tilespmem:$0x18880] =	vst v63  }
0xa0f: {  	s24 =	sadd.s32 $0x10, s0;
	s3 =	sld [smem:$0x7B3]  }
0xa10: {  	[tilespmem:s2], [sflag:$0x2] =	stream.linear.gather [hbm4b:s24+s7], $0x80, $0x38;
	[tilespmem:$0x18880] =	vst v63  }
0xa11: {  	s2 =	sadd.s32 $0x20, s0;
	s24 =	sld [smem:$0x7B2]  }
0xa12: {  	[tilespmem:s3], [sflag:$0x2] =	stream.linear.gather [hbm4b:s2+s7], $0x80, $0x38;
	[tilespmem:$0x18880] =	vst v63  }
0xa13: {  	s0 =	sadd.s32 $0x30, s0;
	s2 =	spop (v2sf);
	s3 =	sld [smem:$0x7B1]  }
0xa14: {  	[tilespmem:s24], [sflag:$0x2] =	stream.linear.gather [hbm4b:s0+s7], $0x80, $0x38;
	[tilespmem:$0x18880] =	vst v63  }
0xa15: {  	s0 =	sand.u32 $0x1FFFFFC0, s2  }
0xa16: {  	(v2sf) =	vpush v2, $0x5;
	s2 =	sld [smem:$0x7B0];
	s0 =	sadd.s32 s9, s0  }
0xa17: {  	[tilespmem:s3], [sflag:$0x2] =	stream.linear.gather [hbm4b:s0+s7], $0x80, $0x38;
	[tilespmem:$0x18880] =	vst v63  }
0xa18: {  	s24 =	sadd.s32 $0x10, s0;
	s3 =	sld [smem:$0x7AF]  }
0xa19: {  	[tilespmem:s2], [sflag:$0x2] =	stream.linear.gather [hbm4b:s24+s7], $0x80, $0x38;
	[tilespmem:$0x18880] =	vst v63  }
0xa1a: {  	s2 =	sadd.s32 $0x20, s0;
	s24 =	sld [smem:$0x7AE]  }
0xa1b: {  	[tilespmem:s3], [sflag:$0x2] =	stream.linear.gather [hbm4b:s2+s7], $0x80, $0x38;
	[tilespmem:$0x18880] =	vst v63  }
0xa1c: {  	s0 =	sadd.s32 $0x30, s0;
	s2 =	spop (v2sf);
	s3 =	sld [smem:$0x7AD]  }
0xa1d: {  	[tilespmem:s24], [sflag:$0x2] =	stream.linear.gather [hbm4b:s0+s7], $0x80, $0x38;
	[tilespmem:$0x18880] =	vst v63  }
0xa1e: {  	s0 =	sand.u32 $0x1FFFFFC0, s2  }
0xa1f: {  	(v2sf) =	vpush v2, $0x6;
	s2 =	sld [smem:$0x7AC];
	s0 =	sadd.s32 s9, s0  }
0xa20: {  	[tilespmem:s3], [sflag:$0x2] =	stream.linear.gather [hbm4b:s0+s7], $0x80, $0x38;
	[tilespmem:$0x18880] =	vst v63  }
0xa21: {  	s24 =	sadd.s32 $0x10, s0;
	s3 =	sld [smem:$0x7AB]  }
0xa22: {  	[tilespmem:s2], [sflag:$0x2] =	stream.linear.gather [hbm4b:s24+s7], $0x80, $0x38;
	[tilespmem:$0x18880] =	vst v63  }
0xa23: {  	s2 =	sadd.s32 $0x20, s0;
	s24 =	sld [smem:$0x7EE]  }
0xa24: {  	[tilespmem:s3], [sflag:$0x2] =	stream.linear.gather [hbm4b:s2+s7], $0x80, $0x38;
	[tilespmem:$0x18880] =	vst v63  }
0xa25: {  	s0 =	sadd.s32 $0x30, s0;
	s2 =	spop (v2sf);
	s3 =	sld [smem:$0x785]  }
0xa26: {  	[tilespmem:s24], [sflag:$0x2] =	stream.linear.gather [hbm4b:s0+s7], $0x80, $0x38;
	[tilespmem:$0x18880] =	vst v63  }
0xa27: {  	s0 =	sand.u32 $0x1FFFFFC0, s2  }
0xa28: {  	(v2sf) =	vpush v2, $0x7;
	s2 =	sld [smem:$0x707];
	s0 =	sadd.s32 s9, s0  }
0xa29: {  	[tilespmem:s3], [sflag:$0x2] =	stream.linear.gather [hbm4b:s0+s7], $0x80, $0x38;
	[tilespmem:$0x18880] =	vst v63  }
0xa2a: {  	s24 =	sadd.s32 $0x10, s0;
	s3 =	sld [smem:$0x706]  }
0xa2b: {  	[tilespmem:s2], [sflag:$0x2] =	stream.linear.gather [hbm4b:s24+s7], $0x80, $0x38;
	[tilespmem:$0x18880] =	vst v63  }
0xa2c: {  	s2 =	sadd.s32 $0x20, s0;
	s24 =	sld [smem:$0x7EF]  }
0xa2d: {  	[tilespmem:s3], [sflag:$0x2] =	stream.linear.gather [hbm4b:s2+s7], $0x80, $0x38;
	[tilespmem:$0x18880] =	vst v63  }
0xa2e: {  	s0 =	sadd.s32 $0x30, s0;
	s2 =	spop (v2sf);
	s3 =	sld [smem:$0x7F0]  }
0xa2f: {  	[tilespmem:s24], [sflag:$0x2] =	stream.linear.gather [hbm4b:s0+s7], $0x80, $0x38;
	[tilespmem:$0x18880] =	vst v63  }
0xa30: {  	s0 =	sand.u32 $0x1FFFFFC0, s2  }
0xa31: {  	s2 =	sld [smem:$0x7F1];
	s0 =	sadd.s32 s9, s0  }
0xa32: {  	[tilespmem:s3], [sflag:$0x2] =	stream.linear.gather [hbm4b:s0+s7], $0x80, $0x38;
	[tilespmem:$0x18880] =	vst v63  }
0xa33: {  	s24 =	sadd.s32 $0x10, s0;
	s3 =	sld [smem:$0x7F2]  }
0xa34: {  	[tilespmem:s2], [sflag:$0x2] =	stream.linear.gather [hbm4b:s24+s7], $0x80, $0x38;
	[tilespmem:$0x18880] =	vst v63  }
0xa35: {  	s2 =	sadd.s32 $0x20, s0;
	s24 =	sld [smem:$0x7F6]  }
0xa36: {  	[tilespmem:s3], [sflag:$0x2] =	stream.linear.gather [hbm4b:s2+s7], $0x80, $0x38;
	[tilespmem:$0x18880] =	vst v63  }
0xa37: {  	s0 =	sadd.s32 $0x30, s0;
	s2 =	spop (v2sf);
	s3 =	sld [smem:$0x7F3]  }
0xa38: {  	[tilespmem:s24], [sflag:$0x2] =	stream.linear.gather [hbm4b:s0+s7], $0x80, $0x38;
	[tilespmem:$0x18880] =	vst v63  }
0xa39: {  	s0 =	sand.u32 $0x1FFFFFC0, s2  }
0xa3a: {  	s2 =	sld [smem:$0x703];
	s0 =	sadd.s32 s9, s0  }
0xa3b: {  	[tilespmem:s3], [sflag:$0x2] =	stream.linear.gather [hbm4b:s0+s7], $0x80, $0x38;
	[tilespmem:$0x18880] =	vst v63  }
0xa3c: {  	s24 =	sadd.s32 $0x10, s0;
	s3 =	sld [smem:$0x7F4]  }
0xa3d: {  	[tilespmem:s2], [sflag:$0x2] =	stream.linear.gather [hbm4b:s24+s7], $0x80, $0x38;
	[tilespmem:$0x18880] =	vst v63  }
0xa3e: {  	s2 =	sadd.s32 $0x20, s0;
	s24 =	sld [smem:$0x7F5]  }
0xa3f: {  	[tilespmem:s3], [sflag:$0x2] =	stream.linear.gather [hbm4b:s2+s7], $0x80, $0x38;
	[tilespmem:$0x18880] =	vst v63  }
0xa40: {  	s0 =	sadd.s32 $0x30, s0  }
0xa41: {  	[tilespmem:s24], [sflag:$0x2] =	stream.linear.gather [hbm4b:s0+s7], $0x80, $0x38;
	[tilespmem:$0x18880] =	vst v63  }
0xa42: {  	_ =	swait.ge [sflag:s12], $0x3000  }
0xa43: {  	[sflag:s12] =	ssyncset.done $0x0  }
0xa44: {  	[sflag:s12] =	ssyncadd.s32 $0xFFFFD000  }
0xa45: {  	_ =	swait.ge [sflag:s12], $0x3000  }
0xa46: {  	[sflag:s12] =	ssyncset.done $0x0  }
0xa47: {  	[sflag:s12] =	ssyncadd.s32 $0xFFFFD000  }
0xa48: {  	s22 =	sadd.s32 $0xC0, s22;
	_ =	swait.ge [sflag:s12], $0x3000  }
0xa49: {  	p1 =	sne.s32 s22, $0x840;
	[sflag:s12] =	ssyncset.done $0x0  }
.Ltmp3:
0xa4a: {  	[sflag:s12] =	ssyncadd.s32 $0xFFFFD000;
	(pc) =	sbr.rel @p1 .LBB2_4-.Ltmp3, $4  }
0xa4b: {  	_ =	swait.ge [sflag:s12], $0x3000  }
0xa4c: {  	[sflag:s12] =	ssyncset.done $0x0  }
0xa4d: {  	s24 =	sadd.s32 s23, s4;
	s23 =	sadd.s32 $0x3000, s23;
	[sflag:s12] =	ssyncadd.s32 $0xFFFFD000  }
0xa4e: {  	[hbm4b:s24+s7] =	stream.linear.scatter [tilespmem:s5], [sflag:$0x3], $0xC000, $0x38;
	[tilespmem:$0x18880] =	vst v63  }
0xa4f: {  	s0 =	simm.s32 $0x2  }
0xa50: {  	_ =	swait.ge [sflag:s0], $0x3000  }
0xa51: {  	[sflag:s0] =	ssyncset.done $0x0  }
0xa52: {  	[sflag:s0] =	ssyncadd.s32 $0xFFFFD000  }
0xa53: {  	_ =	swait.ge [sflag:s0], $0x3000  }
0xa54: {  	s6 =	simm.s32 $0xA80;
	s1 =	simm.s32 $0xC880;
	[sflag:s0] =	ssyncset.done $0x0  }
0xa55: {  	s26 =	simm.s32 $0x3;
	s30 =	simm.s32 $0x4;
	[sflag:s0] =	ssyncadd.s32 $0xFFFFD000  }
0xa56: {  	s2 =	simm.s32 $0x3280;
	s3 =	simm.s32 $0x3480;
	_ =	swait.ge [sflag:s0], $0x3000  }
0xa57: {  	s4 =	simm.s32 $0x3680;
	s22 =	simm.s32 $0x3880;
	[sflag:s0] =	ssyncset.done $0x0  }
0xa58: {  	s23 =	simm.s32 $0x3A80;
	s24 =	simm.s32 $0x3C80;
	[sflag:s0] =	ssyncadd.s32 $0xFFFFD000  }
0xa59: {  	s21 =	simm.s32 $0x3E80;
	s20 =	simm.s32 $0x4080;
	_ =	swait.ge [sflag:s0], $0x3000  }
0xa5a: {  	s19 =	simm.s32 $0x4280;
	s18 =	simm.s32 $0x4480;
	s25 =	sld [smem:$0x7FA]  }
0xa5b: {  	s17 =	simm.s32 $0x4680;
	s16 =	simm.s32 $0x4880;
	[sflag:s0] =	ssyncset.done $0x0  }
0xa5c: {  	s15 =	simm.s32 $0x4A80;
	s14 =	simm.s32 $0x4C80;
	[sflag:s0] =	ssyncadd.s32 $0xFFFFD000  }
0xa5d: {  	[hbm4b:s25+s7] =	stream.linear.scatter [tilespmem:s1], [sflag:$0x4], $0xC000, $0x38;
	[tilespmem:$0x18880] =	vst v63  }
0xa5e: {  	s13 =	simm.s32 $0x4E80;
	s12 =	simm.s32 $0x5080;
	_ =	swait.ge [sflag:s26], $0xC000  }
.Ltmp4:
0xa5f: {  	s11 =	simm.s32 $0x5280;
	[sflag:s26] =	ssyncset.done $0x0;
	(pc) =	sbr.rel @p0 .LBB2_7-.Ltmp4, $4  }
0xa60: {  	s10 =	simm.s32 $0x5480;
	s8 =	simm.s32 $0x5680;
	[sflag:s26] =	ssyncadd.s32 $0xFFFF4000  }
0xa61: {  	s28 =	simm.s32 $0x5C80;
	s29 =	simm.s32 $0x5E80;
	_ =	swait.ge [sflag:s30], $0xC000  }
0xa62: {  	s25 =	simm.s32 $0x5880;
	s1 =	simm.s32 $0x1;
	[sflag:s30] =	ssyncset.done $0x0  }
0xa63: {  	s26 =	simm.s32 $0x5A80;
	s31 =	sld [smem:$0x610];
	[sflag:s30] =	ssyncadd.s32 $0xFFFF4000  }
0xa64: {  	v2 =	vld [tilespmem:$0x210];
	_ =	sdelay $0x4  }
0xa65: {  	v2 =	vshll.u32 v2, $0x6  }
0xa66: {  	(v2sf) =	vpush v2, $0x0;
	_ =	sdelay $0x7  }
0xa67: {  	(v2sf) =	vpush v2, $0x1;
	_ =	sdelay $0x6  }
0xa68: {  	s0 =	spop (v2sf)  }
0xa69: {  	s0 =	sand.u32 $0x1FFFFFC0, s0  }
0xa6a: {  	(v2sf) =	vpush v2, $0x2;
	s0 =	sadd.s32 s9, s0  }
0xa6b: {  	[tilespmem:s5], [sflag:$0x1] =	stream.linear.gather [hbm4b:s0+s7], $0x80, $0x38;
	[tilespmem:$0x18880] =	vst v63  }
0xa6c: {  	s1 =	sadd.s32 $0x10, s0  }
0xa6d: {  	[tilespmem:s6], [sflag:$0x1] =	stream.linear.gather [hbm4b:s1+s7], $0x80, $0x38;
	[tilespmem:$0x18880] =	vst v63  }
0xa6e: {  	s1 =	sadd.s32 $0x20, s0;
	s6 =	simm.s32 $0xC80  }
0xa6f: {  	[tilespmem:s6], [sflag:$0x1] =	stream.linear.gather [hbm4b:s1+s7], $0x80, $0x38;
	[tilespmem:$0x18880] =	vst v63  }
0xa70: {  	s0 =	sadd.s32 $0x30, s0;
	s6 =	simm.s32 $0xE80;
	s1 =	spop (v2sf)  }
0xa71: {  	[tilespmem:s6], [sflag:$0x1] =	stream.linear.gather [hbm4b:s0+s7], $0x80, $0x38;
	[tilespmem:$0x18880] =	vst v63  }
0xa72: {  	s0 =	sand.u32 $0x1FFFFFC0, s1  }
0xa73: {  	(v2sf) =	vpush v2, $0x3;
	s6 =	simm.s32 $0x1080;
	s0 =	sadd.s32 s9, s0  }
0xa74: {  	[tilespmem:s6], [sflag:$0x1] =	stream.linear.gather [hbm4b:s0+s7], $0x80, $0x38;
	[tilespmem:$0x18880] =	vst v63  }
0xa75: {  	s1 =	sadd.s32 $0x10, s0;
	s6 =	simm.s32 $0x1280  }
0xa76: {  	[tilespmem:s6], [sflag:$0x1] =	stream.linear.gather [hbm4b:s1+s7], $0x80, $0x38;
	[tilespmem:$0x18880] =	vst v63  }
0xa77: {  	s1 =	sadd.s32 $0x20, s0;
	s6 =	simm.s32 $0x1480  }
0xa78: {  	[tilespmem:s6], [sflag:$0x1] =	stream.linear.gather [hbm4b:s1+s7], $0x80, $0x38;
	[tilespmem:$0x18880] =	vst v63  }
0xa79: {  	s0 =	sadd.s32 $0x30, s0;
	s6 =	simm.s32 $0x1680;
	s1 =	spop (v2sf)  }
0xa7a: {  	[tilespmem:s6], [sflag:$0x1] =	stream.linear.gather [hbm4b:s0+s7], $0x80, $0x38;
	[tilespmem:$0x18880] =	vst v63  }
0xa7b: {  	s0 =	sand.u32 $0x1FFFFFC0, s1  }
0xa7c: {  	(v2sf) =	vpush v2, $0x4;
	s6 =	simm.s32 $0x1880;
	s0 =	sadd.s32 s9, s0  }
0xa7d: {  	[tilespmem:s6], [sflag:$0x1] =	stream.linear.gather [hbm4b:s0+s7], $0x80, $0x38;
	[tilespmem:$0x18880] =	vst v63  }
0xa7e: {  	s1 =	sadd.s32 $0x10, s0;
	s6 =	simm.s32 $0x1A80  }
0xa7f: {  	[tilespmem:s6], [sflag:$0x1] =	stream.linear.gather [hbm4b:s1+s7], $0x80, $0x38;
	[tilespmem:$0x18880] =	vst v63  }
0xa80: {  	s1 =	sadd.s32 $0x20, s0;
	s6 =	simm.s32 $0x1C80  }
0xa81: {  	[tilespmem:s6], [sflag:$0x1] =	stream.linear.gather [hbm4b:s1+s7], $0x80, $0x38;
	[tilespmem:$0x18880] =	vst v63  }
0xa82: {  	s0 =	sadd.s32 $0x30, s0;
	s6 =	simm.s32 $0x1E80;
	s1 =	spop (v2sf)  }
0xa83: {  	[tilespmem:s6], [sflag:$0x1] =	stream.linear.gather [hbm4b:s0+s7], $0x80, $0x38;
	[tilespmem:$0x18880] =	vst v63  }
0xa84: {  	s0 =	sand.u32 $0x1FFFFFC0, s1  }
0xa85: {  	(v2sf) =	vpush v2, $0x5;
	s6 =	simm.s32 $0x2080;
	s0 =	sadd.s32 s9, s0  }
0xa86: {  	[tilespmem:s6], [sflag:$0x1] =	stream.linear.gather [hbm4b:s0+s7], $0x80, $0x38;
	[tilespmem:$0x18880] =	vst v63  }
0xa87: {  	s1 =	sadd.s32 $0x10, s0;
	s6 =	simm.s32 $0x2280  }
0xa88: {  	[tilespmem:s6], [sflag:$0x1] =	stream.linear.gather [hbm4b:s1+s7], $0x80, $0x38;
	[tilespmem:$0x18880] =	vst v63  }
0xa89: {  	s1 =	sadd.s32 $0x20, s0;
	s6 =	simm.s32 $0x2480  }
0xa8a: {  	[tilespmem:s6], [sflag:$0x1] =	stream.linear.gather [hbm4b:s1+s7], $0x80, $0x38;
	[tilespmem:$0x18880] =	vst v63  }
0xa8b: {  	s0 =	sadd.s32 $0x30, s0;
	s6 =	simm.s32 $0x2680;
	s1 =	spop (v2sf)  }
0xa8c: {  	[tilespmem:s6], [sflag:$0x1] =	stream.linear.gather [hbm4b:s0+s7], $0x80, $0x38;
	[tilespmem:$0x18880] =	vst v63  }
0xa8d: {  	s0 =	sand.u32 $0x1FFFFFC0, s1  }
0xa8e: {  	(v2sf) =	vpush v2, $0x6;
	s6 =	simm.s32 $0x2880;
	s0 =	sadd.s32 s9, s0  }
0xa8f: {  	[tilespmem:s6], [sflag:$0x1] =	stream.linear.gather [hbm4b:s0+s7], $0x80, $0x38;
	[tilespmem:$0x18880] =	vst v63  }
0xa90: {  	s1 =	sadd.s32 $0x10, s0;
	s6 =	simm.s32 $0x2A80  }
0xa91: {  	[tilespmem:s6], [sflag:$0x1] =	stream.linear.gather [hbm4b:s1+s7], $0x80, $0x38;
	[tilespmem:$0x18880] =	vst v63  }
0xa92: {  	s1 =	sadd.s32 $0x20, s0;
	s6 =	simm.s32 $0x2C80  }
0xa93: {  	[tilespmem:s6], [sflag:$0x1] =	stream.linear.gather [hbm4b:s1+s7], $0x80, $0x38;
	[tilespmem:$0x18880] =	vst v63  }
0xa94: {  	s0 =	sadd.s32 $0x30, s0;
	s6 =	simm.s32 $0x2E80;
	s1 =	spop (v2sf)  }
0xa95: {  	[tilespmem:s6], [sflag:$0x1] =	stream.linear.gather [hbm4b:s0+s7], $0x80, $0x38;
	[tilespmem:$0x18880] =	vst v63  }
0xa96: {  	s0 =	sand.u32 $0x1FFFFFC0, s1  }
0xa97: {  	(v2sf) =	vpush v2, $0x7;
	s6 =	simm.s32 $0x3080;
	s0 =	sadd.s32 s9, s0  }
0xa98: {  	[tilespmem:s6], [sflag:$0x1] =	stream.linear.gather [hbm4b:s0+s7], $0x80, $0x38;
	[tilespmem:$0x18880] =	vst v63  }
0xa99: {  	s6 =	sadd.s32 $0x10, s0  }
0xa9a: {  	[tilespmem:s2], [sflag:$0x1] =	stream.linear.gather [hbm4b:s6+s7], $0x80, $0x38;
	[tilespmem:$0x18880] =	vst v63  }
0xa9b: {  	s2 =	sadd.s32 $0x20, s0  }
0xa9c: {  	[tilespmem:s3], [sflag:$0x1] =	stream.linear.gather [hbm4b:s2+s7], $0x80, $0x38;
	[tilespmem:$0x18880] =	vst v63  }
0xa9d: {  	s0 =	sadd.s32 $0x30, s0;
	s6 =	spop (v2sf)  }
0xa9e: {  	[tilespmem:s4], [sflag:$0x1] =	stream.linear.gather [hbm4b:s0+s7], $0x80, $0x38;
	[tilespmem:$0x18880] =	vst v63  }
0xa9f: {  	s0 =	sand.u32 $0x1FFFFFC0, s6  }
0xaa0: {  	(v2sf) =	vpush v2, $0x8;
	s0 =	sadd.s32 s9, s0  }
0xaa1: {  	[tilespmem:s22], [sflag:$0x1] =	stream.linear.gather [hbm4b:s0+s7], $0x80, $0x38;
	[tilespmem:$0x18880] =	vst v63  }
0xaa2: {  	s22 =	sadd.s32 $0x10, s0  }
0xaa3: {  	[tilespmem:s23], [sflag:$0x1] =	stream.linear.gather [hbm4b:s22+s7], $0x80, $0x38;
	[tilespmem:$0x18880] =	vst v63  }
0xaa4: {  	s23 =	sadd.s32 $0x20, s0  }
0xaa5: {  	[tilespmem:s24], [sflag:$0x1] =	stream.linear.gather [hbm4b:s23+s7], $0x80, $0x38;
	[tilespmem:$0x18880] =	vst v63  }
0xaa6: {  	s0 =	sadd.s32 $0x30, s0;
	s2 =	spop (v2sf)  }
0xaa7: {  	[tilespmem:s21], [sflag:$0x1] =	stream.linear.gather [hbm4b:s0+s7], $0x80, $0x38;
	[tilespmem:$0x18880] =	vst v63  }
0xaa8: {  	s0 =	sand.u32 $0x1FFFFFC0, s2  }
0xaa9: {  	(v2sf) =	vpush v2, $0x9;
	s0 =	sadd.s32 s9, s0  }
0xaaa: {  	[tilespmem:s20], [sflag:$0x1] =	stream.linear.gather [hbm4b:s0+s7], $0x80, $0x38;
	[tilespmem:$0x18880] =	vst v63  }
0xaab: {  	s3 =	sadd.s32 $0x10, s0  }
0xaac: {  	[tilespmem:s19], [sflag:$0x1] =	stream.linear.gather [hbm4b:s3+s7], $0x80, $0x38;
	[tilespmem:$0x18880] =	vst v63  }
0xaad: {  	s4 =	sadd.s32 $0x20, s0  }
0xaae: {  	[tilespmem:s18], [sflag:$0x1] =	stream.linear.gather [hbm4b:s4+s7], $0x80, $0x38;
	[tilespmem:$0x18880] =	vst v63  }
0xaaf: {  	s0 =	sadd.s32 $0x30, s0;
	s6 =	spop (v2sf)  }
0xab0: {  	[tilespmem:s17], [sflag:$0x1] =	stream.linear.gather [hbm4b:s0+s7], $0x80, $0x38;
	[tilespmem:$0x18880] =	vst v63  }
0xab1: {  	s0 =	sand.u32 $0x1FFFFFC0, s6  }
0xab2: {  	(v2sf) =	vpush v2, $0xA;
	s0 =	sadd.s32 s9, s0  }
0xab3: {  	[tilespmem:s16], [sflag:$0x1] =	stream.linear.gather [hbm4b:s0+s7], $0x80, $0x38;
	[tilespmem:$0x18880] =	vst v63  }
0xab4: {  	s17 =	sadd.s32 $0x10, s0  }
0xab5: {  	[tilespmem:s15], [sflag:$0x1] =	stream.linear.gather [hbm4b:s17+s7], $0x80, $0x38;
	[tilespmem:$0x18880] =	vst v63  }
0xab6: {  	s18 =	sadd.s32 $0x20, s0  }
0xab7: {  	[tilespmem:s14], [sflag:$0x1] =	stream.linear.gather [hbm4b:s18+s7], $0x80, $0x38;
	[tilespmem:$0x18880] =	vst v63  }
0xab8: {  	s0 =	sadd.s32 $0x30, s0;
	s19 =	spop (v2sf)  }
0xab9: {  	[tilespmem:s13], [sflag:$0x1] =	stream.linear.gather [hbm4b:s0+s7], $0x80, $0x38;
	[tilespmem:$0x18880] =	vst v63  }
0xaba: {  	s0 =	sand.u32 $0x1FFFFFC0, s19  }
0xabb: {  	(v2sf) =	vpush v2, $0xB;
	s0 =	sadd.s32 s9, s0  }
0xabc: {  	[tilespmem:s12], [sflag:$0x1] =	stream.linear.gather [hbm4b:s0+s7], $0x80, $0x38;
	[tilespmem:$0x18880] =	vst v63  }
0xabd: {  	s20 =	sadd.s32 $0x10, s0  }
0xabe: {  	[tilespmem:s11], [sflag:$0x1] =	stream.linear.gather [hbm4b:s20+s7], $0x80, $0x38;
	[tilespmem:$0x18880] =	vst v63  }
0xabf: {  	s21 =	sadd.s32 $0x20, s0  }
0xac0: {  	[tilespmem:s10], [sflag:$0x1] =	stream.linear.gather [hbm4b:s21+s7], $0x80, $0x38;
	[tilespmem:$0x18880] =	vst v63  }
0xac1: {  	s0 =	sadd.s32 $0x30, s0;
	s22 =	spop (v2sf)  }
0xac2: {  	[tilespmem:s8], [sflag:$0x1] =	stream.linear.gather [hbm4b:s0+s7], $0x80, $0x38;
	[tilespmem:$0x18880] =	vst v63  }
0xac3: {  	s0 =	sand.u32 $0x1FFFFFC0, s22  }
0xac4: {  	(v2sf) =	vpush v2, $0xC;
	s0 =	sadd.s32 s9, s0  }
0xac5: {  	[tilespmem:s25], [sflag:$0x1] =	stream.linear.gather [hbm4b:s0+s7], $0x80, $0x38;
	[tilespmem:$0x18880] =	vst v63  }
0xac6: {  	s23 =	sadd.s32 $0x10, s0  }
0xac7: {  	[tilespmem:s26], [sflag:$0x1] =	stream.linear.gather [hbm4b:s23+s7], $0x80, $0x38;
	[tilespmem:$0x18880] =	vst v63  }
0xac8: {  	s24 =	sadd.s32 $0x20, s0  }
0xac9: {  	[tilespmem:s28], [sflag:$0x1] =	stream.linear.gather [hbm4b:s24+s7], $0x80, $0x38;
	[tilespmem:$0x18880] =	vst v63  }
0xaca: {  	s0 =	sadd.s32 $0x30, s0;
	s25 =	spop (v2sf)  }
0xacb: {  	[tilespmem:s29], [sflag:$0x1] =	stream.linear.gather [hbm4b:s0+s7], $0x80, $0x38;
	[tilespmem:$0x18880] =	vst v63  }
0xacc: {  	s0 =	sand.u32 $0x1FFFFFC0, s25  }
0xacd: {  	s30 =	simm.s32 $0x6080;
	(v2sf) =	vpush v2, $0xD;
	s0 =	sadd.s32 s9, s0  }
0xace: {  	[tilespmem:s30], [sflag:$0x1] =	stream.linear.gather [hbm4b:s0+s7], $0x80, $0x38;
	[tilespmem:$0x18880] =	vst v63  }
0xacf: {  	s28 =	simm.s32 $0x6280;
	s26 =	sadd.s32 $0x10, s0  }
0xad0: {  	[tilespmem:s28], [sflag:$0x1] =	stream.linear.gather [hbm4b:s26+s7], $0x80, $0x38;
	[tilespmem:$0x18880] =	vst v63  }
0xad1: {  	s29 =	sadd.s32 $0x20, s0;
	s30 =	simm.s32 $0x6480  }
0xad2: {  	[tilespmem:s30], [sflag:$0x1] =	stream.linear.gather [hbm4b:s29+s7], $0x80, $0x38;
	[tilespmem:$0x18880] =	vst v63  }
0xad3: {  	s3 =	simm.s32 $0x6680;
	s0 =	sadd.s32 $0x30, s0;
	s4 =	spop (v2sf)  }
0xad4: {  	[tilespmem:s3], [sflag:$0x1] =	stream.linear.gather [hbm4b:s0+s7], $0x80, $0x38;
	[tilespmem:$0x18880] =	vst v63  }
0xad5: {  	s0 =	sand.u32 $0x1FFFFFC0, s4  }
0xad6: {  	s6 =	simm.s32 $0x6880;
	(v2sf) =	vpush v2, $0xE;
	s0 =	sadd.s32 s9, s0  }
0xad7: {  	[tilespmem:s6], [sflag:$0x1] =	stream.linear.gather [hbm4b:s0+s7], $0x80, $0x38;
	[tilespmem:$0x18880] =	vst v63  }
0xad8: {  	s10 =	simm.s32 $0x6A80;
	s8 =	sadd.s32 $0x10, s0  }
0xad9: {  	[tilespmem:s10], [sflag:$0x1] =	stream.linear.gather [hbm4b:s8+s7], $0x80, $0x38;
	[tilespmem:$0x18880] =	vst v63  }
0xada: {  	s12 =	simm.s32 $0x6C80;
	s11 =	sadd.s32 $0x20, s0  }
0xadb: {  	[tilespmem:s12], [sflag:$0x1] =	stream.linear.gather [hbm4b:s11+s7], $0x80, $0x38;
	[tilespmem:$0x18880] =	vst v63  }
0xadc: {  	s13 =	simm.s32 $0x6E80;
	s0 =	sadd.s32 $0x30, s0;
	s14 =	spop (v2sf)  }
0xadd: {  	[tilespmem:s13], [sflag:$0x1] =	stream.linear.gather [hbm4b:s0+s7], $0x80, $0x38;
	[tilespmem:$0x18880] =	vst v63  }
0xade: {  	s0 =	sand.u32 $0x1FFFFFC0, s14  }
0xadf: {  	s15 =	simm.s32 $0x7080;
	(v2sf) =	vpush v2, $0xF;
	s0 =	sadd.s32 s9, s0  }
0xae0: {  	[tilespmem:s15], [sflag:$0x1] =	stream.linear.gather [hbm4b:s0+s7], $0x80, $0x38;
	[tilespmem:$0x18880] =	vst v63  }
0xae1: {  	s17 =	simm.s32 $0x7280;
	s16 =	sadd.s32 $0x10, s0  }
0xae2: {  	[tilespmem:s17], [sflag:$0x1] =	stream.linear.gather [hbm4b:s16+s7], $0x80, $0x38;
	[tilespmem:$0x18880] =	vst v63  }
0xae3: {  	s19 =	simm.s32 $0x7480;
	s18 =	sadd.s32 $0x20, s0  }
0xae4: {  	[tilespmem:s19], [sflag:$0x1] =	stream.linear.gather [hbm4b:s18+s7], $0x80, $0x38;
	[tilespmem:$0x18880] =	vst v63  }
0xae5: {  	s20 =	simm.s32 $0x7680;
	s21 =	spop (v2sf);
	s0 =	sadd.s32 $0x30, s0  }
0xae6: {  	[tilespmem:s20], [sflag:$0x1] =	stream.linear.gather [hbm4b:s0+s7], $0x80, $0x38;
	[tilespmem:$0x18880] =	vst v63  }
0xae7: {  	s0 =	sand.u32 $0x1FFFFFC0, s21  }
0xae8: {  	s22 =	simm.s32 $0x7880;
	s0 =	sadd.s32 s9, s0  }
0xae9: {  	[tilespmem:s22], [sflag:$0x1] =	stream.linear.gather [hbm4b:s0+s7], $0x80, $0x38;
	[tilespmem:$0x18880] =	vst v63  }
0xaea: {  	s24 =	simm.s32 $0x7A80;
	s23 =	sadd.s32 $0x10, s0  }
0xaeb: {  	[tilespmem:s24], [sflag:$0x1] =	stream.linear.gather [hbm4b:s23+s7], $0x80, $0x38;
	[tilespmem:$0x18880] =	vst v63  }
0xaec: {  	s26 =	simm.s32 $0x7C80;
	s25 =	sadd.s32 $0x20, s0  }
0xaed: {  	[tilespmem:s26], [sflag:$0x1] =	stream.linear.gather [hbm4b:s25+s7], $0x80, $0x38;
	[tilespmem:$0x18880] =	vst v63  }
0xaee: {  	s28 =	simm.s32 $0x7E80;
	s29 =	spop (v2sf);
	s0 =	sadd.s32 $0x30, s0  }
0xaef: {  	[tilespmem:s28], [sflag:$0x1] =	stream.linear.gather [hbm4b:s0+s7], $0x80, $0x38;
	[tilespmem:$0x18880] =	vst v63  }
0xaf0: {  	s0 =	sand.u32 $0x1FFFFFC0, s29  }
0xaf1: {  	s30 =	simm.s32 $0x8080;
	s0 =	sadd.s32 s9, s0  }
0xaf2: {  	[tilespmem:s30], [sflag:$0x1] =	stream.linear.gather [hbm4b:s0+s7], $0x80, $0x38;
	[tilespmem:$0x18880] =	vst v63  }
0xaf3: {  	s3 =	simm.s32 $0x8280;
	s2 =	sadd.s32 $0x10, s0  }
0xaf4: {  	[tilespmem:s3], [sflag:$0x1] =	stream.linear.gather [hbm4b:s2+s7], $0x80, $0x38;
	[tilespmem:$0x18880] =	vst v63  }
0xaf5: {  	s6 =	simm.s32 $0x8480;
	s4 =	sadd.s32 $0x20, s0  }
0xaf6: {  	[tilespmem:s6], [sflag:$0x1] =	stream.linear.gather [hbm4b:s4+s7], $0x80, $0x38;
	[tilespmem:$0x18880] =	vst v63  }
0xaf7: {  	s8 =	simm.s32 $0x8680;
	s0 =	sadd.s32 $0x30, s0  }
0xaf8: {  	[tilespmem:s8], [sflag:$0x1] =	stream.linear.gather [hbm4b:s0+s7], $0x80, $0x38;
	[tilespmem:$0x18880] =	vst v63  }
0xaf9: {  	v2 =	vld [tilespmem:$0x430];
	_ =	sdelay $0x4  }
0xafa: {  	v2 =	vshll.u32 v2, $0x6  }
0xafb: {  	(v2sf) =	vpush v2, $0x0;
	_ =	sdelay $0x7  }
0xafc: {  	(v2sf) =	vpush v2, $0x1;
	_ =	sdelay $0x6  }
0xafd: {  	s10 =	spop (v2sf)  }
0xafe: {  	s0 =	sand.u32 $0x1FFFFFC0, s10  }
0xaff: {  	s11 =	simm.s32 $0x900;
	(v2sf) =	vpush v2, $0x2;
	s0 =	sadd.s32 s9, s0  }
0xb00: {  	[tilespmem:s11], [sflag:$0x1] =	stream.linear.gather [hbm4b:s0+s7], $0x80, $0x38;
	[tilespmem:$0x18880] =	vst v63  }
0xb01: {  	s13 =	simm.s32 $0xB00;
	s12 =	sadd.s32 $0x10, s0  }
0xb02: {  	[tilespmem:s13], [sflag:$0x1] =	stream.linear.gather [hbm4b:s12+s7], $0x80, $0x38;
	[tilespmem:$0x18880] =	vst v63  }
0xb03: {  	s15 =	simm.s32 $0xD00;
	s14 =	sadd.s32 $0x20, s0  }
0xb04: {  	[tilespmem:s15], [sflag:$0x1] =	stream.linear.gather [hbm4b:s14+s7], $0x80, $0x38;
	[tilespmem:$0x18880] =	vst v63  }
0xb05: {  	s16 =	simm.s32 $0xF00;
	s17 =	spop (v2sf);
	s0 =	sadd.s32 $0x30, s0  }
0xb06: {  	[tilespmem:s16], [sflag:$0x1] =	stream.linear.gather [hbm4b:s0+s7], $0x80, $0x38;
	[tilespmem:$0x18880] =	vst v63  }
0xb07: {  	s0 =	sand.u32 $0x1FFFFFC0, s17  }
0xb08: {  	s18 =	simm.s32 $0x1100;
	(v2sf) =	vpush v2, $0x3;
	s0 =	sadd.s32 s9, s0  }
0xb09: {  	[tilespmem:s18], [sflag:$0x1] =	stream.linear.gather [hbm4b:s0+s7], $0x80, $0x38;
	[tilespmem:$0x18880] =	vst v63  }
0xb0a: {  	s20 =	simm.s32 $0x1300;
	s19 =	sadd.s32 $0x10, s0  }
0xb0b: {  	[tilespmem:s20], [sflag:$0x1] =	stream.linear.gather [hbm4b:s19+s7], $0x80, $0x38;
	[tilespmem:$0x18880] =	vst v63  }
0xb0c: {  	s22 =	simm.s32 $0x1500;
	s21 =	sadd.s32 $0x20, s0  }
0xb0d: {  	[tilespmem:s22], [sflag:$0x1] =	stream.linear.gather [hbm4b:s21+s7], $0x80, $0x38;
	[tilespmem:$0x18880] =	vst v63  }
0xb0e: {  	s23 =	simm.s32 $0x1700;
	s0 =	sadd.s32 $0x30, s0;
	s24 =	spop (v2sf)  }
0xb0f: {  	[tilespmem:s23], [sflag:$0x1] =	stream.linear.gather [hbm4b:s0+s7], $0x80, $0x38;
	[tilespmem:$0x18880] =	vst v63  }
0xb10: {  	s0 =	sand.u32 $0x1FFFFFC0, s24  }
0xb11: {  	s25 =	simm.s32 $0x1900;
	(v2sf) =	vpush v2, $0x4;
	s0 =	sadd.s32 s9, s0  }
0xb12: {  	[tilespmem:s25], [sflag:$0x1] =	stream.linear.gather [hbm4b:s0+s7], $0x80, $0x38;
	[tilespmem:$0x18880] =	vst v63  }
0xb13: {  	s28 =	simm.s32 $0x1B00;
	s26 =	sadd.s32 $0x10, s0  }
0xb14: {  	[tilespmem:s28], [sflag:$0x1] =	stream.linear.gather [hbm4b:s26+s7], $0x80, $0x38;
	[tilespmem:$0x18880] =	vst v63  }
0xb15: {  	s30 =	simm.s32 $0x1D00;
	s29 =	sadd.s32 $0x20, s0  }
0xb16: {  	[tilespmem:s30], [sflag:$0x1] =	stream.linear.gather [hbm4b:s29+s7], $0x80, $0x38;
	[tilespmem:$0x18880] =	vst v63  }
0xb17: {  	s3 =	simm.s32 $0x1F00;
	s4 =	spop (v2sf);
	s0 =	sadd.s32 $0x30, s0  }
0xb18: {  	[tilespmem:s3], [sflag:$0x1] =	stream.linear.gather [hbm4b:s0+s7], $0x80, $0x38;
	[tilespmem:$0x18880] =	vst v63  }
0xb19: {  	s0 =	sand.u32 $0x1FFFFFC0, s4  }
0xb1a: {  	s6 =	simm.s32 $0x2100;
	(v2sf) =	vpush v2, $0x5;
	s0 =	sadd.s32 s9, s0  }
0xb1b: {  	[tilespmem:s6], [sflag:$0x1] =	stream.linear.gather [hbm4b:s0+s7], $0x80, $0x38;
	[tilespmem:$0x18880] =	vst v63  }
0xb1c: {  	s10 =	simm.s32 $0x2300;
	s8 =	sadd.s32 $0x10, s0  }
0xb1d: {  	[tilespmem:s10], [sflag:$0x1] =	stream.linear.gather [hbm4b:s8+s7], $0x80, $0x38;
	[tilespmem:$0x18880] =	vst v63  }
0xb1e: {  	s12 =	simm.s32 $0x2500;
	s11 =	sadd.s32 $0x20, s0  }
0xb1f: {  	[tilespmem:s12], [sflag:$0x1] =	stream.linear.gather [hbm4b:s11+s7], $0x80, $0x38;
	[tilespmem:$0x18880] =	vst v63  }
0xb20: {  	s13 =	simm.s32 $0x2700;
	s0 =	sadd.s32 $0x30, s0;
	s14 =	spop (v2sf)  }
0xb21: {  	[tilespmem:s13], [sflag:$0x1] =	stream.linear.gather [hbm4b:s0+s7], $0x80, $0x38;
	[tilespmem:$0x18880] =	vst v63  }
0xb22: {  	s0 =	sand.u32 $0x1FFFFFC0, s14  }
0xb23: {  	s15 =	simm.s32 $0x2900;
	(v2sf) =	vpush v2, $0x6;
	s0 =	sadd.s32 s9, s0  }
0xb24: {  	[tilespmem:s15], [sflag:$0x1] =	stream.linear.gather [hbm4b:s0+s7], $0x80, $0x38;
	[tilespmem:$0x18880] =	vst v63  }
0xb25: {  	s17 =	simm.s32 $0x2B00;
	s16 =	sadd.s32 $0x10, s0  }
0xb26: {  	[tilespmem:s17], [sflag:$0x1] =	stream.linear.gather [hbm4b:s16+s7], $0x80, $0x38;
	[tilespmem:$0x18880] =	vst v63  }
0xb27: {  	s19 =	simm.s32 $0x2D00;
	s18 =	sadd.s32 $0x20, s0  }
0xb28: {  	[tilespmem:s19], [sflag:$0x1] =	stream.linear.gather [hbm4b:s18+s7], $0x80, $0x38;
	[tilespmem:$0x18880] =	vst v63  }
0xb29: {  	s20 =	simm.s32 $0x2F00;
	s21 =	spop (v2sf);
	s0 =	sadd.s32 $0x30, s0  }
0xb2a: {  	[tilespmem:s20], [sflag:$0x1] =	stream.linear.gather [hbm4b:s0+s7], $0x80, $0x38;
	[tilespmem:$0x18880] =	vst v63  }
0xb2b: {  	s0 =	sand.u32 $0x1FFFFFC0, s21  }
0xb2c: {  	s22 =	simm.s32 $0x3100;
	(v2sf) =	vpush v2, $0x7;
	s0 =	sadd.s32 s9, s0  }
0xb2d: {  	[tilespmem:s22], [sflag:$0x1] =	stream.linear.gather [hbm4b:s0+s7], $0x80, $0x38;
	[tilespmem:$0x18880] =	vst v63  }
0xb2e: {  	s24 =	simm.s32 $0x3300;
	s23 =	sadd.s32 $0x10, s0  }
0xb2f: {  	[tilespmem:s24], [sflag:$0x1] =	stream.linear.gather [hbm4b:s23+s7], $0x80, $0x38;
	[tilespmem:$0x18880] =	vst v63  }
0xb30: {  	s26 =	simm.s32 $0x3500;
	s25 =	sadd.s32 $0x20, s0  }
0xb31: {  	[tilespmem:s26], [sflag:$0x1] =	stream.linear.gather [hbm4b:s25+s7], $0x80, $0x38;
	[tilespmem:$0x18880] =	vst v63  }
0xb32: {  	s28 =	simm.s32 $0x3700;
	s0 =	sadd.s32 $0x30, s0;
	s29 =	spop (v2sf)  }
0xb33: {  	[tilespmem:s28], [sflag:$0x1] =	stream.linear.gather [hbm4b:s0+s7], $0x80, $0x38;
	[tilespmem:$0x18880] =	vst v63  }
0xb34: {  	s0 =	sand.u32 $0x1FFFFFC0, s29  }
0xb35: {  	s30 =	simm.s32 $0x3900;
	(v2sf) =	vpush v2, $0x8;
	s0 =	sadd.s32 s9, s0  }
0xb36: {  	[tilespmem:s30], [sflag:$0x1] =	stream.linear.gather [hbm4b:s0+s7], $0x80, $0x38;
	[tilespmem:$0x18880] =	vst v63  }
0xb37: {  	s3 =	simm.s32 $0x3B00;
	s2 =	sadd.s32 $0x10, s0  }
0xb38: {  	[tilespmem:s3], [sflag:$0x1] =	stream.linear.gather [hbm4b:s2+s7], $0x80, $0x38;
	[tilespmem:$0x18880] =	vst v63  }
0xb39: {  	s6 =	simm.s32 $0x3D00;
	s4 =	sadd.s32 $0x20, s0  }
0xb3a: {  	[tilespmem:s6], [sflag:$0x1] =	stream.linear.gather [hbm4b:s4+s7], $0x80, $0x38;
	[tilespmem:$0x18880] =	vst v63  }
0xb3b: {  	s8 =	simm.s32 $0x3F00;
	s10 =	spop (v2sf);
	s0 =	sadd.s32 $0x30, s0  }
0xb3c: {  	[tilespmem:s8], [sflag:$0x1] =	stream.linear.gather [hbm4b:s0+s7], $0x80, $0x38;
	[tilespmem:$0x18880] =	vst v63  }
0xb3d: {  	s0 =	sand.u32 $0x1FFFFFC0, s10  }
0xb3e: {  	s11 =	simm.s32 $0x4100;
	(v2sf) =	vpush v2, $0x9;
	s0 =	sadd.s32 s9, s0  }
0xb3f: {  	[tilespmem:s11], [sflag:$0x1] =	stream.linear.gather [hbm4b:s0+s7], $0x80, $0x38;
	[tilespmem:$0x18880] =	vst v63  }
0xb40: {  	s13 =	simm.s32 $0x4300;
	s12 =	sadd.s32 $0x10, s0  }
0xb41: {  	[tilespmem:s13], [sflag:$0x1] =	stream.linear.gather [hbm4b:s12+s7], $0x80, $0x38;
	[tilespmem:$0x18880] =	vst v63  }
0xb42: {  	s15 =	simm.s32 $0x4500;
	s14 =	sadd.s32 $0x20, s0  }
0xb43: {  	[tilespmem:s15], [sflag:$0x1] =	stream.linear.gather [hbm4b:s14+s7], $0x80, $0x38;
	[tilespmem:$0x18880] =	vst v63  }
0xb44: {  	s16 =	simm.s32 $0x4700;
	s0 =	sadd.s32 $0x30, s0;
	s17 =	spop (v2sf)  }
0xb45: {  	[tilespmem:s16], [sflag:$0x1] =	stream.linear.gather [hbm4b:s0+s7], $0x80, $0x38;
	[tilespmem:$0x18880] =	vst v63  }
0xb46: {  	s0 =	sand.u32 $0x1FFFFFC0, s17  }
0xb47: {  	s18 =	simm.s32 $0x4900;
	(v2sf) =	vpush v2, $0xA;
	s0 =	sadd.s32 s9, s0  }
0xb48: {  	[tilespmem:s18], [sflag:$0x1] =	stream.linear.gather [hbm4b:s0+s7], $0x80, $0x38;
	[tilespmem:$0x18880] =	vst v63  }
0xb49: {  	s20 =	simm.s32 $0x4B00;
	s19 =	sadd.s32 $0x10, s0  }
0xb4a: {  	[tilespmem:s20], [sflag:$0x1] =	stream.linear.gather [hbm4b:s19+s7], $0x80, $0x38;
	[tilespmem:$0x18880] =	vst v63  }
0xb4b: {  	s22 =	simm.s32 $0x4D00;
	s21 =	sadd.s32 $0x20, s0  }
0xb4c: {  	[tilespmem:s22], [sflag:$0x1] =	stream.linear.gather [hbm4b:s21+s7], $0x80, $0x38;
	[tilespmem:$0x18880] =	vst v63  }
0xb4d: {  	s23 =	simm.s32 $0x4F00;
	s24 =	spop (v2sf);
	s0 =	sadd.s32 $0x30, s0  }
0xb4e: {  	[tilespmem:s23], [sflag:$0x1] =	stream.linear.gather [hbm4b:s0+s7], $0x80, $0x38;
	[tilespmem:$0x18880] =	vst v63  }
0xb4f: {  	s0 =	sand.u32 $0x1FFFFFC0, s24  }
0xb50: {  	s25 =	simm.s32 $0x5100;
	(v2sf) =	vpush v2, $0xB;
	s0 =	sadd.s32 s9, s0  }
0xb51: {  	[tilespmem:s25], [sflag:$0x1] =	stream.linear.gather [hbm4b:s0+s7], $0x80, $0x38;
	[tilespmem:$0x18880] =	vst v63  }
0xb52: {  	s28 =	simm.s32 $0x5300;
	s26 =	sadd.s32 $0x10, s0  }
0xb53: {  	[tilespmem:s28], [sflag:$0x1] =	stream.linear.gather [hbm4b:s26+s7], $0x80, $0x38;
	[tilespmem:$0x18880] =	vst v63  }
0xb54: {  	s30 =	simm.s32 $0x5500;
	s29 =	sadd.s32 $0x20, s0  }
0xb55: {  	[tilespmem:s30], [sflag:$0x1] =	stream.linear.gather [hbm4b:s29+s7], $0x80, $0x38;
	[tilespmem:$0x18880] =	vst v63  }
0xb56: {  	s3 =	simm.s32 $0x5700;
	s0 =	sadd.s32 $0x30, s0;
	s4 =	spop (v2sf)  }
0xb57: {  	[tilespmem:s3], [sflag:$0x1] =	stream.linear.gather [hbm4b:s0+s7], $0x80, $0x38;
	[tilespmem:$0x18880] =	vst v63  }
0xb58: {  	s0 =	sand.u32 $0x1FFFFFC0, s4  }
0xb59: {  	s6 =	simm.s32 $0x5900;
	(v2sf) =	vpush v2, $0xC;
	s0 =	sadd.s32 s9, s0  }
0xb5a: {  	[tilespmem:s6], [sflag:$0x1] =	stream.linear.gather [hbm4b:s0+s7], $0x80, $0x38;
	[tilespmem:$0x18880] =	vst v63  }
0xb5b: {  	s10 =	simm.s32 $0x5B00;
	s8 =	sadd.s32 $0x10, s0  }
0xb5c: {  	[tilespmem:s10], [sflag:$0x1] =	stream.linear.gather [hbm4b:s8+s7], $0x80, $0x38;
	[tilespmem:$0x18880] =	vst v63  }
0xb5d: {  	s12 =	simm.s32 $0x5D00;
	s11 =	sadd.s32 $0x20, s0  }
0xb5e: {  	[tilespmem:s12], [sflag:$0x1] =	stream.linear.gather [hbm4b:s11+s7], $0x80, $0x38;
	[tilespmem:$0x18880] =	vst v63  }
0xb5f: {  	s13 =	simm.s32 $0x5F00;
	s14 =	spop (v2sf);
	s0 =	sadd.s32 $0x30, s0  }
0xb60: {  	[tilespmem:s13], [sflag:$0x1] =	stream.linear.gather [hbm4b:s0+s7], $0x80, $0x38;
	[tilespmem:$0x18880] =	vst v63  }
0xb61: {  	s0 =	sand.u32 $0x1FFFFFC0, s14  }
0xb62: {  	s15 =	simm.s32 $0x6100;
	(v2sf) =	vpush v2, $0xD;
	s0 =	sadd.s32 s9, s0  }
0xb63: {  	[tilespmem:s15], [sflag:$0x1] =	stream.linear.gather [hbm4b:s0+s7], $0x80, $0x38;
	[tilespmem:$0x18880] =	vst v63  }
0xb64: {  	s17 =	simm.s32 $0x6300;
	s16 =	sadd.s32 $0x10, s0  }
0xb65: {  	[tilespmem:s17], [sflag:$0x1] =	stream.linear.gather [hbm4b:s16+s7], $0x80, $0x38;
	[tilespmem:$0x18880] =	vst v63  }
0xb66: {  	s19 =	simm.s32 $0x6500;
	s18 =	sadd.s32 $0x20, s0  }
0xb67: {  	[tilespmem:s19], [sflag:$0x1] =	stream.linear.gather [hbm4b:s18+s7], $0x80, $0x38;
	[tilespmem:$0x18880] =	vst v63  }
0xb68: {  	s20 =	simm.s32 $0x6700;
	s21 =	spop (v2sf);
	s0 =	sadd.s32 $0x30, s0  }
0xb69: {  	[tilespmem:s20], [sflag:$0x1] =	stream.linear.gather [hbm4b:s0+s7], $0x80, $0x38;
	[tilespmem:$0x18880] =	vst v63  }
0xb6a: {  	s0 =	sand.u32 $0x1FFFFFC0, s21  }
0xb6b: {  	s22 =	simm.s32 $0x6900;
	(v2sf) =	vpush v2, $0xE;
	s0 =	sadd.s32 s9, s0  }
0xb6c: {  	[tilespmem:s22], [sflag:$0x1] =	stream.linear.gather [hbm4b:s0+s7], $0x80, $0x38;
	[tilespmem:$0x18880] =	vst v63  }
0xb6d: {  	s24 =	simm.s32 $0x6B00;
	s23 =	sadd.s32 $0x10, s0  }
0xb6e: {  	[tilespmem:s24], [sflag:$0x1] =	stream.linear.gather [hbm4b:s23+s7], $0x80, $0x38;
	[tilespmem:$0x18880] =	vst v63  }
0xb6f: {  	s26 =	simm.s32 $0x6D00;
	s25 =	sadd.s32 $0x20, s0  }
0xb70: {  	[tilespmem:s26], [sflag:$0x1] =	stream.linear.gather [hbm4b:s25+s7], $0x80, $0x38;
	[tilespmem:$0x18880] =	vst v63  }
0xb71: {  	s28 =	simm.s32 $0x6F00;
	s29 =	spop (v2sf);
	s0 =	sadd.s32 $0x30, s0  }
0xb72: {  	[tilespmem:s28], [sflag:$0x1] =	stream.linear.gather [hbm4b:s0+s7], $0x80, $0x38;
	[tilespmem:$0x18880] =	vst v63  }
0xb73: {  	s0 =	sand.u32 $0x1FFFFFC0, s29  }
0xb74: {  	s30 =	simm.s32 $0x7100;
	(v2sf) =	vpush v2, $0xF;
	s0 =	sadd.s32 s9, s0  }
0xb75: {  	[tilespmem:s30], [sflag:$0x1] =	stream.linear.gather [hbm4b:s0+s7], $0x80, $0x38;
	[tilespmem:$0x18880] =	vst v63  }
0xb76: {  	s3 =	simm.s32 $0x7300;
	s2 =	sadd.s32 $0x10, s0  }
0xb77: {  	[tilespmem:s3], [sflag:$0x1] =	stream.linear.gather [hbm4b:s2+s7], $0x80, $0x38;
	[tilespmem:$0x18880] =	vst v63  }
0xb78: {  	s6 =	simm.s32 $0x7500;
	s4 =	sadd.s32 $0x20, s0  }
0xb79: {  	[tilespmem:s6], [sflag:$0x1] =	stream.linear.gather [hbm4b:s4+s7], $0x80, $0x38;
	[tilespmem:$0x18880] =	vst v63  }
0xb7a: {  	s8 =	simm.s32 $0x7700;
	s10 =	spop (v2sf);
	s0 =	sadd.s32 $0x30, s0  }
0xb7b: {  	[tilespmem:s8], [sflag:$0x1] =	stream.linear.gather [hbm4b:s0+s7], $0x80, $0x38;
	[tilespmem:$0x18880] =	vst v63  }
0xb7c: {  	s0 =	sand.u32 $0x1FFFFFC0, s10  }
0xb7d: {  	s11 =	simm.s32 $0x7900;
	s0 =	sadd.s32 s9, s0  }
0xb7e: {  	[tilespmem:s11], [sflag:$0x1] =	stream.linear.gather [hbm4b:s0+s7], $0x80, $0x38;
	[tilespmem:$0x18880] =	vst v63  }
0xb7f: {  	s13 =	simm.s32 $0x7B00;
	s12 =	sadd.s32 $0x10, s0  }
0xb80: {  	[tilespmem:s13], [sflag:$0x1] =	stream.linear.gather [hbm4b:s12+s7], $0x80, $0x38;
	[tilespmem:$0x18880] =	vst v63  }
0xb81: {  	s15 =	simm.s32 $0x7D00;
	s14 =	sadd.s32 $0x20, s0  }
0xb82: {  	[tilespmem:s15], [sflag:$0x1] =	stream.linear.gather [hbm4b:s14+s7], $0x80, $0x38;
	[tilespmem:$0x18880] =	vst v63  }
0xb83: {  	s16 =	simm.s32 $0x7F00;
	s17 =	spop (v2sf);
	s0 =	sadd.s32 $0x30, s0  }
0xb84: {  	[tilespmem:s16], [sflag:$0x1] =	stream.linear.gather [hbm4b:s0+s7], $0x80, $0x38;
	[tilespmem:$0x18880] =	vst v63  }
0xb85: {  	s0 =	sand.u32 $0x1FFFFFC0, s17  }
0xb86: {  	s18 =	simm.s32 $0x8100;
	s0 =	sadd.s32 s9, s0  }
0xb87: {  	[tilespmem:s18], [sflag:$0x1] =	stream.linear.gather [hbm4b:s0+s7], $0x80, $0x38;
	[tilespmem:$0x18880] =	vst v63  }
0xb88: {  	s20 =	simm.s32 $0x8300;
	s19 =	sadd.s32 $0x10, s0  }
0xb89: {  	[tilespmem:s20], [sflag:$0x1] =	stream.linear.gather [hbm4b:s19+s7], $0x80, $0x38;
	[tilespmem:$0x18880] =	vst v63  }
0xb8a: {  	s22 =	simm.s32 $0x8500;
	s21 =	sadd.s32 $0x20, s0  }
0xb8b: {  	[tilespmem:s22], [sflag:$0x1] =	stream.linear.gather [hbm4b:s21+s7], $0x80, $0x38;
	[tilespmem:$0x18880] =	vst v63  }
0xb8c: {  	s23 =	simm.s32 $0x8700;
	s0 =	sadd.s32 $0x30, s0  }
0xb8d: {  	[tilespmem:s23], [sflag:$0x1] =	stream.linear.gather [hbm4b:s0+s7], $0x80, $0x38;
	[tilespmem:$0x18880] =	vst v63  }
0xb8e: {  	v2 =	vld [tilespmem:$0x650];
	_ =	sdelay $0x4  }
0xb8f: {  	v2 =	vshll.u32 v2, $0x6  }
0xb90: {  	(v2sf) =	vpush v2, $0x0;
	_ =	sdelay $0x7  }
0xb91: {  	(v2sf) =	vpush v2, $0x1;
	_ =	sdelay $0x6  }
0xb92: {  	s24 =	spop (v2sf)  }
0xb93: {  	s0 =	sand.u32 $0x1FFFFFC0, s24  }
0xb94: {  	s25 =	simm.s32 $0x980;
	(v2sf) =	vpush v2, $0x2;
	s0 =	sadd.s32 s9, s0  }
0xb95: {  	[tilespmem:s25], [sflag:$0x1] =	stream.linear.gather [hbm4b:s0+s7], $0x80, $0x38;
	[tilespmem:$0x18880] =	vst v63  }
0xb96: {  	s28 =	simm.s32 $0xB80;
	s26 =	sadd.s32 $0x10, s0  }
0xb97: {  	[tilespmem:s28], [sflag:$0x1] =	stream.linear.gather [hbm4b:s26+s7], $0x80, $0x38;
	[tilespmem:$0x18880] =	vst v63  }
0xb98: {  	s30 =	simm.s32 $0xD80;
	s29 =	sadd.s32 $0x20, s0  }
0xb99: {  	[tilespmem:s30], [sflag:$0x1] =	stream.linear.gather [hbm4b:s29+s7], $0x80, $0x38;
	[tilespmem:$0x18880] =	vst v63  }
0xb9a: {  	s3 =	simm.s32 $0xF80;
	s4 =	spop (v2sf);
	s0 =	sadd.s32 $0x30, s0  }
0xb9b: {  	[tilespmem:s3], [sflag:$0x1] =	stream.linear.gather [hbm4b:s0+s7], $0x80, $0x38;
	[tilespmem:$0x18880] =	vst v63  }
0xb9c: {  	s0 =	sand.u32 $0x1FFFFFC0, s4  }
0xb9d: {  	s6 =	simm.s32 $0x1180;
	(v2sf) =	vpush v2, $0x3;
	s0 =	sadd.s32 s9, s0  }
0xb9e: {  	[tilespmem:s6], [sflag:$0x1] =	stream.linear.gather [hbm4b:s0+s7], $0x80, $0x38;
	[tilespmem:$0x18880] =	vst v63  }
0xb9f: {  	s10 =	simm.s32 $0x1380;
	s8 =	sadd.s32 $0x10, s0  }
0xba0: {  	[tilespmem:s10], [sflag:$0x1] =	stream.linear.gather [hbm4b:s8+s7], $0x80, $0x38;
	[tilespmem:$0x18880] =	vst v63  }
0xba1: {  	s12 =	simm.s32 $0x1580;
	s11 =	sadd.s32 $0x20, s0  }
0xba2: {  	[tilespmem:s12], [sflag:$0x1] =	stream.linear.gather [hbm4b:s11+s7], $0x80, $0x38;
	[tilespmem:$0x18880] =	vst v63  }
0xba3: {  	s13 =	simm.s32 $0x1780;
	s0 =	sadd.s32 $0x30, s0;
	s14 =	spop (v2sf)  }
0xba4: {  	[tilespmem:s13], [sflag:$0x1] =	stream.linear.gather [hbm4b:s0+s7], $0x80, $0x38;
	[tilespmem:$0x18880] =	vst v63  }
0xba5: {  	s0 =	sand.u32 $0x1FFFFFC0, s14  }
0xba6: {  	s15 =	simm.s32 $0x1980;
	(v2sf) =	vpush v2, $0x4;
	s0 =	sadd.s32 s9, s0  }
0xba7: {  	[tilespmem:s15], [sflag:$0x1] =	stream.linear.gather [hbm4b:s0+s7], $0x80, $0x38;
	[tilespmem:$0x18880] =	vst v63  }
0xba8: {  	s17 =	simm.s32 $0x1B80;
	s16 =	sadd.s32 $0x10, s0  }
0xba9: {  	[tilespmem:s17], [sflag:$0x1] =	stream.linear.gather [hbm4b:s16+s7], $0x80, $0x38;
	[tilespmem:$0x18880] =	vst v63  }
0xbaa: {  	s19 =	simm.s32 $0x1D80;
	s18 =	sadd.s32 $0x20, s0  }
0xbab: {  	[tilespmem:s19], [sflag:$0x1] =	stream.linear.gather [hbm4b:s18+s7], $0x80, $0x38;
	[tilespmem:$0x18880] =	vst v63  }
0xbac: {  	s20 =	simm.s32 $0x1F80;
	s21 =	spop (v2sf);
	s0 =	sadd.s32 $0x30, s0  }
0xbad: {  	[tilespmem:s20], [sflag:$0x1] =	stream.linear.gather [hbm4b:s0+s7], $0x80, $0x38;
	[tilespmem:$0x18880] =	vst v63  }
0xbae: {  	s0 =	sand.u32 $0x1FFFFFC0, s21  }
0xbaf: {  	s22 =	simm.s32 $0x2180;
	(v2sf) =	vpush v2, $0x5;
	s0 =	sadd.s32 s9, s0  }
0xbb0: {  	[tilespmem:s22], [sflag:$0x1] =	stream.linear.gather [hbm4b:s0+s7], $0x80, $0x38;
	[tilespmem:$0x18880] =	vst v63  }
0xbb1: {  	s24 =	simm.s32 $0x2380;
	s23 =	sadd.s32 $0x10, s0  }
0xbb2: {  	[tilespmem:s24], [sflag:$0x1] =	stream.linear.gather [hbm4b:s23+s7], $0x80, $0x38;
	[tilespmem:$0x18880] =	vst v63  }
0xbb3: {  	s26 =	simm.s32 $0x2580;
	s25 =	sadd.s32 $0x20, s0  }
0xbb4: {  	[tilespmem:s26], [sflag:$0x1] =	stream.linear.gather [hbm4b:s25+s7], $0x80, $0x38;
	[tilespmem:$0x18880] =	vst v63  }
0xbb5: {  	s28 =	simm.s32 $0x2780;
	s0 =	sadd.s32 $0x30, s0;
	s29 =	spop (v2sf)  }
0xbb6: {  	[tilespmem:s28], [sflag:$0x1] =	stream.linear.gather [hbm4b:s0+s7], $0x80, $0x38;
	[tilespmem:$0x18880] =	vst v63  }
0xbb7: {  	s0 =	sand.u32 $0x1FFFFFC0, s29  }
0xbb8: {  	s30 =	simm.s32 $0x2980;
	(v2sf) =	vpush v2, $0x6;
	s0 =	sadd.s32 s9, s0  }
0xbb9: {  	[tilespmem:s30], [sflag:$0x1] =	stream.linear.gather [hbm4b:s0+s7], $0x80, $0x38;
	[tilespmem:$0x18880] =	vst v63  }
0xbba: {  	s3 =	simm.s32 $0x2B80;
	s2 =	sadd.s32 $0x10, s0  }
0xbbb: {  	[tilespmem:s3], [sflag:$0x1] =	stream.linear.gather [hbm4b:s2+s7], $0x80, $0x38;
	[tilespmem:$0x18880] =	vst v63  }
0xbbc: {  	s6 =	simm.s32 $0x2D80;
	s4 =	sadd.s32 $0x20, s0  }
0xbbd: {  	[tilespmem:s6], [sflag:$0x1] =	stream.linear.gather [hbm4b:s4+s7], $0x80, $0x38;
	[tilespmem:$0x18880] =	vst v63  }
0xbbe: {  	s8 =	simm.s32 $0x2F80;
	s10 =	spop (v2sf);
	s0 =	sadd.s32 $0x30, s0  }
0xbbf: {  	[tilespmem:s8], [sflag:$0x1] =	stream.linear.gather [hbm4b:s0+s7], $0x80, $0x38;
	[tilespmem:$0x18880] =	vst v63  }
0xbc0: {  	s0 =	sand.u32 $0x1FFFFFC0, s10  }
0xbc1: {  	s11 =	simm.s32 $0x3180;
	(v2sf) =	vpush v2, $0x7;
	s0 =	sadd.s32 s9, s0  }
0xbc2: {  	[tilespmem:s11], [sflag:$0x1] =	stream.linear.gather [hbm4b:s0+s7], $0x80, $0x38;
	[tilespmem:$0x18880] =	vst v63  }
0xbc3: {  	s13 =	simm.s32 $0x3380;
	s12 =	sadd.s32 $0x10, s0  }
0xbc4: {  	[tilespmem:s13], [sflag:$0x1] =	stream.linear.gather [hbm4b:s12+s7], $0x80, $0x38;
	[tilespmem:$0x18880] =	vst v63  }
0xbc5: {  	s15 =	simm.s32 $0x3580;
	s14 =	sadd.s32 $0x20, s0  }
0xbc6: {  	[tilespmem:s15], [sflag:$0x1] =	stream.linear.gather [hbm4b:s14+s7], $0x80, $0x38;
	[tilespmem:$0x18880] =	vst v63  }
0xbc7: {  	s16 =	simm.s32 $0x3780;
	s0 =	sadd.s32 $0x30, s0;
	s17 =	spop (v2sf)  }
0xbc8: {  	[tilespmem:s16], [sflag:$0x1] =	stream.linear.gather [hbm4b:s0+s7], $0x80, $0x38;
	[tilespmem:$0x18880] =	vst v63  }
0xbc9: {  	s0 =	sand.u32 $0x1FFFFFC0, s17  }
0xbca: {  	s18 =	simm.s32 $0x3980;
	(v2sf) =	vpush v2, $0x8;
	s0 =	sadd.s32 s9, s0  }
0xbcb: {  	[tilespmem:s18], [sflag:$0x1] =	stream.linear.gather [hbm4b:s0+s7], $0x80, $0x38;
	[tilespmem:$0x18880] =	vst v63  }
0xbcc: {  	s20 =	simm.s32 $0x3B80;
	s19 =	sadd.s32 $0x10, s0  }
0xbcd: {  	[tilespmem:s20], [sflag:$0x1] =	stream.linear.gather [hbm4b:s19+s7], $0x80, $0x38;
	[tilespmem:$0x18880] =	vst v63  }
0xbce: {  	s22 =	simm.s32 $0x3D80;
	s21 =	sadd.s32 $0x20, s0  }
0xbcf: {  	[tilespmem:s22], [sflag:$0x1] =	stream.linear.gather [hbm4b:s21+s7], $0x80, $0x38;
	[tilespmem:$0x18880] =	vst v63  }
0xbd0: {  	s23 =	simm.s32 $0x3F80;
	s24 =	spop (v2sf);
	s0 =	sadd.s32 $0x30, s0  }
0xbd1: {  	[tilespmem:s23], [sflag:$0x1] =	stream.linear.gather [hbm4b:s0+s7], $0x80, $0x38;
	[tilespmem:$0x18880] =	vst v63  }
0xbd2: {  	s0 =	sand.u32 $0x1FFFFFC0, s24  }
0xbd3: {  	s25 =	simm.s32 $0x4180;
	(v2sf) =	vpush v2, $0x9;
	s0 =	sadd.s32 s9, s0  }
0xbd4: {  	[tilespmem:s25], [sflag:$0x1] =	stream.linear.gather [hbm4b:s0+s7], $0x80, $0x38;
	[tilespmem:$0x18880] =	vst v63  }
0xbd5: {  	s28 =	simm.s32 $0x4380;
	s26 =	sadd.s32 $0x10, s0  }
0xbd6: {  	[tilespmem:s28], [sflag:$0x1] =	stream.linear.gather [hbm4b:s26+s7], $0x80, $0x38;
	[tilespmem:$0x18880] =	vst v63  }
0xbd7: {  	s30 =	simm.s32 $0x4580;
	s29 =	sadd.s32 $0x20, s0  }
0xbd8: {  	[tilespmem:s30], [sflag:$0x1] =	stream.linear.gather [hbm4b:s29+s7], $0x80, $0x38;
	[tilespmem:$0x18880] =	vst v63  }
0xbd9: {  	s3 =	simm.s32 $0x4780;
	s0 =	sadd.s32 $0x30, s0;
	s4 =	spop (v2sf)  }
0xbda: {  	[tilespmem:s3], [sflag:$0x1] =	stream.linear.gather [hbm4b:s0+s7], $0x80, $0x38;
	[tilespmem:$0x18880] =	vst v63  }
0xbdb: {  	s0 =	sand.u32 $0x1FFFFFC0, s4  }
0xbdc: {  	s6 =	simm.s32 $0x4980;
	(v2sf) =	vpush v2, $0xA;
	s0 =	sadd.s32 s9, s0  }
0xbdd: {  	[tilespmem:s6], [sflag:$0x1] =	stream.linear.gather [hbm4b:s0+s7], $0x80, $0x38;
	[tilespmem:$0x18880] =	vst v63  }
0xbde: {  	s10 =	simm.s32 $0x4B80;
	s8 =	sadd.s32 $0x10, s0  }
0xbdf: {  	[tilespmem:s10], [sflag:$0x1] =	stream.linear.gather [hbm4b:s8+s7], $0x80, $0x38;
	[tilespmem:$0x18880] =	vst v63  }
0xbe0: {  	s12 =	simm.s32 $0x4D80;
	s11 =	sadd.s32 $0x20, s0  }
0xbe1: {  	[tilespmem:s12], [sflag:$0x1] =	stream.linear.gather [hbm4b:s11+s7], $0x80, $0x38;
	[tilespmem:$0x18880] =	vst v63  }
0xbe2: {  	s13 =	simm.s32 $0x4F80;
	s14 =	spop (v2sf);
	s0 =	sadd.s32 $0x30, s0  }
0xbe3: {  	[tilespmem:s13], [sflag:$0x1] =	stream.linear.gather [hbm4b:s0+s7], $0x80, $0x38;
	[tilespmem:$0x18880] =	vst v63  }
0xbe4: {  	s0 =	sand.u32 $0x1FFFFFC0, s14  }
0xbe5: {  	s15 =	simm.s32 $0x5180;
	(v2sf) =	vpush v2, $0xB;
	s0 =	sadd.s32 s9, s0  }
0xbe6: {  	[tilespmem:s15], [sflag:$0x1] =	stream.linear.gather [hbm4b:s0+s7], $0x80, $0x38;
	[tilespmem:$0x18880] =	vst v63  }
0xbe7: {  	s17 =	simm.s32 $0x5380;
	s16 =	sadd.s32 $0x10, s0  }
0xbe8: {  	[tilespmem:s17], [sflag:$0x1] =	stream.linear.gather [hbm4b:s16+s7], $0x80, $0x38;
	[tilespmem:$0x18880] =	vst v63  }
0xbe9: {  	s19 =	simm.s32 $0x5580;
	s18 =	sadd.s32 $0x20, s0  }
0xbea: {  	[tilespmem:s19], [sflag:$0x1] =	stream.linear.gather [hbm4b:s18+s7], $0x80, $0x38;
	[tilespmem:$0x18880] =	vst v63  }
0xbeb: {  	s20 =	simm.s32 $0x5780;
	s0 =	sadd.s32 $0x30, s0;
	s21 =	spop (v2sf)  }
0xbec: {  	[tilespmem:s20], [sflag:$0x1] =	stream.linear.gather [hbm4b:s0+s7], $0x80, $0x38;
	[tilespmem:$0x18880] =	vst v63  }
0xbed: {  	s0 =	sand.u32 $0x1FFFFFC0, s21  }
0xbee: {  	s22 =	simm.s32 $0x5980;
	(v2sf) =	vpush v2, $0xC;
	s0 =	sadd.s32 s9, s0  }
0xbef: {  	[tilespmem:s22], [sflag:$0x1] =	stream.linear.gather [hbm4b:s0+s7], $0x80, $0x38;
	[tilespmem:$0x18880] =	vst v63  }
0xbf0: {  	s24 =	simm.s32 $0x5B80;
	s23 =	sadd.s32 $0x10, s0  }
0xbf1: {  	[tilespmem:s24], [sflag:$0x1] =	stream.linear.gather [hbm4b:s23+s7], $0x80, $0x38;
	[tilespmem:$0x18880] =	vst v63  }
0xbf2: {  	s26 =	simm.s32 $0x5D80;
	s25 =	sadd.s32 $0x20, s0  }
0xbf3: {  	[tilespmem:s26], [sflag:$0x1] =	stream.linear.gather [hbm4b:s25+s7], $0x80, $0x38;
	[tilespmem:$0x18880] =	vst v63  }
0xbf4: {  	s28 =	simm.s32 $0x5F80;
	s29 =	spop (v2sf);
	s0 =	sadd.s32 $0x30, s0  }
0xbf5: {  	[tilespmem:s28], [sflag:$0x1] =	stream.linear.gather [hbm4b:s0+s7], $0x80, $0x38;
	[tilespmem:$0x18880] =	vst v63  }
0xbf6: {  	s0 =	sand.u32 $0x1FFFFFC0, s29  }
0xbf7: {  	s30 =	simm.s32 $0x6180;
	(v2sf) =	vpush v2, $0xD;
	s0 =	sadd.s32 s9, s0  }
0xbf8: {  	[tilespmem:s30], [sflag:$0x1] =	stream.linear.gather [hbm4b:s0+s7], $0x80, $0x38;
	[tilespmem:$0x18880] =	vst v63  }
0xbf9: {  	s3 =	simm.s32 $0x6380;
	s2 =	sadd.s32 $0x10, s0  }
0xbfa: {  	[tilespmem:s3], [sflag:$0x1] =	stream.linear.gather [hbm4b:s2+s7], $0x80, $0x38;
	[tilespmem:$0x18880] =	vst v63  }
0xbfb: {  	s6 =	simm.s32 $0x6580;
	s4 =	sadd.s32 $0x20, s0  }
0xbfc: {  	[tilespmem:s6], [sflag:$0x1] =	stream.linear.gather [hbm4b:s4+s7], $0x80, $0x38;
	[tilespmem:$0x18880] =	vst v63  }
0xbfd: {  	s8 =	simm.s32 $0x6780;
	s10 =	spop (v2sf);
	s0 =	sadd.s32 $0x30, s0  }
0xbfe: {  	[tilespmem:s8], [sflag:$0x1] =	stream.linear.gather [hbm4b:s0+s7], $0x80, $0x38;
	[tilespmem:$0x18880] =	vst v63  }
0xbff: {  	s0 =	sand.u32 $0x1FFFFFC0, s10  }
0xc00: {  	s11 =	simm.s32 $0x6980;
	(v2sf) =	vpush v2, $0xE;
	s0 =	sadd.s32 s9, s0  }
0xc01: {  	[tilespmem:s11], [sflag:$0x1] =	stream.linear.gather [hbm4b:s0+s7], $0x80, $0x38;
	[tilespmem:$0x18880] =	vst v63  }
0xc02: {  	s13 =	simm.s32 $0x6B80;
	s12 =	sadd.s32 $0x10, s0  }
0xc03: {  	[tilespmem:s13], [sflag:$0x1] =	stream.linear.gather [hbm4b:s12+s7], $0x80, $0x38;
	[tilespmem:$0x18880] =	vst v63  }
0xc04: {  	s15 =	simm.s32 $0x6D80;
	s14 =	sadd.s32 $0x20, s0  }
0xc05: {  	[tilespmem:s15], [sflag:$0x1] =	stream.linear.gather [hbm4b:s14+s7], $0x80, $0x38;
	[tilespmem:$0x18880] =	vst v63  }
0xc06: {  	s16 =	simm.s32 $0x6F80;
	s17 =	spop (v2sf);
	s0 =	sadd.s32 $0x30, s0  }
0xc07: {  	[tilespmem:s16], [sflag:$0x1] =	stream.linear.gather [hbm4b:s0+s7], $0x80, $0x38;
	[tilespmem:$0x18880] =	vst v63  }
0xc08: {  	s0 =	sand.u32 $0x1FFFFFC0, s17  }
0xc09: {  	s18 =	simm.s32 $0x7180;
	(v2sf) =	vpush v2, $0xF;
	s0 =	sadd.s32 s9, s0  }
0xc0a: {  	[tilespmem:s18], [sflag:$0x1] =	stream.linear.gather [hbm4b:s0+s7], $0x80, $0x38;
	[tilespmem:$0x18880] =	vst v63  }
0xc0b: {  	s20 =	simm.s32 $0x7380;
	s19 =	sadd.s32 $0x10, s0  }
0xc0c: {  	[tilespmem:s20], [sflag:$0x1] =	stream.linear.gather [hbm4b:s19+s7], $0x80, $0x38;
	[tilespmem:$0x18880] =	vst v63  }
0xc0d: {  	s22 =	simm.s32 $0x7580;
	s21 =	sadd.s32 $0x20, s0  }
0xc0e: {  	[tilespmem:s22], [sflag:$0x1] =	stream.linear.gather [hbm4b:s21+s7], $0x80, $0x38;
	[tilespmem:$0x18880] =	vst v63  }
0xc0f: {  	s23 =	simm.s32 $0x7780;
	s24 =	spop (v2sf);
	s0 =	sadd.s32 $0x30, s0  }
0xc10: {  	[tilespmem:s23], [sflag:$0x1] =	stream.linear.gather [hbm4b:s0+s7], $0x80, $0x38;
	[tilespmem:$0x18880] =	vst v63  }
0xc11: {  	s0 =	sand.u32 $0x1FFFFFC0, s24  }
0xc12: {  	s25 =	simm.s32 $0x7980;
	s0 =	sadd.s32 s9, s0  }
0xc13: {  	[tilespmem:s25], [sflag:$0x1] =	stream.linear.gather [hbm4b:s0+s7], $0x80, $0x38;
	[tilespmem:$0x18880] =	vst v63  }
0xc14: {  	s28 =	simm.s32 $0x7B80;
	s26 =	sadd.s32 $0x10, s0  }
0xc15: {  	[tilespmem:s28], [sflag:$0x1] =	stream.linear.gather [hbm4b:s26+s7], $0x80, $0x38;
	[tilespmem:$0x18880] =	vst v63  }
0xc16: {  	s30 =	simm.s32 $0x7D80;
	s29 =	sadd.s32 $0x20, s0  }
0xc17: {  	[tilespmem:s30], [sflag:$0x1] =	stream.linear.gather [hbm4b:s29+s7], $0x80, $0x38;
	[tilespmem:$0x18880] =	vst v63  }
0xc18: {  	s3 =	simm.s32 $0x7F80;
	s4 =	spop (v2sf);
	s0 =	sadd.s32 $0x30, s0  }
0xc19: {  	[tilespmem:s3], [sflag:$0x1] =	stream.linear.gather [hbm4b:s0+s7], $0x80, $0x38;
	[tilespmem:$0x18880] =	vst v63  }
0xc1a: {  	s0 =	sand.u32 $0x1FFFFFC0, s4  }
0xc1b: {  	s6 =	simm.s32 $0x8180;
	s0 =	sadd.s32 s9, s0  }
0xc1c: {  	[tilespmem:s6], [sflag:$0x1] =	stream.linear.gather [hbm4b:s0+s7], $0x80, $0x38;
	[tilespmem:$0x18880] =	vst v63  }
0xc1d: {  	s10 =	simm.s32 $0x8380;
	s8 =	sadd.s32 $0x10, s0  }
0xc1e: {  	[tilespmem:s10], [sflag:$0x1] =	stream.linear.gather [hbm4b:s8+s7], $0x80, $0x38;
	[tilespmem:$0x18880] =	vst v63  }
0xc1f: {  	s12 =	simm.s32 $0x8580;
	s11 =	sadd.s32 $0x20, s0  }
0xc20: {  	[tilespmem:s12], [sflag:$0x1] =	stream.linear.gather [hbm4b:s11+s7], $0x80, $0x38;
	[tilespmem:$0x18880] =	vst v63  }
0xc21: {  	s13 =	simm.s32 $0x8780;
	s0 =	sadd.s32 $0x30, s0  }
0xc22: {  	[tilespmem:s13], [sflag:$0x1] =	stream.linear.gather [hbm4b:s0+s7], $0x80, $0x38;
	[tilespmem:$0x18880] =	vst v63  }
0xc23: {  	v2 =	vld [tilespmem:$0x870];
	_ =	sdelay $0x4  }
0xc24: {  	v2 =	vshll.u32 v2, $0x6  }
0xc25: {  	(v2sf) =	vpush v2, $0x0;
	_ =	sdelay $0x7  }
0xc26: {  	(v2sf) =	vpush v2, $0x1;
	_ =	sdelay $0x6  }
0xc27: {  	s14 =	spop (v2sf)  }
0xc28: {  	s0 =	sand.u32 $0x1FFFFFC0, s14  }
0xc29: {  	s15 =	simm.s32 $0xA00;
	(v2sf) =	vpush v2, $0x2;
	s0 =	sadd.s32 s9, s0  }
0xc2a: {  	[tilespmem:s15], [sflag:$0x1] =	stream.linear.gather [hbm4b:s0+s7], $0x80, $0x38;
	[tilespmem:$0x18880] =	vst v63  }
0xc2b: {  	s17 =	simm.s32 $0xC00;
	s16 =	sadd.s32 $0x10, s0  }
0xc2c: {  	[tilespmem:s17], [sflag:$0x1] =	stream.linear.gather [hbm4b:s16+s7], $0x80, $0x38;
	[tilespmem:$0x18880] =	vst v63  }
0xc2d: {  	s19 =	simm.s32 $0xE00;
	s18 =	sadd.s32 $0x20, s0  }
0xc2e: {  	[tilespmem:s19], [sflag:$0x1] =	stream.linear.gather [hbm4b:s18+s7], $0x80, $0x38;
	[tilespmem:$0x18880] =	vst v63  }
0xc2f: {  	s20 =	simm.s32 $0x1000;
	s21 =	spop (v2sf);
	s0 =	sadd.s32 $0x30, s0  }
0xc30: {  	[tilespmem:s20], [sflag:$0x1] =	stream.linear.gather [hbm4b:s0+s7], $0x80, $0x38;
	[tilespmem:$0x18880] =	vst v63  }
0xc31: {  	s0 =	sand.u32 $0x1FFFFFC0, s21  }
0xc32: {  	s22 =	simm.s32 $0x1200;
	(v2sf) =	vpush v2, $0x3;
	s0 =	sadd.s32 s9, s0  }
0xc33: {  	[tilespmem:s22], [sflag:$0x1] =	stream.linear.gather [hbm4b:s0+s7], $0x80, $0x38;
	[tilespmem:$0x18880] =	vst v63  }
0xc34: {  	s24 =	simm.s32 $0x1400;
	s23 =	sadd.s32 $0x10, s0  }
0xc35: {  	[tilespmem:s24], [sflag:$0x1] =	stream.linear.gather [hbm4b:s23+s7], $0x80, $0x38;
	[tilespmem:$0x18880] =	vst v63  }
0xc36: {  	s26 =	simm.s32 $0x1600;
	s25 =	sadd.s32 $0x20, s0  }
0xc37: {  	[tilespmem:s26], [sflag:$0x1] =	stream.linear.gather [hbm4b:s25+s7], $0x80, $0x38;
	[tilespmem:$0x18880] =	vst v63  }
0xc38: {  	s28 =	simm.s32 $0x1800;
	s0 =	sadd.s32 $0x30, s0;
	s29 =	spop (v2sf)  }
0xc39: {  	[tilespmem:s28], [sflag:$0x1] =	stream.linear.gather [hbm4b:s0+s7], $0x80, $0x38;
	[tilespmem:$0x18880] =	vst v63  }
0xc3a: {  	s0 =	sand.u32 $0x1FFFFFC0, s29  }
0xc3b: {  	s30 =	simm.s32 $0x1A00;
	(v2sf) =	vpush v2, $0x4;
	s0 =	sadd.s32 s9, s0  }
0xc3c: {  	[tilespmem:s30], [sflag:$0x1] =	stream.linear.gather [hbm4b:s0+s7], $0x80, $0x38;
	[tilespmem:$0x18880] =	vst v63  }
0xc3d: {  	s3 =	simm.s32 $0x1C00;
	s2 =	sadd.s32 $0x10, s0  }
0xc3e: {  	[tilespmem:s3], [sflag:$0x1] =	stream.linear.gather [hbm4b:s2+s7], $0x80, $0x38;
	[tilespmem:$0x18880] =	vst v63  }
0xc3f: {  	s6 =	simm.s32 $0x1E00;
	s4 =	sadd.s32 $0x20, s0  }
0xc40: {  	[tilespmem:s6], [sflag:$0x1] =	stream.linear.gather [hbm4b:s4+s7], $0x80, $0x38;
	[tilespmem:$0x18880] =	vst v63  }
0xc41: {  	s8 =	simm.s32 $0x2000;
	s10 =	spop (v2sf);
	s0 =	sadd.s32 $0x30, s0  }
0xc42: {  	[tilespmem:s8], [sflag:$0x1] =	stream.linear.gather [hbm4b:s0+s7], $0x80, $0x38;
	[tilespmem:$0x18880] =	vst v63  }
0xc43: {  	s0 =	sand.u32 $0x1FFFFFC0, s10  }
0xc44: {  	s11 =	simm.s32 $0x2200;
	(v2sf) =	vpush v2, $0x5;
	s0 =	sadd.s32 s9, s0  }
0xc45: {  	[tilespmem:s11], [sflag:$0x1] =	stream.linear.gather [hbm4b:s0+s7], $0x80, $0x38;
	[tilespmem:$0x18880] =	vst v63  }
0xc46: {  	s13 =	simm.s32 $0x2400;
	s12 =	sadd.s32 $0x10, s0  }
0xc47: {  	[tilespmem:s13], [sflag:$0x1] =	stream.linear.gather [hbm4b:s12+s7], $0x80, $0x38;
	[tilespmem:$0x18880] =	vst v63  }
0xc48: {  	s15 =	simm.s32 $0x2600;
	s14 =	sadd.s32 $0x20, s0  }
0xc49: {  	[tilespmem:s15], [sflag:$0x1] =	stream.linear.gather [hbm4b:s14+s7], $0x80, $0x38;
	[tilespmem:$0x18880] =	vst v63  }
0xc4a: {  	s16 =	simm.s32 $0x2800;
	s0 =	sadd.s32 $0x30, s0;
	s17 =	spop (v2sf)  }
0xc4b: {  	[tilespmem:s16], [sflag:$0x1] =	stream.linear.gather [hbm4b:s0+s7], $0x80, $0x38;
	[tilespmem:$0x18880] =	vst v63  }
0xc4c: {  	s0 =	sand.u32 $0x1FFFFFC0, s17  }
0xc4d: {  	s18 =	simm.s32 $0x2A00;
	(v2sf) =	vpush v2, $0x6;
	s0 =	sadd.s32 s9, s0  }
0xc4e: {  	[tilespmem:s18], [sflag:$0x1] =	stream.linear.gather [hbm4b:s0+s7], $0x80, $0x38;
	[tilespmem:$0x18880] =	vst v63  }
0xc4f: {  	s20 =	simm.s32 $0x2C00;
	s19 =	sadd.s32 $0x10, s0  }
0xc50: {  	[tilespmem:s20], [sflag:$0x1] =	stream.linear.gather [hbm4b:s19+s7], $0x80, $0x38;
	[tilespmem:$0x18880] =	vst v63  }
0xc51: {  	s22 =	simm.s32 $0x2E00;
	s21 =	sadd.s32 $0x20, s0  }
0xc52: {  	[tilespmem:s22], [sflag:$0x1] =	stream.linear.gather [hbm4b:s21+s7], $0x80, $0x38;
	[tilespmem:$0x18880] =	vst v63  }
0xc53: {  	s23 =	simm.s32 $0x3000;
	s24 =	spop (v2sf);
	s0 =	sadd.s32 $0x30, s0  }
0xc54: {  	[tilespmem:s23], [sflag:$0x1] =	stream.linear.gather [hbm4b:s0+s7], $0x80, $0x38;
	[tilespmem:$0x18880] =	vst v63  }
0xc55: {  	s0 =	sand.u32 $0x1FFFFFC0, s24  }
0xc56: {  	s25 =	simm.s32 $0x3200;
	(v2sf) =	vpush v2, $0x7;
	s0 =	sadd.s32 s9, s0  }
0xc57: {  	[tilespmem:s25], [sflag:$0x1] =	stream.linear.gather [hbm4b:s0+s7], $0x80, $0x38;
	[tilespmem:$0x18880] =	vst v63  }
0xc58: {  	s28 =	simm.s32 $0x3400;
	s26 =	sadd.s32 $0x10, s0  }
0xc59: {  	[tilespmem:s28], [sflag:$0x1] =	stream.linear.gather [hbm4b:s26+s7], $0x80, $0x38;
	[tilespmem:$0x18880] =	vst v63  }
0xc5a: {  	s30 =	simm.s32 $0x3600;
	s29 =	sadd.s32 $0x20, s0  }
0xc5b: {  	[tilespmem:s30], [sflag:$0x1] =	stream.linear.gather [hbm4b:s29+s7], $0x80, $0x38;
	[tilespmem:$0x18880] =	vst v63  }
0xc5c: {  	s3 =	simm.s32 $0x3800;
	s0 =	sadd.s32 $0x30, s0;
	s4 =	spop (v2sf)  }
0xc5d: {  	[tilespmem:s3], [sflag:$0x1] =	stream.linear.gather [hbm4b:s0+s7], $0x80, $0x38;
	[tilespmem:$0x18880] =	vst v63  }
0xc5e: {  	s0 =	sand.u32 $0x1FFFFFC0, s4  }
0xc5f: {  	s6 =	simm.s32 $0x3A00;
	(v2sf) =	vpush v2, $0x8;
	s0 =	sadd.s32 s9, s0  }
0xc60: {  	[tilespmem:s6], [sflag:$0x1] =	stream.linear.gather [hbm4b:s0+s7], $0x80, $0x38;
	[tilespmem:$0x18880] =	vst v63  }
0xc61: {  	s10 =	simm.s32 $0x3C00;
	s8 =	sadd.s32 $0x10, s0  }
0xc62: {  	[tilespmem:s10], [sflag:$0x1] =	stream.linear.gather [hbm4b:s8+s7], $0x80, $0x38;
	[tilespmem:$0x18880] =	vst v63  }
0xc63: {  	s12 =	simm.s32 $0x3E00;
	s11 =	sadd.s32 $0x20, s0  }
0xc64: {  	[tilespmem:s12], [sflag:$0x1] =	stream.linear.gather [hbm4b:s11+s7], $0x80, $0x38;
	[tilespmem:$0x18880] =	vst v63  }
0xc65: {  	s13 =	simm.s32 $0x4000;
	s14 =	spop (v2sf);
	s0 =	sadd.s32 $0x30, s0  }
0xc66: {  	[tilespmem:s13], [sflag:$0x1] =	stream.linear.gather [hbm4b:s0+s7], $0x80, $0x38;
	[tilespmem:$0x18880] =	vst v63  }
0xc67: {  	s0 =	sand.u32 $0x1FFFFFC0, s14  }
0xc68: {  	s15 =	simm.s32 $0x4200;
	(v2sf) =	vpush v2, $0x9;
	s0 =	sadd.s32 s9, s0  }
0xc69: {  	[tilespmem:s15], [sflag:$0x1] =	stream.linear.gather [hbm4b:s0+s7], $0x80, $0x38;
	[tilespmem:$0x18880] =	vst v63  }
0xc6a: {  	s17 =	simm.s32 $0x4400;
	s16 =	sadd.s32 $0x10, s0  }
0xc6b: {  	[tilespmem:s17], [sflag:$0x1] =	stream.linear.gather [hbm4b:s16+s7], $0x80, $0x38;
	[tilespmem:$0x18880] =	vst v63  }
0xc6c: {  	s19 =	simm.s32 $0x4600;
	s18 =	sadd.s32 $0x20, s0  }
0xc6d: {  	[tilespmem:s19], [sflag:$0x1] =	stream.linear.gather [hbm4b:s18+s7], $0x80, $0x38;
	[tilespmem:$0x18880] =	vst v63  }
0xc6e: {  	s20 =	simm.s32 $0x4800;
	s0 =	sadd.s32 $0x30, s0;
	s21 =	spop (v2sf)  }
0xc6f: {  	[tilespmem:s20], [sflag:$0x1] =	stream.linear.gather [hbm4b:s0+s7], $0x80, $0x38;
	[tilespmem:$0x18880] =	vst v63  }
0xc70: {  	s0 =	sand.u32 $0x1FFFFFC0, s21  }
0xc71: {  	s22 =	simm.s32 $0x4A00;
	(v2sf) =	vpush v2, $0xA;
	s0 =	sadd.s32 s9, s0  }
0xc72: {  	[tilespmem:s22], [sflag:$0x1] =	stream.linear.gather [hbm4b:s0+s7], $0x80, $0x38;
	[tilespmem:$0x18880] =	vst v63  }
0xc73: {  	s24 =	simm.s32 $0x4C00;
	s23 =	sadd.s32 $0x10, s0  }
0xc74: {  	[tilespmem:s24], [sflag:$0x1] =	stream.linear.gather [hbm4b:s23+s7], $0x80, $0x38;
	[tilespmem:$0x18880] =	vst v63  }
0xc75: {  	s26 =	simm.s32 $0x4E00;
	s25 =	sadd.s32 $0x20, s0  }
0xc76: {  	[tilespmem:s26], [sflag:$0x1] =	stream.linear.gather [hbm4b:s25+s7], $0x80, $0x38;
	[tilespmem:$0x18880] =	vst v63  }
0xc77: {  	s28 =	simm.s32 $0x5000;
	s29 =	spop (v2sf);
	s0 =	sadd.s32 $0x30, s0  }
0xc78: {  	[tilespmem:s28], [sflag:$0x1] =	stream.linear.gather [hbm4b:s0+s7], $0x80, $0x38;
	[tilespmem:$0x18880] =	vst v63  }
0xc79: {  	s0 =	sand.u32 $0x1FFFFFC0, s29  }
0xc7a: {  	s30 =	simm.s32 $0x5200;
	(v2sf) =	vpush v2, $0xB;
	s0 =	sadd.s32 s9, s0  }
0xc7b: {  	[tilespmem:s30], [sflag:$0x1] =	stream.linear.gather [hbm4b:s0+s7], $0x80, $0x38;
	[tilespmem:$0x18880] =	vst v63  }
0xc7c: {  	s3 =	simm.s32 $0x5400;
	s2 =	sadd.s32 $0x10, s0  }
0xc7d: {  	[tilespmem:s3], [sflag:$0x1] =	stream.linear.gather [hbm4b:s2+s7], $0x80, $0x38;
	[tilespmem:$0x18880] =	vst v63  }
0xc7e: {  	s6 =	simm.s32 $0x5600;
	s4 =	sadd.s32 $0x20, s0  }
0xc7f: {  	[tilespmem:s6], [sflag:$0x1] =	stream.linear.gather [hbm4b:s4+s7], $0x80, $0x38;
	[tilespmem:$0x18880] =	vst v63  }
0xc80: {  	s8 =	simm.s32 $0x5800;
	s0 =	sadd.s32 $0x30, s0;
	s10 =	spop (v2sf)  }
0xc81: {  	[tilespmem:s8], [sflag:$0x1] =	stream.linear.gather [hbm4b:s0+s7], $0x80, $0x38;
	[tilespmem:$0x18880] =	vst v63  }
0xc82: {  	s0 =	sand.u32 $0x1FFFFFC0, s10  }
0xc83: {  	s11 =	simm.s32 $0x5A00;
	(v2sf) =	vpush v2, $0xC;
	s0 =	sadd.s32 s9, s0  }
0xc84: {  	[tilespmem:s11], [sflag:$0x1] =	stream.linear.gather [hbm4b:s0+s7], $0x80, $0x38;
	[tilespmem:$0x18880] =	vst v63  }
0xc85: {  	s13 =	simm.s32 $0x5C00;
	s12 =	sadd.s32 $0x10, s0  }
0xc86: {  	[tilespmem:s13], [sflag:$0x1] =	stream.linear.gather [hbm4b:s12+s7], $0x80, $0x38;
	[tilespmem:$0x18880] =	vst v63  }
0xc87: {  	s15 =	simm.s32 $0x5E00;
	s14 =	sadd.s32 $0x20, s0  }
0xc88: {  	[tilespmem:s15], [sflag:$0x1] =	stream.linear.gather [hbm4b:s14+s7], $0x80, $0x38;
	[tilespmem:$0x18880] =	vst v63  }
0xc89: {  	s16 =	simm.s32 $0x6000;
	s17 =	spop (v2sf);
	s0 =	sadd.s32 $0x30, s0  }
0xc8a: {  	[tilespmem:s16], [sflag:$0x1] =	stream.linear.gather [hbm4b:s0+s7], $0x80, $0x38;
	[tilespmem:$0x18880] =	vst v63  }
0xc8b: {  	s0 =	sand.u32 $0x1FFFFFC0, s17  }
0xc8c: {  	s18 =	simm.s32 $0x6200;
	(v2sf) =	vpush v2, $0xD;
	s0 =	sadd.s32 s9, s0  }
0xc8d: {  	[tilespmem:s18], [sflag:$0x1] =	stream.linear.gather [hbm4b:s0+s7], $0x80, $0x38;
	[tilespmem:$0x18880] =	vst v63  }
0xc8e: {  	s20 =	simm.s32 $0x6400;
	s19 =	sadd.s32 $0x10, s0  }
0xc8f: {  	[tilespmem:s20], [sflag:$0x1] =	stream.linear.gather [hbm4b:s19+s7], $0x80, $0x38;
	[tilespmem:$0x18880] =	vst v63  }
0xc90: {  	s22 =	simm.s32 $0x6600;
	s21 =	sadd.s32 $0x20, s0  }
0xc91: {  	[tilespmem:s22], [sflag:$0x1] =	stream.linear.gather [hbm4b:s21+s7], $0x80, $0x38;
	[tilespmem:$0x18880] =	vst v63  }
0xc92: {  	s23 =	simm.s32 $0x6800;
	s24 =	spop (v2sf);
	s0 =	sadd.s32 $0x30, s0  }
0xc93: {  	(v2sf) =	vpush v2, $0xE;
	[tilespmem:s23], [sflag:$0x1] =	stream.linear.gather [hbm4b:s0+s7], $0x80, $0x38;
	[tilespmem:$0x18880] =	vst v63  }
0xc94: {  	s0 =	sand.u32 $0x1FFFFFC0, s24  }
0xc95: {  	s25 =	simm.s32 $0x6A00;
	s0 =	sadd.s32 s9, s0  }
0xc96: {  	[tilespmem:s25], [sflag:$0x1] =	stream.linear.gather [hbm4b:s0+s7], $0x80, $0x38;
	[tilespmem:$0x18880] =	vst v63  }
0xc97: {  	s28 =	simm.s32 $0x6C00;
	s26 =	sadd.s32 $0x10, s0  }
0xc98: {  	[tilespmem:s28], [sflag:$0x1] =	stream.linear.gather [hbm4b:s26+s7], $0x80, $0x38;
	[tilespmem:$0x18880] =	vst v63  }
0xc99: {  	s30 =	simm.s32 $0x6E00;
	s29 =	sadd.s32 $0x20, s0  }
0xc9a: {  	[tilespmem:s30], [sflag:$0x1] =	stream.linear.gather [hbm4b:s29+s7], $0x80, $0x38;
	[tilespmem:$0x18880] =	vst v63  }
0xc9b: {  	s2 =	simm.s32 $0x7000;
	s3 =	spop (v2sf);
	s0 =	sadd.s32 $0x30, s0  }
0xc9c: {  	[tilespmem:s2], [sflag:$0x1] =	stream.linear.gather [hbm4b:s0+s7], $0x80, $0x38;
	[tilespmem:$0x18880] =	vst v63  }
0xc9d: {  	(v2sf) =	vpush v2, $0xF;
	s0 =	sand.u32 $0x1FFFFFC0, s3  }
0xc9e: {  	s4 =	simm.s32 $0x7200;
	s0 =	sadd.s32 s9, s0  }
0xc9f: {  	[tilespmem:s4], [sflag:$0x1] =	stream.linear.gather [hbm4b:s0+s7], $0x80, $0x38;
	[tilespmem:$0x18880] =	vst v63  }
0xca0: {  	s8 =	simm.s32 $0x7400;
	s6 =	sadd.s32 $0x10, s0  }
0xca1: {  	[tilespmem:s8], [sflag:$0x1] =	stream.linear.gather [hbm4b:s6+s7], $0x80, $0x38;
	[tilespmem:$0x18880] =	vst v63  }
0xca2: {  	s11 =	simm.s32 $0x7600;
	s12 =	spop (v2sf);
	s10 =	sadd.s32 $0x20, s0  }
0xca3: {  	[tilespmem:s11], [sflag:$0x1] =	stream.linear.gather [hbm4b:s10+s7], $0x80, $0x38;
	[tilespmem:$0x18880] =	vst v63  }
0xca4: {  	s13 =	simm.s32 $0x7800;
	s14 =	sand.u32 $0x1FFFFFC0, s12;
	s0 =	sadd.s32 $0x30, s0  }
0xca5: {  	[tilespmem:s13], [sflag:$0x1] =	stream.linear.gather [hbm4b:s0+s7], $0x80, $0x38;
	[tilespmem:$0x18880] =	vst v63  }
0xca6: {  	s15 =	simm.s32 $0x7A00;
	s0 =	sadd.s32 s9, s14  }
0xca7: {  	[tilespmem:s15], [sflag:$0x1] =	stream.linear.gather [hbm4b:s0+s7], $0x80, $0x38;
	[tilespmem:$0x18880] =	vst v63  }
0xca8: {  	s17 =	simm.s32 $0x7C00;
	s16 =	sadd.s32 $0x10, s0  }
0xca9: {  	[tilespmem:s17], [sflag:$0x1] =	stream.linear.gather [hbm4b:s16+s7], $0x80, $0x38;
	[tilespmem:$0x18880] =	vst v63  }
0xcaa: {  	s19 =	simm.s32 $0x7E00;
	s18 =	sadd.s32 $0x20, s0  }
0xcab: {  	[tilespmem:s19], [sflag:$0x1] =	stream.linear.gather [hbm4b:s18+s7], $0x80, $0x38;
	[tilespmem:$0x18880] =	vst v63  }
0xcac: {  	s20 =	simm.s32 $0x8000;
	s21 =	spop (v2sf);
	s0 =	sadd.s32 $0x30, s0  }
0xcad: {  	[tilespmem:s20], [sflag:$0x1] =	stream.linear.gather [hbm4b:s0+s7], $0x80, $0x38;
	[tilespmem:$0x18880] =	vst v63  }
0xcae: {  	s0 =	sand.u32 $0x1FFFFFC0, s21  }
0xcaf: {  	s22 =	simm.s32 $0x8200;
	s0 =	sadd.s32 s9, s0  }
0xcb0: {  	[tilespmem:s22], [sflag:$0x1] =	stream.linear.gather [hbm4b:s0+s7], $0x80, $0x38;
	[tilespmem:$0x18880] =	vst v63  }
0xcb1: {  	s24 =	simm.s32 $0x8400;
	s23 =	sadd.s32 $0x10, s0  }
0xcb2: {  	[tilespmem:s24], [sflag:$0x1] =	stream.linear.gather [hbm4b:s23+s7], $0x80, $0x38;
	[tilespmem:$0x18880] =	vst v63  }
0xcb3: {  	s26 =	simm.s32 $0x8600;
	s25 =	sadd.s32 $0x20, s0  }
0xcb4: {  	[tilespmem:s26], [sflag:$0x1] =	stream.linear.gather [hbm4b:s25+s7], $0x80, $0x38;
	[tilespmem:$0x18880] =	vst v63  }
0xcb5: {  	s1 =	simm.s32 $0x1;
	s28 =	simm.s32 $0x8800;
	s0 =	sadd.s32 $0x30, s0  }
0xcb6: {  	[tilespmem:s28], [sflag:$0x1] =	stream.linear.gather [hbm4b:s0+s7], $0x80, $0x38;
	[tilespmem:$0x18880] =	vst v63  }
0xcb7: {  	_ =	swait.ge [sflag:s1], $0x2000  }
0xcb8: {  	[sflag:s1] =	ssyncset.done $0x0  }
0xcb9: {  	[sflag:s1] =	ssyncadd.s32 $0xFFFFE000  }
0xcba: {  	_ =	swait.ge [sflag:s1], $0x2000  }
0xcbb: {  	[sflag:s1] =	ssyncset.done $0x0  }
0xcbc: {  	[sflag:s1] =	ssyncadd.s32 $0xFFFFE000  }
0xcbd: {  	_ =	swait.ge [sflag:s1], $0x2000  }
0xcbe: {  	[sflag:s1] =	ssyncset.done $0x0  }
0xcbf: {  	[sflag:s1] =	ssyncadd.s32 $0xFFFFE000  }
0xcc0: {  	_ =	swait.ge [sflag:s1], $0x2000  }
0xcc1: {  	s29 =	sld [smem:$0x7FC]  }
0xcc2: {  	[sflag:s1] =	ssyncset.done $0x0  }
.Ltmp5:
0xcc3: {  	s30 =	simm.s32 $0x5;
	[sflag:s1] =	ssyncadd.s32 $0xFFFFE000;
	(pc) =	sbr.rel .LBB2_7-.Ltmp5, $4  }
0xcc4: {  	[hbm4b:s29+s7] =	stream.linear.scatter [tilespmem:s5], [sflag:$0x5], $0x5000, $0x38;
	[tilespmem:$0x18880] =	vst v63  }
0xcc5: {  	_ =	swait.ge [sflag:s30], $0x5000  }
0xcc6: {  	[sflag:s30] =	ssyncset.done $0x0  }
0xcc7: {  	[sflag:s30] =	ssyncadd.s32 $0xFFFFB000  }
.LBB2_8:
0xcc8: {  	_ =	sfence.sel $0x180000  }
0xcc9: {  	[bflag:$0x0] =	sbarrier.arrive $0xFFFF  }
0xcca: {  	_ =	strace $0x90000047  }
0xccb: {  	s0 =	stileid.u32;
	[bflag:$0x2] =	sbarrier.arrive $0xFFFF  }
0xccc: {  	p0 =	sne.s32 s0, $0x0;
	s0 =	rddreg [dreg:$0x2]  }
0xccd: {  	s0 =	sadd.s32 @!p0 $0x100000, s0  }
0xcce: {  	[sflag:s0] =	ssyncadd.tile.s32 @!p0 $0x1;
	_ =	shalt  }
.Lfunc_end2:
_tile_overlayer_lowered:
.L_overlay_start_2:
0xccf: {  	(tag) =	ssettag $0x2  }
0xcd0: {  	s0 =	rddreg [dreg:$0x0];
	s2 =	stileid.u32  }
0xcd1: {  	s1 =	rddreg [dreg:$0x1];
	p0 =	sne.s32 s2, $0x0  }
0xcd2: {  	s3 =	rddreg [dreg:$0x2];
	[bflag:$0x3] =	sbarrier.arrive $0xFFFF;
	s2 =	simm.s32 @!p0 $0x1C05  }
0xcd3: {  	[timem:s3], [sflag:s2] =	dma.local @!p0 [hbm:s0], s1  }
0xcd4: {  	s0 =	simm.s32 @!p0 $0x5  }
0xcd5: {  	_ =	swait.ge @!p0 [sflag:s0], s1  }
0xcd6: {  	s1 =	ssub.s32 @!p0 $0x0, s1;
	[sflag:s0] =	ssyncset.done @!p0 $0x0  }
0xcd7: {  	[sflag:s0] =	ssyncadd.s32 @!p0 s1  }
0xcd8: {  	[bflag:$0x3] =	sbarrier.arrive $0xFFFF  }
0xcd9: {  	_ =	shalt  }

</sc_bundles>
